<compile_context>
chip_gen: v7x
topology: tpu7x:2x2x1
jax: 0.10.2.dev20260603
libtpu: 0.0.44.dev20260713+nightly
codegen_flags: <defaults>
</compile_context>

<pallas_src>
import functools

import jax
import jax.numpy as jnp
from jax import lax
from jax.experimental import pallas as pl
from jax.experimental.pallas import tpu as pltpu
from jax.experimental.pallas import tpu_sc as plsc

N = 10000
E = 160000
G = 64
OUT = 2048

_B = 128
_NB = E // _B
_NBW = 40
_NTILES = 16
_STRIPE = 624
_TAIL = N - _NTILES * _STRIPE
_R = 1000
_NR = N // _R

_HI = jax.lax.Precision.HIGHEST



@functools.lru_cache(maxsize=None)
def _make_sc_segsum(C):
    mesh = plsc.VectorSubcoreMesh(core_axis_name="c", subcore_axis_name="s",
                                  num_cores=2, num_subcores=_NTILES)

    @functools.partial(
        pl.kernel,
        out_type=jax.ShapeDtypeStruct((2 * C * N, 128), jnp.float32),
        mesh=mesh,
        scratch_types=[
            pltpu.VMEM((_NBW, _B), jnp.int32),
            pltpu.VMEM((_NBW, _B), jnp.int32),
            pltpu.VMEM((_B, 128), jnp.float32),
            pltpu.VMEM((_B, 128), jnp.float32),
            pltpu.VMEM((24, 128), jnp.float32),
            pltpu.VMEM_SHARED((N, 128), jnp.float32),
            pltpu.SemaphoreType.DMA,
            pltpu.SemaphoreType.DMA,
        ],
    )
    def sc_kernel(ych, src_hbm, dst_hbm, out_hbm, sidx, didx, rows0, rows1,
                  zbuf, table, sem0, sem1):
        cid = lax.axis_index("c")
        sid = lax.axis_index("s")
        w = cid * _NTILES + sid
        nb = jnp.where(w < _NB - (_NBW - 1) * 32, _NBW, _NBW - 1)

        @pl.loop(0, 24)
        def _(r):
            @pl.loop(0, 128, step=16)
            def _(j):
                zbuf.at[r, pl.ds(j, 16)][...] = jnp.zeros((16,), jnp.float32)

        pltpu.sync_copy(dst_hbm.at[pl.ds(w * _NBW, _NBW)], didx)

        for c in range(C):
            @pl.loop(0, _STRIPE // 24)
            def _(q):
                pltpu.sync_copy(
                    zbuf.at[pl.ds(0, 24)],
                    table.at[pl.ds(sid * _STRIPE + q * 24, 24)])

            @pl.when(sid == _NTILES - 1)
            def _():
                pltpu.sync_copy(zbuf.at[pl.ds(0, _TAIL)],
                                table.at[pl.ds(_NTILES * _STRIPE, _TAIL)])

            pltpu.sync_copy(src_hbm.at[pl.ds((c * 32 + w) * _NBW, _NBW)],
                            sidx)
            plsc.subcore_barrier()

            pltpu.async_copy(ych.at[sidx.at[0]], rows0, sem0)

            @pl.loop(0, _NBW // 2)
            def _(p):
                i0 = 2 * p
                i1 = i0 + 1

                @pl.when(i1 < nb)
                def _():
                    pltpu.async_copy(ych.at[sidx.at[i1]], rows1, sem1)
                pltpu.make_async_copy(ych.at[sidx.at[i0]], rows0, sem0).wait()
                pltpu.sync_copy(rows0, table.at[didx.at[i0]], add=True)

                @pl.when(i1 < nb)
                def _():
                    pltpu.make_async_copy(ych.at[sidx.at[i1]], rows1,
                                          sem1).wait()

                    @pl.when(i1 + 1 < nb)
                    def _():
                        pltpu.async_copy(ych.at[sidx.at[i1 + 1]], rows0, sem0)
                    pltpu.sync_copy(rows1, table.at[didx.at[i1]], add=True)
            plsc.subcore_barrier()

            base = (cid * C + c) * N
            pltpu.sync_copy(table.at[pl.ds(sid * _STRIPE, _STRIPE)],
                            out_hbm.at[pl.ds(base + sid * _STRIPE, _STRIPE)])

            @pl.when(sid == _NTILES - 1)
            def _():
                pltpu.sync_copy(
                    table.at[pl.ds(_NTILES * _STRIPE, _TAIL)],
                    out_hbm.at[pl.ds(base + _NTILES * _STRIPE, _TAIL)])
            plsc.subcore_barrier()

    return sc_kernel


def _prep_src(src, C):
    srcb = (src[None, :] + (jnp.arange(C, dtype=jnp.int32) * N)[:, None]
            ).reshape(C, _NB, _B)
    pad = jnp.zeros((C, 32 * _NBW - _NB, _B), jnp.int32)
    return (jnp.concatenate([srcb, pad], axis=1)
            .reshape(C, _NBW, 32, _B).transpose(0, 2, 1, 3)
            .reshape(C * 32 * _NBW, _B))


def _prep_dst(dst):
    dstb = dst.reshape(_NB, _B)
    pad = jnp.zeros((32 * _NBW - _NB, _B), jnp.int32)
    return (jnp.concatenate([dstb, pad], axis=0)
            .reshape(_NBW, 32, _B).transpose(1, 0, 2)
            .reshape(32 * _NBW, _B))


def _sc_segsum(hch, srcp, dstp, C):
    return _make_sc_segsum(C)(hch.reshape(C * N, 128), srcp, dstp
                              ).reshape(2, C, N, 128)



def _bf16_dot(a, b):
    return lax.dot_general(a.astype(jnp.bfloat16), b.astype(jnp.bfloat16),
                           (((1,), (0,)), ((), ())),
                           preferred_element_type=jnp.float32)


def _combine_body(C, chunked_out, hch_ref, zp_ref, wc_ref, bc_ref, out_ref):
    t = jnp.concatenate(
        [hch_ref[c] + zp_ref[0, c] + zp_ref[1, c] for c in range(C)], axis=-1)
    h = jnp.maximum(_bf16_dot(t, wc_ref[...]) + bc_ref[...], 0.0)
    if chunked_out:
        out_ref[...] = h.reshape(_R, 4, 128).transpose(1, 0, 2)
    else:
        out_ref[...] = h


def _combine(hch, zp, wc, bc, chunked_out):
    C = hch.shape[0]
    out_spec = (pl.BlockSpec((4, _R, 128), lambda i: (0, i, 0)) if chunked_out
                else pl.BlockSpec((_R, 512), lambda i: (i, 0)))
    out_shape = (jax.ShapeDtypeStruct((4, N, 128), jnp.float32) if chunked_out
                 else jax.ShapeDtypeStruct((N, 512), jnp.float32))
    return pl.pallas_call(
        functools.partial(_combine_body, C, chunked_out),
        grid=(_NR,),
        in_specs=[
            pl.BlockSpec((C, _R, 128), lambda i: (0, i, 0)),
            pl.BlockSpec((2, C, _R, 128), lambda i: (0, 0, i, 0)),
            pl.BlockSpec((C * 128, 512), lambda i: (0, 0)),
            pl.BlockSpec((1, 512), lambda i: (0, 0)),
        ],
        out_specs=out_spec,
        out_shape=out_shape,
    )(hch, zp, wc, bc)


def _combine_readout_body(hch_ref, zp_ref, wc_ref, bc_ref, wl_ref, bl_ref,
                          n2g_ref, h_ref, gf_ref):
    i = pl.program_id(0)
    t = jnp.concatenate(
        [hch_ref[c] + zp_ref[0, c] + zp_ref[1, c] for c in range(4)], axis=-1)
    h = jnp.maximum(_bf16_dot(t, wc_ref[...]) + bc_ref[...], 0.0)
    h_ref[...] = h
    logits = _bf16_dot(h, wl_ref[...]) + bl_ref[...]
    m = jnp.max(logits, axis=-1, keepdims=True)
    e = jnp.exp(logits - m)
    p = e / jnp.sum(e, axis=-1, keepdims=True)
    gids = lax.broadcasted_iota(jnp.int32, (G, _R), 0)
    sel = (gids == n2g_ref[0]).astype(jnp.float32)
    contrib = lax.dot_general(sel, p, (((1,), (0,)), ((), ())),
                              precision=_HI,
                              preferred_element_type=jnp.float32)

    @pl.when(i == 0)
    def _():
        gf_ref[...] = jnp.zeros_like(gf_ref)

    gf_ref[...] += contrib


def _combine_readout(hch, zp, wc, bc, wl, bl, n2g3):
    return pl.pallas_call(
        _combine_readout_body,
        grid=(_NR,),
        in_specs=[
            pl.BlockSpec((4, _R, 128), lambda i: (0, i, 0)),
            pl.BlockSpec((2, 4, _R, 128), lambda i: (0, 0, i, 0)),
            pl.BlockSpec((512, 512), lambda i: (0, 0)),
            pl.BlockSpec((1, 512), lambda i: (0, 0)),
            pl.BlockSpec((512, OUT), lambda i: (0, 0)),
            pl.BlockSpec((1, OUT), lambda i: (0, 0)),
            pl.BlockSpec((1, 1, _R), lambda i: (i, 0, 0)),
        ],
        out_specs=[
            pl.BlockSpec((_R, 512), lambda i: (i, 0)),
            pl.BlockSpec((G, OUT), lambda i: (0, 0)),
        ],
        out_shape=[
            jax.ShapeDtypeStruct((N, 512), jnp.float32),
            jax.ShapeDtypeStruct((G, OUT), jnp.float32),
        ],
    )(hch, zp, wc, bc, wl, bl, n2g3)


def _readout_body(chunked, h_ref, wl_ref, bl_ref, n2g_ref, gf_ref):
    i = pl.program_id(0)
    if chunked:
        h = jnp.concatenate([h_ref[c] for c in range(4)], axis=-1)
    else:
        h = h_ref[...]
    logits = _bf16_dot(h, wl_ref[...]) + bl_ref[...]
    m = jnp.max(logits, axis=-1, keepdims=True)
    e = jnp.exp(logits - m)
    p = e / jnp.sum(e, axis=-1, keepdims=True)
    gids = lax.broadcasted_iota(jnp.int32, (G, _R), 0)
    sel = (gids == n2g_ref[0]).astype(jnp.float32)
    contrib = lax.dot_general(sel, p, (((1,), (0,)), ((), ())),
                              precision=_HI,
                              preferred_element_type=jnp.float32)

    @pl.when(i == 0)
    def _():
        gf_ref[...] = jnp.zeros_like(gf_ref)

    gf_ref[...] += contrib


def _readout(h, wl, bl, n2g3):
    chunked = h.ndim == 3
    h_spec = (pl.BlockSpec((4, _R, 128), lambda i: (0, i, 0)) if chunked
              else pl.BlockSpec((_R, 512), lambda i: (i, 0)))
    return pl.pallas_call(
        functools.partial(_readout_body, chunked),
        grid=(_NR,),
        in_specs=[
            h_spec,
            pl.BlockSpec((512, OUT), lambda i: (0, 0)),
            pl.BlockSpec((1, OUT), lambda i: (0, 0)),
            pl.BlockSpec((1, 1, _R), lambda i: (i, 0, 0)),
        ],
        out_specs=pl.BlockSpec((G, OUT), lambda i: (0, 0)),
        out_shape=jax.ShapeDtypeStruct((G, OUT), jnp.float32),
    )(h, wl, bl, n2g3)


def kernel(x, edge_index, node2graph, Wc0, bc0, Wl0, bl0, Wc1, bc1, Wl1, bl1,
           Wc2, bc2, Wl2, bl2):
    src = edge_index[0]
    dst = edge_index[1]
    src2 = _prep_src(src, 2)
    src4 = _prep_src(src, 4)
    dstp = _prep_dst(dst)
    n2g3 = node2graph.reshape(_NR, 1, _R)

    xch = x.reshape(N, 2, 128).transpose(1, 0, 2)

    z0 = _sc_segsum(xch, src2, dstp, 2)
    h0 = _combine(xch, z0, Wc0, bc0.reshape(1, 512), chunked_out=True)

    z1 = _sc_segsum(h0, src4, dstp, 4)
    gf0 = _readout(h0, Wl0, bl0.reshape(1, OUT), n2g3)

    h1 = _combine(h0, z1, Wc1, bc1.reshape(1, 512), chunked_out=True)

    z2 = _sc_segsum(h1, src4, dstp, 4)
    gf1 = _readout(h1, Wl1, bl1.reshape(1, OUT), n2g3)

    h2, gf2 = _combine_readout(h1, z2, Wc2, bc2.reshape(1, 512), Wl2,
                               bl2.reshape(1, OUT), n2g3)

    return (gf0 + gf1 + gf2, h2)

# --- scband reference (transcript-rebuilt; emitter-appended) ---
"""Pipeline reference for scband-neural-fingerprint-67559835566626 (READ-ONLY COPY).

The authoritative reference and input builder live on the scoring server;
editing this copy changes nothing except your own understanding.
"""

import jax, jax.numpy as jnp
import numpy as np

N = 10000
E = 160000
G = 64
DIMS = [256, 512, 512, 512]
OUT = 2048


def setup_inputs(seed: int = 0) -> dict:
    key = jax.random.key(seed)
    ks = jax.random.split(key, 32)
    inp = {}
    inp["x"] = jax.random.normal(ks[0], (N, DIMS[0]), dtype=jnp.float32)
    inp["edge_index"] = jax.random.randint(ks[1], (2, E), 0, N, dtype=jnp.int32)
    inp["node2graph"] = jnp.sort(jax.random.randint(ks[2], (N,), 0, G, dtype=jnp.int32))
    k = 3
    for i in range(3):
        inp[f"Wc{i}"] = jax.random.normal(ks[k], (DIMS[i], DIMS[i + 1]), dtype=jnp.float32) / np.sqrt(DIMS[i]); k += 1
        inp[f"bc{i}"] = jnp.zeros((DIMS[i + 1],), dtype=jnp.float32)
        inp[f"Wl{i}"] = jax.random.normal(ks[k], (DIMS[i + 1], OUT), dtype=jnp.float32) / np.sqrt(DIMS[i + 1]); k += 1
        inp[f"bl{i}"] = jnp.zeros((OUT,), dtype=jnp.float32)
    return inp


def reference(x, edge_index, node2graph, Wc0, bc0, Wl0, bl0, Wc1, bc1, Wl1, bl1, Wc2, bc2, Wl2, bl2):
    src = edge_index[0]
    dst = edge_index[1]
    convs = [(Wc0, bc0), (Wc1, bc1), (Wc2, bc2)]
    lins = [(Wl0, bl0), (Wl1, bl1), (Wl2, bl2)]
    layer_input = x
    hiddens = []
    outputs = []
    for (Wc, bc), (Wl, bl) in zip(convs, lins):
        # NeuralFingerprintConv: message = x[src]; aggregate = scatter_add by dst;
        # combine = relu(linear(input + update))
        msg = layer_input[src]
        agg = jax.ops.segment_sum(msg, dst, num_segments=N)
        hidden = jax.nn.relu((layer_input + agg) @ Wc + bc)
        out = jax.nn.softmax(hidden @ Wl + bl, axis=-1)
        hiddens.append(hidden)
        outputs.append(out)
        layer_input = hidden
    # concat_hidden=False: node_feature = last hidden, graph per-node feature = sum of softmax outputs
    node_feature = hiddens[-1]
    graph_node = jnp.stack(outputs).sum(axis=0)
    # SumReadout over node2graph
    graph_feature = jax.ops.segment_sum(graph_node, node2graph, num_segments=G)
    return (graph_feature, node_feature)

if __name__ == "__main__":
    import jax
    _d = setup_inputs()
    print(jax.jit(kernel)(*tuple(_d.values())))

</pallas_src>

<mosaic_0001>
#map = affine_map<(d0, d1) -> (0, 0)>
module attributes {stable_mosaic.version = 14 : i64} {
  func.func @sc_kernel(%arg0: i32, %arg1: i32, %arg2: memref<20000x128xf32, #tpu.memory_space<hbm>>, %arg3: memref<2560x128xi32, #tpu.memory_space<hbm>>, %arg4: memref<1280x128xi32, #tpu.memory_space<hbm>>, %arg5: memref<40000x128xf32, #tpu.memory_space<hbm>>, %arg6: memref<40x128xi32, #tpu.memory_space<vmem>>, %arg7: memref<40x128xi32, #tpu.memory_space<vmem>>, %arg8: memref<128x128xf32, #tpu.memory_space<vmem>>, %arg9: memref<128x128xf32, #tpu.memory_space<vmem>>, %arg10: memref<24x128xf32, #tpu.memory_space<vmem>>, %arg11: memref<10000x128xf32, #tpu.memory_space<vmem_shared>>, %arg12: memref<!tpu.dma_semaphore, #tpu.memory_space<semaphore_mem>>, %arg13: memref<!tpu.dma_semaphore, #tpu.memory_space<semaphore_mem>>) attributes {dimension_semantics = [#tpu.dimension_semantics<core_parallel>, #tpu.dimension_semantics<subcore_parallel>], iteration_bounds = array<i64: 2, 16>, scalar_prefetch = 0 : i64, scratch_operands = 8 : i64, tpu.core_type = #tpu.core_type<sc_vector_subcore>, window_params = [{transform_indices = #map}, {transform_indices = #map}, {transform_indices = #map}, {transform_indices = #map}]} {
    %mul3A = arith.constant 16 : i32
    %mul3A_0 = arith.muli %arg0, %mul3A : i32
    %add3A = arith.addi %mul3A_0, %arg1 : i32
    %lt3A = arith.constant 2 : i32
    %lt3A_1 = arith.cmpi slt, %add3A, %lt3A : i32
    %jit3A = arith.constant 40 : i32
    %jit3A_2 = arith.constant 39 : i32
    %select_n3A = arith.select %lt3A_1, %jit3A, %jit3A_2 : i32
    %scan3A = arith.constant 0 : i32
    %scan3A_3 = arith.constant 24 : i32
    %scan3A_4 = arith.addi %scan3A, %scan3A_3 : i32
    %scan3A_5 = arith.constant 1 : i32
    scf.for %scan3A_94 = %scan3A to %scan3A_4 step %scan3A_5  : i32 {
      %mul3A_95 = arith.constant 1 : i32
      %mul3A_96 = arith.muli %scan3A_94, %mul3A_95 : i32
      %add3A_97 = arith.constant 0 : i32
      %add3A_98 = arith.addi %add3A_97, %mul3A_96 : i32
      %scan3A_99 = arith.constant 0 : i32
      %scan3A_100 = arith.constant 8 : i32
      %scan3A_101 = arith.addi %scan3A_99, %scan3A_100 : i32
      %scan3A_102 = arith.constant 1 : i32
      scf.for %scan3A_104 = %scan3A_99 to %scan3A_101 step %scan3A_102  : i32 {
        %mul3A_105 = arith.constant 16 : i32
        %mul3A_106 = arith.muli %scan3A_104, %mul3A_105 : i32
        %add3A_107 = arith.constant 0 : i32
        %add3A_108 = arith.addi %add3A_107, %mul3A_106 : i32
        %broadcast_in_dim3A = arith.constant 0.000000e+00 : f32
        %broadcast_in_dim3A_109 = vector.broadcast %broadcast_in_dim3A : f32 to vector<16xf32>
        %swap3A = arith.index_cast %add3A_98 : i32 to index
        %swap3A_110 = arith.index_cast %add3A_108 : i32 to index
        %swap3A_111 = tpu.vector_load %arg10[%swap3A, %swap3A_110] {strides = array<i32>} : memref<24x128xf32, #tpu.memory_space<vmem>>, vector<1x16xf32>,
        %swap3A_112 = vector.shape_cast %swap3A_111 : vector<1x16xf32> to vector<16xf32>
        %swap3A_113 = vector.shape_cast %broadcast_in_dim3A_109 : vector<16xf32> to vector<1x16xf32>
        tpu.vector_store %arg10[%swap3A, %swap3A_110], %swap3A_113 {strides = array<i32>} : memref<24x128xf32, #tpu.memory_space<vmem>>, vector<1x16xf32>,
      }
      %scan3A_103 = arith.constant 8 : i32
    }
    %scan3A_6 = arith.constant 24 : i32
    %mul3A_7 = arith.constant 40 : i32
    %mul3A_8 = arith.muli %add3A, %mul3A_7 : i32
    "tpu.region"() ({
      %run_scoped3A = tpu.sem_alloc : memref<!tpu.dma_semaphore, #tpu.memory_space<semaphore_mem>>
      %dma_start3A_94 = arith.constant 0 : i32
      %dma_start3A_95 = tpu.memref_slice %arg4[%mul3A_8, %dma_start3A_94] : memref<1280x128xi32, #tpu.memory_space<hbm>> -> memref<40x128xi32, #tpu.memory_space<hbm>>
      %dma_start3A_96 = arith.constant 0 : i32
      %dma_start3A_97 = tpu.memref_slice %arg4[%mul3A_8, %dma_start3A_96] : memref<1280x128xi32, #tpu.memory_space<hbm>> -> memref<40x128xi32, #tpu.memory_space<hbm>>
      tpu.enqueue_dma source(%dma_start3A_97 : memref<40x128xi32, #tpu.memory_space<hbm>>) target(%arg7 : memref<40x128xi32, #tpu.memory_space<vmem>>) target_semaphore(%run_scoped3A : memref<!tpu.dma_semaphore, #tpu.memory_space<semaphore_mem>>)
      %dma_wait3A = arith.constant 0 : i32
      %dma_wait3A_98 = tpu.memref_slice %arg4[%mul3A_8, %dma_wait3A] : memref<1280x128xi32, #tpu.memory_space<hbm>> -> memref<40x128xi32, #tpu.memory_space<hbm>>
      %dma_wait3A_99 = arith.constant 0 : i32
      %dma_wait3A_100 = tpu.memref_slice %arg4[%mul3A_8, %dma_wait3A_99] : memref<1280x128xi32, #tpu.memory_space<hbm>> -> memref<40x128xi32, #tpu.memory_space<hbm>>
      tpu.wait_dma2 semaphore(%run_scoped3A : memref<!tpu.dma_semaphore, #tpu.memory_space<semaphore_mem>>) src(%dma_wait3A_100 : memref<40x128xi32, #tpu.memory_space<hbm>>) dst(%arg7 : memref<40x128xi32, #tpu.memory_space<vmem>>)
      tpu.yield
    }) : () -> ()
    %scan3A_9 = arith.constant 0 : i32
    %scan3A_10 = arith.constant 26 : i32
    %scan3A_11 = arith.addi %scan3A_9, %scan3A_10 : i32
    %scan3A_12 = arith.constant 1 : i32
    scf.for %scan3A_94 = %scan3A_9 to %scan3A_11 step %scan3A_12  : i32 {
      %mul3A_95 = arith.constant 1 : i32
      %mul3A_96 = arith.muli %scan3A_94, %mul3A_95 : i32
      %add3A_97 = arith.constant 0 : i32
      %add3A_98 = arith.addi %add3A_97, %mul3A_96 : i32
      %mul3A_99 = arith.constant 624 : i32
      %mul3A_100 = arith.muli %arg1, %mul3A_99 : i32
      %mul3A_101 = arith.constant 24 : i32
      %mul3A_102 = arith.muli %add3A_98, %mul3A_101 : i32
      %add3A_103 = arith.addi %mul3A_100, %mul3A_102 : i32
      "tpu.region"() ({
        %run_scoped3A = tpu.sem_alloc : memref<!tpu.dma_semaphore, #tpu.memory_space<semaphore_mem>>
        %dma_start3A_104 = arith.constant 0 : i32
        %dma_start3A_105 = arith.constant 0 : i32
        %dma_start3A_106 = tpu.memref_slice %arg10[%dma_start3A_104, %dma_start3A_105] : memref<24x128xf32, #tpu.memory_space<vmem>> -> memref<24x128xf32, #tpu.memory_space<vmem>>
        %dma_start3A_107 = arith.constant 0 : i32
        %dma_start3A_108 = tpu.memref_slice %arg11[%add3A_103, %dma_start3A_107] : memref<10000x128xf32, #tpu.memory_space<vmem_shared>> -> memref<24x128xf32, #tpu.memory_space<vmem_shared>>
        %dma_start3A_109 = arith.constant 0 : i32
        %dma_start3A_110 = tpu.memref_slice %arg11[%add3A_103, %dma_start3A_109] : memref<10000x128xf32, #tpu.memory_space<vmem_shared>> -> memref<24x128xf32, #tpu.memory_space<vmem_shared>>
        %dma_start3A_111 = arith.constant 0 : i32
        %dma_start3A_112 = arith.constant 0 : i32
        %dma_start3A_113 = tpu.memref_slice %arg10[%dma_start3A_111, %dma_start3A_112] : memref<24x128xf32, #tpu.memory_space<vmem>> -> memref<24x128xf32, #tpu.memory_space<vmem>>
        tpu.enqueue_dma source(%dma_start3A_113 : memref<24x128xf32, #tpu.memory_space<vmem>>) target(%dma_start3A_110 : memref<24x128xf32, #tpu.memory_space<vmem_shared>>) target_semaphore(%run_scoped3A : memref<!tpu.dma_semaphore, #tpu.memory_space<semaphore_mem>>)
        %dma_wait3A = arith.constant 0 : i32
        %dma_wait3A_114 = arith.constant 0 : i32
        %dma_wait3A_115 = tpu.memref_slice %arg10[%dma_wait3A, %dma_wait3A_114] : memref<24x128xf32, #tpu.memory_space<vmem>> -> memref<24x128xf32, #tpu.memory_space<vmem>>
        %dma_wait3A_116 = arith.constant 0 : i32
        %dma_wait3A_117 = tpu.memref_slice %arg11[%add3A_103, %dma_wait3A_116] : memref<10000x128xf32, #tpu.memory_space<vmem_shared>> -> memref<24x128xf32, #tpu.memory_space<vmem_shared>>
        %dma_wait3A_118 = arith.constant 0 : i32
        %dma_wait3A_119 = tpu.memref_slice %arg11[%add3A_103, %dma_wait3A_118] : memref<10000x128xf32, #tpu.memory_space<vmem_shared>> -> memref<24x128xf32, #tpu.memory_space<vmem_shared>>
        %dma_wait3A_120 = arith.constant 0 : i32
        %dma_wait3A_121 = arith.constant 0 : i32
        %dma_wait3A_122 = tpu.memref_slice %arg10[%dma_wait3A_120, %dma_wait3A_121] : memref<24x128xf32, #tpu.memory_space<vmem>> -> memref<24x128xf32, #tpu.memory_space<vmem>>
        tpu.wait_dma2 semaphore(%run_scoped3A : memref<!tpu.dma_semaphore, #tpu.memory_space<semaphore_mem>>) src(%dma_wait3A_122 : memref<24x128xf32, #tpu.memory_space<vmem>>) dst(%dma_wait3A_119 : memref<24x128xf32, #tpu.memory_space<vmem_shared>>)
        tpu.yield
      }) : () -> ()
    }
    %scan3A_13 = arith.constant 26 : i32
    %eq3A = arith.constant 15 : i32
    %eq3A_14 = arith.cmpi eq, %arg1, %eq3A : i32
    %convert_element_type3A = arith.extui %eq3A_14 : i1 to i32
    %cond3A = arith.constant 0 : i32
    %cond3A_15 = arith.cmpi ne, %convert_element_type3A, %cond3A : i32
    scf.if %cond3A_15 {
      "tpu.region"() ({
        %run_scoped3A = tpu.sem_alloc : memref<!tpu.dma_semaphore, #tpu.memory_space<semaphore_mem>>
        %dma_start3A_94 = arith.constant 0 : i32
        %dma_start3A_95 = arith.constant 0 : i32
        %dma_start3A_96 = tpu.memref_slice %arg10[%dma_start3A_94, %dma_start3A_95] : memref<24x128xf32, #tpu.memory_space<vmem>> -> memref<16x128xf32, #tpu.memory_space<vmem>>
        %dma_start3A_97 = arith.constant 9984 : i32
        %dma_start3A_98 = arith.constant 0 : i32
        %dma_start3A_99 = tpu.memref_slice %arg11[%dma_start3A_97, %dma_start3A_98] : memref<10000x128xf32, #tpu.memory_space<vmem_shared>> -> memref<16x128xf32, #tpu.memory_space<vmem_shared>>
        %dma_start3A_100 = arith.constant 9984 : i32
        %dma_start3A_101 = arith.constant 0 : i32
        %dma_start3A_102 = tpu.memref_slice %arg11[%dma_start3A_100, %dma_start3A_101] : memref<10000x128xf32, #tpu.memory_space<vmem_shared>> -> memref<16x128xf32, #tpu.memory_space<vmem_shared>>
        %dma_start3A_103 = arith.constant 0 : i32
        %dma_start3A_104 = arith.constant 0 : i32
        %dma_start3A_105 = tpu.memref_slice %arg10[%dma_start3A_103, %dma_start3A_104] : memref<24x128xf32, #tpu.memory_space<vmem>> -> memref<16x128xf32, #tpu.memory_space<vmem>>
        tpu.enqueue_dma source(%dma_start3A_105 : memref<16x128xf32, #tpu.memory_space<vmem>>) target(%dma_start3A_102 : memref<16x128xf32, #tpu.memory_space<vmem_shared>>) target_semaphore(%run_scoped3A : memref<!tpu.dma_semaphore, #tpu.memory_space<semaphore_mem>>)
        %dma_wait3A = arith.constant 0 : i32
        %dma_wait3A_106 = arith.constant 0 : i32
        %dma_wait3A_107 = tpu.memref_slice %arg10[%dma_wait3A, %dma_wait3A_106] : memref<24x128xf32, #tpu.memory_space<vmem>> -> memref<16x128xf32, #tpu.memory_space<vmem>>
        %dma_wait3A_108 = arith.constant 9984 : i32
        %dma_wait3A_109 = arith.constant 0 : i32
        %dma_wait3A_110 = tpu.memref_slice %arg11[%dma_wait3A_108, %dma_wait3A_109] : memref<10000x128xf32, #tpu.memory_space<vmem_shared>> -> memref<16x128xf32, #tpu.memory_space<vmem_shared>>
        %dma_wait3A_111 = arith.constant 9984 : i32
        %dma_wait3A_112 = arith.constant 0 : i32
        %dma_wait3A_113 = tpu.memref_slice %arg11[%dma_wait3A_111, %dma_wait3A_112] : memref<10000x128xf32, #tpu.memory_space<vmem_shared>> -> memref<16x128xf32, #tpu.memory_space<vmem_shared>>
        %dma_wait3A_114 = arith.constant 0 : i32
        %dma_wait3A_115 = arith.constant 0 : i32
        %dma_wait3A_116 = tpu.memref_slice %arg10[%dma_wait3A_114, %dma_wait3A_115] : memref<24x128xf32, #tpu.memory_space<vmem>> -> memref<16x128xf32, #tpu.memory_space<vmem>>
        tpu.wait_dma2 semaphore(%run_scoped3A : memref<!tpu.dma_semaphore, #tpu.memory_space<semaphore_mem>>) src(%dma_wait3A_116 : memref<16x128xf32, #tpu.memory_space<vmem>>) dst(%dma_wait3A_113 : memref<16x128xf32, #tpu.memory_space<vmem_shared>>)
        tpu.yield
      }) : () -> ()
    } else {
    }
    %add3A_16 = arith.constant 0 : i32
    %add3A_17 = arith.addi %add3A_16, %add3A : i32
    %mul3A_18 = arith.constant 40 : i32
    %mul3A_19 = arith.muli %add3A_17, %mul3A_18 : i32
    "tpu.region"() ({
      %run_scoped3A = tpu.sem_alloc : memref<!tpu.dma_semaphore, #tpu.memory_space<semaphore_mem>>
      %dma_start3A_94 = arith.constant 0 : i32
      %dma_start3A_95 = tpu.memref_slice %arg3[%mul3A_19, %dma_start3A_94] : memref<2560x128xi32, #tpu.memory_space<hbm>> -> memref<40x128xi32, #tpu.memory_space<hbm>>
      %dma_start3A_96 = arith.constant 0 : i32
      %dma_start3A_97 = tpu.memref_slice %arg3[%mul3A_19, %dma_start3A_96] : memref<2560x128xi32, #tpu.memory_space<hbm>> -> memref<40x128xi32, #tpu.memory_space<hbm>>
      tpu.enqueue_dma source(%dma_start3A_97 : memref<40x128xi32, #tpu.memory_space<hbm>>) target(%arg6 : memref<40x128xi32, #tpu.memory_space<vmem>>) target_semaphore(%run_scoped3A : memref<!tpu.dma_semaphore, #tpu.memory_space<semaphore_mem>>)
      %dma_wait3A = arith.constant 0 : i32
      %dma_wait3A_98 = tpu.memref_slice %arg3[%mul3A_19, %dma_wait3A] : memref<2560x128xi32, #tpu.memory_space<hbm>> -> memref<40x128xi32, #tpu.memory_space<hbm>>
      %dma_wait3A_99 = arith.constant 0 : i32
      %dma_wait3A_100 = tpu.memref_slice %arg3[%mul3A_19, %dma_wait3A_99] : memref<2560x128xi32, #tpu.memory_space<hbm>> -> memref<40x128xi32, #tpu.memory_space<hbm>>
      tpu.wait_dma2 semaphore(%run_scoped3A : memref<!tpu.dma_semaphore, #tpu.memory_space<semaphore_mem>>) src(%dma_wait3A_100 : memref<40x128xi32, #tpu.memory_space<hbm>>) dst(%arg6 : memref<40x128xi32, #tpu.memory_space<vmem>>)
      tpu.yield
    }) : () -> ()
    %barrier3A = arith.constant 0 : index
    tpu.barrier barrier_id(%barrier3A)
    %dma_start3A = arith.constant 0 : i32
    %dma_start3A_20 = arith.constant 0 : i32
    %dma_start3A_21 = tpu.memref_slice %arg6[%dma_start3A, %dma_start3A_20] : memref<40x128xi32, #tpu.memory_space<vmem>> -> memref<1x128xi32, #tpu.memory_space<vmem>>
    %dma_start3A_22 = tpu.memref_squeeze %dma_start3A_21 : memref<1x128xi32, #tpu.memory_space<vmem>> -> memref<128xi32, #tpu.memory_space<vmem>>
    %dma_start3A_23 = arith.constant 0 : i32
    %dma_start3A_24 = arith.constant 0 : i32
    %dma_start3A_25 = tpu.memref_slice %arg2[%dma_start3A_23, %dma_start3A_24] : memref<20000x128xf32, #tpu.memory_space<hbm>> -> memref<20000x128xf32, #tpu.memory_space<hbm>>
    tpu.enqueue_indirect_dma source(%dma_start3A_25 : memref<20000x128xf32, #tpu.memory_space<hbm>>) target(%arg8 : memref<128x128xf32, #tpu.memory_space<vmem>>) offsets(%dma_start3A_22 : memref<128xi32, #tpu.memory_space<vmem>>) semaphore(%arg12 : memref<!tpu.dma_semaphore, #tpu.memory_space<semaphore_mem>>)
    %scan3A_26 = arith.constant 0 : i32
    %scan3A_27 = arith.constant 20 : i32
    %scan3A_28 = arith.addi %scan3A_26, %scan3A_27 : i32
    %scan3A_29 = arith.constant 1 : i32
    scf.for %scan3A_94 = %scan3A_26 to %scan3A_28 step %scan3A_29  : i32 {
      %mul3A_95 = arith.constant 1 : i32
      %mul3A_96 = arith.muli %scan3A_94, %mul3A_95 : i32
      %add3A_97 = arith.constant 0 : i32
      %add3A_98 = arith.addi %add3A_97, %mul3A_96 : i32
      %mul3A_99 = arith.constant 2 : i32
      %mul3A_100 = arith.muli %mul3A_99, %add3A_98 : i32
      %add3A_101 = arith.constant 1 : i32
      %add3A_102 = arith.addi %mul3A_100, %add3A_101 : i32
      %lt3A_103 = arith.cmpi slt, %add3A_102, %select_n3A : i32
      %convert_element_type3A_104 = arith.extui %lt3A_103 : i1 to i32
      %cond3A_105 = arith.constant 0 : i32
      %cond3A_106 = arith.cmpi ne, %convert_element_type3A_104, %cond3A_105 : i32
      scf.if %cond3A_106 {
        %dma_start3A_116 = arith.constant 0 : i32
        %dma_start3A_117 = tpu.memref_slice %arg6[%add3A_102, %dma_start3A_116] : memref<40x128xi32, #tpu.memory_space<vmem>> -> memref<1x128xi32, #tpu.memory_space<vmem>>
        %dma_start3A_118 = tpu.memref_squeeze %dma_start3A_117 : memref<1x128xi32, #tpu.memory_space<vmem>> -> memref<128xi32, #tpu.memory_space<vmem>>
        %dma_start3A_119 = arith.constant 0 : i32
        %dma_start3A_120 = arith.constant 0 : i32
        %dma_start3A_121 = tpu.memref_slice %arg2[%dma_start3A_119, %dma_start3A_120] : memref<20000x128xf32, #tpu.memory_space<hbm>> -> memref<20000x128xf32, #tpu.memory_space<hbm>>
        tpu.enqueue_indirect_dma source(%dma_start3A_121 : memref<20000x128xf32, #tpu.memory_space<hbm>>) target(%arg9 : memref<128x128xf32, #tpu.memory_space<vmem>>) offsets(%dma_start3A_118 : memref<128xi32, #tpu.memory_space<vmem>>) semaphore(%arg13 : memref<!tpu.dma_semaphore, #tpu.memory_space<semaphore_mem>>)
      } else {
      }
      %dma_wait3A = arith.constant 0 : i32
      %dma_wait3A_107 = tpu.memref_slice %arg6[%mul3A_100, %dma_wait3A] : memref<40x128xi32, #tpu.memory_space<vmem>> -> memref<1x128xi32, #tpu.memory_space<vmem>>
      %dma_wait3A_108 = tpu.memref_squeeze %dma_wait3A_107 : memref<1x128xi32, #tpu.memory_space<vmem>> -> memref<128xi32, #tpu.memory_space<vmem>>
      %dma_wait3A_109 = arith.constant 0 : i32
      %dma_wait3A_110 = arith.constant 0 : i32
      %dma_wait3A_111 = tpu.memref_slice %arg2[%dma_wait3A_109, %dma_wait3A_110] : memref<20000x128xf32, #tpu.memory_space<hbm>> -> memref<20000x128xf32, #tpu.memory_space<hbm>>
      tpu.wait_indirect_dma semaphore(%arg12 : memref<!tpu.dma_semaphore, #tpu.memory_space<semaphore_mem>>) src(%dma_wait3A_111 : memref<20000x128xf32, #tpu.memory_space<hbm>>) dst(%arg8 : memref<128x128xf32, #tpu.memory_space<vmem>>)
      "tpu.region"() ({
        %run_scoped3A = tpu.sem_alloc : memref<!tpu.dma_semaphore, #tpu.memory_space<semaphore_mem>>
        %dma_start3A_116 = arith.constant 0 : i32
        %dma_start3A_117 = tpu.memref_slice %arg7[%mul3A_100, %dma_start3A_116] : memref<40x128xi32, #tpu.memory_space<vmem>> -> memref<1x128xi32, #tpu.memory_space<vmem>>
        %dma_start3A_118 = tpu.memref_squeeze %dma_start3A_117 : memref<1x128xi32, #tpu.memory_space<vmem>> -> memref<128xi32, #tpu.memory_space<vmem>>
        %dma_start3A_119 = arith.constant 0 : i32
        %dma_start3A_120 = arith.constant 0 : i32
        %dma_start3A_121 = tpu.memref_slice %arg11[%dma_start3A_119, %dma_start3A_120] : memref<10000x128xf32, #tpu.memory_space<vmem_shared>> -> memref<10000x128xf32, #tpu.memory_space<vmem_shared>>
        tpu.enqueue_indirect_dma source(%arg8 : memref<128x128xf32, #tpu.memory_space<vmem>>) target(%dma_start3A_121 : memref<10000x128xf32, #tpu.memory_space<vmem_shared>>) offsets(%dma_start3A_118 : memref<128xi32, #tpu.memory_space<vmem>>) semaphore(%run_scoped3A : memref<!tpu.dma_semaphore, #tpu.memory_space<semaphore_mem>>) {add = true}
        %dma_wait3A_122 = arith.constant 0 : i32
        %dma_wait3A_123 = tpu.memref_slice %arg7[%mul3A_100, %dma_wait3A_122] : memref<40x128xi32, #tpu.memory_space<vmem>> -> memref<1x128xi32, #tpu.memory_space<vmem>>
        %dma_wait3A_124 = tpu.memref_squeeze %dma_wait3A_123 : memref<1x128xi32, #tpu.memory_space<vmem>> -> memref<128xi32, #tpu.memory_space<vmem>>
        %dma_wait3A_125 = arith.constant 0 : i32
        %dma_wait3A_126 = arith.constant 0 : i32
        %dma_wait3A_127 = tpu.memref_slice %arg11[%dma_wait3A_125, %dma_wait3A_126] : memref<10000x128xf32, #tpu.memory_space<vmem_shared>> -> memref<10000x128xf32, #tpu.memory_space<vmem_shared>>
        tpu.wait_indirect_dma semaphore(%run_scoped3A : memref<!tpu.dma_semaphore, #tpu.memory_space<semaphore_mem>>) src(%arg8 : memref<128x128xf32, #tpu.memory_space<vmem>>) dst(%dma_wait3A_127 : memref<10000x128xf32, #tpu.memory_space<vmem_shared>>)
        tpu.yield
      }) : () -> ()
      %lt3A_112 = arith.cmpi slt, %add3A_102, %select_n3A : i32
      %convert_element_type3A_113 = arith.extui %lt3A_112 : i1 to i32
      %cond3A_114 = arith.constant 0 : i32
      %cond3A_115 = arith.cmpi ne, %convert_element_type3A_113, %cond3A_114 : i32
      scf.if %cond3A_115 {
        %dma_wait3A_116 = arith.constant 0 : i32
        %dma_wait3A_117 = tpu.memref_slice %arg6[%add3A_102, %dma_wait3A_116] : memref<40x128xi32, #tpu.memory_space<vmem>> -> memref<1x128xi32, #tpu.memory_space<vmem>>
        %dma_wait3A_118 = tpu.memref_squeeze %dma_wait3A_117 : memref<1x128xi32, #tpu.memory_space<vmem>> -> memref<128xi32, #tpu.memory_space<vmem>>
        %dma_wait3A_119 = arith.constant 0 : i32
        %dma_wait3A_120 = arith.constant 0 : i32
        %dma_wait3A_121 = tpu.memref_slice %arg2[%dma_wait3A_119, %dma_wait3A_120] : memref<20000x128xf32, #tpu.memory_space<hbm>> -> memref<20000x128xf32, #tpu.memory_space<hbm>>
        tpu.wait_indirect_dma semaphore(%arg13 : memref<!tpu.dma_semaphore, #tpu.memory_space<semaphore_mem>>) src(%dma_wait3A_121 : memref<20000x128xf32, #tpu.memory_space<hbm>>) dst(%arg9 : memref<128x128xf32, #tpu.memory_space<vmem>>)
        %add3A_122 = arith.constant 1 : i32
        %add3A_123 = arith.addi %add3A_102, %add3A_122 : i32
        %lt3A_124 = arith.cmpi slt, %add3A_123, %select_n3A : i32
        %convert_element_type3A_125 = arith.extui %lt3A_124 : i1 to i32
        %cond3A_126 = arith.constant 0 : i32
        %cond3A_127 = arith.cmpi ne, %convert_element_type3A_125, %cond3A_126 : i32
        scf.if %cond3A_127 {
          %add3A_128 = arith.constant 1 : i32
          %add3A_129 = arith.addi %add3A_102, %add3A_128 : i32
          %dma_start3A_130 = arith.constant 0 : i32
          %dma_start3A_131 = tpu.memref_slice %arg6[%add3A_129, %dma_start3A_130] : memref<40x128xi32, #tpu.memory_space<vmem>> -> memref<1x128xi32, #tpu.memory_space<vmem>>
          %dma_start3A_132 = tpu.memref_squeeze %dma_start3A_131 : memref<1x128xi32, #tpu.memory_space<vmem>> -> memref<128xi32, #tpu.memory_space<vmem>>
          %dma_start3A_133 = arith.constant 0 : i32
          %dma_start3A_134 = arith.constant 0 : i32
          %dma_start3A_135 = tpu.memref_slice %arg2[%dma_start3A_133, %dma_start3A_134] : memref<20000x128xf32, #tpu.memory_space<hbm>> -> memref<20000x128xf32, #tpu.memory_space<hbm>>
          tpu.enqueue_indirect_dma source(%dma_start3A_135 : memref<20000x128xf32, #tpu.memory_space<hbm>>) target(%arg8 : memref<128x128xf32, #tpu.memory_space<vmem>>) offsets(%dma_start3A_132 : memref<128xi32, #tpu.memory_space<vmem>>) semaphore(%arg12 : memref<!tpu.dma_semaphore, #tpu.memory_space<semaphore_mem>>)
        } else {
        }
        "tpu.region"() ({
          %run_scoped3A = tpu.sem_alloc : memref<!tpu.dma_semaphore, #tpu.memory_space<semaphore_mem>>
          %dma_start3A_128 = arith.constant 0 : i32
          %dma_start3A_129 = tpu.memref_slice %arg7[%add3A_102, %dma_start3A_128] : memref<40x128xi32, #tpu.memory_space<vmem>> -> memref<1x128xi32, #tpu.memory_space<vmem>>
          %dma_start3A_130 = tpu.memref_squeeze %dma_start3A_129 : memref<1x128xi32, #tpu.memory_space<vmem>> -> memref<128xi32, #tpu.memory_space<vmem>>
          %dma_start3A_131 = arith.constant 0 : i32
          %dma_start3A_132 = arith.constant 0 : i32
          %dma_start3A_133 = tpu.memref_slice %arg11[%dma_start3A_131, %dma_start3A_132] : memref<10000x128xf32, #tpu.memory_space<vmem_shared>> -> memref<10000x128xf32, #tpu.memory_space<vmem_shared>>
          tpu.enqueue_indirect_dma source(%arg9 : memref<128x128xf32, #tpu.memory_space<vmem>>) target(%dma_start3A_133 : memref<10000x128xf32, #tpu.memory_space<vmem_shared>>) offsets(%dma_start3A_130 : memref<128xi32, #tpu.memory_space<vmem>>) semaphore(%run_scoped3A : memref<!tpu.dma_semaphore, #tpu.memory_space<semaphore_mem>>) {add = true}
          %dma_wait3A_134 = arith.constant 0 : i32
          %dma_wait3A_135 = tpu.memref_slice %arg7[%add3A_102, %dma_wait3A_134] : memref<40x128xi32, #tpu.memory_space<vmem>> -> memref<1x128xi32, #tpu.memory_space<vmem>>
          %dma_wait3A_136 = tpu.memref_squeeze %dma_wait3A_135 : memref<1x128xi32, #tpu.memory_space<vmem>> -> memref<128xi32, #tpu.memory_space<vmem>>
          %dma_wait3A_137 = arith.constant 0 : i32
          %dma_wait3A_138 = arith.constant 0 : i32
          %dma_wait3A_139 = tpu.memref_slice %arg11[%dma_wait3A_137, %dma_wait3A_138] : memref<10000x128xf32, #tpu.memory_space<vmem_shared>> -> memref<10000x128xf32, #tpu.memory_space<vmem_shared>>
          tpu.wait_indirect_dma semaphore(%run_scoped3A : memref<!tpu.dma_semaphore, #tpu.memory_space<semaphore_mem>>) src(%arg9 : memref<128x128xf32, #tpu.memory_space<vmem>>) dst(%dma_wait3A_139 : memref<10000x128xf32, #tpu.memory_space<vmem_shared>>)
          tpu.yield
        }) : () -> ()
      } else {
      }
    }
    %scan3A_30 = arith.constant 20 : i32
    %barrier3A_31 = arith.constant 0 : index
    tpu.barrier barrier_id(%barrier3A_31)
    %mul3A_32 = arith.constant 2 : i32
    %mul3A_33 = arith.muli %arg0, %mul3A_32 : i32
    %add3A_34 = arith.constant 0 : i32
    %add3A_35 = arith.addi %mul3A_33, %add3A_34 : i32
    %mul3A_36 = arith.constant 10000 : i32
    %mul3A_37 = arith.muli %add3A_35, %mul3A_36 : i32
    %mul3A_38 = arith.constant 624 : i32
    %mul3A_39 = arith.muli %arg1, %mul3A_38 : i32
    %mul3A_40 = arith.constant 624 : i32
    %mul3A_41 = arith.muli %arg1, %mul3A_40 : i32
    %add3A_42 = arith.addi %mul3A_37, %mul3A_41 : i32
    "tpu.region"() ({
      %run_scoped3A = tpu.sem_alloc : memref<!tpu.dma_semaphore, #tpu.memory_space<semaphore_mem>>
      %dma_start3A_94 = arith.constant 0 : i32
      %dma_start3A_95 = tpu.memref_slice %arg5[%add3A_42, %dma_start3A_94] : memref<40000x128xf32, #tpu.memory_space<hbm>> -> memref<624x128xf32, #tpu.memory_space<hbm>>
      %dma_start3A_96 = arith.constant 0 : i32
      %dma_start3A_97 = tpu.memref_slice %arg11[%mul3A_39, %dma_start3A_96] : memref<10000x128xf32, #tpu.memory_space<vmem_shared>> -> memref<624x128xf32, #tpu.memory_space<vmem_shared>>
      tpu.enqueue_dma source(%dma_start3A_97 : memref<624x128xf32, #tpu.memory_space<vmem_shared>>) target(%dma_start3A_95 : memref<624x128xf32, #tpu.memory_space<hbm>>) target_semaphore(%run_scoped3A : memref<!tpu.dma_semaphore, #tpu.memory_space<semaphore_mem>>)
      %dma_wait3A = arith.constant 0 : i32
      %dma_wait3A_98 = tpu.memref_slice %arg5[%add3A_42, %dma_wait3A] : memref<40000x128xf32, #tpu.memory_space<hbm>> -> memref<624x128xf32, #tpu.memory_space<hbm>>
      %dma_wait3A_99 = arith.constant 0 : i32
      %dma_wait3A_100 = tpu.memref_slice %arg11[%mul3A_39, %dma_wait3A_99] : memref<10000x128xf32, #tpu.memory_space<vmem_shared>> -> memref<624x128xf32, #tpu.memory_space<vmem_shared>>
      tpu.wait_dma2 semaphore(%run_scoped3A : memref<!tpu.dma_semaphore, #tpu.memory_space<semaphore_mem>>) src(%dma_wait3A_100 : memref<624x128xf32, #tpu.memory_space<vmem_shared>>) dst(%dma_wait3A_98 : memref<624x128xf32, #tpu.memory_space<hbm>>)
      tpu.yield
    }) : () -> ()
    %eq3A_43 = arith.constant 15 : i32
    %eq3A_44 = arith.cmpi eq, %arg1, %eq3A_43 : i32
    %convert_element_type3A_45 = arith.extui %eq3A_44 : i1 to i32
    %cond3A_46 = arith.constant 0 : i32
    %cond3A_47 = arith.cmpi ne, %convert_element_type3A_45, %cond3A_46 : i32
    scf.if %cond3A_47 {
      %add3A_94 = arith.constant 9984 : i32
      %add3A_95 = arith.addi %mul3A_37, %add3A_94 : i32
      "tpu.region"() ({
        %run_scoped3A = tpu.sem_alloc : memref<!tpu.dma_semaphore, #tpu.memory_space<semaphore_mem>>
        %dma_start3A_96 = arith.constant 0 : i32
        %dma_start3A_97 = tpu.memref_slice %arg5[%add3A_95, %dma_start3A_96] : memref<40000x128xf32, #tpu.memory_space<hbm>> -> memref<16x128xf32, #tpu.memory_space<hbm>>
        %dma_start3A_98 = arith.constant 9984 : i32
        %dma_start3A_99 = arith.constant 0 : i32
        %dma_start3A_100 = tpu.memref_slice %arg11[%dma_start3A_98, %dma_start3A_99] : memref<10000x128xf32, #tpu.memory_space<vmem_shared>> -> memref<16x128xf32, #tpu.memory_space<vmem_shared>>
        tpu.enqueue_dma source(%dma_start3A_100 : memref<16x128xf32, #tpu.memory_space<vmem_shared>>) target(%dma_start3A_97 : memref<16x128xf32, #tpu.memory_space<hbm>>) target_semaphore(%run_scoped3A : memref<!tpu.dma_semaphore, #tpu.memory_space<semaphore_mem>>)
        %dma_wait3A = arith.constant 0 : i32
        %dma_wait3A_101 = tpu.memref_slice %arg5[%add3A_95, %dma_wait3A] : memref<40000x128xf32, #tpu.memory_space<hbm>> -> memref<16x128xf32, #tpu.memory_space<hbm>>
        %dma_wait3A_102 = arith.constant 9984 : i32
        %dma_wait3A_103 = arith.constant 0 : i32
        %dma_wait3A_104 = tpu.memref_slice %arg11[%dma_wait3A_102, %dma_wait3A_103] : memref<10000x128xf32, #tpu.memory_space<vmem_shared>> -> memref<16x128xf32, #tpu.memory_space<vmem_shared>>
        tpu.wait_dma2 semaphore(%run_scoped3A : memref<!tpu.dma_semaphore, #tpu.memory_space<semaphore_mem>>) src(%dma_wait3A_104 : memref<16x128xf32, #tpu.memory_space<vmem_shared>>) dst(%dma_wait3A_101 : memref<16x128xf32, #tpu.memory_space<hbm>>)
        tpu.yield
      }) : () -> ()
    } else {
    }
    %barrier3A_48 = arith.constant 0 : index
    tpu.barrier barrier_id(%barrier3A_48)
    %scan3A_49 = arith.constant 0 : i32
    %scan3A_50 = arith.constant 26 : i32
    %scan3A_51 = arith.addi %scan3A_49, %scan3A_50 : i32
    %scan3A_52 = arith.constant 1 : i32
    scf.for %scan3A_94 = %scan3A_49 to %scan3A_51 step %scan3A_52  : i32 {
      %mul3A_95 = arith.constant 1 : i32
      %mul3A_96 = arith.muli %scan3A_94, %mul3A_95 : i32
      %add3A_97 = arith.constant 0 : i32
      %add3A_98 = arith.addi %add3A_97, %mul3A_96 : i32
      %mul3A_99 = arith.constant 624 : i32
      %mul3A_100 = arith.muli %arg1, %mul3A_99 : i32
      %mul3A_101 = arith.constant 24 : i32
      %mul3A_102 = arith.muli %add3A_98, %mul3A_101 : i32
      %add3A_103 = arith.addi %mul3A_100, %mul3A_102 : i32
      "tpu.region"() ({
        %run_scoped3A = tpu.sem_alloc : memref<!tpu.dma_semaphore, #tpu.memory_space<semaphore_mem>>
        %dma_start3A_104 = arith.constant 0 : i32
        %dma_start3A_105 = arith.constant 0 : i32
        %dma_start3A_106 = tpu.memref_slice %arg10[%dma_start3A_104, %dma_start3A_105] : memref<24x128xf32, #tpu.memory_space<vmem>> -> memref<24x128xf32, #tpu.memory_space<vmem>>
        %dma_start3A_107 = arith.constant 0 : i32
        %dma_start3A_108 = tpu.memref_slice %arg11[%add3A_103, %dma_start3A_107] : memref<10000x128xf32, #tpu.memory_space<vmem_shared>> -> memref<24x128xf32, #tpu.memory_space<vmem_shared>>
        %dma_start3A_109 = arith.constant 0 : i32
        %dma_start3A_110 = tpu.memref_slice %arg11[%add3A_103, %dma_start3A_109] : memref<10000x128xf32, #tpu.memory_space<vmem_shared>> -> memref<24x128xf32, #tpu.memory_space<vmem_shared>>
        %dma_start3A_111 = arith.constant 0 : i32
        %dma_start3A_112 = arith.constant 0 : i32
        %dma_start3A_113 = tpu.memref_slice %arg10[%dma_start3A_111, %dma_start3A_112] : memref<24x128xf32, #tpu.memory_space<vmem>> -> memref<24x128xf32, #tpu.memory_space<vmem>>
        tpu.enqueue_dma source(%dma_start3A_113 : memref<24x128xf32, #tpu.memory_space<vmem>>) target(%dma_start3A_110 : memref<24x128xf32, #tpu.memory_space<vmem_shared>>) target_semaphore(%run_scoped3A : memref<!tpu.dma_semaphore, #tpu.memory_space<semaphore_mem>>)
        %dma_wait3A = arith.constant 0 : i32
        %dma_wait3A_114 = arith.constant 0 : i32
        %dma_wait3A_115 = tpu.memref_slice %arg10[%dma_wait3A, %dma_wait3A_114] : memref<24x128xf32, #tpu.memory_space<vmem>> -> memref<24x128xf32, #tpu.memory_space<vmem>>
        %dma_wait3A_116 = arith.constant 0 : i32
        %dma_wait3A_117 = tpu.memref_slice %arg11[%add3A_103, %dma_wait3A_116] : memref<10000x128xf32, #tpu.memory_space<vmem_shared>> -> memref<24x128xf32, #tpu.memory_space<vmem_shared>>
        %dma_wait3A_118 = arith.constant 0 : i32
        %dma_wait3A_119 = tpu.memref_slice %arg11[%add3A_103, %dma_wait3A_118] : memref<10000x128xf32, #tpu.memory_space<vmem_shared>> -> memref<24x128xf32, #tpu.memory_space<vmem_shared>>
        %dma_wait3A_120 = arith.constant 0 : i32
        %dma_wait3A_121 = arith.constant 0 : i32
        %dma_wait3A_122 = tpu.memref_slice %arg10[%dma_wait3A_120, %dma_wait3A_121] : memref<24x128xf32, #tpu.memory_space<vmem>> -> memref<24x128xf32, #tpu.memory_space<vmem>>
        tpu.wait_dma2 semaphore(%run_scoped3A : memref<!tpu.dma_semaphore, #tpu.memory_space<semaphore_mem>>) src(%dma_wait3A_122 : memref<24x128xf32, #tpu.memory_space<vmem>>) dst(%dma_wait3A_119 : memref<24x128xf32, #tpu.memory_space<vmem_shared>>)
        tpu.yield
      }) : () -> ()
    }
    %scan3A_53 = arith.constant 26 : i32
    %eq3A_54 = arith.constant 15 : i32
    %eq3A_55 = arith.cmpi eq, %arg1, %eq3A_54 : i32
    %convert_element_type3A_56 = arith.extui %eq3A_55 : i1 to i32
    %cond3A_57 = arith.constant 0 : i32
    %cond3A_58 = arith.cmpi ne, %convert_element_type3A_56, %cond3A_57 : i32
    scf.if %cond3A_58 {
      "tpu.region"() ({
        %run_scoped3A = tpu.sem_alloc : memref<!tpu.dma_semaphore, #tpu.memory_space<semaphore_mem>>
        %dma_start3A_94 = arith.constant 0 : i32
        %dma_start3A_95 = arith.constant 0 : i32
        %dma_start3A_96 = tpu.memref_slice %arg10[%dma_start3A_94, %dma_start3A_95] : memref<24x128xf32, #tpu.memory_space<vmem>> -> memref<16x128xf32, #tpu.memory_space<vmem>>
        %dma_start3A_97 = arith.constant 9984 : i32
        %dma_start3A_98 = arith.constant 0 : i32
        %dma_start3A_99 = tpu.memref_slice %arg11[%dma_start3A_97, %dma_start3A_98] : memref<10000x128xf32, #tpu.memory_space<vmem_shared>> -> memref<16x128xf32, #tpu.memory_space<vmem_shared>>
        %dma_start3A_100 = arith.constant 9984 : i32
        %dma_start3A_101 = arith.constant 0 : i32
        %dma_start3A_102 = tpu.memref_slice %arg11[%dma_start3A_100, %dma_start3A_101] : memref<10000x128xf32, #tpu.memory_space<vmem_shared>> -> memref<16x128xf32, #tpu.memory_space<vmem_shared>>
        %dma_start3A_103 = arith.constant 0 : i32
        %dma_start3A_104 = arith.constant 0 : i32
        %dma_start3A_105 = tpu.memref_slice %arg10[%dma_start3A_103, %dma_start3A_104] : memref<24x128xf32, #tpu.memory_space<vmem>> -> memref<16x128xf32, #tpu.memory_space<vmem>>
        tpu.enqueue_dma source(%dma_start3A_105 : memref<16x128xf32, #tpu.memory_space<vmem>>) target(%dma_start3A_102 : memref<16x128xf32, #tpu.memory_space<vmem_shared>>) target_semaphore(%run_scoped3A : memref<!tpu.dma_semaphore, #tpu.memory_space<semaphore_mem>>)
        %dma_wait3A = arith.constant 0 : i32
        %dma_wait3A_106 = arith.constant 0 : i32
        %dma_wait3A_107 = tpu.memref_slice %arg10[%dma_wait3A, %dma_wait3A_106] : memref<24x128xf32, #tpu.memory_space<vmem>> -> memref<16x128xf32, #tpu.memory_space<vmem>>
        %dma_wait3A_108 = arith.constant 9984 : i32
        %dma_wait3A_109 = arith.constant 0 : i32
        %dma_wait3A_110 = tpu.memref_slice %arg11[%dma_wait3A_108, %dma_wait3A_109] : memref<10000x128xf32, #tpu.memory_space<vmem_shared>> -> memref<16x128xf32, #tpu.memory_space<vmem_shared>>
        %dma_wait3A_111 = arith.constant 9984 : i32
        %dma_wait3A_112 = arith.constant 0 : i32
        %dma_wait3A_113 = tpu.memref_slice %arg11[%dma_wait3A_111, %dma_wait3A_112] : memref<10000x128xf32, #tpu.memory_space<vmem_shared>> -> memref<16x128xf32, #tpu.memory_space<vmem_shared>>
        %dma_wait3A_114 = arith.constant 0 : i32
        %dma_wait3A_115 = arith.constant 0 : i32
        %dma_wait3A_116 = tpu.memref_slice %arg10[%dma_wait3A_114, %dma_wait3A_115] : memref<24x128xf32, #tpu.memory_space<vmem>> -> memref<16x128xf32, #tpu.memory_space<vmem>>
        tpu.wait_dma2 semaphore(%run_scoped3A : memref<!tpu.dma_semaphore, #tpu.memory_space<semaphore_mem>>) src(%dma_wait3A_116 : memref<16x128xf32, #tpu.memory_space<vmem>>) dst(%dma_wait3A_113 : memref<16x128xf32, #tpu.memory_space<vmem_shared>>)
        tpu.yield
      }) : () -> ()
    } else {
    }
    %add3A_59 = arith.constant 32 : i32
    %add3A_60 = arith.addi %add3A_59, %add3A : i32
    %mul3A_61 = arith.constant 40 : i32
    %mul3A_62 = arith.muli %add3A_60, %mul3A_61 : i32
    "tpu.region"() ({
      %run_scoped3A = tpu.sem_alloc : memref<!tpu.dma_semaphore, #tpu.memory_space<semaphore_mem>>
      %dma_start3A_94 = arith.constant 0 : i32
      %dma_start3A_95 = tpu.memref_slice %arg3[%mul3A_62, %dma_start3A_94] : memref<2560x128xi32, #tpu.memory_space<hbm>> -> memref<40x128xi32, #tpu.memory_space<hbm>>
      %dma_start3A_96 = arith.constant 0 : i32
      %dma_start3A_97 = tpu.memref_slice %arg3[%mul3A_62, %dma_start3A_96] : memref<2560x128xi32, #tpu.memory_space<hbm>> -> memref<40x128xi32, #tpu.memory_space<hbm>>
      tpu.enqueue_dma source(%dma_start3A_97 : memref<40x128xi32, #tpu.memory_space<hbm>>) target(%arg6 : memref<40x128xi32, #tpu.memory_space<vmem>>) target_semaphore(%run_scoped3A : memref<!tpu.dma_semaphore, #tpu.memory_space<semaphore_mem>>)
      %dma_wait3A = arith.constant 0 : i32
      %dma_wait3A_98 = tpu.memref_slice %arg3[%mul3A_62, %dma_wait3A] : memref<2560x128xi32, #tpu.memory_space<hbm>> -> memref<40x128xi32, #tpu.memory_space<hbm>>
      %dma_wait3A_99 = arith.constant 0 : i32
      %dma_wait3A_100 = tpu.memref_slice %arg3[%mul3A_62, %dma_wait3A_99] : memref<2560x128xi32, #tpu.memory_space<hbm>> -> memref<40x128xi32, #tpu.memory_space<hbm>>
      tpu.wait_dma2 semaphore(%run_scoped3A : memref<!tpu.dma_semaphore, #tpu.memory_space<semaphore_mem>>) src(%dma_wait3A_100 : memref<40x128xi32, #tpu.memory_space<hbm>>) dst(%arg6 : memref<40x128xi32, #tpu.memory_space<vmem>>)
      tpu.yield
    }) : () -> ()
    %barrier3A_63 = arith.constant 0 : index
    tpu.barrier barrier_id(%barrier3A_63)
    %dma_start3A_64 = arith.constant 0 : i32
    %dma_start3A_65 = arith.constant 0 : i32
    %dma_start3A_66 = tpu.memref_slice %arg6[%dma_start3A_64, %dma_start3A_65] : memref<40x128xi32, #tpu.memory_space<vmem>> -> memref<1x128xi32, #tpu.memory_space<vmem>>
    %dma_start3A_67 = tpu.memref_squeeze %dma_start3A_66 : memref<1x128xi32, #tpu.memory_space<vmem>> -> memref<128xi32, #tpu.memory_space<vmem>>
    %dma_start3A_68 = arith.constant 0 : i32
    %dma_start3A_69 = arith.constant 0 : i32
    %dma_start3A_70 = tpu.memref_slice %arg2[%dma_start3A_68, %dma_start3A_69] : memref<20000x128xf32, #tpu.memory_space<hbm>> -> memref<20000x128xf32, #tpu.memory_space<hbm>>
    tpu.enqueue_indirect_dma source(%dma_start3A_70 : memref<20000x128xf32, #tpu.memory_space<hbm>>) target(%arg8 : memref<128x128xf32, #tpu.memory_space<vmem>>) offsets(%dma_start3A_67 : memref<128xi32, #tpu.memory_space<vmem>>) semaphore(%arg12 : memref<!tpu.dma_semaphore, #tpu.memory_space<semaphore_mem>>)
    %scan3A_71 = arith.constant 0 : i32
    %scan3A_72 = arith.constant 20 : i32
    %scan3A_73 = arith.addi %scan3A_71, %scan3A_72 : i32
    %scan3A_74 = arith.constant 1 : i32
    scf.for %scan3A_94 = %scan3A_71 to %scan3A_73 step %scan3A_74  : i32 {
      %mul3A_95 = arith.constant 1 : i32
      %mul3A_96 = arith.muli %scan3A_94, %mul3A_95 : i32
      %add3A_97 = arith.constant 0 : i32
      %add3A_98 = arith.addi %add3A_97, %mul3A_96 : i32
      %mul3A_99 = arith.constant 2 : i32
      %mul3A_100 = arith.muli %mul3A_99, %add3A_98 : i32
      %add3A_101 = arith.constant 1 : i32
      %add3A_102 = arith.addi %mul3A_100, %add3A_101 : i32
      %lt3A_103 = arith.cmpi slt, %add3A_102, %select_n3A : i32
      %convert_element_type3A_104 = arith.extui %lt3A_103 : i1 to i32
      %cond3A_105 = arith.constant 0 : i32
      %cond3A_106 = arith.cmpi ne, %convert_element_type3A_104, %cond3A_105 : i32
      scf.if %cond3A_106 {
        %dma_start3A_116 = arith.constant 0 : i32
        %dma_start3A_117 = tpu.memref_slice %arg6[%add3A_102, %dma_start3A_116] : memref<40x128xi32, #tpu.memory_space<vmem>> -> memref<1x128xi32, #tpu.memory_space<vmem>>
        %dma_start3A_118 = tpu.memref_squeeze %dma_start3A_117 : memref<1x128xi32, #tpu.memory_space<vmem>> -> memref<128xi32, #tpu.memory_space<vmem>>
        %dma_start3A_119 = arith.constant 0 : i32
        %dma_start3A_120 = arith.constant 0 : i32
        %dma_start3A_121 = tpu.memref_slice %arg2[%dma_start3A_119, %dma_start3A_120] : memref<20000x128xf32, #tpu.memory_space<hbm>> -> memref<20000x128xf32, #tpu.memory_space<hbm>>
        tpu.enqueue_indirect_dma source(%dma_start3A_121 : memref<20000x128xf32, #tpu.memory_space<hbm>>) target(%arg9 : memref<128x128xf32, #tpu.memory_space<vmem>>) offsets(%dma_start3A_118 : memref<128xi32, #tpu.memory_space<vmem>>) semaphore(%arg13 : memref<!tpu.dma_semaphore, #tpu.memory_space<semaphore_mem>>)
      } else {
      }
      %dma_wait3A = arith.constant 0 : i32
      %dma_wait3A_107 = tpu.memref_slice %arg6[%mul3A_100, %dma_wait3A] : memref<40x128xi32, #tpu.memory_space<vmem>> -> memref<1x128xi32, #tpu.memory_space<vmem>>
      %dma_wait3A_108 = tpu.memref_squeeze %dma_wait3A_107 : memref<1x128xi32, #tpu.memory_space<vmem>> -> memref<128xi32, #tpu.memory_space<vmem>>
      %dma_wait3A_109 = arith.constant 0 : i32
      %dma_wait3A_110 = arith.constant 0 : i32
      %dma_wait3A_111 = tpu.memref_slice %arg2[%dma_wait3A_109, %dma_wait3A_110] : memref<20000x128xf32, #tpu.memory_space<hbm>> -> memref<20000x128xf32, #tpu.memory_space<hbm>>
      tpu.wait_indirect_dma semaphore(%arg12 : memref<!tpu.dma_semaphore, #tpu.memory_space<semaphore_mem>>) src(%dma_wait3A_111 : memref<20000x128xf32, #tpu.memory_space<hbm>>) dst(%arg8 : memref<128x128xf32, #tpu.memory_space<vmem>>)
      "tpu.region"() ({
        %run_scoped3A = tpu.sem_alloc : memref<!tpu.dma_semaphore, #tpu.memory_space<semaphore_mem>>
        %dma_start3A_116 = arith.constant 0 : i32
        %dma_start3A_117 = tpu.memref_slice %arg7[%mul3A_100, %dma_start3A_116] : memref<40x128xi32, #tpu.memory_space<vmem>> -> memref<1x128xi32, #tpu.memory_space<vmem>>
        %dma_start3A_118 = tpu.memref_squeeze %dma_start3A_117 : memref<1x128xi32, #tpu.memory_space<vmem>> -> memref<128xi32, #tpu.memory_space<vmem>>
        %dma_start3A_119 = arith.constant 0 : i32
        %dma_start3A_120 = arith.constant 0 : i32
        %dma_start3A_121 = tpu.memref_slice %arg11[%dma_start3A_119, %dma_start3A_120] : memref<10000x128xf32, #tpu.memory_space<vmem_shared>> -> memref<10000x128xf32, #tpu.memory_space<vmem_shared>>
        tpu.enqueue_indirect_dma source(%arg8 : memref<128x128xf32, #tpu.memory_space<vmem>>) target(%dma_start3A_121 : memref<10000x128xf32, #tpu.memory_space<vmem_shared>>) offsets(%dma_start3A_118 : memref<128xi32, #tpu.memory_space<vmem>>) semaphore(%run_scoped3A : memref<!tpu.dma_semaphore, #tpu.memory_space<semaphore_mem>>) {add = true}
        %dma_wait3A_122 = arith.constant 0 : i32
        %dma_wait3A_123 = tpu.memref_slice %arg7[%mul3A_100, %dma_wait3A_122] : memref<40x128xi32, #tpu.memory_space<vmem>> -> memref<1x128xi32, #tpu.memory_space<vmem>>
        %dma_wait3A_124 = tpu.memref_squeeze %dma_wait3A_123 : memref<1x128xi32, #tpu.memory_space<vmem>> -> memref<128xi32, #tpu.memory_space<vmem>>
        %dma_wait3A_125 = arith.constant 0 : i32
        %dma_wait3A_126 = arith.constant 0 : i32
        %dma_wait3A_127 = tpu.memref_slice %arg11[%dma_wait3A_125, %dma_wait3A_126] : memref<10000x128xf32, #tpu.memory_space<vmem_shared>> -> memref<10000x128xf32, #tpu.memory_space<vmem_shared>>
        tpu.wait_indirect_dma semaphore(%run_scoped3A : memref<!tpu.dma_semaphore, #tpu.memory_space<semaphore_mem>>) src(%arg8 : memref<128x128xf32, #tpu.memory_space<vmem>>) dst(%dma_wait3A_127 : memref<10000x128xf32, #tpu.memory_space<vmem_shared>>)
        tpu.yield
      }) : () -> ()
      %lt3A_112 = arith.cmpi slt, %add3A_102, %select_n3A : i32
      %convert_element_type3A_113 = arith.extui %lt3A_112 : i1 to i32
      %cond3A_114 = arith.constant 0 : i32
      %cond3A_115 = arith.cmpi ne, %convert_element_type3A_113, %cond3A_114 : i32
      scf.if %cond3A_115 {
        %dma_wait3A_116 = arith.constant 0 : i32
        %dma_wait3A_117 = tpu.memref_slice %arg6[%add3A_102, %dma_wait3A_116] : memref<40x128xi32, #tpu.memory_space<vmem>> -> memref<1x128xi32, #tpu.memory_space<vmem>>
        %dma_wait3A_118 = tpu.memref_squeeze %dma_wait3A_117 : memref<1x128xi32, #tpu.memory_space<vmem>> -> memref<128xi32, #tpu.memory_space<vmem>>
        %dma_wait3A_119 = arith.constant 0 : i32
        %dma_wait3A_120 = arith.constant 0 : i32
        %dma_wait3A_121 = tpu.memref_slice %arg2[%dma_wait3A_119, %dma_wait3A_120] : memref<20000x128xf32, #tpu.memory_space<hbm>> -> memref<20000x128xf32, #tpu.memory_space<hbm>>
        tpu.wait_indirect_dma semaphore(%arg13 : memref<!tpu.dma_semaphore, #tpu.memory_space<semaphore_mem>>) src(%dma_wait3A_121 : memref<20000x128xf32, #tpu.memory_space<hbm>>) dst(%arg9 : memref<128x128xf32, #tpu.memory_space<vmem>>)
        %add3A_122 = arith.constant 1 : i32
        %add3A_123 = arith.addi %add3A_102, %add3A_122 : i32
        %lt3A_124 = arith.cmpi slt, %add3A_123, %select_n3A : i32
        %convert_element_type3A_125 = arith.extui %lt3A_124 : i1 to i32
        %cond3A_126 = arith.constant 0 : i32
        %cond3A_127 = arith.cmpi ne, %convert_element_type3A_125, %cond3A_126 : i32
        scf.if %cond3A_127 {
          %add3A_128 = arith.constant 1 : i32
          %add3A_129 = arith.addi %add3A_102, %add3A_128 : i32
          %dma_start3A_130 = arith.constant 0 : i32
          %dma_start3A_131 = tpu.memref_slice %arg6[%add3A_129, %dma_start3A_130] : memref<40x128xi32, #tpu.memory_space<vmem>> -> memref<1x128xi32, #tpu.memory_space<vmem>>
          %dma_start3A_132 = tpu.memref_squeeze %dma_start3A_131 : memref<1x128xi32, #tpu.memory_space<vmem>> -> memref<128xi32, #tpu.memory_space<vmem>>
          %dma_start3A_133 = arith.constant 0 : i32
          %dma_start3A_134 = arith.constant 0 : i32
          %dma_start3A_135 = tpu.memref_slice %arg2[%dma_start3A_133, %dma_start3A_134] : memref<20000x128xf32, #tpu.memory_space<hbm>> -> memref<20000x128xf32, #tpu.memory_space<hbm>>
          tpu.enqueue_indirect_dma source(%dma_start3A_135 : memref<20000x128xf32, #tpu.memory_space<hbm>>) target(%arg8 : memref<128x128xf32, #tpu.memory_space<vmem>>) offsets(%dma_start3A_132 : memref<128xi32, #tpu.memory_space<vmem>>) semaphore(%arg12 : memref<!tpu.dma_semaphore, #tpu.memory_space<semaphore_mem>>)
        } else {
        }
        "tpu.region"() ({
          %run_scoped3A = tpu.sem_alloc : memref<!tpu.dma_semaphore, #tpu.memory_space<semaphore_mem>>
          %dma_start3A_128 = arith.constant 0 : i32
          %dma_start3A_129 = tpu.memref_slice %arg7[%add3A_102, %dma_start3A_128] : memref<40x128xi32, #tpu.memory_space<vmem>> -> memref<1x128xi32, #tpu.memory_space<vmem>>
          %dma_start3A_130 = tpu.memref_squeeze %dma_start3A_129 : memref<1x128xi32, #tpu.memory_space<vmem>> -> memref<128xi32, #tpu.memory_space<vmem>>
          %dma_start3A_131 = arith.constant 0 : i32
          %dma_start3A_132 = arith.constant 0 : i32
          %dma_start3A_133 = tpu.memref_slice %arg11[%dma_start3A_131, %dma_start3A_132] : memref<10000x128xf32, #tpu.memory_space<vmem_shared>> -> memref<10000x128xf32, #tpu.memory_space<vmem_shared>>
          tpu.enqueue_indirect_dma source(%arg9 : memref<128x128xf32, #tpu.memory_space<vmem>>) target(%dma_start3A_133 : memref<10000x128xf32, #tpu.memory_space<vmem_shared>>) offsets(%dma_start3A_130 : memref<128xi32, #tpu.memory_space<vmem>>) semaphore(%run_scoped3A : memref<!tpu.dma_semaphore, #tpu.memory_space<semaphore_mem>>) {add = true}
          %dma_wait3A_134 = arith.constant 0 : i32
          %dma_wait3A_135 = tpu.memref_slice %arg7[%add3A_102, %dma_wait3A_134] : memref<40x128xi32, #tpu.memory_space<vmem>> -> memref<1x128xi32, #tpu.memory_space<vmem>>
          %dma_wait3A_136 = tpu.memref_squeeze %dma_wait3A_135 : memref<1x128xi32, #tpu.memory_space<vmem>> -> memref<128xi32, #tpu.memory_space<vmem>>
          %dma_wait3A_137 = arith.constant 0 : i32
          %dma_wait3A_138 = arith.constant 0 : i32
          %dma_wait3A_139 = tpu.memref_slice %arg11[%dma_wait3A_137, %dma_wait3A_138] : memref<10000x128xf32, #tpu.memory_space<vmem_shared>> -> memref<10000x128xf32, #tpu.memory_space<vmem_shared>>
          tpu.wait_indirect_dma semaphore(%run_scoped3A : memref<!tpu.dma_semaphore, #tpu.memory_space<semaphore_mem>>) src(%arg9 : memref<128x128xf32, #tpu.memory_space<vmem>>) dst(%dma_wait3A_139 : memref<10000x128xf32, #tpu.memory_space<vmem_shared>>)
          tpu.yield
        }) : () -> ()
      } else {
      }
    }
    %scan3A_75 = arith.constant 20 : i32
    %barrier3A_76 = arith.constant 0 : index
    tpu.barrier barrier_id(%barrier3A_76)
    %mul3A_77 = arith.constant 2 : i32
    %mul3A_78 = arith.muli %arg0, %mul3A_77 : i32
    %add3A_79 = arith.constant 1 : i32
    %add3A_80 = arith.addi %mul3A_78, %add3A_79 : i32
    %mul3A_81 = arith.constant 10000 : i32
    %mul3A_82 = arith.muli %add3A_80, %mul3A_81 : i32
    %mul3A_83 = arith.constant 624 : i32
    %mul3A_84 = arith.muli %arg1, %mul3A_83 : i32
    %mul3A_85 = arith.constant 624 : i32
    %mul3A_86 = arith.muli %arg1, %mul3A_85 : i32
    %add3A_87 = arith.addi %mul3A_82, %mul3A_86 : i32
    "tpu.region"() ({
      %run_scoped3A = tpu.sem_alloc : memref<!tpu.dma_semaphore, #tpu.memory_space<semaphore_mem>>
      %dma_start3A_94 = arith.constant 0 : i32
      %dma_start3A_95 = tpu.memref_slice %arg5[%add3A_87, %dma_start3A_94] : memref<40000x128xf32, #tpu.memory_space<hbm>> -> memref<624x128xf32, #tpu.memory_space<hbm>>
      %dma_start3A_96 = arith.constant 0 : i32
      %dma_start3A_97 = tpu.memref_slice %arg11[%mul3A_84, %dma_start3A_96] : memref<10000x128xf32, #tpu.memory_space<vmem_shared>> -> memref<624x128xf32, #tpu.memory_space<vmem_shared>>
      tpu.enqueue_dma source(%dma_start3A_97 : memref<624x128xf32, #tpu.memory_space<vmem_shared>>) target(%dma_start3A_95 : memref<624x128xf32, #tpu.memory_space<hbm>>) target_semaphore(%run_scoped3A : memref<!tpu.dma_semaphore, #tpu.memory_space<semaphore_mem>>)
      %dma_wait3A = arith.constant 0 : i32
      %dma_wait3A_98 = tpu.memref_slice %arg5[%add3A_87, %dma_wait3A] : memref<40000x128xf32, #tpu.memory_space<hbm>> -> memref<624x128xf32, #tpu.memory_space<hbm>>
      %dma_wait3A_99 = arith.constant 0 : i32
      %dma_wait3A_100 = tpu.memref_slice %arg11[%mul3A_84, %dma_wait3A_99] : memref<10000x128xf32, #tpu.memory_space<vmem_shared>> -> memref<624x128xf32, #tpu.memory_space<vmem_shared>>
      tpu.wait_dma2 semaphore(%run_scoped3A : memref<!tpu.dma_semaphore, #tpu.memory_space<semaphore_mem>>) src(%dma_wait3A_100 : memref<624x128xf32, #tpu.memory_space<vmem_shared>>) dst(%dma_wait3A_98 : memref<624x128xf32, #tpu.memory_space<hbm>>)
      tpu.yield
    }) : () -> ()
    %eq3A_88 = arith.constant 15 : i32
    %eq3A_89 = arith.cmpi eq, %arg1, %eq3A_88 : i32
    %convert_element_type3A_90 = arith.extui %eq3A_89 : i1 to i32
    %cond3A_91 = arith.constant 0 : i32
    %cond3A_92 = arith.cmpi ne, %convert_element_type3A_90, %cond3A_91 : i32
    scf.if %cond3A_92 {
      %add3A_94 = arith.constant 9984 : i32
      %add3A_95 = arith.addi %mul3A_82, %add3A_94 : i32
      "tpu.region"() ({
        %run_scoped3A = tpu.sem_alloc : memref<!tpu.dma_semaphore, #tpu.memory_space<semaphore_mem>>
        %dma_start3A_96 = arith.constant 0 : i32
        %dma_start3A_97 = tpu.memref_slice %arg5[%add3A_95, %dma_start3A_96] : memref<40000x128xf32, #tpu.memory_space<hbm>> -> memref<16x128xf32, #tpu.memory_space<hbm>>
        %dma_start3A_98 = arith.constant 9984 : i32
        %dma_start3A_99 = arith.constant 0 : i32
        %dma_start3A_100 = tpu.memref_slice %arg11[%dma_start3A_98, %dma_start3A_99] : memref<10000x128xf32, #tpu.memory_space<vmem_shared>> -> memref<16x128xf32, #tpu.memory_space<vmem_shared>>
        tpu.enqueue_dma source(%dma_start3A_100 : memref<16x128xf32, #tpu.memory_space<vmem_shared>>) target(%dma_start3A_97 : memref<16x128xf32, #tpu.memory_space<hbm>>) target_semaphore(%run_scoped3A : memref<!tpu.dma_semaphore, #tpu.memory_space<semaphore_mem>>)
        %dma_wait3A = arith.constant 0 : i32
        %dma_wait3A_101 = tpu.memref_slice %arg5[%add3A_95, %dma_wait3A] : memref<40000x128xf32, #tpu.memory_space<hbm>> -> memref<16x128xf32, #tpu.memory_space<hbm>>
        %dma_wait3A_102 = arith.constant 9984 : i32
        %dma_wait3A_103 = arith.constant 0 : i32
        %dma_wait3A_104 = tpu.memref_slice %arg11[%dma_wait3A_102, %dma_wait3A_103] : memref<10000x128xf32, #tpu.memory_space<vmem_shared>> -> memref<16x128xf32, #tpu.memory_space<vmem_shared>>
        tpu.wait_dma2 semaphore(%run_scoped3A : memref<!tpu.dma_semaphore, #tpu.memory_space<semaphore_mem>>) src(%dma_wait3A_104 : memref<16x128xf32, #tpu.memory_space<vmem_shared>>) dst(%dma_wait3A_101 : memref<16x128xf32, #tpu.memory_space<hbm>>)
        tpu.yield
      }) : () -> ()
    } else {
    }
    %barrier3A_93 = arith.constant 0 : index
    tpu.barrier barrier_id(%barrier3A_93)
    return
  }
}

#map = affine_map<(d0, d1) -> (0, 0)>
module attributes {stable_mosaic.version = 14 : i64} {
  func.func @sc_kernel(%arg0: i32, %arg1: i32, %arg2: memref<40000x128xf32, #tpu.memory_space<hbm>>, %arg3: memref<5120x128xi32, #tpu.memory_space<hbm>>, %arg4: memref<1280x128xi32, #tpu.memory_space<hbm>>, %arg5: memref<80000x128xf32, #tpu.memory_space<hbm>>, %arg6: memref<40x128xi32, #tpu.memory_space<vmem>>, %arg7: memref<40x128xi32, #tpu.memory_space<vmem>>, %arg8: memref<128x128xf32, #tpu.memory_space<vmem>>, %arg9: memref<128x128xf32, #tpu.memory_space<vmem>>, %arg10: memref<24x128xf32, #tpu.memory_space<vmem>>, %arg11: memref<10000x128xf32, #tpu.memory_space<vmem_shared>>, %arg12: memref<!tpu.dma_semaphore, #tpu.memory_space<semaphore_mem>>, %arg13: memref<!tpu.dma_semaphore, #tpu.memory_space<semaphore_mem>>) attributes {dimension_semantics = [#tpu.dimension_semantics<core_parallel>, #tpu.dimension_semantics<subcore_parallel>], iteration_bounds = array<i64: 2, 16>, scalar_prefetch = 0 : i64, scratch_operands = 8 : i64, tpu.core_type = #tpu.core_type<sc_vector_subcore>, window_params = [{transform_indices = #map}, {transform_indices = #map}, {transform_indices = #map}, {transform_indices = #map}]} {
    %mul3A = arith.constant 16 : i32
    %mul3A_0 = arith.muli %arg0, %mul3A : i32
    %add3A = arith.addi %mul3A_0, %arg1 : i32
    %lt3A = arith.constant 2 : i32
    %lt3A_1 = arith.cmpi slt, %add3A, %lt3A : i32
    %jit3A = arith.constant 40 : i32
    %jit3A_2 = arith.constant 39 : i32
    %select_n3A = arith.select %lt3A_1, %jit3A, %jit3A_2 : i32
    %scan3A = arith.constant 0 : i32
    %scan3A_3 = arith.constant 24 : i32
    %scan3A_4 = arith.addi %scan3A, %scan3A_3 : i32
    %scan3A_5 = arith.constant 1 : i32
    scf.for %scan3A_184 = %scan3A to %scan3A_4 step %scan3A_5  : i32 {
      %mul3A_185 = arith.constant 1 : i32
      %mul3A_186 = arith.muli %scan3A_184, %mul3A_185 : i32
      %add3A_187 = arith.constant 0 : i32
      %add3A_188 = arith.addi %add3A_187, %mul3A_186 : i32
      %scan3A_189 = arith.constant 0 : i32
      %scan3A_190 = arith.constant 8 : i32
      %scan3A_191 = arith.addi %scan3A_189, %scan3A_190 : i32
      %scan3A_192 = arith.constant 1 : i32
      scf.for %scan3A_194 = %scan3A_189 to %scan3A_191 step %scan3A_192  : i32 {
        %mul3A_195 = arith.constant 16 : i32
        %mul3A_196 = arith.muli %scan3A_194, %mul3A_195 : i32
        %add3A_197 = arith.constant 0 : i32
        %add3A_198 = arith.addi %add3A_197, %mul3A_196 : i32
        %broadcast_in_dim3A = arith.constant 0.000000e+00 : f32
        %broadcast_in_dim3A_199 = vector.broadcast %broadcast_in_dim3A : f32 to vector<16xf32>
        %swap3A = arith.index_cast %add3A_188 : i32 to index
        %swap3A_200 = arith.index_cast %add3A_198 : i32 to index
        %swap3A_201 = tpu.vector_load %arg10[%swap3A, %swap3A_200] {strides = array<i32>} : memref<24x128xf32, #tpu.memory_space<vmem>>, vector<1x16xf32>,
        %swap3A_202 = vector.shape_cast %swap3A_201 : vector<1x16xf32> to vector<16xf32>
        %swap3A_203 = vector.shape_cast %broadcast_in_dim3A_199 : vector<16xf32> to vector<1x16xf32>
        tpu.vector_store %arg10[%swap3A, %swap3A_200], %swap3A_203 {strides = array<i32>} : memref<24x128xf32, #tpu.memory_space<vmem>>, vector<1x16xf32>,
      }
      %scan3A_193 = arith.constant 8 : i32
    }
    %scan3A_6 = arith.constant 24 : i32
    %mul3A_7 = arith.constant 40 : i32
    %mul3A_8 = arith.muli %add3A, %mul3A_7 : i32
    "tpu.region"() ({
      %run_scoped3A = tpu.sem_alloc : memref<!tpu.dma_semaphore, #tpu.memory_space<semaphore_mem>>
      %dma_start3A_184 = arith.constant 0 : i32
      %dma_start3A_185 = tpu.memref_slice %arg4[%mul3A_8, %dma_start3A_184] : memref<1280x128xi32, #tpu.memory_space<hbm>> -> memref<40x128xi32, #tpu.memory_space<hbm>>
      %dma_start3A_186 = arith.constant 0 : i32
      %dma_start3A_187 = tpu.memref_slice %arg4[%mul3A_8, %dma_start3A_186] : memref<1280x128xi32, #tpu.memory_space<hbm>> -> memref<40x128xi32, #tpu.memory_space<hbm>>
      tpu.enqueue_dma source(%dma_start3A_187 : memref<40x128xi32, #tpu.memory_space<hbm>>) target(%arg7 : memref<40x128xi32, #tpu.memory_space<vmem>>) target_semaphore(%run_scoped3A : memref<!tpu.dma_semaphore, #tpu.memory_space<semaphore_mem>>)
      %dma_wait3A = arith.constant 0 : i32
      %dma_wait3A_188 = tpu.memref_slice %arg4[%mul3A_8, %dma_wait3A] : memref<1280x128xi32, #tpu.memory_space<hbm>> -> memref<40x128xi32, #tpu.memory_space<hbm>>
      %dma_wait3A_189 = arith.constant 0 : i32
      %dma_wait3A_190 = tpu.memref_slice %arg4[%mul3A_8, %dma_wait3A_189] : memref<1280x128xi32, #tpu.memory_space<hbm>> -> memref<40x128xi32, #tpu.memory_space<hbm>>
      tpu.wait_dma2 semaphore(%run_scoped3A : memref<!tpu.dma_semaphore, #tpu.memory_space<semaphore_mem>>) src(%dma_wait3A_190 : memref<40x128xi32, #tpu.memory_space<hbm>>) dst(%arg7 : memref<40x128xi32, #tpu.memory_space<vmem>>)
      tpu.yield
    }) : () -> ()
    %scan3A_9 = arith.constant 0 : i32
    %scan3A_10 = arith.constant 26 : i32
    %scan3A_11 = arith.addi %scan3A_9, %scan3A_10 : i32
    %scan3A_12 = arith.constant 1 : i32
    scf.for %scan3A_184 = %scan3A_9 to %scan3A_11 step %scan3A_12  : i32 {
      %mul3A_185 = arith.constant 1 : i32
      %mul3A_186 = arith.muli %scan3A_184, %mul3A_185 : i32
      %add3A_187 = arith.constant 0 : i32
      %add3A_188 = arith.addi %add3A_187, %mul3A_186 : i32
      %mul3A_189 = arith.constant 624 : i32
      %mul3A_190 = arith.muli %arg1, %mul3A_189 : i32
      %mul3A_191 = arith.constant 24 : i32
      %mul3A_192 = arith.muli %add3A_188, %mul3A_191 : i32
      %add3A_193 = arith.addi %mul3A_190, %mul3A_192 : i32
      "tpu.region"() ({
        %run_scoped3A = tpu.sem_alloc : memref<!tpu.dma_semaphore, #tpu.memory_space<semaphore_mem>>
        %dma_start3A_194 = arith.constant 0 : i32
        %dma_start3A_195 = arith.constant 0 : i32
        %dma_start3A_196 = tpu.memref_slice %arg10[%dma_start3A_194, %dma_start3A_195] : memref<24x128xf32, #tpu.memory_space<vmem>> -> memref<24x128xf32, #tpu.memory_space<vmem>>
        %dma_start3A_197 = arith.constant 0 : i32
        %dma_start3A_198 = tpu.memref_slice %arg11[%add3A_193, %dma_start3A_197] : memref<10000x128xf32, #tpu.memory_space<vmem_shared>> -> memref<24x128xf32, #tpu.memory_space<vmem_shared>>
        %dma_start3A_199 = arith.constant 0 : i32
        %dma_start3A_200 = tpu.memref_slice %arg11[%add3A_193, %dma_start3A_199] : memref<10000x128xf32, #tpu.memory_space<vmem_shared>> -> memref<24x128xf32, #tpu.memory_space<vmem_shared>>
        %dma_start3A_201 = arith.constant 0 : i32
        %dma_start3A_202 = arith.constant 0 : i32
        %dma_start3A_203 = tpu.memref_slice %arg10[%dma_start3A_201, %dma_start3A_202] : memref<24x128xf32, #tpu.memory_space<vmem>> -> memref<24x128xf32, #tpu.memory_space<vmem>>
        tpu.enqueue_dma source(%dma_start3A_203 : memref<24x128xf32, #tpu.memory_space<vmem>>) target(%dma_start3A_200 : memref<24x128xf32, #tpu.memory_space<vmem_shared>>) target_semaphore(%run_scoped3A : memref<!tpu.dma_semaphore, #tpu.memory_space<semaphore_mem>>)
        %dma_wait3A = arith.constant 0 : i32
        %dma_wait3A_204 = arith.constant 0 : i32
        %dma_wait3A_205 = tpu.memref_slice %arg10[%dma_wait3A, %dma_wait3A_204] : memref<24x128xf32, #tpu.memory_space<vmem>> -> memref<24x128xf32, #tpu.memory_space<vmem>>
        %dma_wait3A_206 = arith.constant 0 : i32
        %dma_wait3A_207 = tpu.memref_slice %arg11[%add3A_193, %dma_wait3A_206] : memref<10000x128xf32, #tpu.memory_space<vmem_shared>> -> memref<24x128xf32, #tpu.memory_space<vmem_shared>>
        %dma_wait3A_208 = arith.constant 0 : i32
        %dma_wait3A_209 = tpu.memref_slice %arg11[%add3A_193, %dma_wait3A_208] : memref<10000x128xf32, #tpu.memory_space<vmem_shared>> -> memref<24x128xf32, #tpu.memory_space<vmem_shared>>
        %dma_wait3A_210 = arith.constant 0 : i32
        %dma_wait3A_211 = arith.constant 0 : i32
        %dma_wait3A_212 = tpu.memref_slice %arg10[%dma_wait3A_210, %dma_wait3A_211] : memref<24x128xf32, #tpu.memory_space<vmem>> -> memref<24x128xf32, #tpu.memory_space<vmem>>
        tpu.wait_dma2 semaphore(%run_scoped3A : memref<!tpu.dma_semaphore, #tpu.memory_space<semaphore_mem>>) src(%dma_wait3A_212 : memref<24x128xf32, #tpu.memory_space<vmem>>) dst(%dma_wait3A_209 : memref<24x128xf32, #tpu.memory_space<vmem_shared>>)
        tpu.yield
      }) : () -> ()
    }
    %scan3A_13 = arith.constant 26 : i32
    %eq3A = arith.constant 15 : i32
    %eq3A_14 = arith.cmpi eq, %arg1, %eq3A : i32
    %convert_element_type3A = arith.extui %eq3A_14 : i1 to i32
    %cond3A = arith.constant 0 : i32
    %cond3A_15 = arith.cmpi ne, %convert_element_type3A, %cond3A : i32
    scf.if %cond3A_15 {
      "tpu.region"() ({
        %run_scoped3A = tpu.sem_alloc : memref<!tpu.dma_semaphore, #tpu.memory_space<semaphore_mem>>
        %dma_start3A_184 = arith.constant 0 : i32
        %dma_start3A_185 = arith.constant 0 : i32
        %dma_start3A_186 = tpu.memref_slice %arg10[%dma_start3A_184, %dma_start3A_185] : memref<24x128xf32, #tpu.memory_space<vmem>> -> memref<16x128xf32, #tpu.memory_space<vmem>>
        %dma_start3A_187 = arith.constant 9984 : i32
        %dma_start3A_188 = arith.constant 0 : i32
        %dma_start3A_189 = tpu.memref_slice %arg11[%dma_start3A_187, %dma_start3A_188] : memref<10000x128xf32, #tpu.memory_space<vmem_shared>> -> memref<16x128xf32, #tpu.memory_space<vmem_shared>>
        %dma_start3A_190 = arith.constant 9984 : i32
        %dma_start3A_191 = arith.constant 0 : i32
        %dma_start3A_192 = tpu.memref_slice %arg11[%dma_start3A_190, %dma_start3A_191] : memref<10000x128xf32, #tpu.memory_space<vmem_shared>> -> memref<16x128xf32, #tpu.memory_space<vmem_shared>>
        %dma_start3A_193 = arith.constant 0 : i32
        %dma_start3A_194 = arith.constant 0 : i32
        %dma_start3A_195 = tpu.memref_slice %arg10[%dma_start3A_193, %dma_start3A_194] : memref<24x128xf32, #tpu.memory_space<vmem>> -> memref<16x128xf32, #tpu.memory_space<vmem>>
        tpu.enqueue_dma source(%dma_start3A_195 : memref<16x128xf32, #tpu.memory_space<vmem>>) target(%dma_start3A_192 : memref<16x128xf32, #tpu.memory_space<vmem_shared>>) target_semaphore(%run_scoped3A : memref<!tpu.dma_semaphore, #tpu.memory_space<semaphore_mem>>)
        %dma_wait3A = arith.constant 0 : i32
        %dma_wait3A_196 = arith.constant 0 : i32
        %dma_wait3A_197 = tpu.memref_slice %arg10[%dma_wait3A, %dma_wait3A_196] : memref<24x128xf32, #tpu.memory_space<vmem>> -> memref<16x128xf32, #tpu.memory_space<vmem>>
        %dma_wait3A_198 = arith.constant 9984 : i32
        %dma_wait3A_199 = arith.constant 0 : i32
        %dma_wait3A_200 = tpu.memref_slice %arg11[%dma_wait3A_198, %dma_wait3A_199] : memref<10000x128xf32, #tpu.memory_space<vmem_shared>> -> memref<16x128xf32, #tpu.memory_space<vmem_shared>>
        %dma_wait3A_201 = arith.constant 9984 : i32
        %dma_wait3A_202 = arith.constant 0 : i32
        %dma_wait3A_203 = tpu.memref_slice %arg11[%dma_wait3A_201, %dma_wait3A_202] : memref<10000x128xf32, #tpu.memory_space<vmem_shared>> -> memref<16x128xf32, #tpu.memory_space<vmem_shared>>
        %dma_wait3A_204 = arith.constant 0 : i32
        %dma_wait3A_205 = arith.constant 0 : i32
        %dma_wait3A_206 = tpu.memref_slice %arg10[%dma_wait3A_204, %dma_wait3A_205] : memref<24x128xf32, #tpu.memory_space<vmem>> -> memref<16x128xf32, #tpu.memory_space<vmem>>
        tpu.wait_dma2 semaphore(%run_scoped3A : memref<!tpu.dma_semaphore, #tpu.memory_space<semaphore_mem>>) src(%dma_wait3A_206 : memref<16x128xf32, #tpu.memory_space<vmem>>) dst(%dma_wait3A_203 : memref<16x128xf32, #tpu.memory_space<vmem_shared>>)
        tpu.yield
      }) : () -> ()
    } else {
    }
    %add3A_16 = arith.constant 0 : i32
    %add3A_17 = arith.addi %add3A_16, %add3A : i32
    %mul3A_18 = arith.constant 40 : i32
    %mul3A_19 = arith.muli %add3A_17, %mul3A_18 : i32
    "tpu.region"() ({
      %run_scoped3A = tpu.sem_alloc : memref<!tpu.dma_semaphore, #tpu.memory_space<semaphore_mem>>
      %dma_start3A_184 = arith.constant 0 : i32
      %dma_start3A_185 = tpu.memref_slice %arg3[%mul3A_19, %dma_start3A_184] : memref<5120x128xi32, #tpu.memory_space<hbm>> -> memref<40x128xi32, #tpu.memory_space<hbm>>
      %dma_start3A_186 = arith.constant 0 : i32
      %dma_start3A_187 = tpu.memref_slice %arg3[%mul3A_19, %dma_start3A_186] : memref<5120x128xi32, #tpu.memory_space<hbm>> -> memref<40x128xi32, #tpu.memory_space<hbm>>
      tpu.enqueue_dma source(%dma_start3A_187 : memref<40x128xi32, #tpu.memory_space<hbm>>) target(%arg6 : memref<40x128xi32, #tpu.memory_space<vmem>>) target_semaphore(%run_scoped3A : memref<!tpu.dma_semaphore, #tpu.memory_space<semaphore_mem>>)
      %dma_wait3A = arith.constant 0 : i32
      %dma_wait3A_188 = tpu.memref_slice %arg3[%mul3A_19, %dma_wait3A] : memref<5120x128xi32, #tpu.memory_space<hbm>> -> memref<40x128xi32, #tpu.memory_space<hbm>>
      %dma_wait3A_189 = arith.constant 0 : i32
      %dma_wait3A_190 = tpu.memref_slice %arg3[%mul3A_19, %dma_wait3A_189] : memref<5120x128xi32, #tpu.memory_space<hbm>> -> memref<40x128xi32, #tpu.memory_space<hbm>>
      tpu.wait_dma2 semaphore(%run_scoped3A : memref<!tpu.dma_semaphore, #tpu.memory_space<semaphore_mem>>) src(%dma_wait3A_190 : memref<40x128xi32, #tpu.memory_space<hbm>>) dst(%arg6 : memref<40x128xi32, #tpu.memory_space<vmem>>)
      tpu.yield
    }) : () -> ()
    %barrier3A = arith.constant 0 : index
    tpu.barrier barrier_id(%barrier3A)
    %dma_start3A = arith.constant 0 : i32
    %dma_start3A_20 = arith.constant 0 : i32
    %dma_start3A_21 = tpu.memref_slice %arg6[%dma_start3A, %dma_start3A_20] : memref<40x128xi32, #tpu.memory_space<vmem>> -> memref<1x128xi32, #tpu.memory_space<vmem>>
    %dma_start3A_22 = tpu.memref_squeeze %dma_start3A_21 : memref<1x128xi32, #tpu.memory_space<vmem>> -> memref<128xi32, #tpu.memory_space<vmem>>
    %dma_start3A_23 = arith.constant 0 : i32
    %dma_start3A_24 = arith.constant 0 : i32
    %dma_start3A_25 = tpu.memref_slice %arg2[%dma_start3A_23, %dma_start3A_24] : memref<40000x128xf32, #tpu.memory_space<hbm>> -> memref<40000x128xf32, #tpu.memory_space<hbm>>
    tpu.enqueue_indirect_dma source(%dma_start3A_25 : memref<40000x128xf32, #tpu.memory_space<hbm>>) target(%arg8 : memref<128x128xf32, #tpu.memory_space<vmem>>) offsets(%dma_start3A_22 : memref<128xi32, #tpu.memory_space<vmem>>) semaphore(%arg12 : memref<!tpu.dma_semaphore, #tpu.memory_space<semaphore_mem>>)
    %scan3A_26 = arith.constant 0 : i32
    %scan3A_27 = arith.constant 20 : i32
    %scan3A_28 = arith.addi %scan3A_26, %scan3A_27 : i32
    %scan3A_29 = arith.constant 1 : i32
    scf.for %scan3A_184 = %scan3A_26 to %scan3A_28 step %scan3A_29  : i32 {
      %mul3A_185 = arith.constant 1 : i32
      %mul3A_186 = arith.muli %scan3A_184, %mul3A_185 : i32
      %add3A_187 = arith.constant 0 : i32
      %add3A_188 = arith.addi %add3A_187, %mul3A_186 : i32
      %mul3A_189 = arith.constant 2 : i32
      %mul3A_190 = arith.muli %mul3A_189, %add3A_188 : i32
      %add3A_191 = arith.constant 1 : i32
      %add3A_192 = arith.addi %mul3A_190, %add3A_191 : i32
      %lt3A_193 = arith.cmpi slt, %add3A_192, %select_n3A : i32
      %convert_element_type3A_194 = arith.extui %lt3A_193 : i1 to i32
      %cond3A_195 = arith.constant 0 : i32
      %cond3A_196 = arith.cmpi ne, %convert_element_type3A_194, %cond3A_195 : i32
      scf.if %cond3A_196 {
        %dma_start3A_206 = arith.constant 0 : i32
        %dma_start3A_207 = tpu.memref_slice %arg6[%add3A_192, %dma_start3A_206] : memref<40x128xi32, #tpu.memory_space<vmem>> -> memref<1x128xi32, #tpu.memory_space<vmem>>
        %dma_start3A_208 = tpu.memref_squeeze %dma_start3A_207 : memref<1x128xi32, #tpu.memory_space<vmem>> -> memref<128xi32, #tpu.memory_space<vmem>>
        %dma_start3A_209 = arith.constant 0 : i32
        %dma_start3A_210 = arith.constant 0 : i32
        %dma_start3A_211 = tpu.memref_slice %arg2[%dma_start3A_209, %dma_start3A_210] : memref<40000x128xf32, #tpu.memory_space<hbm>> -> memref<40000x128xf32, #tpu.memory_space<hbm>>
        tpu.enqueue_indirect_dma source(%dma_start3A_211 : memref<40000x128xf32, #tpu.memory_space<hbm>>) target(%arg9 : memref<128x128xf32, #tpu.memory_space<vmem>>) offsets(%dma_start3A_208 : memref<128xi32, #tpu.memory_space<vmem>>) semaphore(%arg13 : memref<!tpu.dma_semaphore, #tpu.memory_space<semaphore_mem>>)
      } else {
      }
      %dma_wait3A = arith.constant 0 : i32
      %dma_wait3A_197 = tpu.memref_slice %arg6[%mul3A_190, %dma_wait3A] : memref<40x128xi32, #tpu.memory_space<vmem>> -> memref<1x128xi32, #tpu.memory_space<vmem>>
      %dma_wait3A_198 = tpu.memref_squeeze %dma_wait3A_197 : memref<1x128xi32, #tpu.memory_space<vmem>> -> memref<128xi32, #tpu.memory_space<vmem>>
      %dma_wait3A_199 = arith.constant 0 : i32
      %dma_wait3A_200 = arith.constant 0 : i32
      %dma_wait3A_201 = tpu.memref_slice %arg2[%dma_wait3A_199, %dma_wait3A_200] : memref<40000x128xf32, #tpu.memory_space<hbm>> -> memref<40000x128xf32, #tpu.memory_space<hbm>>
      tpu.wait_indirect_dma semaphore(%arg12 : memref<!tpu.dma_semaphore, #tpu.memory_space<semaphore_mem>>) src(%dma_wait3A_201 : memref<40000x128xf32, #tpu.memory_space<hbm>>) dst(%arg8 : memref<128x128xf32, #tpu.memory_space<vmem>>)
      "tpu.region"() ({
        %run_scoped3A = tpu.sem_alloc : memref<!tpu.dma_semaphore, #tpu.memory_space<semaphore_mem>>
        %dma_start3A_206 = arith.constant 0 : i32
        %dma_start3A_207 = tpu.memref_slice %arg7[%mul3A_190, %dma_start3A_206] : memref<40x128xi32, #tpu.memory_space<vmem>> -> memref<1x128xi32, #tpu.memory_space<vmem>>
        %dma_start3A_208 = tpu.memref_squeeze %dma_start3A_207 : memref<1x128xi32, #tpu.memory_space<vmem>> -> memref<128xi32, #tpu.memory_space<vmem>>
        %dma_start3A_209 = arith.constant 0 : i32
        %dma_start3A_210 = arith.constant 0 : i32
        %dma_start3A_211 = tpu.memref_slice %arg11[%dma_start3A_209, %dma_start3A_210] : memref<10000x128xf32, #tpu.memory_space<vmem_shared>> -> memref<10000x128xf32, #tpu.memory_space<vmem_shared>>
        tpu.enqueue_indirect_dma source(%arg8 : memref<128x128xf32, #tpu.memory_space<vmem>>) target(%dma_start3A_211 : memref<10000x128xf32, #tpu.memory_space<vmem_shared>>) offsets(%dma_start3A_208 : memref<128xi32, #tpu.memory_space<vmem>>) semaphore(%run_scoped3A : memref<!tpu.dma_semaphore, #tpu.memory_space<semaphore_mem>>) {add = true}
        %dma_wait3A_212 = arith.constant 0 : i32
        %dma_wait3A_213 = tpu.memref_slice %arg7[%mul3A_190, %dma_wait3A_212] : memref<40x128xi32, #tpu.memory_space<vmem>> -> memref<1x128xi32, #tpu.memory_space<vmem>>
        %dma_wait3A_214 = tpu.memref_squeeze %dma_wait3A_213 : memref<1x128xi32, #tpu.memory_space<vmem>> -> memref<128xi32, #tpu.memory_space<vmem>>
        %dma_wait3A_215 = arith.constant 0 : i32
        %dma_wait3A_216 = arith.constant 0 : i32
        %dma_wait3A_217 = tpu.memref_slice %arg11[%dma_wait3A_215, %dma_wait3A_216] : memref<10000x128xf32, #tpu.memory_space<vmem_shared>> -> memref<10000x128xf32, #tpu.memory_space<vmem_shared>>
        tpu.wait_indirect_dma semaphore(%run_scoped3A : memref<!tpu.dma_semaphore, #tpu.memory_space<semaphore_mem>>) src(%arg8 : memref<128x128xf32, #tpu.memory_space<vmem>>) dst(%dma_wait3A_217 : memref<10000x128xf32, #tpu.memory_space<vmem_shared>>)
        tpu.yield
      }) : () -> ()
      %lt3A_202 = arith.cmpi slt, %add3A_192, %select_n3A : i32
      %convert_element_type3A_203 = arith.extui %lt3A_202 : i1 to i32
      %cond3A_204 = arith.constant 0 : i32
      %cond3A_205 = arith.cmpi ne, %convert_element_type3A_203, %cond3A_204 : i32
      scf.if %cond3A_205 {
        %dma_wait3A_206 = arith.constant 0 : i32
        %dma_wait3A_207 = tpu.memref_slice %arg6[%add3A_192, %dma_wait3A_206] : memref<40x128xi32, #tpu.memory_space<vmem>> -> memref<1x128xi32, #tpu.memory_space<vmem>>
        %dma_wait3A_208 = tpu.memref_squeeze %dma_wait3A_207 : memref<1x128xi32, #tpu.memory_space<vmem>> -> memref<128xi32, #tpu.memory_space<vmem>>
        %dma_wait3A_209 = arith.constant 0 : i32
        %dma_wait3A_210 = arith.constant 0 : i32
        %dma_wait3A_211 = tpu.memref_slice %arg2[%dma_wait3A_209, %dma_wait3A_210] : memref<40000x128xf32, #tpu.memory_space<hbm>> -> memref<40000x128xf32, #tpu.memory_space<hbm>>
        tpu.wait_indirect_dma semaphore(%arg13 : memref<!tpu.dma_semaphore, #tpu.memory_space<semaphore_mem>>) src(%dma_wait3A_211 : memref<40000x128xf32, #tpu.memory_space<hbm>>) dst(%arg9 : memref<128x128xf32, #tpu.memory_space<vmem>>)
        %add3A_212 = arith.constant 1 : i32
        %add3A_213 = arith.addi %add3A_192, %add3A_212 : i32
        %lt3A_214 = arith.cmpi slt, %add3A_213, %select_n3A : i32
        %convert_element_type3A_215 = arith.extui %lt3A_214 : i1 to i32
        %cond3A_216 = arith.constant 0 : i32
        %cond3A_217 = arith.cmpi ne, %convert_element_type3A_215, %cond3A_216 : i32
        scf.if %cond3A_217 {
          %add3A_218 = arith.constant 1 : i32
          %add3A_219 = arith.addi %add3A_192, %add3A_218 : i32
          %dma_start3A_220 = arith.constant 0 : i32
          %dma_start3A_221 = tpu.memref_slice %arg6[%add3A_219, %dma_start3A_220] : memref<40x128xi32, #tpu.memory_space<vmem>> -> memref<1x128xi32, #tpu.memory_space<vmem>>
          %dma_start3A_222 = tpu.memref_squeeze %dma_start3A_221 : memref<1x128xi32, #tpu.memory_space<vmem>> -> memref<128xi32, #tpu.memory_space<vmem>>
          %dma_start3A_223 = arith.constant 0 : i32
          %dma_start3A_224 = arith.constant 0 : i32
          %dma_start3A_225 = tpu.memref_slice %arg2[%dma_start3A_223, %dma_start3A_224] : memref<40000x128xf32, #tpu.memory_space<hbm>> -> memref<40000x128xf32, #tpu.memory_space<hbm>>
          tpu.enqueue_indirect_dma source(%dma_start3A_225 : memref<40000x128xf32, #tpu.memory_space<hbm>>) target(%arg8 : memref<128x128xf32, #tpu.memory_space<vmem>>) offsets(%dma_start3A_222 : memref<128xi32, #tpu.memory_space<vmem>>) semaphore(%arg12 : memref<!tpu.dma_semaphore, #tpu.memory_space<semaphore_mem>>)
        } else {
        }
        "tpu.region"() ({
          %run_scoped3A = tpu.sem_alloc : memref<!tpu.dma_semaphore, #tpu.memory_space<semaphore_mem>>
          %dma_start3A_218 = arith.constant 0 : i32
          %dma_start3A_219 = tpu.memref_slice %arg7[%add3A_192, %dma_start3A_218] : memref<40x128xi32, #tpu.memory_space<vmem>> -> memref<1x128xi32, #tpu.memory_space<vmem>>
          %dma_start3A_220 = tpu.memref_squeeze %dma_start3A_219 : memref<1x128xi32, #tpu.memory_space<vmem>> -> memref<128xi32, #tpu.memory_space<vmem>>
          %dma_start3A_221 = arith.constant 0 : i32
          %dma_start3A_222 = arith.constant 0 : i32
          %dma_start3A_223 = tpu.memref_slice %arg11[%dma_start3A_221, %dma_start3A_222] : memref<10000x128xf32, #tpu.memory_space<vmem_shared>> -> memref<10000x128xf32, #tpu.memory_space<vmem_shared>>
          tpu.enqueue_indirect_dma source(%arg9 : memref<128x128xf32, #tpu.memory_space<vmem>>) target(%dma_start3A_223 : memref<10000x128xf32, #tpu.memory_space<vmem_shared>>) offsets(%dma_start3A_220 : memref<128xi32, #tpu.memory_space<vmem>>) semaphore(%run_scoped3A : memref<!tpu.dma_semaphore, #tpu.memory_space<semaphore_mem>>) {add = true}
          %dma_wait3A_224 = arith.constant 0 : i32
          %dma_wait3A_225 = tpu.memref_slice %arg7[%add3A_192, %dma_wait3A_224] : memref<40x128xi32, #tpu.memory_space<vmem>> -> memref<1x128xi32, #tpu.memory_space<vmem>>
          %dma_wait3A_226 = tpu.memref_squeeze %dma_wait3A_225 : memref<1x128xi32, #tpu.memory_space<vmem>> -> memref<128xi32, #tpu.memory_space<vmem>>
          %dma_wait3A_227 = arith.constant 0 : i32
          %dma_wait3A_228 = arith.constant 0 : i32
          %dma_wait3A_229 = tpu.memref_slice %arg11[%dma_wait3A_227, %dma_wait3A_228] : memref<10000x128xf32, #tpu.memory_space<vmem_shared>> -> memref<10000x128xf32, #tpu.memory_space<vmem_shared>>
          tpu.wait_indirect_dma semaphore(%run_scoped3A : memref<!tpu.dma_semaphore, #tpu.memory_space<semaphore_mem>>) src(%arg9 : memref<128x128xf32, #tpu.memory_space<vmem>>) dst(%dma_wait3A_229 : memref<10000x128xf32, #tpu.memory_space<vmem_shared>>)
          tpu.yield
        }) : () -> ()
      } else {
      }
    }
    %scan3A_30 = arith.constant 20 : i32
    %barrier3A_31 = arith.constant 0 : index
    tpu.barrier barrier_id(%barrier3A_31)
    %mul3A_32 = arith.constant 4 : i32
    %mul3A_33 = arith.muli %arg0, %mul3A_32 : i32
    %add3A_34 = arith.constant 0 : i32
    %add3A_35 = arith.addi %mul3A_33, %add3A_34 : i32
    %mul3A_36 = arith.constant 10000 : i32
    %mul3A_37 = arith.muli %add3A_35, %mul3A_36 : i32
    %mul3A_38 = arith.constant 624 : i32
    %mul3A_39 = arith.muli %arg1, %mul3A_38 : i32
    %mul3A_40 = arith.constant 624 : i32
    %mul3A_41 = arith.muli %arg1, %mul3A_40 : i32
    %add3A_42 = arith.addi %mul3A_37, %mul3A_41 : i32
    "tpu.region"() ({
      %run_scoped3A = tpu.sem_alloc : memref<!tpu.dma_semaphore, #tpu.memory_space<semaphore_mem>>
      %dma_start3A_184 = arith.constant 0 : i32
      %dma_start3A_185 = tpu.memref_slice %arg5[%add3A_42, %dma_start3A_184] : memref<80000x128xf32, #tpu.memory_space<hbm>> -> memref<624x128xf32, #tpu.memory_space<hbm>>
      %dma_start3A_186 = arith.constant 0 : i32
      %dma_start3A_187 = tpu.memref_slice %arg11[%mul3A_39, %dma_start3A_186] : memref<10000x128xf32, #tpu.memory_space<vmem_shared>> -> memref<624x128xf32, #tpu.memory_space<vmem_shared>>
      tpu.enqueue_dma source(%dma_start3A_187 : memref<624x128xf32, #tpu.memory_space<vmem_shared>>) target(%dma_start3A_185 : memref<624x128xf32, #tpu.memory_space<hbm>>) target_semaphore(%run_scoped3A : memref<!tpu.dma_semaphore, #tpu.memory_space<semaphore_mem>>)
      %dma_wait3A = arith.constant 0 : i32
      %dma_wait3A_188 = tpu.memref_slice %arg5[%add3A_42, %dma_wait3A] : memref<80000x128xf32, #tpu.memory_space<hbm>> -> memref<624x128xf32, #tpu.memory_space<hbm>>
      %dma_wait3A_189 = arith.constant 0 : i32
      %dma_wait3A_190 = tpu.memref_slice %arg11[%mul3A_39, %dma_wait3A_189] : memref<10000x128xf32, #tpu.memory_space<vmem_shared>> -> memref<624x128xf32, #tpu.memory_space<vmem_shared>>
      tpu.wait_dma2 semaphore(%run_scoped3A : memref<!tpu.dma_semaphore, #tpu.memory_space<semaphore_mem>>) src(%dma_wait3A_190 : memref<624x128xf32, #tpu.memory_space<vmem_shared>>) dst(%dma_wait3A_188 : memref<624x128xf32, #tpu.memory_space<hbm>>)
      tpu.yield
    }) : () -> ()
    %eq3A_43 = arith.constant 15 : i32
    %eq3A_44 = arith.cmpi eq, %arg1, %eq3A_43 : i32
    %convert_element_type3A_45 = arith.extui %eq3A_44 : i1 to i32
    %cond3A_46 = arith.constant 0 : i32
    %cond3A_47 = arith.cmpi ne, %convert_element_type3A_45, %cond3A_46 : i32
    scf.if %cond3A_47 {
      %add3A_184 = arith.constant 9984 : i32
      %add3A_185 = arith.addi %mul3A_37, %add3A_184 : i32
      "tpu.region"() ({
        %run_scoped3A = tpu.sem_alloc : memref<!tpu.dma_semaphore, #tpu.memory_space<semaphore_mem>>
        %dma_start3A_186 = arith.constant 0 : i32
        %dma_start3A_187 = tpu.memref_slice %arg5[%add3A_185, %dma_start3A_186] : memref<80000x128xf32, #tpu.memory_space<hbm>> -> memref<16x128xf32, #tpu.memory_space<hbm>>
        %dma_start3A_188 = arith.constant 9984 : i32
        %dma_start3A_189 = arith.constant 0 : i32
        %dma_start3A_190 = tpu.memref_slice %arg11[%dma_start3A_188, %dma_start3A_189] : memref<10000x128xf32, #tpu.memory_space<vmem_shared>> -> memref<16x128xf32, #tpu.memory_space<vmem_shared>>
        tpu.enqueue_dma source(%dma_start3A_190 : memref<16x128xf32, #tpu.memory_space<vmem_shared>>) target(%dma_start3A_187 : memref<16x128xf32, #tpu.memory_space<hbm>>) target_semaphore(%run_scoped3A : memref<!tpu.dma_semaphore, #tpu.memory_space<semaphore_mem>>)
        %dma_wait3A = arith.constant 0 : i32
        %dma_wait3A_191 = tpu.memref_slice %arg5[%add3A_185, %dma_wait3A] : memref<80000x128xf32, #tpu.memory_space<hbm>> -> memref<16x128xf32, #tpu.memory_space<hbm>>
        %dma_wait3A_192 = arith.constant 9984 : i32
        %dma_wait3A_193 = arith.constant 0 : i32
        %dma_wait3A_194 = tpu.memref_slice %arg11[%dma_wait3A_192, %dma_wait3A_193] : memref<10000x128xf32, #tpu.memory_space<vmem_shared>> -> memref<16x128xf32, #tpu.memory_space<vmem_shared>>
        tpu.wait_dma2 semaphore(%run_scoped3A : memref<!tpu.dma_semaphore, #tpu.memory_space<semaphore_mem>>) src(%dma_wait3A_194 : memref<16x128xf32, #tpu.memory_space<vmem_shared>>) dst(%dma_wait3A_191 : memref<16x128xf32, #tpu.memory_space<hbm>>)
        tpu.yield
      }) : () -> ()
    } else {
    }
    %barrier3A_48 = arith.constant 0 : index
    tpu.barrier barrier_id(%barrier3A_48)
    %scan3A_49 = arith.constant 0 : i32
    %scan3A_50 = arith.constant 26 : i32
    %scan3A_51 = arith.addi %scan3A_49, %scan3A_50 : i32
    %scan3A_52 = arith.constant 1 : i32
    scf.for %scan3A_184 = %scan3A_49 to %scan3A_51 step %scan3A_52  : i32 {
      %mul3A_185 = arith.constant 1 : i32
      %mul3A_186 = arith.muli %scan3A_184, %mul3A_185 : i32
      %add3A_187 = arith.constant 0 : i32
      %add3A_188 = arith.addi %add3A_187, %mul3A_186 : i32
      %mul3A_189 = arith.constant 624 : i32
      %mul3A_190 = arith.muli %arg1, %mul3A_189 : i32
      %mul3A_191 = arith.constant 24 : i32
      %mul3A_192 = arith.muli %add3A_188, %mul3A_191 : i32
      %add3A_193 = arith.addi %mul3A_190, %mul3A_192 : i32
      "tpu.region"() ({
        %run_scoped3A = tpu.sem_alloc : memref<!tpu.dma_semaphore, #tpu.memory_space<semaphore_mem>>
        %dma_start3A_194 = arith.constant 0 : i32
        %dma_start3A_195 = arith.constant 0 : i32
        %dma_start3A_196 = tpu.memref_slice %arg10[%dma_start3A_194, %dma_start3A_195] : memref<24x128xf32, #tpu.memory_space<vmem>> -> memref<24x128xf32, #tpu.memory_space<vmem>>
        %dma_start3A_197 = arith.constant 0 : i32
        %dma_start3A_198 = tpu.memref_slice %arg11[%add3A_193, %dma_start3A_197] : memref<10000x128xf32, #tpu.memory_space<vmem_shared>> -> memref<24x128xf32, #tpu.memory_space<vmem_shared>>
        %dma_start3A_199 = arith.constant 0 : i32
        %dma_start3A_200 = tpu.memref_slice %arg11[%add3A_193, %dma_start3A_199] : memref<10000x128xf32, #tpu.memory_space<vmem_shared>> -> memref<24x128xf32, #tpu.memory_space<vmem_shared>>
        %dma_start3A_201 = arith.constant 0 : i32
        %dma_start3A_202 = arith.constant 0 : i32
        %dma_start3A_203 = tpu.memref_slice %arg10[%dma_start3A_201, %dma_start3A_202] : memref<24x128xf32, #tpu.memory_space<vmem>> -> memref<24x128xf32, #tpu.memory_space<vmem>>
        tpu.enqueue_dma source(%dma_start3A_203 : memref<24x128xf32, #tpu.memory_space<vmem>>) target(%dma_start3A_200 : memref<24x128xf32, #tpu.memory_space<vmem_shared>>) target_semaphore(%run_scoped3A : memref<!tpu.dma_semaphore, #tpu.memory_space<semaphore_mem>>)
        %dma_wait3A = arith.constant 0 : i32
        %dma_wait3A_204 = arith.constant 0 : i32
        %dma_wait3A_205 = tpu.memref_slice %arg10[%dma_wait3A, %dma_wait3A_204] : memref<24x128xf32, #tpu.memory_space<vmem>> -> memref<24x128xf32, #tpu.memory_space<vmem>>
        %dma_wait3A_206 = arith.constant 0 : i32
        %dma_wait3A_207 = tpu.memref_slice %arg11[%add3A_193, %dma_wait3A_206] : memref<10000x128xf32, #tpu.memory_space<vmem_shared>> -> memref<24x128xf32, #tpu.memory_space<vmem_shared>>
        %dma_wait3A_208 = arith.constant 0 : i32
        %dma_wait3A_209 = tpu.memref_slice %arg11[%add3A_193, %dma_wait3A_208] : memref<10000x128xf32, #tpu.memory_space<vmem_shared>> -> memref<24x128xf32, #tpu.memory_space<vmem_shared>>
        %dma_wait3A_210 = arith.constant 0 : i32
        %dma_wait3A_211 = arith.constant 0 : i32
        %dma_wait3A_212 = tpu.memref_slice %arg10[%dma_wait3A_210, %dma_wait3A_211] : memref<24x128xf32, #tpu.memory_space<vmem>> -> memref<24x128xf32, #tpu.memory_space<vmem>>
        tpu.wait_dma2 semaphore(%run_scoped3A : memref<!tpu.dma_semaphore, #tpu.memory_space<semaphore_mem>>) src(%dma_wait3A_212 : memref<24x128xf32, #tpu.memory_space<vmem>>) dst(%dma_wait3A_209 : memref<24x128xf32, #tpu.memory_space<vmem_shared>>)
        tpu.yield
      }) : () -> ()
    }
    %scan3A_53 = arith.constant 26 : i32
    %eq3A_54 = arith.constant 15 : i32
    %eq3A_55 = arith.cmpi eq, %arg1, %eq3A_54 : i32
    %convert_element_type3A_56 = arith.extui %eq3A_55 : i1 to i32
    %cond3A_57 = arith.constant 0 : i32
    %cond3A_58 = arith.cmpi ne, %convert_element_type3A_56, %cond3A_57 : i32
    scf.if %cond3A_58 {
      "tpu.region"() ({
        %run_scoped3A = tpu.sem_alloc : memref<!tpu.dma_semaphore, #tpu.memory_space<semaphore_mem>>
        %dma_start3A_184 = arith.constant 0 : i32
        %dma_start3A_185 = arith.constant 0 : i32
        %dma_start3A_186 = tpu.memref_slice %arg10[%dma_start3A_184, %dma_start3A_185] : memref<24x128xf32, #tpu.memory_space<vmem>> -> memref<16x128xf32, #tpu.memory_space<vmem>>
        %dma_start3A_187 = arith.constant 9984 : i32
        %dma_start3A_188 = arith.constant 0 : i32
        %dma_start3A_189 = tpu.memref_slice %arg11[%dma_start3A_187, %dma_start3A_188] : memref<10000x128xf32, #tpu.memory_space<vmem_shared>> -> memref<16x128xf32, #tpu.memory_space<vmem_shared>>
        %dma_start3A_190 = arith.constant 9984 : i32
        %dma_start3A_191 = arith.constant 0 : i32
        %dma_start3A_192 = tpu.memref_slice %arg11[%dma_start3A_190, %dma_start3A_191] : memref<10000x128xf32, #tpu.memory_space<vmem_shared>> -> memref<16x128xf32, #tpu.memory_space<vmem_shared>>
        %dma_start3A_193 = arith.constant 0 : i32
        %dma_start3A_194 = arith.constant 0 : i32
        %dma_start3A_195 = tpu.memref_slice %arg10[%dma_start3A_193, %dma_start3A_194] : memref<24x128xf32, #tpu.memory_space<vmem>> -> memref<16x128xf32, #tpu.memory_space<vmem>>
        tpu.enqueue_dma source(%dma_start3A_195 : memref<16x128xf32, #tpu.memory_space<vmem>>) target(%dma_start3A_192 : memref<16x128xf32, #tpu.memory_space<vmem_shared>>) target_semaphore(%run_scoped3A : memref<!tpu.dma_semaphore, #tpu.memory_space<semaphore_mem>>)
        %dma_wait3A = arith.constant 0 : i32
        %dma_wait3A_196 = arith.constant 0 : i32
        %dma_wait3A_197 = tpu.memref_slice %arg10[%dma_wait3A, %dma_wait3A_196] : memref<24x128xf32, #tpu.memory_space<vmem>> -> memref<16x128xf32, #tpu.memory_space<vmem>>
        %dma_wait3A_198 = arith.constant 9984 : i32
        %dma_wait3A_199 = arith.constant 0 : i32
        %dma_wait3A_200 = tpu.memref_slice %arg11[%dma_wait3A_198, %dma_wait3A_199] : memref<10000x128xf32, #tpu.memory_space<vmem_shared>> -> memref<16x128xf32, #tpu.memory_space<vmem_shared>>
        %dma_wait3A_201 = arith.constant 9984 : i32
        %dma_wait3A_202 = arith.constant 0 : i32
        %dma_wait3A_203 = tpu.memref_slice %arg11[%dma_wait3A_201, %dma_wait3A_202] : memref<10000x128xf32, #tpu.memory_space<vmem_shared>> -> memref<16x128xf32, #tpu.memory_space<vmem_shared>>
        %dma_wait3A_204 = arith.constant 0 : i32
        %dma_wait3A_205 = arith.constant 0 : i32
        %dma_wait3A_206 = tpu.memref_slice %arg10[%dma_wait3A_204, %dma_wait3A_205] : memref<24x128xf32, #tpu.memory_space<vmem>> -> memref<16x128xf32, #tpu.memory_space<vmem>>
        tpu.wait_dma2 semaphore(%run_scoped3A : memref<!tpu.dma_semaphore, #tpu.memory_space<semaphore_mem>>) src(%dma_wait3A_206 : memref<16x128xf32, #tpu.memory_space<vmem>>) dst(%dma_wait3A_203 : memref<16x128xf32, #tpu.memory_space<vmem_shared>>)
        tpu.yield
      }) : () -> ()
    } else {
    }
    %add3A_59 = arith.constant 32 : i32
    %add3A_60 = arith.addi %add3A_59, %add3A : i32
    %mul3A_61 = arith.constant 40 : i32
    %mul3A_62 = arith.muli %add3A_60, %mul3A_61 : i32
    "tpu.region"() ({
      %run_scoped3A = tpu.sem_alloc : memref<!tpu.dma_semaphore, #tpu.memory_space<semaphore_mem>>
      %dma_start3A_184 = arith.constant 0 : i32
      %dma_start3A_185 = tpu.memref_slice %arg3[%mul3A_62, %dma_start3A_184] : memref<5120x128xi32, #tpu.memory_space<hbm>> -> memref<40x128xi32, #tpu.memory_space<hbm>>
      %dma_start3A_186 = arith.constant 0 : i32
      %dma_start3A_187 = tpu.memref_slice %arg3[%mul3A_62, %dma_start3A_186] : memref<5120x128xi32, #tpu.memory_space<hbm>> -> memref<40x128xi32, #tpu.memory_space<hbm>>
      tpu.enqueue_dma source(%dma_start3A_187 : memref<40x128xi32, #tpu.memory_space<hbm>>) target(%arg6 : memref<40x128xi32, #tpu.memory_space<vmem>>) target_semaphore(%run_scoped3A : memref<!tpu.dma_semaphore, #tpu.memory_space<semaphore_mem>>)
      %dma_wait3A = arith.constant 0 : i32
      %dma_wait3A_188 = tpu.memref_slice %arg3[%mul3A_62, %dma_wait3A] : memref<5120x128xi32, #tpu.memory_space<hbm>> -> memref<40x128xi32, #tpu.memory_space<hbm>>
      %dma_wait3A_189 = arith.constant 0 : i32
      %dma_wait3A_190 = tpu.memref_slice %arg3[%mul3A_62, %dma_wait3A_189] : memref<5120x128xi32, #tpu.memory_space<hbm>> -> memref<40x128xi32, #tpu.memory_space<hbm>>
      tpu.wait_dma2 semaphore(%run_scoped3A : memref<!tpu.dma_semaphore, #tpu.memory_space<semaphore_mem>>) src(%dma_wait3A_190 : memref<40x128xi32, #tpu.memory_space<hbm>>) dst(%arg6 : memref<40x128xi32, #tpu.memory_space<vmem>>)
      tpu.yield
    }) : () -> ()
    %barrier3A_63 = arith.constant 0 : index
    tpu.barrier barrier_id(%barrier3A_63)
    %dma_start3A_64 = arith.constant 0 : i32
    %dma_start3A_65 = arith.constant 0 : i32
    %dma_start3A_66 = tpu.memref_slice %arg6[%dma_start3A_64, %dma_start3A_65] : memref<40x128xi32, #tpu.memory_space<vmem>> -> memref<1x128xi32, #tpu.memory_space<vmem>>
    %dma_start3A_67 = tpu.memref_squeeze %dma_start3A_66 : memref<1x128xi32, #tpu.memory_space<vmem>> -> memref<128xi32, #tpu.memory_space<vmem>>
    %dma_start3A_68 = arith.constant 0 : i32
    %dma_start3A_69 = arith.constant 0 : i32
    %dma_start3A_70 = tpu.memref_slice %arg2[%dma_start3A_68, %dma_start3A_69] : memref<40000x128xf32, #tpu.memory_space<hbm>> -> memref<40000x128xf32, #tpu.memory_space<hbm>>
    tpu.enqueue_indirect_dma source(%dma_start3A_70 : memref<40000x128xf32, #tpu.memory_space<hbm>>) target(%arg8 : memref<128x128xf32, #tpu.memory_space<vmem>>) offsets(%dma_start3A_67 : memref<128xi32, #tpu.memory_space<vmem>>) semaphore(%arg12 : memref<!tpu.dma_semaphore, #tpu.memory_space<semaphore_mem>>)
    %scan3A_71 = arith.constant 0 : i32
    %scan3A_72 = arith.constant 20 : i32
    %scan3A_73 = arith.addi %scan3A_71, %scan3A_72 : i32
    %scan3A_74 = arith.constant 1 : i32
    scf.for %scan3A_184 = %scan3A_71 to %scan3A_73 step %scan3A_74  : i32 {
      %mul3A_185 = arith.constant 1 : i32
      %mul3A_186 = arith.muli %scan3A_184, %mul3A_185 : i32
      %add3A_187 = arith.constant 0 : i32
      %add3A_188 = arith.addi %add3A_187, %mul3A_186 : i32
      %mul3A_189 = arith.constant 2 : i32
      %mul3A_190 = arith.muli %mul3A_189, %add3A_188 : i32
      %add3A_191 = arith.constant 1 : i32
      %add3A_192 = arith.addi %mul3A_190, %add3A_191 : i32
      %lt3A_193 = arith.cmpi slt, %add3A_192, %select_n3A : i32
      %convert_element_type3A_194 = arith.extui %lt3A_193 : i1 to i32
      %cond3A_195 = arith.constant 0 : i32
      %cond3A_196 = arith.cmpi ne, %convert_element_type3A_194, %cond3A_195 : i32
      scf.if %cond3A_196 {
        %dma_start3A_206 = arith.constant 0 : i32
        %dma_start3A_207 = tpu.memref_slice %arg6[%add3A_192, %dma_start3A_206] : memref<40x128xi32, #tpu.memory_space<vmem>> -> memref<1x128xi32, #tpu.memory_space<vmem>>
        %dma_start3A_208 = tpu.memref_squeeze %dma_start3A_207 : memref<1x128xi32, #tpu.memory_space<vmem>> -> memref<128xi32, #tpu.memory_space<vmem>>
        %dma_start3A_209 = arith.constant 0 : i32
        %dma_start3A_210 = arith.constant 0 : i32
        %dma_start3A_211 = tpu.memref_slice %arg2[%dma_start3A_209, %dma_start3A_210] : memref<40000x128xf32, #tpu.memory_space<hbm>> -> memref<40000x128xf32, #tpu.memory_space<hbm>>
        tpu.enqueue_indirect_dma source(%dma_start3A_211 : memref<40000x128xf32, #tpu.memory_space<hbm>>) target(%arg9 : memref<128x128xf32, #tpu.memory_space<vmem>>) offsets(%dma_start3A_208 : memref<128xi32, #tpu.memory_space<vmem>>) semaphore(%arg13 : memref<!tpu.dma_semaphore, #tpu.memory_space<semaphore_mem>>)
      } else {
      }
      %dma_wait3A = arith.constant 0 : i32
      %dma_wait3A_197 = tpu.memref_slice %arg6[%mul3A_190, %dma_wait3A] : memref<40x128xi32, #tpu.memory_space<vmem>> -> memref<1x128xi32, #tpu.memory_space<vmem>>
      %dma_wait3A_198 = tpu.memref_squeeze %dma_wait3A_197 : memref<1x128xi32, #tpu.memory_space<vmem>> -> memref<128xi32, #tpu.memory_space<vmem>>
      %dma_wait3A_199 = arith.constant 0 : i32
      %dma_wait3A_200 = arith.constant 0 : i32
      %dma_wait3A_201 = tpu.memref_slice %arg2[%dma_wait3A_199, %dma_wait3A_200] : memref<40000x128xf32, #tpu.memory_space<hbm>> -> memref<40000x128xf32, #tpu.memory_space<hbm>>
      tpu.wait_indirect_dma semaphore(%arg12 : memref<!tpu.dma_semaphore, #tpu.memory_space<semaphore_mem>>) src(%dma_wait3A_201 : memref<40000x128xf32, #tpu.memory_space<hbm>>) dst(%arg8 : memref<128x128xf32, #tpu.memory_space<vmem>>)
      "tpu.region"() ({
        %run_scoped3A = tpu.sem_alloc : memref<!tpu.dma_semaphore, #tpu.memory_space<semaphore_mem>>
        %dma_start3A_206 = arith.constant 0 : i32
        %dma_start3A_207 = tpu.memref_slice %arg7[%mul3A_190, %dma_start3A_206] : memref<40x128xi32, #tpu.memory_space<vmem>> -> memref<1x128xi32, #tpu.memory_space<vmem>>
        %dma_start3A_208 = tpu.memref_squeeze %dma_start3A_207 : memref<1x128xi32, #tpu.memory_space<vmem>> -> memref<128xi32, #tpu.memory_space<vmem>>
        %dma_start3A_209 = arith.constant 0 : i32
        %dma_start3A_210 = arith.constant 0 : i32
        %dma_start3A_211 = tpu.memref_slice %arg11[%dma_start3A_209, %dma_start3A_210] : memref<10000x128xf32, #tpu.memory_space<vmem_shared>> -> memref<10000x128xf32, #tpu.memory_space<vmem_shared>>
        tpu.enqueue_indirect_dma source(%arg8 : memref<128x128xf32, #tpu.memory_space<vmem>>) target(%dma_start3A_211 : memref<10000x128xf32, #tpu.memory_space<vmem_shared>>) offsets(%dma_start3A_208 : memref<128xi32, #tpu.memory_space<vmem>>) semaphore(%run_scoped3A : memref<!tpu.dma_semaphore, #tpu.memory_space<semaphore_mem>>) {add = true}
        %dma_wait3A_212 = arith.constant 0 : i32
        %dma_wait3A_213 = tpu.memref_slice %arg7[%mul3A_190, %dma_wait3A_212] : memref<40x128xi32, #tpu.memory_space<vmem>> -> memref<1x128xi32, #tpu.memory_space<vmem>>
        %dma_wait3A_214 = tpu.memref_squeeze %dma_wait3A_213 : memref<1x128xi32, #tpu.memory_space<vmem>> -> memref<128xi32, #tpu.memory_space<vmem>>
        %dma_wait3A_215 = arith.constant 0 : i32
        %dma_wait3A_216 = arith.constant 0 : i32
        %dma_wait3A_217 = tpu.memref_slice %arg11[%dma_wait3A_215, %dma_wait3A_216] : memref<10000x128xf32, #tpu.memory_space<vmem_shared>> -> memref<10000x128xf32, #tpu.memory_space<vmem_shared>>
        tpu.wait_indirect_dma semaphore(%run_scoped3A : memref<!tpu.dma_semaphore, #tpu.memory_space<semaphore_mem>>) src(%arg8 : memref<128x128xf32, #tpu.memory_space<vmem>>) dst(%dma_wait3A_217 : memref<10000x128xf32, #tpu.memory_space<vmem_shared>>)
        tpu.yield
      }) : () -> ()
      %lt3A_202 = arith.cmpi slt, %add3A_192, %select_n3A : i32
      %convert_element_type3A_203 = arith.extui %lt3A_202 : i1 to i32
      %cond3A_204 = arith.constant 0 : i32
      %cond3A_205 = arith.cmpi ne, %convert_element_type3A_203, %cond3A_204 : i32
      scf.if %cond3A_205 {
        %dma_wait3A_206 = arith.constant 0 : i32
        %dma_wait3A_207 = tpu.memref_slice %arg6[%add3A_192, %dma_wait3A_206] : memref<40x128xi32, #tpu.memory_space<vmem>> -> memref<1x128xi32, #tpu.memory_space<vmem>>
        %dma_wait3A_208 = tpu.memref_squeeze %dma_wait3A_207 : memref<1x128xi32, #tpu.memory_space<vmem>> -> memref<128xi32, #tpu.memory_space<vmem>>
        %dma_wait3A_209 = arith.constant 0 : i32
        %dma_wait3A_210 = arith.constant 0 : i32
        %dma_wait3A_211 = tpu.memref_slice %arg2[%dma_wait3A_209, %dma_wait3A_210] : memref<40000x128xf32, #tpu.memory_space<hbm>> -> memref<40000x128xf32, #tpu.memory_space<hbm>>
        tpu.wait_indirect_dma semaphore(%arg13 : memref<!tpu.dma_semaphore, #tpu.memory_space<semaphore_mem>>) src(%dma_wait3A_211 : memref<40000x128xf32, #tpu.memory_space<hbm>>) dst(%arg9 : memref<128x128xf32, #tpu.memory_space<vmem>>)
        %add3A_212 = arith.constant 1 : i32
        %add3A_213 = arith.addi %add3A_192, %add3A_212 : i32
        %lt3A_214 = arith.cmpi slt, %add3A_213, %select_n3A : i32
        %convert_element_type3A_215 = arith.extui %lt3A_214 : i1 to i32
        %cond3A_216 = arith.constant 0 : i32
        %cond3A_217 = arith.cmpi ne, %convert_element_type3A_215, %cond3A_216 : i32
        scf.if %cond3A_217 {
          %add3A_218 = arith.constant 1 : i32
          %add3A_219 = arith.addi %add3A_192, %add3A_218 : i32
          %dma_start3A_220 = arith.constant 0 : i32
          %dma_start3A_221 = tpu.memref_slice %arg6[%add3A_219, %dma_start3A_220] : memref<40x128xi32, #tpu.memory_space<vmem>> -> memref<1x128xi32, #tpu.memory_space<vmem>>
          %dma_start3A_222 = tpu.memref_squeeze %dma_start3A_221 : memref<1x128xi32, #tpu.memory_space<vmem>> -> memref<128xi32, #tpu.memory_space<vmem>>
          %dma_start3A_223 = arith.constant 0 : i32
          %dma_start3A_224 = arith.constant 0 : i32
          %dma_start3A_225 = tpu.memref_slice %arg2[%dma_start3A_223, %dma_start3A_224] : memref<40000x128xf32, #tpu.memory_space<hbm>> -> memref<40000x128xf32, #tpu.memory_space<hbm>>
          tpu.enqueue_indirect_dma source(%dma_start3A_225 : memref<40000x128xf32, #tpu.memory_space<hbm>>) target(%arg8 : memref<128x128xf32, #tpu.memory_space<vmem>>) offsets(%dma_start3A_222 : memref<128xi32, #tpu.memory_space<vmem>>) semaphore(%arg12 : memref<!tpu.dma_semaphore, #tpu.memory_space<semaphore_mem>>)
        } else {
        }
        "tpu.region"() ({
          %run_scoped3A = tpu.sem_alloc : memref<!tpu.dma_semaphore, #tpu.memory_space<semaphore_mem>>
          %dma_start3A_218 = arith.constant 0 : i32
          %dma_start3A_219 = tpu.memref_slice %arg7[%add3A_192, %dma_start3A_218] : memref<40x128xi32, #tpu.memory_space<vmem>> -> memref<1x128xi32, #tpu.memory_space<vmem>>
          %dma_start3A_220 = tpu.memref_squeeze %dma_start3A_219 : memref<1x128xi32, #tpu.memory_space<vmem>> -> memref<128xi32, #tpu.memory_space<vmem>>
          %dma_start3A_221 = arith.constant 0 : i32
          %dma_start3A_222 = arith.constant 0 : i32
          %dma_start3A_223 = tpu.memref_slice %arg11[%dma_start3A_221, %dma_start3A_222] : memref<10000x128xf32, #tpu.memory_space<vmem_shared>> -> memref<10000x128xf32, #tpu.memory_space<vmem_shared>>
          tpu.enqueue_indirect_dma source(%arg9 : memref<128x128xf32, #tpu.memory_space<vmem>>) target(%dma_start3A_223 : memref<10000x128xf32, #tpu.memory_space<vmem_shared>>) offsets(%dma_start3A_220 : memref<128xi32, #tpu.memory_space<vmem>>) semaphore(%run_scoped3A : memref<!tpu.dma_semaphore, #tpu.memory_space<semaphore_mem>>) {add = true}
          %dma_wait3A_224 = arith.constant 0 : i32
          %dma_wait3A_225 = tpu.memref_slice %arg7[%add3A_192, %dma_wait3A_224] : memref<40x128xi32, #tpu.memory_space<vmem>> -> memref<1x128xi32, #tpu.memory_space<vmem>>
          %dma_wait3A_226 = tpu.memref_squeeze %dma_wait3A_225 : memref<1x128xi32, #tpu.memory_space<vmem>> -> memref<128xi32, #tpu.memory_space<vmem>>
          %dma_wait3A_227 = arith.constant 0 : i32
          %dma_wait3A_228 = arith.constant 0 : i32
          %dma_wait3A_229 = tpu.memref_slice %arg11[%dma_wait3A_227, %dma_wait3A_228] : memref<10000x128xf32, #tpu.memory_space<vmem_shared>> -> memref<10000x128xf32, #tpu.memory_space<vmem_shared>>
          tpu.wait_indirect_dma semaphore(%run_scoped3A : memref<!tpu.dma_semaphore, #tpu.memory_space<semaphore_mem>>) src(%arg9 : memref<128x128xf32, #tpu.memory_space<vmem>>) dst(%dma_wait3A_229 : memref<10000x128xf32, #tpu.memory_space<vmem_shared>>)
          tpu.yield
        }) : () -> ()
      } else {
      }
    }
    %scan3A_75 = arith.constant 20 : i32
    %barrier3A_76 = arith.constant 0 : index
    tpu.barrier barrier_id(%barrier3A_76)
    %mul3A_77 = arith.constant 4 : i32
    %mul3A_78 = arith.muli %arg0, %mul3A_77 : i32
    %add3A_79 = arith.constant 1 : i32
    %add3A_80 = arith.addi %mul3A_78, %add3A_79 : i32
    %mul3A_81 = arith.constant 10000 : i32
    %mul3A_82 = arith.muli %add3A_80, %mul3A_81 : i32
    %mul3A_83 = arith.constant 624 : i32
    %mul3A_84 = arith.muli %arg1, %mul3A_83 : i32
    %mul3A_85 = arith.constant 624 : i32
    %mul3A_86 = arith.muli %arg1, %mul3A_85 : i32
    %add3A_87 = arith.addi %mul3A_82, %mul3A_86 : i32
    "tpu.region"() ({
      %run_scoped3A = tpu.sem_alloc : memref<!tpu.dma_semaphore, #tpu.memory_space<semaphore_mem>>
      %dma_start3A_184 = arith.constant 0 : i32
      %dma_start3A_185 = tpu.memref_slice %arg5[%add3A_87, %dma_start3A_184] : memref<80000x128xf32, #tpu.memory_space<hbm>> -> memref<624x128xf32, #tpu.memory_space<hbm>>
      %dma_start3A_186 = arith.constant 0 : i32
      %dma_start3A_187 = tpu.memref_slice %arg11[%mul3A_84, %dma_start3A_186] : memref<10000x128xf32, #tpu.memory_space<vmem_shared>> -> memref<624x128xf32, #tpu.memory_space<vmem_shared>>
      tpu.enqueue_dma source(%dma_start3A_187 : memref<624x128xf32, #tpu.memory_space<vmem_shared>>) target(%dma_start3A_185 : memref<624x128xf32, #tpu.memory_space<hbm>>) target_semaphore(%run_scoped3A : memref<!tpu.dma_semaphore, #tpu.memory_space<semaphore_mem>>)
      %dma_wait3A = arith.constant 0 : i32
      %dma_wait3A_188 = tpu.memref_slice %arg5[%add3A_87, %dma_wait3A] : memref<80000x128xf32, #tpu.memory_space<hbm>> -> memref<624x128xf32, #tpu.memory_space<hbm>>
      %dma_wait3A_189 = arith.constant 0 : i32
      %dma_wait3A_190 = tpu.memref_slice %arg11[%mul3A_84, %dma_wait3A_189] : memref<10000x128xf32, #tpu.memory_space<vmem_shared>> -> memref<624x128xf32, #tpu.memory_space<vmem_shared>>
      tpu.wait_dma2 semaphore(%run_scoped3A : memref<!tpu.dma_semaphore, #tpu.memory_space<semaphore_mem>>) src(%dma_wait3A_190 : memref<624x128xf32, #tpu.memory_space<vmem_shared>>) dst(%dma_wait3A_188 : memref<624x128xf32, #tpu.memory_space<hbm>>)
      tpu.yield
    }) : () -> ()
    %eq3A_88 = arith.constant 15 : i32
    %eq3A_89 = arith.cmpi eq, %arg1, %eq3A_88 : i32
    %convert_element_type3A_90 = arith.extui %eq3A_89 : i1 to i32
    %cond3A_91 = arith.constant 0 : i32
    %cond3A_92 = arith.cmpi ne, %convert_element_type3A_90, %cond3A_91 : i32
    scf.if %cond3A_92 {
      %add3A_184 = arith.constant 9984 : i32
      %add3A_185 = arith.addi %mul3A_82, %add3A_184 : i32
      "tpu.region"() ({
        %run_scoped3A = tpu.sem_alloc : memref<!tpu.dma_semaphore, #tpu.memory_space<semaphore_mem>>
        %dma_start3A_186 = arith.constant 0 : i32
        %dma_start3A_187 = tpu.memref_slice %arg5[%add3A_185, %dma_start3A_186] : memref<80000x128xf32, #tpu.memory_space<hbm>> -> memref<16x128xf32, #tpu.memory_space<hbm>>
        %dma_start3A_188 = arith.constant 9984 : i32
        %dma_start3A_189 = arith.constant 0 : i32
        %dma_start3A_190 = tpu.memref_slice %arg11[%dma_start3A_188, %dma_start3A_189] : memref<10000x128xf32, #tpu.memory_space<vmem_shared>> -> memref<16x128xf32, #tpu.memory_space<vmem_shared>>
        tpu.enqueue_dma source(%dma_start3A_190 : memref<16x128xf32, #tpu.memory_space<vmem_shared>>) target(%dma_start3A_187 : memref<16x128xf32, #tpu.memory_space<hbm>>) target_semaphore(%run_scoped3A : memref<!tpu.dma_semaphore, #tpu.memory_space<semaphore_mem>>)
        %dma_wait3A = arith.constant 0 : i32
        %dma_wait3A_191 = tpu.memref_slice %arg5[%add3A_185, %dma_wait3A] : memref<80000x128xf32, #tpu.memory_space<hbm>> -> memref<16x128xf32, #tpu.memory_space<hbm>>
        %dma_wait3A_192 = arith.constant 9984 : i32
        %dma_wait3A_193 = arith.constant 0 : i32
        %dma_wait3A_194 = tpu.memref_slice %arg11[%dma_wait3A_192, %dma_wait3A_193] : memref<10000x128xf32, #tpu.memory_space<vmem_shared>> -> memref<16x128xf32, #tpu.memory_space<vmem_shared>>
        tpu.wait_dma2 semaphore(%run_scoped3A : memref<!tpu.dma_semaphore, #tpu.memory_space<semaphore_mem>>) src(%dma_wait3A_194 : memref<16x128xf32, #tpu.memory_space<vmem_shared>>) dst(%dma_wait3A_191 : memref<16x128xf32, #tpu.memory_space<hbm>>)
        tpu.yield
      }) : () -> ()
    } else {
    }
    %barrier3A_93 = arith.constant 0 : index
    tpu.barrier barrier_id(%barrier3A_93)
    %scan3A_94 = arith.constant 0 : i32
    %scan3A_95 = arith.constant 26 : i32
    %scan3A_96 = arith.addi %scan3A_94, %scan3A_95 : i32
    %scan3A_97 = arith.constant 1 : i32
    scf.for %scan3A_184 = %scan3A_94 to %scan3A_96 step %scan3A_97  : i32 {
      %mul3A_185 = arith.constant 1 : i32
      %mul3A_186 = arith.muli %scan3A_184, %mul3A_185 : i32
      %add3A_187 = arith.constant 0 : i32
      %add3A_188 = arith.addi %add3A_187, %mul3A_186 : i32
      %mul3A_189 = arith.constant 624 : i32
      %mul3A_190 = arith.muli %arg1, %mul3A_189 : i32
      %mul3A_191 = arith.constant 24 : i32
      %mul3A_192 = arith.muli %add3A_188, %mul3A_191 : i32
      %add3A_193 = arith.addi %mul3A_190, %mul3A_192 : i32
      "tpu.region"() ({
        %run_scoped3A = tpu.sem_alloc : memref<!tpu.dma_semaphore, #tpu.memory_space<semaphore_mem>>
        %dma_start3A_194 = arith.constant 0 : i32
        %dma_start3A_195 = arith.constant 0 : i32
        %dma_start3A_196 = tpu.memref_slice %arg10[%dma_start3A_194, %dma_start3A_195] : memref<24x128xf32, #tpu.memory_space<vmem>> -> memref<24x128xf32, #tpu.memory_space<vmem>>
        %dma_start3A_197 = arith.constant 0 : i32
        %dma_start3A_198 = tpu.memref_slice %arg11[%add3A_193, %dma_start3A_197] : memref<10000x128xf32, #tpu.memory_space<vmem_shared>> -> memref<24x128xf32, #tpu.memory_space<vmem_shared>>
        %dma_start3A_199 = arith.constant 0 : i32
        %dma_start3A_200 = tpu.memref_slice %arg11[%add3A_193, %dma_start3A_199] : memref<10000x128xf32, #tpu.memory_space<vmem_shared>> -> memref<24x128xf32, #tpu.memory_space<vmem_shared>>
        %dma_start3A_201 = arith.constant 0 : i32
        %dma_start3A_202 = arith.constant 0 : i32
        %dma_start3A_203 = tpu.memref_slice %arg10[%dma_start3A_201, %dma_start3A_202] : memref<24x128xf32, #tpu.memory_space<vmem>> -> memref<24x128xf32, #tpu.memory_space<vmem>>
        tpu.enqueue_dma source(%dma_start3A_203 : memref<24x128xf32, #tpu.memory_space<vmem>>) target(%dma_start3A_200 : memref<24x128xf32, #tpu.memory_space<vmem_shared>>) target_semaphore(%run_scoped3A : memref<!tpu.dma_semaphore, #tpu.memory_space<semaphore_mem>>)
        %dma_wait3A = arith.constant 0 : i32
        %dma_wait3A_204 = arith.constant 0 : i32
        %dma_wait3A_205 = tpu.memref_slice %arg10[%dma_wait3A, %dma_wait3A_204] : memref<24x128xf32, #tpu.memory_space<vmem>> -> memref<24x128xf32, #tpu.memory_space<vmem>>
        %dma_wait3A_206 = arith.constant 0 : i32
        %dma_wait3A_207 = tpu.memref_slice %arg11[%add3A_193, %dma_wait3A_206] : memref<10000x128xf32, #tpu.memory_space<vmem_shared>> -> memref<24x128xf32, #tpu.memory_space<vmem_shared>>
        %dma_wait3A_208 = arith.constant 0 : i32
        %dma_wait3A_209 = tpu.memref_slice %arg11[%add3A_193, %dma_wait3A_208] : memref<10000x128xf32, #tpu.memory_space<vmem_shared>> -> memref<24x128xf32, #tpu.memory_space<vmem_shared>>
        %dma_wait3A_210 = arith.constant 0 : i32
        %dma_wait3A_211 = arith.constant 0 : i32
        %dma_wait3A_212 = tpu.memref_slice %arg10[%dma_wait3A_210, %dma_wait3A_211] : memref<24x128xf32, #tpu.memory_space<vmem>> -> memref<24x128xf32, #tpu.memory_space<vmem>>
        tpu.wait_dma2 semaphore(%run_scoped3A : memref<!tpu.dma_semaphore, #tpu.memory_space<semaphore_mem>>) src(%dma_wait3A_212 : memref<24x128xf32, #tpu.memory_space<vmem>>) dst(%dma_wait3A_209 : memref<24x128xf32, #tpu.memory_space<vmem_shared>>)
        tpu.yield
      }) : () -> ()
    }
    %scan3A_98 = arith.constant 26 : i32
    %eq3A_99 = arith.constant 15 : i32
    %eq3A_100 = arith.cmpi eq, %arg1, %eq3A_99 : i32
    %convert_element_type3A_101 = arith.extui %eq3A_100 : i1 to i32
    %cond3A_102 = arith.constant 0 : i32
    %cond3A_103 = arith.cmpi ne, %convert_element_type3A_101, %cond3A_102 : i32
    scf.if %cond3A_103 {
      "tpu.region"() ({
        %run_scoped3A = tpu.sem_alloc : memref<!tpu.dma_semaphore, #tpu.memory_space<semaphore_mem>>
        %dma_start3A_184 = arith.constant 0 : i32
        %dma_start3A_185 = arith.constant 0 : i32
        %dma_start3A_186 = tpu.memref_slice %arg10[%dma_start3A_184, %dma_start3A_185] : memref<24x128xf32, #tpu.memory_space<vmem>> -> memref<16x128xf32, #tpu.memory_space<vmem>>
        %dma_start3A_187 = arith.constant 9984 : i32
        %dma_start3A_188 = arith.constant 0 : i32
        %dma_start3A_189 = tpu.memref_slice %arg11[%dma_start3A_187, %dma_start3A_188] : memref<10000x128xf32, #tpu.memory_space<vmem_shared>> -> memref<16x128xf32, #tpu.memory_space<vmem_shared>>
        %dma_start3A_190 = arith.constant 9984 : i32
        %dma_start3A_191 = arith.constant 0 : i32
        %dma_start3A_192 = tpu.memref_slice %arg11[%dma_start3A_190, %dma_start3A_191] : memref<10000x128xf32, #tpu.memory_space<vmem_shared>> -> memref<16x128xf32, #tpu.memory_space<vmem_shared>>
        %dma_start3A_193 = arith.constant 0 : i32
        %dma_start3A_194 = arith.constant 0 : i32
        %dma_start3A_195 = tpu.memref_slice %arg10[%dma_start3A_193, %dma_start3A_194] : memref<24x128xf32, #tpu.memory_space<vmem>> -> memref<16x128xf32, #tpu.memory_space<vmem>>
        tpu.enqueue_dma source(%dma_start3A_195 : memref<16x128xf32, #tpu.memory_space<vmem>>) target(%dma_start3A_192 : memref<16x128xf32, #tpu.memory_space<vmem_shared>>) target_semaphore(%run_scoped3A : memref<!tpu.dma_semaphore, #tpu.memory_space<semaphore_mem>>)
        %dma_wait3A = arith.constant 0 : i32
        %dma_wait3A_196 = arith.constant 0 : i32
        %dma_wait3A_197 = tpu.memref_slice %arg10[%dma_wait3A, %dma_wait3A_196] : memref<24x128xf32, #tpu.memory_space<vmem>> -> memref<16x128xf32, #tpu.memory_space<vmem>>
        %dma_wait3A_198 = arith.constant 9984 : i32
        %dma_wait3A_199 = arith.constant 0 : i32
        %dma_wait3A_200 = tpu.memref_slice %arg11[%dma_wait3A_198, %dma_wait3A_199] : memref<10000x128xf32, #tpu.memory_space<vmem_shared>> -> memref<16x128xf32, #tpu.memory_space<vmem_shared>>
        %dma_wait3A_201 = arith.constant 9984 : i32
        %dma_wait3A_202 = arith.constant 0 : i32
        %dma_wait3A_203 = tpu.memref_slice %arg11[%dma_wait3A_201, %dma_wait3A_202] : memref<10000x128xf32, #tpu.memory_space<vmem_shared>> -> memref<16x128xf32, #tpu.memory_space<vmem_shared>>
        %dma_wait3A_204 = arith.constant 0 : i32
        %dma_wait3A_205 = arith.constant 0 : i32
        %dma_wait3A_206 = tpu.memref_slice %arg10[%dma_wait3A_204, %dma_wait3A_205] : memref<24x128xf32, #tpu.memory_space<vmem>> -> memref<16x128xf32, #tpu.memory_space<vmem>>
        tpu.wait_dma2 semaphore(%run_scoped3A : memref<!tpu.dma_semaphore, #tpu.memory_space<semaphore_mem>>) src(%dma_wait3A_206 : memref<16x128xf32, #tpu.memory_space<vmem>>) dst(%dma_wait3A_203 : memref<16x128xf32, #tpu.memory_space<vmem_shared>>)
        tpu.yield
      }) : () -> ()
    } else {
    }
    %add3A_104 = arith.constant 64 : i32
    %add3A_105 = arith.addi %add3A_104, %add3A : i32
    %mul3A_106 = arith.constant 40 : i32
    %mul3A_107 = arith.muli %add3A_105, %mul3A_106 : i32
    "tpu.region"() ({
      %run_scoped3A = tpu.sem_alloc : memref<!tpu.dma_semaphore, #tpu.memory_space<semaphore_mem>>
      %dma_start3A_184 = arith.constant 0 : i32
      %dma_start3A_185 = tpu.memref_slice %arg3[%mul3A_107, %dma_start3A_184] : memref<5120x128xi32, #tpu.memory_space<hbm>> -> memref<40x128xi32, #tpu.memory_space<hbm>>
      %dma_start3A_186 = arith.constant 0 : i32
      %dma_start3A_187 = tpu.memref_slice %arg3[%mul3A_107, %dma_start3A_186] : memref<5120x128xi32, #tpu.memory_space<hbm>> -> memref<40x128xi32, #tpu.memory_space<hbm>>
      tpu.enqueue_dma source(%dma_start3A_187 : memref<40x128xi32, #tpu.memory_space<hbm>>) target(%arg6 : memref<40x128xi32, #tpu.memory_space<vmem>>) target_semaphore(%run_scoped3A : memref<!tpu.dma_semaphore, #tpu.memory_space<semaphore_mem>>)
      %dma_wait3A = arith.constant 0 : i32
      %dma_wait3A_188 = tpu.memref_slice %arg3[%mul3A_107, %dma_wait3A] : memref<5120x128xi32, #tpu.memory_space<hbm>> -> memref<40x128xi32, #tpu.memory_space<hbm>>
      %dma_wait3A_189 = arith.constant 0 : i32
      %dma_wait3A_190 = tpu.memref_slice %arg3[%mul3A_107, %dma_wait3A_189] : memref<5120x128xi32, #tpu.memory_space<hbm>> -> memref<40x128xi32, #tpu.memory_space<hbm>>
      tpu.wait_dma2 semaphore(%run_scoped3A : memref<!tpu.dma_semaphore, #tpu.memory_space<semaphore_mem>>) src(%dma_wait3A_190 : memref<40x128xi32, #tpu.memory_space<hbm>>) dst(%arg6 : memref<40x128xi32, #tpu.memory_space<vmem>>)
      tpu.yield
    }) : () -> ()
    %barrier3A_108 = arith.constant 0 : index
    tpu.barrier barrier_id(%barrier3A_108)
    %dma_start3A_109 = arith.constant 0 : i32
    %dma_start3A_110 = arith.constant 0 : i32
    %dma_start3A_111 = tpu.memref_slice %arg6[%dma_start3A_109, %dma_start3A_110] : memref<40x128xi32, #tpu.memory_space<vmem>> -> memref<1x128xi32, #tpu.memory_space<vmem>>
    %dma_start3A_112 = tpu.memref_squeeze %dma_start3A_111 : memref<1x128xi32, #tpu.memory_space<vmem>> -> memref<128xi32, #tpu.memory_space<vmem>>
    %dma_start3A_113 = arith.constant 0 : i32
    %dma_start3A_114 = arith.constant 0 : i32
    %dma_start3A_115 = tpu.memref_slice %arg2[%dma_start3A_113, %dma_start3A_114] : memref<40000x128xf32, #tpu.memory_space<hbm>> -> memref<40000x128xf32, #tpu.memory_space<hbm>>
    tpu.enqueue_indirect_dma source(%dma_start3A_115 : memref<40000x128xf32, #tpu.memory_space<hbm>>) target(%arg8 : memref<128x128xf32, #tpu.memory_space<vmem>>) offsets(%dma_start3A_112 : memref<128xi32, #tpu.memory_space<vmem>>) semaphore(%arg12 : memref<!tpu.dma_semaphore, #tpu.memory_space<semaphore_mem>>)
    %scan3A_116 = arith.constant 0 : i32
    %scan3A_117 = arith.constant 20 : i32
    %scan3A_118 = arith.addi %scan3A_116, %scan3A_117 : i32
    %scan3A_119 = arith.constant 1 : i32
    scf.for %scan3A_184 = %scan3A_116 to %scan3A_118 step %scan3A_119  : i32 {
      %mul3A_185 = arith.constant 1 : i32
      %mul3A_186 = arith.muli %scan3A_184, %mul3A_185 : i32
      %add3A_187 = arith.constant 0 : i32
      %add3A_188 = arith.addi %add3A_187, %mul3A_186 : i32
      %mul3A_189 = arith.constant 2 : i32
      %mul3A_190 = arith.muli %mul3A_189, %add3A_188 : i32
      %add3A_191 = arith.constant 1 : i32
      %add3A_192 = arith.addi %mul3A_190, %add3A_191 : i32
      %lt3A_193 = arith.cmpi slt, %add3A_192, %select_n3A : i32
      %convert_element_type3A_194 = arith.extui %lt3A_193 : i1 to i32
      %cond3A_195 = arith.constant 0 : i32
      %cond3A_196 = arith.cmpi ne, %convert_element_type3A_194, %cond3A_195 : i32
      scf.if %cond3A_196 {
        %dma_start3A_206 = arith.constant 0 : i32
        %dma_start3A_207 = tpu.memref_slice %arg6[%add3A_192, %dma_start3A_206] : memref<40x128xi32, #tpu.memory_space<vmem>> -> memref<1x128xi32, #tpu.memory_space<vmem>>
        %dma_start3A_208 = tpu.memref_squeeze %dma_start3A_207 : memref<1x128xi32, #tpu.memory_space<vmem>> -> memref<128xi32, #tpu.memory_space<vmem>>
        %dma_start3A_209 = arith.constant 0 : i32
        %dma_start3A_210 = arith.constant 0 : i32
        %dma_start3A_211 = tpu.memref_slice %arg2[%dma_start3A_209, %dma_start3A_210] : memref<40000x128xf32, #tpu.memory_space<hbm>> -> memref<40000x128xf32, #tpu.memory_space<hbm>>
        tpu.enqueue_indirect_dma source(%dma_start3A_211 : memref<40000x128xf32, #tpu.memory_space<hbm>>) target(%arg9 : memref<128x128xf32, #tpu.memory_space<vmem>>) offsets(%dma_start3A_208 : memref<128xi32, #tpu.memory_space<vmem>>) semaphore(%arg13 : memref<!tpu.dma_semaphore, #tpu.memory_space<semaphore_mem>>)
      } else {
      }
      %dma_wait3A = arith.constant 0 : i32
      %dma_wait3A_197 = tpu.memref_slice %arg6[%mul3A_190, %dma_wait3A] : memref<40x128xi32, #tpu.memory_space<vmem>> -> memref<1x128xi32, #tpu.memory_space<vmem>>
      %dma_wait3A_198 = tpu.memref_squeeze %dma_wait3A_197 : memref<1x128xi32, #tpu.memory_space<vmem>> -> memref<128xi32, #tpu.memory_space<vmem>>
      %dma_wait3A_199 = arith.constant 0 : i32
      %dma_wait3A_200 = arith.constant 0 : i32
      %dma_wait3A_201 = tpu.memref_slice %arg2[%dma_wait3A_199, %dma_wait3A_200] : memref<40000x128xf32, #tpu.memory_space<hbm>> -> memref<40000x128xf32, #tpu.memory_space<hbm>>
      tpu.wait_indirect_dma semaphore(%arg12 : memref<!tpu.dma_semaphore, #tpu.memory_space<semaphore_mem>>) src(%dma_wait3A_201 : memref<40000x128xf32, #tpu.memory_space<hbm>>) dst(%arg8 : memref<128x128xf32, #tpu.memory_space<vmem>>)
      "tpu.region"() ({
        %run_scoped3A = tpu.sem_alloc : memref<!tpu.dma_semaphore, #tpu.memory_space<semaphore_mem>>
        %dma_start3A_206 = arith.constant 0 : i32
        %dma_start3A_207 = tpu.memref_slice %arg7[%mul3A_190, %dma_start3A_206] : memref<40x128xi32, #tpu.memory_space<vmem>> -> memref<1x128xi32, #tpu.memory_space<vmem>>
        %dma_start3A_208 = tpu.memref_squeeze %dma_start3A_207 : memref<1x128xi32, #tpu.memory_space<vmem>> -> memref<128xi32, #tpu.memory_space<vmem>>
        %dma_start3A_209 = arith.constant 0 : i32
        %dma_start3A_210 = arith.constant 0 : i32
        %dma_start3A_211 = tpu.memref_slice %arg11[%dma_start3A_209, %dma_start3A_210] : memref<10000x128xf32, #tpu.memory_space<vmem_shared>> -> memref<10000x128xf32, #tpu.memory_space<vmem_shared>>
        tpu.enqueue_indirect_dma source(%arg8 : memref<128x128xf32, #tpu.memory_space<vmem>>) target(%dma_start3A_211 : memref<10000x128xf32, #tpu.memory_space<vmem_shared>>) offsets(%dma_start3A_208 : memref<128xi32, #tpu.memory_space<vmem>>) semaphore(%run_scoped3A : memref<!tpu.dma_semaphore, #tpu.memory_space<semaphore_mem>>) {add = true}
        %dma_wait3A_212 = arith.constant 0 : i32
        %dma_wait3A_213 = tpu.memref_slice %arg7[%mul3A_190, %dma_wait3A_212] : memref<40x128xi32, #tpu.memory_space<vmem>> -> memref<1x128xi32, #tpu.memory_space<vmem>>
        %dma_wait3A_214 = tpu.memref_squeeze %dma_wait3A_213 : memref<1x128xi32, #tpu.memory_space<vmem>> -> memref<128xi32, #tpu.memory_space<vmem>>
        %dma_wait3A_215 = arith.constant 0 : i32
        %dma_wait3A_216 = arith.constant 0 : i32
        %dma_wait3A_217 = tpu.memref_slice %arg11[%dma_wait3A_215, %dma_wait3A_216] : memref<10000x128xf32, #tpu.memory_space<vmem_shared>> -> memref<10000x128xf32, #tpu.memory_space<vmem_shared>>
        tpu.wait_indirect_dma semaphore(%run_scoped3A : memref<!tpu.dma_semaphore, #tpu.memory_space<semaphore_mem>>) src(%arg8 : memref<128x128xf32, #tpu.memory_space<vmem>>) dst(%dma_wait3A_217 : memref<10000x128xf32, #tpu.memory_space<vmem_shared>>)
        tpu.yield
      }) : () -> ()
      %lt3A_202 = arith.cmpi slt, %add3A_192, %select_n3A : i32
      %convert_element_type3A_203 = arith.extui %lt3A_202 : i1 to i32
      %cond3A_204 = arith.constant 0 : i32
      %cond3A_205 = arith.cmpi ne, %convert_element_type3A_203, %cond3A_204 : i32
      scf.if %cond3A_205 {
        %dma_wait3A_206 = arith.constant 0 : i32
        %dma_wait3A_207 = tpu.memref_slice %arg6[%add3A_192, %dma_wait3A_206] : memref<40x128xi32, #tpu.memory_space<vmem>> -> memref<1x128xi32, #tpu.memory_space<vmem>>
        %dma_wait3A_208 = tpu.memref_squeeze %dma_wait3A_207 : memref<1x128xi32, #tpu.memory_space<vmem>> -> memref<128xi32, #tpu.memory_space<vmem>>
        %dma_wait3A_209 = arith.constant 0 : i32
        %dma_wait3A_210 = arith.constant 0 : i32
        %dma_wait3A_211 = tpu.memref_slice %arg2[%dma_wait3A_209, %dma_wait3A_210] : memref<40000x128xf32, #tpu.memory_space<hbm>> -> memref<40000x128xf32, #tpu.memory_space<hbm>>
        tpu.wait_indirect_dma semaphore(%arg13 : memref<!tpu.dma_semaphore, #tpu.memory_space<semaphore_mem>>) src(%dma_wait3A_211 : memref<40000x128xf32, #tpu.memory_space<hbm>>) dst(%arg9 : memref<128x128xf32, #tpu.memory_space<vmem>>)
        %add3A_212 = arith.constant 1 : i32
        %add3A_213 = arith.addi %add3A_192, %add3A_212 : i32
        %lt3A_214 = arith.cmpi slt, %add3A_213, %select_n3A : i32
        %convert_element_type3A_215 = arith.extui %lt3A_214 : i1 to i32
        %cond3A_216 = arith.constant 0 : i32
        %cond3A_217 = arith.cmpi ne, %convert_element_type3A_215, %cond3A_216 : i32
        scf.if %cond3A_217 {
          %add3A_218 = arith.constant 1 : i32
          %add3A_219 = arith.addi %add3A_192, %add3A_218 : i32
          %dma_start3A_220 = arith.constant 0 : i32
          %dma_start3A_221 = tpu.memref_slice %arg6[%add3A_219, %dma_start3A_220] : memref<40x128xi32, #tpu.memory_space<vmem>> -> memref<1x128xi32, #tpu.memory_space<vmem>>
          %dma_start3A_222 = tpu.memref_squeeze %dma_start3A_221 : memref<1x128xi32, #tpu.memory_space<vmem>> -> memref<128xi32, #tpu.memory_space<vmem>>
          %dma_start3A_223 = arith.constant 0 : i32
          %dma_start3A_224 = arith.constant 0 : i32
          %dma_start3A_225 = tpu.memref_slice %arg2[%dma_start3A_223, %dma_start3A_224] : memref<40000x128xf32, #tpu.memory_space<hbm>> -> memref<40000x128xf32, #tpu.memory_space<hbm>>
          tpu.enqueue_indirect_dma source(%dma_start3A_225 : memref<40000x128xf32, #tpu.memory_space<hbm>>) target(%arg8 : memref<128x128xf32, #tpu.memory_space<vmem>>) offsets(%dma_start3A_222 : memref<128xi32, #tpu.memory_space<vmem>>) semaphore(%arg12 : memref<!tpu.dma_semaphore, #tpu.memory_space<semaphore_mem>>)
        } else {
        }
        "tpu.region"() ({
          %run_scoped3A = tpu.sem_alloc : memref<!tpu.dma_semaphore, #tpu.memory_space<semaphore_mem>>
          %dma_start3A_218 = arith.constant 0 : i32
          %dma_start3A_219 = tpu.memref_slice %arg7[%add3A_192, %dma_start3A_218] : memref<40x128xi32, #tpu.memory_space<vmem>> -> memref<1x128xi32, #tpu.memory_space<vmem>>
          %dma_start3A_220 = tpu.memref_squeeze %dma_start3A_219 : memref<1x128xi32, #tpu.memory_space<vmem>> -> memref<128xi32, #tpu.memory_space<vmem>>
          %dma_start3A_221 = arith.constant 0 : i32
          %dma_start3A_222 = arith.constant 0 : i32
          %dma_start3A_223 = tpu.memref_slice %arg11[%dma_start3A_221, %dma_start3A_222] : memref<10000x128xf32, #tpu.memory_space<vmem_shared>> -> memref<10000x128xf32, #tpu.memory_space<vmem_shared>>
          tpu.enqueue_indirect_dma source(%arg9 : memref<128x128xf32, #tpu.memory_space<vmem>>) target(%dma_start3A_223 : memref<10000x128xf32, #tpu.memory_space<vmem_shared>>) offsets(%dma_start3A_220 : memref<128xi32, #tpu.memory_space<vmem>>) semaphore(%run_scoped3A : memref<!tpu.dma_semaphore, #tpu.memory_space<semaphore_mem>>) {add = true}
          %dma_wait3A_224 = arith.constant 0 : i32
          %dma_wait3A_225 = tpu.memref_slice %arg7[%add3A_192, %dma_wait3A_224] : memref<40x128xi32, #tpu.memory_space<vmem>> -> memref<1x128xi32, #tpu.memory_space<vmem>>
          %dma_wait3A_226 = tpu.memref_squeeze %dma_wait3A_225 : memref<1x128xi32, #tpu.memory_space<vmem>> -> memref<128xi32, #tpu.memory_space<vmem>>
          %dma_wait3A_227 = arith.constant 0 : i32
          %dma_wait3A_228 = arith.constant 0 : i32
          %dma_wait3A_229 = tpu.memref_slice %arg11[%dma_wait3A_227, %dma_wait3A_228] : memref<10000x128xf32, #tpu.memory_space<vmem_shared>> -> memref<10000x128xf32, #tpu.memory_space<vmem_shared>>
          tpu.wait_indirect_dma semaphore(%run_scoped3A : memref<!tpu.dma_semaphore, #tpu.memory_space<semaphore_mem>>) src(%arg9 : memref<128x128xf32, #tpu.memory_space<vmem>>) dst(%dma_wait3A_229 : memref<10000x128xf32, #tpu.memory_space<vmem_shared>>)
          tpu.yield
        }) : () -> ()
      } else {
      }
    }
    %scan3A_120 = arith.constant 20 : i32
    %barrier3A_121 = arith.constant 0 : index
    tpu.barrier barrier_id(%barrier3A_121)
    %mul3A_122 = arith.constant 4 : i32
    %mul3A_123 = arith.muli %arg0, %mul3A_122 : i32
    %add3A_124 = arith.constant 2 : i32
    %add3A_125 = arith.addi %mul3A_123, %add3A_124 : i32
    %mul3A_126 = arith.constant 10000 : i32
    %mul3A_127 = arith.muli %add3A_125, %mul3A_126 : i32
    %mul3A_128 = arith.constant 624 : i32
    %mul3A_129 = arith.muli %arg1, %mul3A_128 : i32
    %mul3A_130 = arith.constant 624 : i32
    %mul3A_131 = arith.muli %arg1, %mul3A_130 : i32
    %add3A_132 = arith.addi %mul3A_127, %mul3A_131 : i32
    "tpu.region"() ({
      %run_scoped3A = tpu.sem_alloc : memref<!tpu.dma_semaphore, #tpu.memory_space<semaphore_mem>>
      %dma_start3A_184 = arith.constant 0 : i32
      %dma_start3A_185 = tpu.memref_slice %arg5[%add3A_132, %dma_start3A_184] : memref<80000x128xf32, #tpu.memory_space<hbm>> -> memref<624x128xf32, #tpu.memory_space<hbm>>
      %dma_start3A_186 = arith.constant 0 : i32
      %dma_start3A_187 = tpu.memref_slice %arg11[%mul3A_129, %dma_start3A_186] : memref<10000x128xf32, #tpu.memory_space<vmem_shared>> -> memref<624x128xf32, #tpu.memory_space<vmem_shared>>
      tpu.enqueue_dma source(%dma_start3A_187 : memref<624x128xf32, #tpu.memory_space<vmem_shared>>) target(%dma_start3A_185 : memref<624x128xf32, #tpu.memory_space<hbm>>) target_semaphore(%run_scoped3A : memref<!tpu.dma_semaphore, #tpu.memory_space<semaphore_mem>>)
      %dma_wait3A = arith.constant 0 : i32
      %dma_wait3A_188 = tpu.memref_slice %arg5[%add3A_132, %dma_wait3A] : memref<80000x128xf32, #tpu.memory_space<hbm>> -> memref<624x128xf32, #tpu.memory_space<hbm>>
      %dma_wait3A_189 = arith.constant 0 : i32
      %dma_wait3A_190 = tpu.memref_slice %arg11[%mul3A_129, %dma_wait3A_189] : memref<10000x128xf32, #tpu.memory_space<vmem_shared>> -> memref<624x128xf32, #tpu.memory_space<vmem_shared>>
      tpu.wait_dma2 semaphore(%run_scoped3A : memref<!tpu.dma_semaphore, #tpu.memory_space<semaphore_mem>>) src(%dma_wait3A_190 : memref<624x128xf32, #tpu.memory_space<vmem_shared>>) dst(%dma_wait3A_188 : memref<624x128xf32, #tpu.memory_space<hbm>>)
      tpu.yield
    }) : () -> ()
    %eq3A_133 = arith.constant 15 : i32
    %eq3A_134 = arith.cmpi eq, %arg1, %eq3A_133 : i32
    %convert_element_type3A_135 = arith.extui %eq3A_134 : i1 to i32
    %cond3A_136 = arith.constant 0 : i32
    %cond3A_137 = arith.cmpi ne, %convert_element_type3A_135, %cond3A_136 : i32
    scf.if %cond3A_137 {
      %add3A_184 = arith.constant 9984 : i32
      %add3A_185 = arith.addi %mul3A_127, %add3A_184 : i32
      "tpu.region"() ({
        %run_scoped3A = tpu.sem_alloc : memref<!tpu.dma_semaphore, #tpu.memory_space<semaphore_mem>>
        %dma_start3A_186 = arith.constant 0 : i32
        %dma_start3A_187 = tpu.memref_slice %arg5[%add3A_185, %dma_start3A_186] : memref<80000x128xf32, #tpu.memory_space<hbm>> -> memref<16x128xf32, #tpu.memory_space<hbm>>
        %dma_start3A_188 = arith.constant 9984 : i32
        %dma_start3A_189 = arith.constant 0 : i32
        %dma_start3A_190 = tpu.memref_slice %arg11[%dma_start3A_188, %dma_start3A_189] : memref<10000x128xf32, #tpu.memory_space<vmem_shared>> -> memref<16x128xf32, #tpu.memory_space<vmem_shared>>
        tpu.enqueue_dma source(%dma_start3A_190 : memref<16x128xf32, #tpu.memory_space<vmem_shared>>) target(%dma_start3A_187 : memref<16x128xf32, #tpu.memory_space<hbm>>) target_semaphore(%run_scoped3A : memref<!tpu.dma_semaphore, #tpu.memory_space<semaphore_mem>>)
        %dma_wait3A = arith.constant 0 : i32
        %dma_wait3A_191 = tpu.memref_slice %arg5[%add3A_185, %dma_wait3A] : memref<80000x128xf32, #tpu.memory_space<hbm>> -> memref<16x128xf32, #tpu.memory_space<hbm>>
        %dma_wait3A_192 = arith.constant 9984 : i32
        %dma_wait3A_193 = arith.constant 0 : i32
        %dma_wait3A_194 = tpu.memref_slice %arg11[%dma_wait3A_192, %dma_wait3A_193] : memref<10000x128xf32, #tpu.memory_space<vmem_shared>> -> memref<16x128xf32, #tpu.memory_space<vmem_shared>>
        tpu.wait_dma2 semaphore(%run_scoped3A : memref<!tpu.dma_semaphore, #tpu.memory_space<semaphore_mem>>) src(%dma_wait3A_194 : memref<16x128xf32, #tpu.memory_space<vmem_shared>>) dst(%dma_wait3A_191 : memref<16x128xf32, #tpu.memory_space<hbm>>)
        tpu.yield
      }) : () -> ()
    } else {
    }
    %barrier3A_138 = arith.constant 0 : index
    tpu.barrier barrier_id(%barrier3A_138)
    %scan3A_139 = arith.constant 0 : i32
    %scan3A_140 = arith.constant 26 : i32
    %scan3A_141 = arith.addi %scan3A_139, %scan3A_140 : i32
    %scan3A_142 = arith.constant 1 : i32
    scf.for %scan3A_184 = %scan3A_139 to %scan3A_141 step %scan3A_142  : i32 {
      %mul3A_185 = arith.constant 1 : i32
      %mul3A_186 = arith.muli %scan3A_184, %mul3A_185 : i32
      %add3A_187 = arith.constant 0 : i32
      %add3A_188 = arith.addi %add3A_187, %mul3A_186 : i32
      %mul3A_189 = arith.constant 624 : i32
      %mul3A_190 = arith.muli %arg1, %mul3A_189 : i32
      %mul3A_191 = arith.constant 24 : i32
      %mul3A_192 = arith.muli %add3A_188, %mul3A_191 : i32
      %add3A_193 = arith.addi %mul3A_190, %mul3A_192 : i32
      "tpu.region"() ({
        %run_scoped3A = tpu.sem_alloc : memref<!tpu.dma_semaphore, #tpu.memory_space<semaphore_mem>>
        %dma_start3A_194 = arith.constant 0 : i32
        %dma_start3A_195 = arith.constant 0 : i32
        %dma_start3A_196 = tpu.memref_slice %arg10[%dma_start3A_194, %dma_start3A_195] : memref<24x128xf32, #tpu.memory_space<vmem>> -> memref<24x128xf32, #tpu.memory_space<vmem>>
        %dma_start3A_197 = arith.constant 0 : i32
        %dma_start3A_198 = tpu.memref_slice %arg11[%add3A_193, %dma_start3A_197] : memref<10000x128xf32, #tpu.memory_space<vmem_shared>> -> memref<24x128xf32, #tpu.memory_space<vmem_shared>>
        %dma_start3A_199 = arith.constant 0 : i32
        %dma_start3A_200 = tpu.memref_slice %arg11[%add3A_193, %dma_start3A_199] : memref<10000x128xf32, #tpu.memory_space<vmem_shared>> -> memref<24x128xf32, #tpu.memory_space<vmem_shared>>
        %dma_start3A_201 = arith.constant 0 : i32
        %dma_start3A_202 = arith.constant 0 : i32
        %dma_start3A_203 = tpu.memref_slice %arg10[%dma_start3A_201, %dma_start3A_202] : memref<24x128xf32, #tpu.memory_space<vmem>> -> memref<24x128xf32, #tpu.memory_space<vmem>>
        tpu.enqueue_dma source(%dma_start3A_203 : memref<24x128xf32, #tpu.memory_space<vmem>>) target(%dma_start3A_200 : memref<24x128xf32, #tpu.memory_space<vmem_shared>>) target_semaphore(%run_scoped3A : memref<!tpu.dma_semaphore, #tpu.memory_space<semaphore_mem>>)
        %dma_wait3A = arith.constant 0 : i32
        %dma_wait3A_204 = arith.constant 0 : i32
        %dma_wait3A_205 = tpu.memref_slice %arg10[%dma_wait3A, %dma_wait3A_204] : memref<24x128xf32, #tpu.memory_space<vmem>> -> memref<24x128xf32, #tpu.memory_space<vmem>>
        %dma_wait3A_206 = arith.constant 0 : i32
        %dma_wait3A_207 = tpu.memref_slice %arg11[%add3A_193, %dma_wait3A_206] : memref<10000x128xf32, #tpu.memory_space<vmem_shared>> -> memref<24x128xf32, #tpu.memory_space<vmem_shared>>
        %dma_wait3A_208 = arith.constant 0 : i32
        %dma_wait3A_209 = tpu.memref_slice %arg11[%add3A_193, %dma_wait3A_208] : memref<10000x128xf32, #tpu.memory_space<vmem_shared>> -> memref<24x128xf32, #tpu.memory_space<vmem_shared>>
        %dma_wait3A_210 = arith.constant 0 : i32
        %dma_wait3A_211 = arith.constant 0 : i32
        %dma_wait3A_212 = tpu.memref_slice %arg10[%dma_wait3A_210, %dma_wait3A_211] : memref<24x128xf32, #tpu.memory_space<vmem>> -> memref<24x128xf32, #tpu.memory_space<vmem>>
        tpu.wait_dma2 semaphore(%run_scoped3A : memref<!tpu.dma_semaphore, #tpu.memory_space<semaphore_mem>>) src(%dma_wait3A_212 : memref<24x128xf32, #tpu.memory_space<vmem>>) dst(%dma_wait3A_209 : memref<24x128xf32, #tpu.memory_space<vmem_shared>>)
        tpu.yield
      }) : () -> ()
    }
    %scan3A_143 = arith.constant 26 : i32
    %eq3A_144 = arith.constant 15 : i32
    %eq3A_145 = arith.cmpi eq, %arg1, %eq3A_144 : i32
    %convert_element_type3A_146 = arith.extui %eq3A_145 : i1 to i32
    %cond3A_147 = arith.constant 0 : i32
    %cond3A_148 = arith.cmpi ne, %convert_element_type3A_146, %cond3A_147 : i32
    scf.if %cond3A_148 {
      "tpu.region"() ({
        %run_scoped3A = tpu.sem_alloc : memref<!tpu.dma_semaphore, #tpu.memory_space<semaphore_mem>>
        %dma_start3A_184 = arith.constant 0 : i32
        %dma_start3A_185 = arith.constant 0 : i32
        %dma_start3A_186 = tpu.memref_slice %arg10[%dma_start3A_184, %dma_start3A_185] : memref<24x128xf32, #tpu.memory_space<vmem>> -> memref<16x128xf32, #tpu.memory_space<vmem>>
        %dma_start3A_187 = arith.constant 9984 : i32
        %dma_start3A_188 = arith.constant 0 : i32
        %dma_start3A_189 = tpu.memref_slice %arg11[%dma_start3A_187, %dma_start3A_188] : memref<10000x128xf32, #tpu.memory_space<vmem_shared>> -> memref<16x128xf32, #tpu.memory_space<vmem_shared>>
        %dma_start3A_190 = arith.constant 9984 : i32
        %dma_start3A_191 = arith.constant 0 : i32
        %dma_start3A_192 = tpu.memref_slice %arg11[%dma_start3A_190, %dma_start3A_191] : memref<10000x128xf32, #tpu.memory_space<vmem_shared>> -> memref<16x128xf32, #tpu.memory_space<vmem_shared>>
        %dma_start3A_193 = arith.constant 0 : i32
        %dma_start3A_194 = arith.constant 0 : i32
        %dma_start3A_195 = tpu.memref_slice %arg10[%dma_start3A_193, %dma_start3A_194] : memref<24x128xf32, #tpu.memory_space<vmem>> -> memref<16x128xf32, #tpu.memory_space<vmem>>
        tpu.enqueue_dma source(%dma_start3A_195 : memref<16x128xf32, #tpu.memory_space<vmem>>) target(%dma_start3A_192 : memref<16x128xf32, #tpu.memory_space<vmem_shared>>) target_semaphore(%run_scoped3A : memref<!tpu.dma_semaphore, #tpu.memory_space<semaphore_mem>>)
        %dma_wait3A = arith.constant 0 : i32
        %dma_wait3A_196 = arith.constant 0 : i32
        %dma_wait3A_197 = tpu.memref_slice %arg10[%dma_wait3A, %dma_wait3A_196] : memref<24x128xf32, #tpu.memory_space<vmem>> -> memref<16x128xf32, #tpu.memory_space<vmem>>
        %dma_wait3A_198 = arith.constant 9984 : i32
        %dma_wait3A_199 = arith.constant 0 : i32
        %dma_wait3A_200 = tpu.memref_slice %arg11[%dma_wait3A_198, %dma_wait3A_199] : memref<10000x128xf32, #tpu.memory_space<vmem_shared>> -> memref<16x128xf32, #tpu.memory_space<vmem_shared>>
        %dma_wait3A_201 = arith.constant 9984 : i32
        %dma_wait3A_202 = arith.constant 0 : i32
        %dma_wait3A_203 = tpu.memref_slice %arg11[%dma_wait3A_201, %dma_wait3A_202] : memref<10000x128xf32, #tpu.memory_space<vmem_shared>> -> memref<16x128xf32, #tpu.memory_space<vmem_shared>>
        %dma_wait3A_204 = arith.constant 0 : i32
        %dma_wait3A_205 = arith.constant 0 : i32
        %dma_wait3A_206 = tpu.memref_slice %arg10[%dma_wait3A_204, %dma_wait3A_205] : memref<24x128xf32, #tpu.memory_space<vmem>> -> memref<16x128xf32, #tpu.memory_space<vmem>>
        tpu.wait_dma2 semaphore(%run_scoped3A : memref<!tpu.dma_semaphore, #tpu.memory_space<semaphore_mem>>) src(%dma_wait3A_206 : memref<16x128xf32, #tpu.memory_space<vmem>>) dst(%dma_wait3A_203 : memref<16x128xf32, #tpu.memory_space<vmem_shared>>)
        tpu.yield
      }) : () -> ()
    } else {
    }
    %add3A_149 = arith.constant 96 : i32
    %add3A_150 = arith.addi %add3A_149, %add3A : i32
    %mul3A_151 = arith.constant 40 : i32
    %mul3A_152 = arith.muli %add3A_150, %mul3A_151 : i32
    "tpu.region"() ({
      %run_scoped3A = tpu.sem_alloc : memref<!tpu.dma_semaphore, #tpu.memory_space<semaphore_mem>>
      %dma_start3A_184 = arith.constant 0 : i32
      %dma_start3A_185 = tpu.memref_slice %arg3[%mul3A_152, %dma_start3A_184] : memref<5120x128xi32, #tpu.memory_space<hbm>> -> memref<40x128xi32, #tpu.memory_space<hbm>>
      %dma_start3A_186 = arith.constant 0 : i32
      %dma_start3A_187 = tpu.memref_slice %arg3[%mul3A_152, %dma_start3A_186] : memref<5120x128xi32, #tpu.memory_space<hbm>> -> memref<40x128xi32, #tpu.memory_space<hbm>>
      tpu.enqueue_dma source(%dma_start3A_187 : memref<40x128xi32, #tpu.memory_space<hbm>>) target(%arg6 : memref<40x128xi32, #tpu.memory_space<vmem>>) target_semaphore(%run_scoped3A : memref<!tpu.dma_semaphore, #tpu.memory_space<semaphore_mem>>)
      %dma_wait3A = arith.constant 0 : i32
      %dma_wait3A_188 = tpu.memref_slice %arg3[%mul3A_152, %dma_wait3A] : memref<5120x128xi32, #tpu.memory_space<hbm>> -> memref<40x128xi32, #tpu.memory_space<hbm>>
      %dma_wait3A_189 = arith.constant 0 : i32
      %dma_wait3A_190 = tpu.memref_slice %arg3[%mul3A_152, %dma_wait3A_189] : memref<5120x128xi32, #tpu.memory_space<hbm>> -> memref<40x128xi32, #tpu.memory_space<hbm>>
      tpu.wait_dma2 semaphore(%run_scoped3A : memref<!tpu.dma_semaphore, #tpu.memory_space<semaphore_mem>>) src(%dma_wait3A_190 : memref<40x128xi32, #tpu.memory_space<hbm>>) dst(%arg6 : memref<40x128xi32, #tpu.memory_space<vmem>>)
      tpu.yield
    }) : () -> ()
    %barrier3A_153 = arith.constant 0 : index
    tpu.barrier barrier_id(%barrier3A_153)
    %dma_start3A_154 = arith.constant 0 : i32
    %dma_start3A_155 = arith.constant 0 : i32
    %dma_start3A_156 = tpu.memref_slice %arg6[%dma_start3A_154, %dma_start3A_155] : memref<40x128xi32, #tpu.memory_space<vmem>> -> memref<1x128xi32, #tpu.memory_space<vmem>>
    %dma_start3A_157 = tpu.memref_squeeze %dma_start3A_156 : memref<1x128xi32, #tpu.memory_space<vmem>> -> memref<128xi32, #tpu.memory_space<vmem>>
    %dma_start3A_158 = arith.constant 0 : i32
    %dma_start3A_159 = arith.constant 0 : i32
    %dma_start3A_160 = tpu.memref_slice %arg2[%dma_start3A_158, %dma_start3A_159] : memref<40000x128xf32, #tpu.memory_space<hbm>> -> memref<40000x128xf32, #tpu.memory_space<hbm>>
    tpu.enqueue_indirect_dma source(%dma_start3A_160 : memref<40000x128xf32, #tpu.memory_space<hbm>>) target(%arg8 : memref<128x128xf32, #tpu.memory_space<vmem>>) offsets(%dma_start3A_157 : memref<128xi32, #tpu.memory_space<vmem>>) semaphore(%arg12 : memref<!tpu.dma_semaphore, #tpu.memory_space<semaphore_mem>>)
    %scan3A_161 = arith.constant 0 : i32
    %scan3A_162 = arith.constant 20 : i32
    %scan3A_163 = arith.addi %scan3A_161, %scan3A_162 : i32
    %scan3A_164 = arith.constant 1 : i32
    scf.for %scan3A_184 = %scan3A_161 to %scan3A_163 step %scan3A_164  : i32 {
      %mul3A_185 = arith.constant 1 : i32
      %mul3A_186 = arith.muli %scan3A_184, %mul3A_185 : i32
      %add3A_187 = arith.constant 0 : i32
      %add3A_188 = arith.addi %add3A_187, %mul3A_186 : i32
      %mul3A_189 = arith.constant 2 : i32
      %mul3A_190 = arith.muli %mul3A_189, %add3A_188 : i32
      %add3A_191 = arith.constant 1 : i32
      %add3A_192 = arith.addi %mul3A_190, %add3A_191 : i32
      %lt3A_193 = arith.cmpi slt, %add3A_192, %select_n3A : i32
      %convert_element_type3A_194 = arith.extui %lt3A_193 : i1 to i32
      %cond3A_195 = arith.constant 0 : i32
      %cond3A_196 = arith.cmpi ne, %convert_element_type3A_194, %cond3A_195 : i32
      scf.if %cond3A_196 {
        %dma_start3A_206 = arith.constant 0 : i32
        %dma_start3A_207 = tpu.memref_slice %arg6[%add3A_192, %dma_start3A_206] : memref<40x128xi32, #tpu.memory_space<vmem>> -> memref<1x128xi32, #tpu.memory_space<vmem>>
        %dma_start3A_208 = tpu.memref_squeeze %dma_start3A_207 : memref<1x128xi32, #tpu.memory_space<vmem>> -> memref<128xi32, #tpu.memory_space<vmem>>
        %dma_start3A_209 = arith.constant 0 : i32
        %dma_start3A_210 = arith.constant 0 : i32
        %dma_start3A_211 = tpu.memref_slice %arg2[%dma_start3A_209, %dma_start3A_210] : memref<40000x128xf32, #tpu.memory_space<hbm>> -> memref<40000x128xf32, #tpu.memory_space<hbm>>
        tpu.enqueue_indirect_dma source(%dma_start3A_211 : memref<40000x128xf32, #tpu.memory_space<hbm>>) target(%arg9 : memref<128x128xf32, #tpu.memory_space<vmem>>) offsets(%dma_start3A_208 : memref<128xi32, #tpu.memory_space<vmem>>) semaphore(%arg13 : memref<!tpu.dma_semaphore, #tpu.memory_space<semaphore_mem>>)
      } else {
      }
      %dma_wait3A = arith.constant 0 : i32
      %dma_wait3A_197 = tpu.memref_slice %arg6[%mul3A_190, %dma_wait3A] : memref<40x128xi32, #tpu.memory_space<vmem>> -> memref<1x128xi32, #tpu.memory_space<vmem>>
      %dma_wait3A_198 = tpu.memref_squeeze %dma_wait3A_197 : memref<1x128xi32, #tpu.memory_space<vmem>> -> memref<128xi32, #tpu.memory_space<vmem>>
      %dma_wait3A_199 = arith.constant 0 : i32
      %dma_wait3A_200 = arith.constant 0 : i32
      %dma_wait3A_201 = tpu.memref_slice %arg2[%dma_wait3A_199, %dma_wait3A_200] : memref<40000x128xf32, #tpu.memory_space<hbm>> -> memref<40000x128xf32, #tpu.memory_space<hbm>>
      tpu.wait_indirect_dma semaphore(%arg12 : memref<!tpu.dma_semaphore, #tpu.memory_space<semaphore_mem>>) src(%dma_wait3A_201 : memref<40000x128xf32, #tpu.memory_space<hbm>>) dst(%arg8 : memref<128x128xf32, #tpu.memory_space<vmem>>)
      "tpu.region"() ({
        %run_scoped3A = tpu.sem_alloc : memref<!tpu.dma_semaphore, #tpu.memory_space<semaphore_mem>>
        %dma_start3A_206 = arith.constant 0 : i32
        %dma_start3A_207 = tpu.memref_slice %arg7[%mul3A_190, %dma_start3A_206] : memref<40x128xi32, #tpu.memory_space<vmem>> -> memref<1x128xi32, #tpu.memory_space<vmem>>
        %dma_start3A_208 = tpu.memref_squeeze %dma_start3A_207 : memref<1x128xi32, #tpu.memory_space<vmem>> -> memref<128xi32, #tpu.memory_space<vmem>>
        %dma_start3A_209 = arith.constant 0 : i32
        %dma_start3A_210 = arith.constant 0 : i32
        %dma_start3A_211 = tpu.memref_slice %arg11[%dma_start3A_209, %dma_start3A_210] : memref<10000x128xf32, #tpu.memory_space<vmem_shared>> -> memref<10000x128xf32, #tpu.memory_space<vmem_shared>>
        tpu.enqueue_indirect_dma source(%arg8 : memref<128x128xf32, #tpu.memory_space<vmem>>) target(%dma_start3A_211 : memref<10000x128xf32, #tpu.memory_space<vmem_shared>>) offsets(%dma_start3A_208 : memref<128xi32, #tpu.memory_space<vmem>>) semaphore(%run_scoped3A : memref<!tpu.dma_semaphore, #tpu.memory_space<semaphore_mem>>) {add = true}
        %dma_wait3A_212 = arith.constant 0 : i32
        %dma_wait3A_213 = tpu.memref_slice %arg7[%mul3A_190, %dma_wait3A_212] : memref<40x128xi32, #tpu.memory_space<vmem>> -> memref<1x128xi32, #tpu.memory_space<vmem>>
        %dma_wait3A_214 = tpu.memref_squeeze %dma_wait3A_213 : memref<1x128xi32, #tpu.memory_space<vmem>> -> memref<128xi32, #tpu.memory_space<vmem>>
        %dma_wait3A_215 = arith.constant 0 : i32
        %dma_wait3A_216 = arith.constant 0 : i32
        %dma_wait3A_217 = tpu.memref_slice %arg11[%dma_wait3A_215, %dma_wait3A_216] : memref<10000x128xf32, #tpu.memory_space<vmem_shared>> -> memref<10000x128xf32, #tpu.memory_space<vmem_shared>>
        tpu.wait_indirect_dma semaphore(%run_scoped3A : memref<!tpu.dma_semaphore, #tpu.memory_space<semaphore_mem>>) src(%arg8 : memref<128x128xf32, #tpu.memory_space<vmem>>) dst(%dma_wait3A_217 : memref<10000x128xf32, #tpu.memory_space<vmem_shared>>)
        tpu.yield
      }) : () -> ()
      %lt3A_202 = arith.cmpi slt, %add3A_192, %select_n3A : i32
      %convert_element_type3A_203 = arith.extui %lt3A_202 : i1 to i32
      %cond3A_204 = arith.constant 0 : i32
      %cond3A_205 = arith.cmpi ne, %convert_element_type3A_203, %cond3A_204 : i32
      scf.if %cond3A_205 {
        %dma_wait3A_206 = arith.constant 0 : i32
        %dma_wait3A_207 = tpu.memref_slice %arg6[%add3A_192, %dma_wait3A_206] : memref<40x128xi32, #tpu.memory_space<vmem>> -> memref<1x128xi32, #tpu.memory_space<vmem>>
        %dma_wait3A_208 = tpu.memref_squeeze %dma_wait3A_207 : memref<1x128xi32, #tpu.memory_space<vmem>> -> memref<128xi32, #tpu.memory_space<vmem>>
        %dma_wait3A_209 = arith.constant 0 : i32
        %dma_wait3A_210 = arith.constant 0 : i32
        %dma_wait3A_211 = tpu.memref_slice %arg2[%dma_wait3A_209, %dma_wait3A_210] : memref<40000x128xf32, #tpu.memory_space<hbm>> -> memref<40000x128xf32, #tpu.memory_space<hbm>>
        tpu.wait_indirect_dma semaphore(%arg13 : memref<!tpu.dma_semaphore, #tpu.memory_space<semaphore_mem>>) src(%dma_wait3A_211 : memref<40000x128xf32, #tpu.memory_space<hbm>>) dst(%arg9 : memref<128x128xf32, #tpu.memory_space<vmem>>)
        %add3A_212 = arith.constant 1 : i32
        %add3A_213 = arith.addi %add3A_192, %add3A_212 : i32
        %lt3A_214 = arith.cmpi slt, %add3A_213, %select_n3A : i32
        %convert_element_type3A_215 = arith.extui %lt3A_214 : i1 to i32
        %cond3A_216 = arith.constant 0 : i32
        %cond3A_217 = arith.cmpi ne, %convert_element_type3A_215, %cond3A_216 : i32
        scf.if %cond3A_217 {
          %add3A_218 = arith.constant 1 : i32
          %add3A_219 = arith.addi %add3A_192, %add3A_218 : i32
          %dma_start3A_220 = arith.constant 0 : i32
          %dma_start3A_221 = tpu.memref_slice %arg6[%add3A_219, %dma_start3A_220] : memref<40x128xi32, #tpu.memory_space<vmem>> -> memref<1x128xi32, #tpu.memory_space<vmem>>
          %dma_start3A_222 = tpu.memref_squeeze %dma_start3A_221 : memref<1x128xi32, #tpu.memory_space<vmem>> -> memref<128xi32, #tpu.memory_space<vmem>>
          %dma_start3A_223 = arith.constant 0 : i32
          %dma_start3A_224 = arith.constant 0 : i32
          %dma_start3A_225 = tpu.memref_slice %arg2[%dma_start3A_223, %dma_start3A_224] : memref<40000x128xf32, #tpu.memory_space<hbm>> -> memref<40000x128xf32, #tpu.memory_space<hbm>>
          tpu.enqueue_indirect_dma source(%dma_start3A_225 : memref<40000x128xf32, #tpu.memory_space<hbm>>) target(%arg8 : memref<128x128xf32, #tpu.memory_space<vmem>>) offsets(%dma_start3A_222 : memref<128xi32, #tpu.memory_space<vmem>>) semaphore(%arg12 : memref<!tpu.dma_semaphore, #tpu.memory_space<semaphore_mem>>)
        } else {
        }
        "tpu.region"() ({
          %run_scoped3A = tpu.sem_alloc : memref<!tpu.dma_semaphore, #tpu.memory_space<semaphore_mem>>
          %dma_start3A_218 = arith.constant 0 : i32
          %dma_start3A_219 = tpu.memref_slice %arg7[%add3A_192, %dma_start3A_218] : memref<40x128xi32, #tpu.memory_space<vmem>> -> memref<1x128xi32, #tpu.memory_space<vmem>>
          %dma_start3A_220 = tpu.memref_squeeze %dma_start3A_219 : memref<1x128xi32, #tpu.memory_space<vmem>> -> memref<128xi32, #tpu.memory_space<vmem>>
          %dma_start3A_221 = arith.constant 0 : i32
          %dma_start3A_222 = arith.constant 0 : i32
          %dma_start3A_223 = tpu.memref_slice %arg11[%dma_start3A_221, %dma_start3A_222] : memref<10000x128xf32, #tpu.memory_space<vmem_shared>> -> memref<10000x128xf32, #tpu.memory_space<vmem_shared>>
          tpu.enqueue_indirect_dma source(%arg9 : memref<128x128xf32, #tpu.memory_space<vmem>>) target(%dma_start3A_223 : memref<10000x128xf32, #tpu.memory_space<vmem_shared>>) offsets(%dma_start3A_220 : memref<128xi32, #tpu.memory_space<vmem>>) semaphore(%run_scoped3A : memref<!tpu.dma_semaphore, #tpu.memory_space<semaphore_mem>>) {add = true}
          %dma_wait3A_224 = arith.constant 0 : i32
          %dma_wait3A_225 = tpu.memref_slice %arg7[%add3A_192, %dma_wait3A_224] : memref<40x128xi32, #tpu.memory_space<vmem>> -> memref<1x128xi32, #tpu.memory_space<vmem>>
          %dma_wait3A_226 = tpu.memref_squeeze %dma_wait3A_225 : memref<1x128xi32, #tpu.memory_space<vmem>> -> memref<128xi32, #tpu.memory_space<vmem>>
          %dma_wait3A_227 = arith.constant 0 : i32
          %dma_wait3A_228 = arith.constant 0 : i32
          %dma_wait3A_229 = tpu.memref_slice %arg11[%dma_wait3A_227, %dma_wait3A_228] : memref<10000x128xf32, #tpu.memory_space<vmem_shared>> -> memref<10000x128xf32, #tpu.memory_space<vmem_shared>>
          tpu.wait_indirect_dma semaphore(%run_scoped3A : memref<!tpu.dma_semaphore, #tpu.memory_space<semaphore_mem>>) src(%arg9 : memref<128x128xf32, #tpu.memory_space<vmem>>) dst(%dma_wait3A_229 : memref<10000x128xf32, #tpu.memory_space<vmem_shared>>)
          tpu.yield
        }) : () -> ()
      } else {
      }
    }
    %scan3A_165 = arith.constant 20 : i32
    %barrier3A_166 = arith.constant 0 : index
    tpu.barrier barrier_id(%barrier3A_166)
    %mul3A_167 = arith.constant 4 : i32
    %mul3A_168 = arith.muli %arg0, %mul3A_167 : i32
    %add3A_169 = arith.constant 3 : i32
    %add3A_170 = arith.addi %mul3A_168, %add3A_169 : i32
    %mul3A_171 = arith.constant 10000 : i32
    %mul3A_172 = arith.muli %add3A_170, %mul3A_171 : i32
    %mul3A_173 = arith.constant 624 : i32
    %mul3A_174 = arith.muli %arg1, %mul3A_173 : i32
    %mul3A_175 = arith.constant 624 : i32
    %mul3A_176 = arith.muli %arg1, %mul3A_175 : i32
    %add3A_177 = arith.addi %mul3A_172, %mul3A_176 : i32
    "tpu.region"() ({
      %run_scoped3A = tpu.sem_alloc : memref<!tpu.dma_semaphore, #tpu.memory_space<semaphore_mem>>
      %dma_start3A_184 = arith.constant 0 : i32
      %dma_start3A_185 = tpu.memref_slice %arg5[%add3A_177, %dma_start3A_184] : memref<80000x128xf32, #tpu.memory_space<hbm>> -> memref<624x128xf32, #tpu.memory_space<hbm>>
      %dma_start3A_186 = arith.constant 0 : i32
      %dma_start3A_187 = tpu.memref_slice %arg11[%mul3A_174, %dma_start3A_186] : memref<10000x128xf32, #tpu.memory_space<vmem_shared>> -> memref<624x128xf32, #tpu.memory_space<vmem_shared>>
      tpu.enqueue_dma source(%dma_start3A_187 : memref<624x128xf32, #tpu.memory_space<vmem_shared>>) target(%dma_start3A_185 : memref<624x128xf32, #tpu.memory_space<hbm>>) target_semaphore(%run_scoped3A : memref<!tpu.dma_semaphore, #tpu.memory_space<semaphore_mem>>)
      %dma_wait3A = arith.constant 0 : i32
      %dma_wait3A_188 = tpu.memref_slice %arg5[%add3A_177, %dma_wait3A] : memref<80000x128xf32, #tpu.memory_space<hbm>> -> memref<624x128xf32, #tpu.memory_space<hbm>>
      %dma_wait3A_189 = arith.constant 0 : i32
      %dma_wait3A_190 = tpu.memref_slice %arg11[%mul3A_174, %dma_wait3A_189] : memref<10000x128xf32, #tpu.memory_space<vmem_shared>> -> memref<624x128xf32, #tpu.memory_space<vmem_shared>>
      tpu.wait_dma2 semaphore(%run_scoped3A : memref<!tpu.dma_semaphore, #tpu.memory_space<semaphore_mem>>) src(%dma_wait3A_190 : memref<624x128xf32, #tpu.memory_space<vmem_shared>>) dst(%dma_wait3A_188 : memref<624x128xf32, #tpu.memory_space<hbm>>)
      tpu.yield
    }) : () -> ()
    %eq3A_178 = arith.constant 15 : i32
    %eq3A_179 = arith.cmpi eq, %arg1, %eq3A_178 : i32
    %convert_element_type3A_180 = arith.extui %eq3A_179 : i1 to i32
    %cond3A_181 = arith.constant 0 : i32
    %cond3A_182 = arith.cmpi ne, %convert_element_type3A_180, %cond3A_181 : i32
    scf.if %cond3A_182 {
      %add3A_184 = arith.constant 9984 : i32
      %add3A_185 = arith.addi %mul3A_172, %add3A_184 : i32
      "tpu.region"() ({
        %run_scoped3A = tpu.sem_alloc : memref<!tpu.dma_semaphore, #tpu.memory_space<semaphore_mem>>
        %dma_start3A_186 = arith.constant 0 : i32
        %dma_start3A_187 = tpu.memref_slice %arg5[%add3A_185, %dma_start3A_186] : memref<80000x128xf32, #tpu.memory_space<hbm>> -> memref<16x128xf32, #tpu.memory_space<hbm>>
        %dma_start3A_188 = arith.constant 9984 : i32
        %dma_start3A_189 = arith.constant 0 : i32
        %dma_start3A_190 = tpu.memref_slice %arg11[%dma_start3A_188, %dma_start3A_189] : memref<10000x128xf32, #tpu.memory_space<vmem_shared>> -> memref<16x128xf32, #tpu.memory_space<vmem_shared>>
        tpu.enqueue_dma source(%dma_start3A_190 : memref<16x128xf32, #tpu.memory_space<vmem_shared>>) target(%dma_start3A_187 : memref<16x128xf32, #tpu.memory_space<hbm>>) target_semaphore(%run_scoped3A : memref<!tpu.dma_semaphore, #tpu.memory_space<semaphore_mem>>)
        %dma_wait3A = arith.constant 0 : i32
        %dma_wait3A_191 = tpu.memref_slice %arg5[%add3A_185, %dma_wait3A] : memref<80000x128xf32, #tpu.memory_space<hbm>> -> memref<16x128xf32, #tpu.memory_space<hbm>>
        %dma_wait3A_192 = arith.constant 9984 : i32
        %dma_wait3A_193 = arith.constant 0 : i32
        %dma_wait3A_194 = tpu.memref_slice %arg11[%dma_wait3A_192, %dma_wait3A_193] : memref<10000x128xf32, #tpu.memory_space<vmem_shared>> -> memref<16x128xf32, #tpu.memory_space<vmem_shared>>
        tpu.wait_dma2 semaphore(%run_scoped3A : memref<!tpu.dma_semaphore, #tpu.memory_space<semaphore_mem>>) src(%dma_wait3A_194 : memref<16x128xf32, #tpu.memory_space<vmem_shared>>) dst(%dma_wait3A_191 : memref<16x128xf32, #tpu.memory_space<hbm>>)
        tpu.yield
      }) : () -> ()
    } else {
    }
    %barrier3A_183 = arith.constant 0 : index
    tpu.barrier barrier_id(%barrier3A_183)
    return
  }
}

#map = affine_map<(d0, d1) -> (0, 0)>
module attributes {stable_mosaic.version = 14 : i64} {
  func.func @sc_kernel(%arg0: i32, %arg1: i32, %arg2: memref<40000x128xf32, #tpu.memory_space<hbm>>, %arg3: memref<5120x128xi32, #tpu.memory_space<hbm>>, %arg4: memref<1280x128xi32, #tpu.memory_space<hbm>>, %arg5: memref<80000x128xf32, #tpu.memory_space<hbm>>, %arg6: memref<40x128xi32, #tpu.memory_space<vmem>>, %arg7: memref<40x128xi32, #tpu.memory_space<vmem>>, %arg8: memref<128x128xf32, #tpu.memory_space<vmem>>, %arg9: memref<128x128xf32, #tpu.memory_space<vmem>>, %arg10: memref<24x128xf32, #tpu.memory_space<vmem>>, %arg11: memref<10000x128xf32, #tpu.memory_space<vmem_shared>>, %arg12: memref<!tpu.dma_semaphore, #tpu.memory_space<semaphore_mem>>, %arg13: memref<!tpu.dma_semaphore, #tpu.memory_space<semaphore_mem>>) attributes {dimension_semantics = [#tpu.dimension_semantics<core_parallel>, #tpu.dimension_semantics<subcore_parallel>], iteration_bounds = array<i64: 2, 16>, scalar_prefetch = 0 : i64, scratch_operands = 8 : i64, tpu.core_type = #tpu.core_type<sc_vector_subcore>, window_params = [{transform_indices = #map}, {transform_indices = #map}, {transform_indices = #map}, {transform_indices = #map}]} {
    %mul3A = arith.constant 16 : i32
    %mul3A_0 = arith.muli %arg0, %mul3A : i32
    %add3A = arith.addi %mul3A_0, %arg1 : i32
    %lt3A = arith.constant 2 : i32
    %lt3A_1 = arith.cmpi slt, %add3A, %lt3A : i32
    %jit3A = arith.constant 40 : i32
    %jit3A_2 = arith.constant 39 : i32
    %select_n3A = arith.select %lt3A_1, %jit3A, %jit3A_2 : i32
    %scan3A = arith.constant 0 : i32
    %scan3A_3 = arith.constant 24 : i32
    %scan3A_4 = arith.addi %scan3A, %scan3A_3 : i32
    %scan3A_5 = arith.constant 1 : i32
    scf.for %scan3A_184 = %scan3A to %scan3A_4 step %scan3A_5  : i32 {
      %mul3A_185 = arith.constant 1 : i32
      %mul3A_186 = arith.muli %scan3A_184, %mul3A_185 : i32
      %add3A_187 = arith.constant 0 : i32
      %add3A_188 = arith.addi %add3A_187, %mul3A_186 : i32
      %scan3A_189 = arith.constant 0 : i32
      %scan3A_190 = arith.constant 8 : i32
      %scan3A_191 = arith.addi %scan3A_189, %scan3A_190 : i32
      %scan3A_192 = arith.constant 1 : i32
      scf.for %scan3A_194 = %scan3A_189 to %scan3A_191 step %scan3A_192  : i32 {
        %mul3A_195 = arith.constant 16 : i32
        %mul3A_196 = arith.muli %scan3A_194, %mul3A_195 : i32
        %add3A_197 = arith.constant 0 : i32
        %add3A_198 = arith.addi %add3A_197, %mul3A_196 : i32
        %broadcast_in_dim3A = arith.constant 0.000000e+00 : f32
        %broadcast_in_dim3A_199 = vector.broadcast %broadcast_in_dim3A : f32 to vector<16xf32>
        %swap3A = arith.index_cast %add3A_188 : i32 to index
        %swap3A_200 = arith.index_cast %add3A_198 : i32 to index
        %swap3A_201 = tpu.vector_load %arg10[%swap3A, %swap3A_200] {strides = array<i32>} : memref<24x128xf32, #tpu.memory_space<vmem>>, vector<1x16xf32>,
        %swap3A_202 = vector.shape_cast %swap3A_201 : vector<1x16xf32> to vector<16xf32>
        %swap3A_203 = vector.shape_cast %broadcast_in_dim3A_199 : vector<16xf32> to vector<1x16xf32>
        tpu.vector_store %arg10[%swap3A, %swap3A_200], %swap3A_203 {strides = array<i32>} : memref<24x128xf32, #tpu.memory_space<vmem>>, vector<1x16xf32>,
      }
      %scan3A_193 = arith.constant 8 : i32
    }
    %scan3A_6 = arith.constant 24 : i32
    %mul3A_7 = arith.constant 40 : i32
    %mul3A_8 = arith.muli %add3A, %mul3A_7 : i32
    "tpu.region"() ({
      %run_scoped3A = tpu.sem_alloc : memref<!tpu.dma_semaphore, #tpu.memory_space<semaphore_mem>>
      %dma_start3A_184 = arith.constant 0 : i32
      %dma_start3A_185 = tpu.memref_slice %arg4[%mul3A_8, %dma_start3A_184] : memref<1280x128xi32, #tpu.memory_space<hbm>> -> memref<40x128xi32, #tpu.memory_space<hbm>>
      %dma_start3A_186 = arith.constant 0 : i32
      %dma_start3A_187 = tpu.memref_slice %arg4[%mul3A_8, %dma_start3A_186] : memref<1280x128xi32, #tpu.memory_space<hbm>> -> memref<40x128xi32, #tpu.memory_space<hbm>>
      tpu.enqueue_dma source(%dma_start3A_187 : memref<40x128xi32, #tpu.memory_space<hbm>>) target(%arg7 : memref<40x128xi32, #tpu.memory_space<vmem>>) target_semaphore(%run_scoped3A : memref<!tpu.dma_semaphore, #tpu.memory_space<semaphore_mem>>)
      %dma_wait3A = arith.constant 0 : i32
      %dma_wait3A_188 = tpu.memref_slice %arg4[%mul3A_8, %dma_wait3A] : memref<1280x128xi32, #tpu.memory_space<hbm>> -> memref<40x128xi32, #tpu.memory_space<hbm>>
      %dma_wait3A_189 = arith.constant 0 : i32
      %dma_wait3A_190 = tpu.memref_slice %arg4[%mul3A_8, %dma_wait3A_189] : memref<1280x128xi32, #tpu.memory_space<hbm>> -> memref<40x128xi32, #tpu.memory_space<hbm>>
      tpu.wait_dma2 semaphore(%run_scoped3A : memref<!tpu.dma_semaphore, #tpu.memory_space<semaphore_mem>>) src(%dma_wait3A_190 : memref<40x128xi32, #tpu.memory_space<hbm>>) dst(%arg7 : memref<40x128xi32, #tpu.memory_space<vmem>>)
      tpu.yield
    }) : () -> ()
    %scan3A_9 = arith.constant 0 : i32
    %scan3A_10 = arith.constant 26 : i32
    %scan3A_11 = arith.addi %scan3A_9, %scan3A_10 : i32
    %scan3A_12 = arith.constant 1 : i32
    scf.for %scan3A_184 = %scan3A_9 to %scan3A_11 step %scan3A_12  : i32 {
      %mul3A_185 = arith.constant 1 : i32
      %mul3A_186 = arith.muli %scan3A_184, %mul3A_185 : i32
      %add3A_187 = arith.constant 0 : i32
      %add3A_188 = arith.addi %add3A_187, %mul3A_186 : i32
      %mul3A_189 = arith.constant 624 : i32
      %mul3A_190 = arith.muli %arg1, %mul3A_189 : i32
      %mul3A_191 = arith.constant 24 : i32
      %mul3A_192 = arith.muli %add3A_188, %mul3A_191 : i32
      %add3A_193 = arith.addi %mul3A_190, %mul3A_192 : i32
      "tpu.region"() ({
        %run_scoped3A = tpu.sem_alloc : memref<!tpu.dma_semaphore, #tpu.memory_space<semaphore_mem>>
        %dma_start3A_194 = arith.constant 0 : i32
        %dma_start3A_195 = arith.constant 0 : i32
        %dma_start3A_196 = tpu.memref_slice %arg10[%dma_start3A_194, %dma_start3A_195] : memref<24x128xf32, #tpu.memory_space<vmem>> -> memref<24x128xf32, #tpu.memory_space<vmem>>
        %dma_start3A_197 = arith.constant 0 : i32
        %dma_start3A_198 = tpu.memref_slice %arg11[%add3A_193, %dma_start3A_197] : memref<10000x128xf32, #tpu.memory_space<vmem_shared>> -> memref<24x128xf32, #tpu.memory_space<vmem_shared>>
        %dma_start3A_199 = arith.constant 0 : i32
        %dma_start3A_200 = tpu.memref_slice %arg11[%add3A_193, %dma_start3A_199] : memref<10000x128xf32, #tpu.memory_space<vmem_shared>> -> memref<24x128xf32, #tpu.memory_space<vmem_shared>>
        %dma_start3A_201 = arith.constant 0 : i32
        %dma_start3A_202 = arith.constant 0 : i32
        %dma_start3A_203 = tpu.memref_slice %arg10[%dma_start3A_201, %dma_start3A_202] : memref<24x128xf32, #tpu.memory_space<vmem>> -> memref<24x128xf32, #tpu.memory_space<vmem>>
        tpu.enqueue_dma source(%dma_start3A_203 : memref<24x128xf32, #tpu.memory_space<vmem>>) target(%dma_start3A_200 : memref<24x128xf32, #tpu.memory_space<vmem_shared>>) target_semaphore(%run_scoped3A : memref<!tpu.dma_semaphore, #tpu.memory_space<semaphore_mem>>)
        %dma_wait3A = arith.constant 0 : i32
        %dma_wait3A_204 = arith.constant 0 : i32
        %dma_wait3A_205 = tpu.memref_slice %arg10[%dma_wait3A, %dma_wait3A_204] : memref<24x128xf32, #tpu.memory_space<vmem>> -> memref<24x128xf32, #tpu.memory_space<vmem>>
        %dma_wait3A_206 = arith.constant 0 : i32
        %dma_wait3A_207 = tpu.memref_slice %arg11[%add3A_193, %dma_wait3A_206] : memref<10000x128xf32, #tpu.memory_space<vmem_shared>> -> memref<24x128xf32, #tpu.memory_space<vmem_shared>>
        %dma_wait3A_208 = arith.constant 0 : i32
        %dma_wait3A_209 = tpu.memref_slice %arg11[%add3A_193, %dma_wait3A_208] : memref<10000x128xf32, #tpu.memory_space<vmem_shared>> -> memref<24x128xf32, #tpu.memory_space<vmem_shared>>
        %dma_wait3A_210 = arith.constant 0 : i32
        %dma_wait3A_211 = arith.constant 0 : i32
        %dma_wait3A_212 = tpu.memref_slice %arg10[%dma_wait3A_210, %dma_wait3A_211] : memref<24x128xf32, #tpu.memory_space<vmem>> -> memref<24x128xf32, #tpu.memory_space<vmem>>
        tpu.wait_dma2 semaphore(%run_scoped3A : memref<!tpu.dma_semaphore, #tpu.memory_space<semaphore_mem>>) src(%dma_wait3A_212 : memref<24x128xf32, #tpu.memory_space<vmem>>) dst(%dma_wait3A_209 : memref<24x128xf32, #tpu.memory_space<vmem_shared>>)
        tpu.yield
      }) : () -> ()
    }
    %scan3A_13 = arith.constant 26 : i32
    %eq3A = arith.constant 15 : i32
    %eq3A_14 = arith.cmpi eq, %arg1, %eq3A : i32
    %convert_element_type3A = arith.extui %eq3A_14 : i1 to i32
    %cond3A = arith.constant 0 : i32
    %cond3A_15 = arith.cmpi ne, %convert_element_type3A, %cond3A : i32
    scf.if %cond3A_15 {
      "tpu.region"() ({
        %run_scoped3A = tpu.sem_alloc : memref<!tpu.dma_semaphore, #tpu.memory_space<semaphore_mem>>
        %dma_start3A_184 = arith.constant 0 : i32
        %dma_start3A_185 = arith.constant 0 : i32
        %dma_start3A_186 = tpu.memref_slice %arg10[%dma_start3A_184, %dma_start3A_185] : memref<24x128xf32, #tpu.memory_space<vmem>> -> memref<16x128xf32, #tpu.memory_space<vmem>>
        %dma_start3A_187 = arith.constant 9984 : i32
        %dma_start3A_188 = arith.constant 0 : i32
        %dma_start3A_189 = tpu.memref_slice %arg11[%dma_start3A_187, %dma_start3A_188] : memref<10000x128xf32, #tpu.memory_space<vmem_shared>> -> memref<16x128xf32, #tpu.memory_space<vmem_shared>>
        %dma_start3A_190 = arith.constant 9984 : i32
        %dma_start3A_191 = arith.constant 0 : i32
        %dma_start3A_192 = tpu.memref_slice %arg11[%dma_start3A_190, %dma_start3A_191] : memref<10000x128xf32, #tpu.memory_space<vmem_shared>> -> memref<16x128xf32, #tpu.memory_space<vmem_shared>>
        %dma_start3A_193 = arith.constant 0 : i32
        %dma_start3A_194 = arith.constant 0 : i32
        %dma_start3A_195 = tpu.memref_slice %arg10[%dma_start3A_193, %dma_start3A_194] : memref<24x128xf32, #tpu.memory_space<vmem>> -> memref<16x128xf32, #tpu.memory_space<vmem>>
        tpu.enqueue_dma source(%dma_start3A_195 : memref<16x128xf32, #tpu.memory_space<vmem>>) target(%dma_start3A_192 : memref<16x128xf32, #tpu.memory_space<vmem_shared>>) target_semaphore(%run_scoped3A : memref<!tpu.dma_semaphore, #tpu.memory_space<semaphore_mem>>)
        %dma_wait3A = arith.constant 0 : i32
        %dma_wait3A_196 = arith.constant 0 : i32
        %dma_wait3A_197 = tpu.memref_slice %arg10[%dma_wait3A, %dma_wait3A_196] : memref<24x128xf32, #tpu.memory_space<vmem>> -> memref<16x128xf32, #tpu.memory_space<vmem>>
        %dma_wait3A_198 = arith.constant 9984 : i32
        %dma_wait3A_199 = arith.constant 0 : i32
        %dma_wait3A_200 = tpu.memref_slice %arg11[%dma_wait3A_198, %dma_wait3A_199] : memref<10000x128xf32, #tpu.memory_space<vmem_shared>> -> memref<16x128xf32, #tpu.memory_space<vmem_shared>>
        %dma_wait3A_201 = arith.constant 9984 : i32
        %dma_wait3A_202 = arith.constant 0 : i32
        %dma_wait3A_203 = tpu.memref_slice %arg11[%dma_wait3A_201, %dma_wait3A_202] : memref<10000x128xf32, #tpu.memory_space<vmem_shared>> -> memref<16x128xf32, #tpu.memory_space<vmem_shared>>
        %dma_wait3A_204 = arith.constant 0 : i32
        %dma_wait3A_205 = arith.constant 0 : i32
        %dma_wait3A_206 = tpu.memref_slice %arg10[%dma_wait3A_204, %dma_wait3A_205] : memref<24x128xf32, #tpu.memory_space<vmem>> -> memref<16x128xf32, #tpu.memory_space<vmem>>
        tpu.wait_dma2 semaphore(%run_scoped3A : memref<!tpu.dma_semaphore, #tpu.memory_space<semaphore_mem>>) src(%dma_wait3A_206 : memref<16x128xf32, #tpu.memory_space<vmem>>) dst(%dma_wait3A_203 : memref<16x128xf32, #tpu.memory_space<vmem_shared>>)
        tpu.yield
      }) : () -> ()
    } else {
    }
    %add3A_16 = arith.constant 0 : i32
    %add3A_17 = arith.addi %add3A_16, %add3A : i32
    %mul3A_18 = arith.constant 40 : i32
    %mul3A_19 = arith.muli %add3A_17, %mul3A_18 : i32
    "tpu.region"() ({
      %run_scoped3A = tpu.sem_alloc : memref<!tpu.dma_semaphore, #tpu.memory_space<semaphore_mem>>
      %dma_start3A_184 = arith.constant 0 : i32
      %dma_start3A_185 = tpu.memref_slice %arg3[%mul3A_19, %dma_start3A_184] : memref<5120x128xi32, #tpu.memory_space<hbm>> -> memref<40x128xi32, #tpu.memory_space<hbm>>
      %dma_start3A_186 = arith.constant 0 : i32
      %dma_start3A_187 = tpu.memref_slice %arg3[%mul3A_19, %dma_start3A_186] : memref<5120x128xi32, #tpu.memory_space<hbm>> -> memref<40x128xi32, #tpu.memory_space<hbm>>
      tpu.enqueue_dma source(%dma_start3A_187 : memref<40x128xi32, #tpu.memory_space<hbm>>) target(%arg6 : memref<40x128xi32, #tpu.memory_space<vmem>>) target_semaphore(%run_scoped3A : memref<!tpu.dma_semaphore, #tpu.memory_space<semaphore_mem>>)
      %dma_wait3A = arith.constant 0 : i32
      %dma_wait3A_188 = tpu.memref_slice %arg3[%mul3A_19, %dma_wait3A] : memref<5120x128xi32, #tpu.memory_space<hbm>> -> memref<40x128xi32, #tpu.memory_space<hbm>>
      %dma_wait3A_189 = arith.constant 0 : i32
      %dma_wait3A_190 = tpu.memref_slice %arg3[%mul3A_19, %dma_wait3A_189] : memref<5120x128xi32, #tpu.memory_space<hbm>> -> memref<40x128xi32, #tpu.memory_space<hbm>>
      tpu.wait_dma2 semaphore(%run_scoped3A : memref<!tpu.dma_semaphore, #tpu.memory_space<semaphore_mem>>) src(%dma_wait3A_190 : memref<40x128xi32, #tpu.memory_space<hbm>>) dst(%arg6 : memref<40x128xi32, #tpu.memory_space<vmem>>)
      tpu.yield
    }) : () -> ()
    %barrier3A = arith.constant 0 : index
    tpu.barrier barrier_id(%barrier3A)
    %dma_start3A = arith.constant 0 : i32
    %dma_start3A_20 = arith.constant 0 : i32
    %dma_start3A_21 = tpu.memref_slice %arg6[%dma_start3A, %dma_start3A_20] : memref<40x128xi32, #tpu.memory_space<vmem>> -> memref<1x128xi32, #tpu.memory_space<vmem>>
    %dma_start3A_22 = tpu.memref_squeeze %dma_start3A_21 : memref<1x128xi32, #tpu.memory_space<vmem>> -> memref<128xi32, #tpu.memory_space<vmem>>
    %dma_start3A_23 = arith.constant 0 : i32
    %dma_start3A_24 = arith.constant 0 : i32
    %dma_start3A_25 = tpu.memref_slice %arg2[%dma_start3A_23, %dma_start3A_24] : memref<40000x128xf32, #tpu.memory_space<hbm>> -> memref<40000x128xf32, #tpu.memory_space<hbm>>
    tpu.enqueue_indirect_dma source(%dma_start3A_25 : memref<40000x128xf32, #tpu.memory_space<hbm>>) target(%arg8 : memref<128x128xf32, #tpu.memory_space<vmem>>) offsets(%dma_start3A_22 : memref<128xi32, #tpu.memory_space<vmem>>) semaphore(%arg12 : memref<!tpu.dma_semaphore, #tpu.memory_space<semaphore_mem>>)
    %scan3A_26 = arith.constant 0 : i32
    %scan3A_27 = arith.constant 20 : i32
    %scan3A_28 = arith.addi %scan3A_26, %scan3A_27 : i32
    %scan3A_29 = arith.constant 1 : i32
    scf.for %scan3A_184 = %scan3A_26 to %scan3A_28 step %scan3A_29  : i32 {
      %mul3A_185 = arith.constant 1 : i32
      %mul3A_186 = arith.muli %scan3A_184, %mul3A_185 : i32
      %add3A_187 = arith.constant 0 : i32
      %add3A_188 = arith.addi %add3A_187, %mul3A_186 : i32
      %mul3A_189 = arith.constant 2 : i32
      %mul3A_190 = arith.muli %mul3A_189, %add3A_188 : i32
      %add3A_191 = arith.constant 1 : i32
      %add3A_192 = arith.addi %mul3A_190, %add3A_191 : i32
      %lt3A_193 = arith.cmpi slt, %add3A_192, %select_n3A : i32
      %convert_element_type3A_194 = arith.extui %lt3A_193 : i1 to i32
      %cond3A_195 = arith.constant 0 : i32
      %cond3A_196 = arith.cmpi ne, %convert_element_type3A_194, %cond3A_195 : i32
      scf.if %cond3A_196 {
        %dma_start3A_206 = arith.constant 0 : i32
        %dma_start3A_207 = tpu.memref_slice %arg6[%add3A_192, %dma_start3A_206] : memref<40x128xi32, #tpu.memory_space<vmem>> -> memref<1x128xi32, #tpu.memory_space<vmem>>
        %dma_start3A_208 = tpu.memref_squeeze %dma_start3A_207 : memref<1x128xi32, #tpu.memory_space<vmem>> -> memref<128xi32, #tpu.memory_space<vmem>>
        %dma_start3A_209 = arith.constant 0 : i32
        %dma_start3A_210 = arith.constant 0 : i32
        %dma_start3A_211 = tpu.memref_slice %arg2[%dma_start3A_209, %dma_start3A_210] : memref<40000x128xf32, #tpu.memory_space<hbm>> -> memref<40000x128xf32, #tpu.memory_space<hbm>>
        tpu.enqueue_indirect_dma source(%dma_start3A_211 : memref<40000x128xf32, #tpu.memory_space<hbm>>) target(%arg9 : memref<128x128xf32, #tpu.memory_space<vmem>>) offsets(%dma_start3A_208 : memref<128xi32, #tpu.memory_space<vmem>>) semaphore(%arg13 : memref<!tpu.dma_semaphore, #tpu.memory_space<semaphore_mem>>)
      } else {
      }
      %dma_wait3A = arith.constant 0 : i32
      %dma_wait3A_197 = tpu.memref_slice %arg6[%mul3A_190, %dma_wait3A] : memref<40x128xi32, #tpu.memory_space<vmem>> -> memref<1x128xi32, #tpu.memory_space<vmem>>
      %dma_wait3A_198 = tpu.memref_squeeze %dma_wait3A_197 : memref<1x128xi32, #tpu.memory_space<vmem>> -> memref<128xi32, #tpu.memory_space<vmem>>
      %dma_wait3A_199 = arith.constant 0 : i32
      %dma_wait3A_200 = arith.constant 0 : i32
      %dma_wait3A_201 = tpu.memref_slice %arg2[%dma_wait3A_199, %dma_wait3A_200] : memref<40000x128xf32, #tpu.memory_space<hbm>> -> memref<40000x128xf32, #tpu.memory_space<hbm>>
      tpu.wait_indirect_dma semaphore(%arg12 : memref<!tpu.dma_semaphore, #tpu.memory_space<semaphore_mem>>) src(%dma_wait3A_201 : memref<40000x128xf32, #tpu.memory_space<hbm>>) dst(%arg8 : memref<128x128xf32, #tpu.memory_space<vmem>>)
      "tpu.region"() ({
        %run_scoped3A = tpu.sem_alloc : memref<!tpu.dma_semaphore, #tpu.memory_space<semaphore_mem>>
        %dma_start3A_206 = arith.constant 0 : i32
        %dma_start3A_207 = tpu.memref_slice %arg7[%mul3A_190, %dma_start3A_206] : memref<40x128xi32, #tpu.memory_space<vmem>> -> memref<1x128xi32, #tpu.memory_space<vmem>>
        %dma_start3A_208 = tpu.memref_squeeze %dma_start3A_207 : memref<1x128xi32, #tpu.memory_space<vmem>> -> memref<128xi32, #tpu.memory_space<vmem>>
        %dma_start3A_209 = arith.constant 0 : i32
        %dma_start3A_210 = arith.constant 0 : i32
        %dma_start3A_211 = tpu.memref_slice %arg11[%dma_start3A_209, %dma_start3A_210] : memref<10000x128xf32, #tpu.memory_space<vmem_shared>> -> memref<10000x128xf32, #tpu.memory_space<vmem_shared>>
        tpu.enqueue_indirect_dma source(%arg8 : memref<128x128xf32, #tpu.memory_space<vmem>>) target(%dma_start3A_211 : memref<10000x128xf32, #tpu.memory_space<vmem_shared>>) offsets(%dma_start3A_208 : memref<128xi32, #tpu.memory_space<vmem>>) semaphore(%run_scoped3A : memref<!tpu.dma_semaphore, #tpu.memory_space<semaphore_mem>>) {add = true}
        %dma_wait3A_212 = arith.constant 0 : i32
        %dma_wait3A_213 = tpu.memref_slice %arg7[%mul3A_190, %dma_wait3A_212] : memref<40x128xi32, #tpu.memory_space<vmem>> -> memref<1x128xi32, #tpu.memory_space<vmem>>
        %dma_wait3A_214 = tpu.memref_squeeze %dma_wait3A_213 : memref<1x128xi32, #tpu.memory_space<vmem>> -> memref<128xi32, #tpu.memory_space<vmem>>
        %dma_wait3A_215 = arith.constant 0 : i32
        %dma_wait3A_216 = arith.constant 0 : i32
        %dma_wait3A_217 = tpu.memref_slice %arg11[%dma_wait3A_215, %dma_wait3A_216] : memref<10000x128xf32, #tpu.memory_space<vmem_shared>> -> memref<10000x128xf32, #tpu.memory_space<vmem_shared>>
        tpu.wait_indirect_dma semaphore(%run_scoped3A : memref<!tpu.dma_semaphore, #tpu.memory_space<semaphore_mem>>) src(%arg8 : memref<128x128xf32, #tpu.memory_space<vmem>>) dst(%dma_wait3A_217 : memref<10000x128xf32, #tpu.memory_space<vmem_shared>>)
        tpu.yield
      }) : () -> ()
      %lt3A_202 = arith.cmpi slt, %add3A_192, %select_n3A : i32
      %convert_element_type3A_203 = arith.extui %lt3A_202 : i1 to i32
      %cond3A_204 = arith.constant 0 : i32
      %cond3A_205 = arith.cmpi ne, %convert_element_type3A_203, %cond3A_204 : i32
      scf.if %cond3A_205 {
        %dma_wait3A_206 = arith.constant 0 : i32
        %dma_wait3A_207 = tpu.memref_slice %arg6[%add3A_192, %dma_wait3A_206] : memref<40x128xi32, #tpu.memory_space<vmem>> -> memref<1x128xi32, #tpu.memory_space<vmem>>
        %dma_wait3A_208 = tpu.memref_squeeze %dma_wait3A_207 : memref<1x128xi32, #tpu.memory_space<vmem>> -> memref<128xi32, #tpu.memory_space<vmem>>
        %dma_wait3A_209 = arith.constant 0 : i32
        %dma_wait3A_210 = arith.constant 0 : i32
        %dma_wait3A_211 = tpu.memref_slice %arg2[%dma_wait3A_209, %dma_wait3A_210] : memref<40000x128xf32, #tpu.memory_space<hbm>> -> memref<40000x128xf32, #tpu.memory_space<hbm>>
        tpu.wait_indirect_dma semaphore(%arg13 : memref<!tpu.dma_semaphore, #tpu.memory_space<semaphore_mem>>) src(%dma_wait3A_211 : memref<40000x128xf32, #tpu.memory_space<hbm>>) dst(%arg9 : memref<128x128xf32, #tpu.memory_space<vmem>>)
        %add3A_212 = arith.constant 1 : i32
        %add3A_213 = arith.addi %add3A_192, %add3A_212 : i32
        %lt3A_214 = arith.cmpi slt, %add3A_213, %select_n3A : i32
        %convert_element_type3A_215 = arith.extui %lt3A_214 : i1 to i32
        %cond3A_216 = arith.constant 0 : i32
        %cond3A_217 = arith.cmpi ne, %convert_element_type3A_215, %cond3A_216 : i32
        scf.if %cond3A_217 {
          %add3A_218 = arith.constant 1 : i32
          %add3A_219 = arith.addi %add3A_192, %add3A_218 : i32
          %dma_start3A_220 = arith.constant 0 : i32
          %dma_start3A_221 = tpu.memref_slice %arg6[%add3A_219, %dma_start3A_220] : memref<40x128xi32, #tpu.memory_space<vmem>> -> memref<1x128xi32, #tpu.memory_space<vmem>>
          %dma_start3A_222 = tpu.memref_squeeze %dma_start3A_221 : memref<1x128xi32, #tpu.memory_space<vmem>> -> memref<128xi32, #tpu.memory_space<vmem>>
          %dma_start3A_223 = arith.constant 0 : i32
          %dma_start3A_224 = arith.constant 0 : i32
          %dma_start3A_225 = tpu.memref_slice %arg2[%dma_start3A_223, %dma_start3A_224] : memref<40000x128xf32, #tpu.memory_space<hbm>> -> memref<40000x128xf32, #tpu.memory_space<hbm>>
          tpu.enqueue_indirect_dma source(%dma_start3A_225 : memref<40000x128xf32, #tpu.memory_space<hbm>>) target(%arg8 : memref<128x128xf32, #tpu.memory_space<vmem>>) offsets(%dma_start3A_222 : memref<128xi32, #tpu.memory_space<vmem>>) semaphore(%arg12 : memref<!tpu.dma_semaphore, #tpu.memory_space<semaphore_mem>>)
        } else {
        }
        "tpu.region"() ({
          %run_scoped3A = tpu.sem_alloc : memref<!tpu.dma_semaphore, #tpu.memory_space<semaphore_mem>>
          %dma_start3A_218 = arith.constant 0 : i32
          %dma_start3A_219 = tpu.memref_slice %arg7[%add3A_192, %dma_start3A_218] : memref<40x128xi32, #tpu.memory_space<vmem>> -> memref<1x128xi32, #tpu.memory_space<vmem>>
          %dma_start3A_220 = tpu.memref_squeeze %dma_start3A_219 : memref<1x128xi32, #tpu.memory_space<vmem>> -> memref<128xi32, #tpu.memory_space<vmem>>
          %dma_start3A_221 = arith.constant 0 : i32
          %dma_start3A_222 = arith.constant 0 : i32
          %dma_start3A_223 = tpu.memref_slice %arg11[%dma_start3A_221, %dma_start3A_222] : memref<10000x128xf32, #tpu.memory_space<vmem_shared>> -> memref<10000x128xf32, #tpu.memory_space<vmem_shared>>
          tpu.enqueue_indirect_dma source(%arg9 : memref<128x128xf32, #tpu.memory_space<vmem>>) target(%dma_start3A_223 : memref<10000x128xf32, #tpu.memory_space<vmem_shared>>) offsets(%dma_start3A_220 : memref<128xi32, #tpu.memory_space<vmem>>) semaphore(%run_scoped3A : memref<!tpu.dma_semaphore, #tpu.memory_space<semaphore_mem>>) {add = true}
          %dma_wait3A_224 = arith.constant 0 : i32
          %dma_wait3A_225 = tpu.memref_slice %arg7[%add3A_192, %dma_wait3A_224] : memref<40x128xi32, #tpu.memory_space<vmem>> -> memref<1x128xi32, #tpu.memory_space<vmem>>
          %dma_wait3A_226 = tpu.memref_squeeze %dma_wait3A_225 : memref<1x128xi32, #tpu.memory_space<vmem>> -> memref<128xi32, #tpu.memory_space<vmem>>
          %dma_wait3A_227 = arith.constant 0 : i32
          %dma_wait3A_228 = arith.constant 0 : i32
          %dma_wait3A_229 = tpu.memref_slice %arg11[%dma_wait3A_227, %dma_wait3A_228] : memref<10000x128xf32, #tpu.memory_space<vmem_shared>> -> memref<10000x128xf32, #tpu.memory_space<vmem_shared>>
          tpu.wait_indirect_dma semaphore(%run_scoped3A : memref<!tpu.dma_semaphore, #tpu.memory_space<semaphore_mem>>) src(%arg9 : memref<128x128xf32, #tpu.memory_space<vmem>>) dst(%dma_wait3A_229 : memref<10000x128xf32, #tpu.memory_space<vmem_shared>>)
          tpu.yield
        }) : () -> ()
      } else {
      }
    }
    %scan3A_30 = arith.constant 20 : i32
    %barrier3A_31 = arith.constant 0 : index
    tpu.barrier barrier_id(%barrier3A_31)
    %mul3A_32 = arith.constant 4 : i32
    %mul3A_33 = arith.muli %arg0, %mul3A_32 : i32
    %add3A_34 = arith.constant 0 : i32
    %add3A_35 = arith.addi %mul3A_33, %add3A_34 : i32
    %mul3A_36 = arith.constant 10000 : i32
    %mul3A_37 = arith.muli %add3A_35, %mul3A_36 : i32
    %mul3A_38 = arith.constant 624 : i32
    %mul3A_39 = arith.muli %arg1, %mul3A_38 : i32
    %mul3A_40 = arith.constant 624 : i32
    %mul3A_41 = arith.muli %arg1, %mul3A_40 : i32
    %add3A_42 = arith.addi %mul3A_37, %mul3A_41 : i32
    "tpu.region"() ({
      %run_scoped3A = tpu.sem_alloc : memref<!tpu.dma_semaphore, #tpu.memory_space<semaphore_mem>>
      %dma_start3A_184 = arith.constant 0 : i32
      %dma_start3A_185 = tpu.memref_slice %arg5[%add3A_42, %dma_start3A_184] : memref<80000x128xf32, #tpu.memory_space<hbm>> -> memref<624x128xf32, #tpu.memory_space<hbm>>
      %dma_start3A_186 = arith.constant 0 : i32
      %dma_start3A_187 = tpu.memref_slice %arg11[%mul3A_39, %dma_start3A_186] : memref<10000x128xf32, #tpu.memory_space<vmem_shared>> -> memref<624x128xf32, #tpu.memory_space<vmem_shared>>
      tpu.enqueue_dma source(%dma_start3A_187 : memref<624x128xf32, #tpu.memory_space<vmem_shared>>) target(%dma_start3A_185 : memref<624x128xf32, #tpu.memory_space<hbm>>) target_semaphore(%run_scoped3A : memref<!tpu.dma_semaphore, #tpu.memory_space<semaphore_mem>>)
      %dma_wait3A = arith.constant 0 : i32
      %dma_wait3A_188 = tpu.memref_slice %arg5[%add3A_42, %dma_wait3A] : memref<80000x128xf32, #tpu.memory_space<hbm>> -> memref<624x128xf32, #tpu.memory_space<hbm>>
      %dma_wait3A_189 = arith.constant 0 : i32
      %dma_wait3A_190 = tpu.memref_slice %arg11[%mul3A_39, %dma_wait3A_189] : memref<10000x128xf32, #tpu.memory_space<vmem_shared>> -> memref<624x128xf32, #tpu.memory_space<vmem_shared>>
      tpu.wait_dma2 semaphore(%run_scoped3A : memref<!tpu.dma_semaphore, #tpu.memory_space<semaphore_mem>>) src(%dma_wait3A_190 : memref<624x128xf32, #tpu.memory_space<vmem_shared>>) dst(%dma_wait3A_188 : memref<624x128xf32, #tpu.memory_space<hbm>>)
      tpu.yield
    }) : () -> ()
    %eq3A_43 = arith.constant 15 : i32
    %eq3A_44 = arith.cmpi eq, %arg1, %eq3A_43 : i32
    %convert_element_type3A_45 = arith.extui %eq3A_44 : i1 to i32
    %cond3A_46 = arith.constant 0 : i32
    %cond3A_47 = arith.cmpi ne, %convert_element_type3A_45, %cond3A_46 : i32
    scf.if %cond3A_47 {
      %add3A_184 = arith.constant 9984 : i32
      %add3A_185 = arith.addi %mul3A_37, %add3A_184 : i32
      "tpu.region"() ({
        %run_scoped3A = tpu.sem_alloc : memref<!tpu.dma_semaphore, #tpu.memory_space<semaphore_mem>>
        %dma_start3A_186 = arith.constant 0 : i32
        %dma_start3A_187 = tpu.memref_slice %arg5[%add3A_185, %dma_start3A_186] : memref<80000x128xf32, #tpu.memory_space<hbm>> -> memref<16x128xf32, #tpu.memory_space<hbm>>
        %dma_start3A_188 = arith.constant 9984 : i32
        %dma_start3A_189 = arith.constant 0 : i32
        %dma_start3A_190 = tpu.memref_slice %arg11[%dma_start3A_188, %dma_start3A_189] : memref<10000x128xf32, #tpu.memory_space<vmem_shared>> -> memref<16x128xf32, #tpu.memory_space<vmem_shared>>
        tpu.enqueue_dma source(%dma_start3A_190 : memref<16x128xf32, #tpu.memory_space<vmem_shared>>) target(%dma_start3A_187 : memref<16x128xf32, #tpu.memory_space<hbm>>) target_semaphore(%run_scoped3A : memref<!tpu.dma_semaphore, #tpu.memory_space<semaphore_mem>>)
        %dma_wait3A = arith.constant 0 : i32
        %dma_wait3A_191 = tpu.memref_slice %arg5[%add3A_185, %dma_wait3A] : memref<80000x128xf32, #tpu.memory_space<hbm>> -> memref<16x128xf32, #tpu.memory_space<hbm>>
        %dma_wait3A_192 = arith.constant 9984 : i32
        %dma_wait3A_193 = arith.constant 0 : i32
        %dma_wait3A_194 = tpu.memref_slice %arg11[%dma_wait3A_192, %dma_wait3A_193] : memref<10000x128xf32, #tpu.memory_space<vmem_shared>> -> memref<16x128xf32, #tpu.memory_space<vmem_shared>>
        tpu.wait_dma2 semaphore(%run_scoped3A : memref<!tpu.dma_semaphore, #tpu.memory_space<semaphore_mem>>) src(%dma_wait3A_194 : memref<16x128xf32, #tpu.memory_space<vmem_shared>>) dst(%dma_wait3A_191 : memref<16x128xf32, #tpu.memory_space<hbm>>)
        tpu.yield
      }) : () -> ()
    } else {
    }
    %barrier3A_48 = arith.constant 0 : index
    tpu.barrier barrier_id(%barrier3A_48)
    %scan3A_49 = arith.constant 0 : i32
    %scan3A_50 = arith.constant 26 : i32
    %scan3A_51 = arith.addi %scan3A_49, %scan3A_50 : i32
    %scan3A_52 = arith.constant 1 : i32
    scf.for %scan3A_184 = %scan3A_49 to %scan3A_51 step %scan3A_52  : i32 {
      %mul3A_185 = arith.constant 1 : i32
      %mul3A_186 = arith.muli %scan3A_184, %mul3A_185 : i32
      %add3A_187 = arith.constant 0 : i32
      %add3A_188 = arith.addi %add3A_187, %mul3A_186 : i32
      %mul3A_189 = arith.constant 624 : i32
      %mul3A_190 = arith.muli %arg1, %mul3A_189 : i32
      %mul3A_191 = arith.constant 24 : i32
      %mul3A_192 = arith.muli %add3A_188, %mul3A_191 : i32
      %add3A_193 = arith.addi %mul3A_190, %mul3A_192 : i32
      "tpu.region"() ({
        %run_scoped3A = tpu.sem_alloc : memref<!tpu.dma_semaphore, #tpu.memory_space<semaphore_mem>>
        %dma_start3A_194 = arith.constant 0 : i32
        %dma_start3A_195 = arith.constant 0 : i32
        %dma_start3A_196 = tpu.memref_slice %arg10[%dma_start3A_194, %dma_start3A_195] : memref<24x128xf32, #tpu.memory_space<vmem>> -> memref<24x128xf32, #tpu.memory_space<vmem>>
        %dma_start3A_197 = arith.constant 0 : i32
        %dma_start3A_198 = tpu.memref_slice %arg11[%add3A_193, %dma_start3A_197] : memref<10000x128xf32, #tpu.memory_space<vmem_shared>> -> memref<24x128xf32, #tpu.memory_space<vmem_shared>>
        %dma_start3A_199 = arith.constant 0 : i32
        %dma_start3A_200 = tpu.memref_slice %arg11[%add3A_193, %dma_start3A_199] : memref<10000x128xf32, #tpu.memory_space<vmem_shared>> -> memref<24x128xf32, #tpu.memory_space<vmem_shared>>
        %dma_start3A_201 = arith.constant 0 : i32
        %dma_start3A_202 = arith.constant 0 : i32
        %dma_start3A_203 = tpu.memref_slice %arg10[%dma_start3A_201, %dma_start3A_202] : memref<24x128xf32, #tpu.memory_space<vmem>> -> memref<24x128xf32, #tpu.memory_space<vmem>>
        tpu.enqueue_dma source(%dma_start3A_203 : memref<24x128xf32, #tpu.memory_space<vmem>>) target(%dma_start3A_200 : memref<24x128xf32, #tpu.memory_space<vmem_shared>>) target_semaphore(%run_scoped3A : memref<!tpu.dma_semaphore, #tpu.memory_space<semaphore_mem>>)
        %dma_wait3A = arith.constant 0 : i32
        %dma_wait3A_204 = arith.constant 0 : i32
        %dma_wait3A_205 = tpu.memref_slice %arg10[%dma_wait3A, %dma_wait3A_204] : memref<24x128xf32, #tpu.memory_space<vmem>> -> memref<24x128xf32, #tpu.memory_space<vmem>>
        %dma_wait3A_206 = arith.constant 0 : i32
        %dma_wait3A_207 = tpu.memref_slice %arg11[%add3A_193, %dma_wait3A_206] : memref<10000x128xf32, #tpu.memory_space<vmem_shared>> -> memref<24x128xf32, #tpu.memory_space<vmem_shared>>
        %dma_wait3A_208 = arith.constant 0 : i32
        %dma_wait3A_209 = tpu.memref_slice %arg11[%add3A_193, %dma_wait3A_208] : memref<10000x128xf32, #tpu.memory_space<vmem_shared>> -> memref<24x128xf32, #tpu.memory_space<vmem_shared>>
        %dma_wait3A_210 = arith.constant 0 : i32
        %dma_wait3A_211 = arith.constant 0 : i32
        %dma_wait3A_212 = tpu.memref_slice %arg10[%dma_wait3A_210, %dma_wait3A_211] : memref<24x128xf32, #tpu.memory_space<vmem>> -> memref<24x128xf32, #tpu.memory_space<vmem>>
        tpu.wait_dma2 semaphore(%run_scoped3A : memref<!tpu.dma_semaphore, #tpu.memory_space<semaphore_mem>>) src(%dma_wait3A_212 : memref<24x128xf32, #tpu.memory_space<vmem>>) dst(%dma_wait3A_209 : memref<24x128xf32, #tpu.memory_space<vmem_shared>>)
        tpu.yield
      }) : () -> ()
    }
    %scan3A_53 = arith.constant 26 : i32
    %eq3A_54 = arith.constant 15 : i32
    %eq3A_55 = arith.cmpi eq, %arg1, %eq3A_54 : i32
    %convert_element_type3A_56 = arith.extui %eq3A_55 : i1 to i32
    %cond3A_57 = arith.constant 0 : i32
    %cond3A_58 = arith.cmpi ne, %convert_element_type3A_56, %cond3A_57 : i32
    scf.if %cond3A_58 {
      "tpu.region"() ({
        %run_scoped3A = tpu.sem_alloc : memref<!tpu.dma_semaphore, #tpu.memory_space<semaphore_mem>>
        %dma_start3A_184 = arith.constant 0 : i32
        %dma_start3A_185 = arith.constant 0 : i32
        %dma_start3A_186 = tpu.memref_slice %arg10[%dma_start3A_184, %dma_start3A_185] : memref<24x128xf32, #tpu.memory_space<vmem>> -> memref<16x128xf32, #tpu.memory_space<vmem>>
        %dma_start3A_187 = arith.constant 9984 : i32
        %dma_start3A_188 = arith.constant 0 : i32
        %dma_start3A_189 = tpu.memref_slice %arg11[%dma_start3A_187, %dma_start3A_188] : memref<10000x128xf32, #tpu.memory_space<vmem_shared>> -> memref<16x128xf32, #tpu.memory_space<vmem_shared>>
        %dma_start3A_190 = arith.constant 9984 : i32
        %dma_start3A_191 = arith.constant 0 : i32
        %dma_start3A_192 = tpu.memref_slice %arg11[%dma_start3A_190, %dma_start3A_191] : memref<10000x128xf32, #tpu.memory_space<vmem_shared>> -> memref<16x128xf32, #tpu.memory_space<vmem_shared>>
        %dma_start3A_193 = arith.constant 0 : i32
        %dma_start3A_194 = arith.constant 0 : i32
        %dma_start3A_195 = tpu.memref_slice %arg10[%dma_start3A_193, %dma_start3A_194] : memref<24x128xf32, #tpu.memory_space<vmem>> -> memref<16x128xf32, #tpu.memory_space<vmem>>
        tpu.enqueue_dma source(%dma_start3A_195 : memref<16x128xf32, #tpu.memory_space<vmem>>) target(%dma_start3A_192 : memref<16x128xf32, #tpu.memory_space<vmem_shared>>) target_semaphore(%run_scoped3A : memref<!tpu.dma_semaphore, #tpu.memory_space<semaphore_mem>>)
        %dma_wait3A = arith.constant 0 : i32
        %dma_wait3A_196 = arith.constant 0 : i32
        %dma_wait3A_197 = tpu.memref_slice %arg10[%dma_wait3A, %dma_wait3A_196] : memref<24x128xf32, #tpu.memory_space<vmem>> -> memref<16x128xf32, #tpu.memory_space<vmem>>
        %dma_wait3A_198 = arith.constant 9984 : i32
        %dma_wait3A_199 = arith.constant 0 : i32
        %dma_wait3A_200 = tpu.memref_slice %arg11[%dma_wait3A_198, %dma_wait3A_199] : memref<10000x128xf32, #tpu.memory_space<vmem_shared>> -> memref<16x128xf32, #tpu.memory_space<vmem_shared>>
        %dma_wait3A_201 = arith.constant 9984 : i32
        %dma_wait3A_202 = arith.constant 0 : i32
        %dma_wait3A_203 = tpu.memref_slice %arg11[%dma_wait3A_201, %dma_wait3A_202] : memref<10000x128xf32, #tpu.memory_space<vmem_shared>> -> memref<16x128xf32, #tpu.memory_space<vmem_shared>>
        %dma_wait3A_204 = arith.constant 0 : i32
        %dma_wait3A_205 = arith.constant 0 : i32
        %dma_wait3A_206 = tpu.memref_slice %arg10[%dma_wait3A_204, %dma_wait3A_205] : memref<24x128xf32, #tpu.memory_space<vmem>> -> memref<16x128xf32, #tpu.memory_space<vmem>>
        tpu.wait_dma2 semaphore(%run_scoped3A : memref<!tpu.dma_semaphore, #tpu.memory_space<semaphore_mem>>) src(%dma_wait3A_206 : memref<16x128xf32, #tpu.memory_space<vmem>>) dst(%dma_wait3A_203 : memref<16x128xf32, #tpu.memory_space<vmem_shared>>)
        tpu.yield
      }) : () -> ()
    } else {
    }
    %add3A_59 = arith.constant 32 : i32
    %add3A_60 = arith.addi %add3A_59, %add3A : i32
    %mul3A_61 = arith.constant 40 : i32
    %mul3A_62 = arith.muli %add3A_60, %mul3A_61 : i32
    "tpu.region"() ({
      %run_scoped3A = tpu.sem_alloc : memref<!tpu.dma_semaphore, #tpu.memory_space<semaphore_mem>>
      %dma_start3A_184 = arith.constant 0 : i32
      %dma_start3A_185 = tpu.memref_slice %arg3[%mul3A_62, %dma_start3A_184] : memref<5120x128xi32, #tpu.memory_space<hbm>> -> memref<40x128xi32, #tpu.memory_space<hbm>>
      %dma_start3A_186 = arith.constant 0 : i32
      %dma_start3A_187 = tpu.memref_slice %arg3[%mul3A_62, %dma_start3A_186] : memref<5120x128xi32, #tpu.memory_space<hbm>> -> memref<40x128xi32, #tpu.memory_space<hbm>>
      tpu.enqueue_dma source(%dma_start3A_187 : memref<40x128xi32, #tpu.memory_space<hbm>>) target(%arg6 : memref<40x128xi32, #tpu.memory_space<vmem>>) target_semaphore(%run_scoped3A : memref<!tpu.dma_semaphore, #tpu.memory_space<semaphore_mem>>)
      %dma_wait3A = arith.constant 0 : i32
      %dma_wait3A_188 = tpu.memref_slice %arg3[%mul3A_62, %dma_wait3A] : memref<5120x128xi32, #tpu.memory_space<hbm>> -> memref<40x128xi32, #tpu.memory_space<hbm>>
      %dma_wait3A_189 = arith.constant 0 : i32
      %dma_wait3A_190 = tpu.memref_slice %arg3[%mul3A_62, %dma_wait3A_189] : memref<5120x128xi32, #tpu.memory_space<hbm>> -> memref<40x128xi32, #tpu.memory_space<hbm>>
      tpu.wait_dma2 semaphore(%run_scoped3A : memref<!tpu.dma_semaphore, #tpu.memory_space<semaphore_mem>>) src(%dma_wait3A_190 : memref<40x128xi32, #tpu.memory_space<hbm>>) dst(%arg6 : memref<40x128xi32, #tpu.memory_space<vmem>>)
      tpu.yield
    }) : () -> ()
    %barrier3A_63 = arith.constant 0 : index
    tpu.barrier barrier_id(%barrier3A_63)
    %dma_start3A_64 = arith.constant 0 : i32
    %dma_start3A_65 = arith.constant 0 : i32
    %dma_start3A_66 = tpu.memref_slice %arg6[%dma_start3A_64, %dma_start3A_65] : memref<40x128xi32, #tpu.memory_space<vmem>> -> memref<1x128xi32, #tpu.memory_space<vmem>>
    %dma_start3A_67 = tpu.memref_squeeze %dma_start3A_66 : memref<1x128xi32, #tpu.memory_space<vmem>> -> memref<128xi32, #tpu.memory_space<vmem>>
    %dma_start3A_68 = arith.constant 0 : i32
    %dma_start3A_69 = arith.constant 0 : i32
    %dma_start3A_70 = tpu.memref_slice %arg2[%dma_start3A_68, %dma_start3A_69] : memref<40000x128xf32, #tpu.memory_space<hbm>> -> memref<40000x128xf32, #tpu.memory_space<hbm>>
    tpu.enqueue_indirect_dma source(%dma_start3A_70 : memref<40000x128xf32, #tpu.memory_space<hbm>>) target(%arg8 : memref<128x128xf32, #tpu.memory_space<vmem>>) offsets(%dma_start3A_67 : memref<128xi32, #tpu.memory_space<vmem>>) semaphore(%arg12 : memref<!tpu.dma_semaphore, #tpu.memory_space<semaphore_mem>>)
    %scan3A_71 = arith.constant 0 : i32
    %scan3A_72 = arith.constant 20 : i32
    %scan3A_73 = arith.addi %scan3A_71, %scan3A_72 : i32
    %scan3A_74 = arith.constant 1 : i32
    scf.for %scan3A_184 = %scan3A_71 to %scan3A_73 step %scan3A_74  : i32 {
      %mul3A_185 = arith.constant 1 : i32
      %mul3A_186 = arith.muli %scan3A_184, %mul3A_185 : i32
      %add3A_187 = arith.constant 0 : i32
      %add3A_188 = arith.addi %add3A_187, %mul3A_186 : i32
      %mul3A_189 = arith.constant 2 : i32
      %mul3A_190 = arith.muli %mul3A_189, %add3A_188 : i32
      %add3A_191 = arith.constant 1 : i32
      %add3A_192 = arith.addi %mul3A_190, %add3A_191 : i32
      %lt3A_193 = arith.cmpi slt, %add3A_192, %select_n3A : i32
      %convert_element_type3A_194 = arith.extui %lt3A_193 : i1 to i32
      %cond3A_195 = arith.constant 0 : i32
      %cond3A_196 = arith.cmpi ne, %convert_element_type3A_194, %cond3A_195 : i32
      scf.if %cond3A_196 {
        %dma_start3A_206 = arith.constant 0 : i32
        %dma_start3A_207 = tpu.memref_slice %arg6[%add3A_192, %dma_start3A_206] : memref<40x128xi32, #tpu.memory_space<vmem>> -> memref<1x128xi32, #tpu.memory_space<vmem>>
        %dma_start3A_208 = tpu.memref_squeeze %dma_start3A_207 : memref<1x128xi32, #tpu.memory_space<vmem>> -> memref<128xi32, #tpu.memory_space<vmem>>
        %dma_start3A_209 = arith.constant 0 : i32
        %dma_start3A_210 = arith.constant 0 : i32
        %dma_start3A_211 = tpu.memref_slice %arg2[%dma_start3A_209, %dma_start3A_210] : memref<40000x128xf32, #tpu.memory_space<hbm>> -> memref<40000x128xf32, #tpu.memory_space<hbm>>
        tpu.enqueue_indirect_dma source(%dma_start3A_211 : memref<40000x128xf32, #tpu.memory_space<hbm>>) target(%arg9 : memref<128x128xf32, #tpu.memory_space<vmem>>) offsets(%dma_start3A_208 : memref<128xi32, #tpu.memory_space<vmem>>) semaphore(%arg13 : memref<!tpu.dma_semaphore, #tpu.memory_space<semaphore_mem>>)
      } else {
      }
      %dma_wait3A = arith.constant 0 : i32
      %dma_wait3A_197 = tpu.memref_slice %arg6[%mul3A_190, %dma_wait3A] : memref<40x128xi32, #tpu.memory_space<vmem>> -> memref<1x128xi32, #tpu.memory_space<vmem>>
      %dma_wait3A_198 = tpu.memref_squeeze %dma_wait3A_197 : memref<1x128xi32, #tpu.memory_space<vmem>> -> memref<128xi32, #tpu.memory_space<vmem>>
      %dma_wait3A_199 = arith.constant 0 : i32
      %dma_wait3A_200 = arith.constant 0 : i32
      %dma_wait3A_201 = tpu.memref_slice %arg2[%dma_wait3A_199, %dma_wait3A_200] : memref<40000x128xf32, #tpu.memory_space<hbm>> -> memref<40000x128xf32, #tpu.memory_space<hbm>>
      tpu.wait_indirect_dma semaphore(%arg12 : memref<!tpu.dma_semaphore, #tpu.memory_space<semaphore_mem>>) src(%dma_wait3A_201 : memref<40000x128xf32, #tpu.memory_space<hbm>>) dst(%arg8 : memref<128x128xf32, #tpu.memory_space<vmem>>)
      "tpu.region"() ({
        %run_scoped3A = tpu.sem_alloc : memref<!tpu.dma_semaphore, #tpu.memory_space<semaphore_mem>>
        %dma_start3A_206 = arith.constant 0 : i32
        %dma_start3A_207 = tpu.memref_slice %arg7[%mul3A_190, %dma_start3A_206] : memref<40x128xi32, #tpu.memory_space<vmem>> -> memref<1x128xi32, #tpu.memory_space<vmem>>
        %dma_start3A_208 = tpu.memref_squeeze %dma_start3A_207 : memref<1x128xi32, #tpu.memory_space<vmem>> -> memref<128xi32, #tpu.memory_space<vmem>>
        %dma_start3A_209 = arith.constant 0 : i32
        %dma_start3A_210 = arith.constant 0 : i32
        %dma_start3A_211 = tpu.memref_slice %arg11[%dma_start3A_209, %dma_start3A_210] : memref<10000x128xf32, #tpu.memory_space<vmem_shared>> -> memref<10000x128xf32, #tpu.memory_space<vmem_shared>>
        tpu.enqueue_indirect_dma source(%arg8 : memref<128x128xf32, #tpu.memory_space<vmem>>) target(%dma_start3A_211 : memref<10000x128xf32, #tpu.memory_space<vmem_shared>>) offsets(%dma_start3A_208 : memref<128xi32, #tpu.memory_space<vmem>>) semaphore(%run_scoped3A : memref<!tpu.dma_semaphore, #tpu.memory_space<semaphore_mem>>) {add = true}
        %dma_wait3A_212 = arith.constant 0 : i32
        %dma_wait3A_213 = tpu.memref_slice %arg7[%mul3A_190, %dma_wait3A_212] : memref<40x128xi32, #tpu.memory_space<vmem>> -> memref<1x128xi32, #tpu.memory_space<vmem>>
        %dma_wait3A_214 = tpu.memref_squeeze %dma_wait3A_213 : memref<1x128xi32, #tpu.memory_space<vmem>> -> memref<128xi32, #tpu.memory_space<vmem>>
        %dma_wait3A_215 = arith.constant 0 : i32
        %dma_wait3A_216 = arith.constant 0 : i32
        %dma_wait3A_217 = tpu.memref_slice %arg11[%dma_wait3A_215, %dma_wait3A_216] : memref<10000x128xf32, #tpu.memory_space<vmem_shared>> -> memref<10000x128xf32, #tpu.memory_space<vmem_shared>>
        tpu.wait_indirect_dma semaphore(%run_scoped3A : memref<!tpu.dma_semaphore, #tpu.memory_space<semaphore_mem>>) src(%arg8 : memref<128x128xf32, #tpu.memory_space<vmem>>) dst(%dma_wait3A_217 : memref<10000x128xf32, #tpu.memory_space<vmem_shared>>)
        tpu.yield
      }) : () -> ()
      %lt3A_202 = arith.cmpi slt, %add3A_192, %select_n3A : i32
      %convert_element_type3A_203 = arith.extui %lt3A_202 : i1 to i32
      %cond3A_204 = arith.constant 0 : i32
      %cond3A_205 = arith.cmpi ne, %convert_element_type3A_203, %cond3A_204 : i32
      scf.if %cond3A_205 {
        %dma_wait3A_206 = arith.constant 0 : i32
        %dma_wait3A_207 = tpu.memref_slice %arg6[%add3A_192, %dma_wait3A_206] : memref<40x128xi32, #tpu.memory_space<vmem>> -> memref<1x128xi32, #tpu.memory_space<vmem>>
        %dma_wait3A_208 = tpu.memref_squeeze %dma_wait3A_207 : memref<1x128xi32, #tpu.memory_space<vmem>> -> memref<128xi32, #tpu.memory_space<vmem>>
        %dma_wait3A_209 = arith.constant 0 : i32
        %dma_wait3A_210 = arith.constant 0 : i32
        %dma_wait3A_211 = tpu.memref_slice %arg2[%dma_wait3A_209, %dma_wait3A_210] : memref<40000x128xf32, #tpu.memory_space<hbm>> -> memref<40000x128xf32, #tpu.memory_space<hbm>>
        tpu.wait_indirect_dma semaphore(%arg13 : memref<!tpu.dma_semaphore, #tpu.memory_space<semaphore_mem>>) src(%dma_wait3A_211 : memref<40000x128xf32, #tpu.memory_space<hbm>>) dst(%arg9 : memref<128x128xf32, #tpu.memory_space<vmem>>)
        %add3A_212 = arith.constant 1 : i32
        %add3A_213 = arith.addi %add3A_192, %add3A_212 : i32
        %lt3A_214 = arith.cmpi slt, %add3A_213, %select_n3A : i32
        %convert_element_type3A_215 = arith.extui %lt3A_214 : i1 to i32
        %cond3A_216 = arith.constant 0 : i32
        %cond3A_217 = arith.cmpi ne, %convert_element_type3A_215, %cond3A_216 : i32
        scf.if %cond3A_217 {
          %add3A_218 = arith.constant 1 : i32
          %add3A_219 = arith.addi %add3A_192, %add3A_218 : i32
          %dma_start3A_220 = arith.constant 0 : i32
          %dma_start3A_221 = tpu.memref_slice %arg6[%add3A_219, %dma_start3A_220] : memref<40x128xi32, #tpu.memory_space<vmem>> -> memref<1x128xi32, #tpu.memory_space<vmem>>
          %dma_start3A_222 = tpu.memref_squeeze %dma_start3A_221 : memref<1x128xi32, #tpu.memory_space<vmem>> -> memref<128xi32, #tpu.memory_space<vmem>>
          %dma_start3A_223 = arith.constant 0 : i32
          %dma_start3A_224 = arith.constant 0 : i32
          %dma_start3A_225 = tpu.memref_slice %arg2[%dma_start3A_223, %dma_start3A_224] : memref<40000x128xf32, #tpu.memory_space<hbm>> -> memref<40000x128xf32, #tpu.memory_space<hbm>>
          tpu.enqueue_indirect_dma source(%dma_start3A_225 : memref<40000x128xf32, #tpu.memory_space<hbm>>) target(%arg8 : memref<128x128xf32, #tpu.memory_space<vmem>>) offsets(%dma_start3A_222 : memref<128xi32, #tpu.memory_space<vmem>>) semaphore(%arg12 : memref<!tpu.dma_semaphore, #tpu.memory_space<semaphore_mem>>)
        } else {
        }
        "tpu.region"() ({
          %run_scoped3A = tpu.sem_alloc : memref<!tpu.dma_semaphore, #tpu.memory_space<semaphore_mem>>
          %dma_start3A_218 = arith.constant 0 : i32
          %dma_start3A_219 = tpu.memref_slice %arg7[%add3A_192, %dma_start3A_218] : memref<40x128xi32, #tpu.memory_space<vmem>> -> memref<1x128xi32, #tpu.memory_space<vmem>>
          %dma_start3A_220 = tpu.memref_squeeze %dma_start3A_219 : memref<1x128xi32, #tpu.memory_space<vmem>> -> memref<128xi32, #tpu.memory_space<vmem>>
          %dma_start3A_221 = arith.constant 0 : i32
          %dma_start3A_222 = arith.constant 0 : i32
          %dma_start3A_223 = tpu.memref_slice %arg11[%dma_start3A_221, %dma_start3A_222] : memref<10000x128xf32, #tpu.memory_space<vmem_shared>> -> memref<10000x128xf32, #tpu.memory_space<vmem_shared>>
          tpu.enqueue_indirect_dma source(%arg9 : memref<128x128xf32, #tpu.memory_space<vmem>>) target(%dma_start3A_223 : memref<10000x128xf32, #tpu.memory_space<vmem_shared>>) offsets(%dma_start3A_220 : memref<128xi32, #tpu.memory_space<vmem>>) semaphore(%run_scoped3A : memref<!tpu.dma_semaphore, #tpu.memory_space<semaphore_mem>>) {add = true}
          %dma_wait3A_224 = arith.constant 0 : i32
          %dma_wait3A_225 = tpu.memref_slice %arg7[%add3A_192, %dma_wait3A_224] : memref<40x128xi32, #tpu.memory_space<vmem>> -> memref<1x128xi32, #tpu.memory_space<vmem>>
          %dma_wait3A_226 = tpu.memref_squeeze %dma_wait3A_225 : memref<1x128xi32, #tpu.memory_space<vmem>> -> memref<128xi32, #tpu.memory_space<vmem>>
          %dma_wait3A_227 = arith.constant 0 : i32
          %dma_wait3A_228 = arith.constant 0 : i32
          %dma_wait3A_229 = tpu.memref_slice %arg11[%dma_wait3A_227, %dma_wait3A_228] : memref<10000x128xf32, #tpu.memory_space<vmem_shared>> -> memref<10000x128xf32, #tpu.memory_space<vmem_shared>>
          tpu.wait_indirect_dma semaphore(%run_scoped3A : memref<!tpu.dma_semaphore, #tpu.memory_space<semaphore_mem>>) src(%arg9 : memref<128x128xf32, #tpu.memory_space<vmem>>) dst(%dma_wait3A_229 : memref<10000x128xf32, #tpu.memory_space<vmem_shared>>)
          tpu.yield
        }) : () -> ()
      } else {
      }
    }
    %scan3A_75 = arith.constant 20 : i32
    %barrier3A_76 = arith.constant 0 : index
    tpu.barrier barrier_id(%barrier3A_76)
    %mul3A_77 = arith.constant 4 : i32
    %mul3A_78 = arith.muli %arg0, %mul3A_77 : i32
    %add3A_79 = arith.constant 1 : i32
    %add3A_80 = arith.addi %mul3A_78, %add3A_79 : i32
    %mul3A_81 = arith.constant 10000 : i32
    %mul3A_82 = arith.muli %add3A_80, %mul3A_81 : i32
    %mul3A_83 = arith.constant 624 : i32
    %mul3A_84 = arith.muli %arg1, %mul3A_83 : i32
    %mul3A_85 = arith.constant 624 : i32
    %mul3A_86 = arith.muli %arg1, %mul3A_85 : i32
    %add3A_87 = arith.addi %mul3A_82, %mul3A_86 : i32
    "tpu.region"() ({
      %run_scoped3A = tpu.sem_alloc : memref<!tpu.dma_semaphore, #tpu.memory_space<semaphore_mem>>
      %dma_start3A_184 = arith.constant 0 : i32
      %dma_start3A_185 = tpu.memref_slice %arg5[%add3A_87, %dma_start3A_184] : memref<80000x128xf32, #tpu.memory_space<hbm>> -> memref<624x128xf32, #tpu.memory_space<hbm>>
      %dma_start3A_186 = arith.constant 0 : i32
      %dma_start3A_187 = tpu.memref_slice %arg11[%mul3A_84, %dma_start3A_186] : memref<10000x128xf32, #tpu.memory_space<vmem_shared>> -> memref<624x128xf32, #tpu.memory_space<vmem_shared>>
      tpu.enqueue_dma source(%dma_start3A_187 : memref<624x128xf32, #tpu.memory_space<vmem_shared>>) target(%dma_start3A_185 : memref<624x128xf32, #tpu.memory_space<hbm>>) target_semaphore(%run_scoped3A : memref<!tpu.dma_semaphore, #tpu.memory_space<semaphore_mem>>)
      %dma_wait3A = arith.constant 0 : i32
      %dma_wait3A_188 = tpu.memref_slice %arg5[%add3A_87, %dma_wait3A] : memref<80000x128xf32, #tpu.memory_space<hbm>> -> memref<624x128xf32, #tpu.memory_space<hbm>>
      %dma_wait3A_189 = arith.constant 0 : i32
      %dma_wait3A_190 = tpu.memref_slice %arg11[%mul3A_84, %dma_wait3A_189] : memref<10000x128xf32, #tpu.memory_space<vmem_shared>> -> memref<624x128xf32, #tpu.memory_space<vmem_shared>>
      tpu.wait_dma2 semaphore(%run_scoped3A : memref<!tpu.dma_semaphore, #tpu.memory_space<semaphore_mem>>) src(%dma_wait3A_190 : memref<624x128xf32, #tpu.memory_space<vmem_shared>>) dst(%dma_wait3A_188 : memref<624x128xf32, #tpu.memory_space<hbm>>)
      tpu.yield
    }) : () -> ()
    %eq3A_88 = arith.constant 15 : i32
    %eq3A_89 = arith.cmpi eq, %arg1, %eq3A_88 : i32
    %convert_element_type3A_90 = arith.extui %eq3A_89 : i1 to i32
    %cond3A_91 = arith.constant 0 : i32
    %cond3A_92 = arith.cmpi ne, %convert_element_type3A_90, %cond3A_91 : i32
    scf.if %cond3A_92 {
      %add3A_184 = arith.constant 9984 : i32
      %add3A_185 = arith.addi %mul3A_82, %add3A_184 : i32
      "tpu.region"() ({
        %run_scoped3A = tpu.sem_alloc : memref<!tpu.dma_semaphore, #tpu.memory_space<semaphore_mem>>
        %dma_start3A_186 = arith.constant 0 : i32
        %dma_start3A_187 = tpu.memref_slice %arg5[%add3A_185, %dma_start3A_186] : memref<80000x128xf32, #tpu.memory_space<hbm>> -> memref<16x128xf32, #tpu.memory_space<hbm>>
        %dma_start3A_188 = arith.constant 9984 : i32
        %dma_start3A_189 = arith.constant 0 : i32
        %dma_start3A_190 = tpu.memref_slice %arg11[%dma_start3A_188, %dma_start3A_189] : memref<10000x128xf32, #tpu.memory_space<vmem_shared>> -> memref<16x128xf32, #tpu.memory_space<vmem_shared>>
        tpu.enqueue_dma source(%dma_start3A_190 : memref<16x128xf32, #tpu.memory_space<vmem_shared>>) target(%dma_start3A_187 : memref<16x128xf32, #tpu.memory_space<hbm>>) target_semaphore(%run_scoped3A : memref<!tpu.dma_semaphore, #tpu.memory_space<semaphore_mem>>)
        %dma_wait3A = arith.constant 0 : i32
        %dma_wait3A_191 = tpu.memref_slice %arg5[%add3A_185, %dma_wait3A] : memref<80000x128xf32, #tpu.memory_space<hbm>> -> memref<16x128xf32, #tpu.memory_space<hbm>>
        %dma_wait3A_192 = arith.constant 9984 : i32
        %dma_wait3A_193 = arith.constant 0 : i32
        %dma_wait3A_194 = tpu.memref_slice %arg11[%dma_wait3A_192, %dma_wait3A_193] : memref<10000x128xf32, #tpu.memory_space<vmem_shared>> -> memref<16x128xf32, #tpu.memory_space<vmem_shared>>
        tpu.wait_dma2 semaphore(%run_scoped3A : memref<!tpu.dma_semaphore, #tpu.memory_space<semaphore_mem>>) src(%dma_wait3A_194 : memref<16x128xf32, #tpu.memory_space<vmem_shared>>) dst(%dma_wait3A_191 : memref<16x128xf32, #tpu.memory_space<hbm>>)
        tpu.yield
      }) : () -> ()
    } else {
    }
    %barrier3A_93 = arith.constant 0 : index
    tpu.barrier barrier_id(%barrier3A_93)
    %scan3A_94 = arith.constant 0 : i32
    %scan3A_95 = arith.constant 26 : i32
    %scan3A_96 = arith.addi %scan3A_94, %scan3A_95 : i32
    %scan3A_97 = arith.constant 1 : i32
    scf.for %scan3A_184 = %scan3A_94 to %scan3A_96 step %scan3A_97  : i32 {
      %mul3A_185 = arith.constant 1 : i32
      %mul3A_186 = arith.muli %scan3A_184, %mul3A_185 : i32
      %add3A_187 = arith.constant 0 : i32
      %add3A_188 = arith.addi %add3A_187, %mul3A_186 : i32
      %mul3A_189 = arith.constant 624 : i32
      %mul3A_190 = arith.muli %arg1, %mul3A_189 : i32
      %mul3A_191 = arith.constant 24 : i32
      %mul3A_192 = arith.muli %add3A_188, %mul3A_191 : i32
      %add3A_193 = arith.addi %mul3A_190, %mul3A_192 : i32
      "tpu.region"() ({
        %run_scoped3A = tpu.sem_alloc : memref<!tpu.dma_semaphore, #tpu.memory_space<semaphore_mem>>
        %dma_start3A_194 = arith.constant 0 : i32
        %dma_start3A_195 = arith.constant 0 : i32
        %dma_start3A_196 = tpu.memref_slice %arg10[%dma_start3A_194, %dma_start3A_195] : memref<24x128xf32, #tpu.memory_space<vmem>> -> memref<24x128xf32, #tpu.memory_space<vmem>>
        %dma_start3A_197 = arith.constant 0 : i32
        %dma_start3A_198 = tpu.memref_slice %arg11[%add3A_193, %dma_start3A_197] : memref<10000x128xf32, #tpu.memory_space<vmem_shared>> -> memref<24x128xf32, #tpu.memory_space<vmem_shared>>
        %dma_start3A_199 = arith.constant 0 : i32
        %dma_start3A_200 = tpu.memref_slice %arg11[%add3A_193, %dma_start3A_199] : memref<10000x128xf32, #tpu.memory_space<vmem_shared>> -> memref<24x128xf32, #tpu.memory_space<vmem_shared>>
        %dma_start3A_201 = arith.constant 0 : i32
        %dma_start3A_202 = arith.constant 0 : i32
        %dma_start3A_203 = tpu.memref_slice %arg10[%dma_start3A_201, %dma_start3A_202] : memref<24x128xf32, #tpu.memory_space<vmem>> -> memref<24x128xf32, #tpu.memory_space<vmem>>
        tpu.enqueue_dma source(%dma_start3A_203 : memref<24x128xf32, #tpu.memory_space<vmem>>) target(%dma_start3A_200 : memref<24x128xf32, #tpu.memory_space<vmem_shared>>) target_semaphore(%run_scoped3A : memref<!tpu.dma_semaphore, #tpu.memory_space<semaphore_mem>>)
        %dma_wait3A = arith.constant 0 : i32
        %dma_wait3A_204 = arith.constant 0 : i32
        %dma_wait3A_205 = tpu.memref_slice %arg10[%dma_wait3A, %dma_wait3A_204] : memref<24x128xf32, #tpu.memory_space<vmem>> -> memref<24x128xf32, #tpu.memory_space<vmem>>
        %dma_wait3A_206 = arith.constant 0 : i32
        %dma_wait3A_207 = tpu.memref_slice %arg11[%add3A_193, %dma_wait3A_206] : memref<10000x128xf32, #tpu.memory_space<vmem_shared>> -> memref<24x128xf32, #tpu.memory_space<vmem_shared>>
        %dma_wait3A_208 = arith.constant 0 : i32
        %dma_wait3A_209 = tpu.memref_slice %arg11[%add3A_193, %dma_wait3A_208] : memref<10000x128xf32, #tpu.memory_space<vmem_shared>> -> memref<24x128xf32, #tpu.memory_space<vmem_shared>>
        %dma_wait3A_210 = arith.constant 0 : i32
        %dma_wait3A_211 = arith.constant 0 : i32
        %dma_wait3A_212 = tpu.memref_slice %arg10[%dma_wait3A_210, %dma_wait3A_211] : memref<24x128xf32, #tpu.memory_space<vmem>> -> memref<24x128xf32, #tpu.memory_space<vmem>>
        tpu.wait_dma2 semaphore(%run_scoped3A : memref<!tpu.dma_semaphore, #tpu.memory_space<semaphore_mem>>) src(%dma_wait3A_212 : memref<24x128xf32, #tpu.memory_space<vmem>>) dst(%dma_wait3A_209 : memref<24x128xf32, #tpu.memory_space<vmem_shared>>)
        tpu.yield
      }) : () -> ()
    }
    %scan3A_98 = arith.constant 26 : i32
    %eq3A_99 = arith.constant 15 : i32
    %eq3A_100 = arith.cmpi eq, %arg1, %eq3A_99 : i32
    %convert_element_type3A_101 = arith.extui %eq3A_100 : i1 to i32
    %cond3A_102 = arith.constant 0 : i32
    %cond3A_103 = arith.cmpi ne, %convert_element_type3A_101, %cond3A_102 : i32
    scf.if %cond3A_103 {
      "tpu.region"() ({
        %run_scoped3A = tpu.sem_alloc : memref<!tpu.dma_semaphore, #tpu.memory_space<semaphore_mem>>
        %dma_start3A_184 = arith.constant 0 : i32
        %dma_start3A_185 = arith.constant 0 : i32
        %dma_start3A_186 = tpu.memref_slice %arg10[%dma_start3A_184, %dma_start3A_185] : memref<24x128xf32, #tpu.memory_space<vmem>> -> memref<16x128xf32, #tpu.memory_space<vmem>>
        %dma_start3A_187 = arith.constant 9984 : i32
        %dma_start3A_188 = arith.constant 0 : i32
        %dma_start3A_189 = tpu.memref_slice %arg11[%dma_start3A_187, %dma_start3A_188] : memref<10000x128xf32, #tpu.memory_space<vmem_shared>> -> memref<16x128xf32, #tpu.memory_space<vmem_shared>>
        %dma_start3A_190 = arith.constant 9984 : i32
        %dma_start3A_191 = arith.constant 0 : i32
        %dma_start3A_192 = tpu.memref_slice %arg11[%dma_start3A_190, %dma_start3A_191] : memref<10000x128xf32, #tpu.memory_space<vmem_shared>> -> memref<16x128xf32, #tpu.memory_space<vmem_shared>>
        %dma_start3A_193 = arith.constant 0 : i32
        %dma_start3A_194 = arith.constant 0 : i32
        %dma_start3A_195 = tpu.memref_slice %arg10[%dma_start3A_193, %dma_start3A_194] : memref<24x128xf32, #tpu.memory_space<vmem>> -> memref<16x128xf32, #tpu.memory_space<vmem>>
        tpu.enqueue_dma source(%dma_start3A_195 : memref<16x128xf32, #tpu.memory_space<vmem>>) target(%dma_start3A_192 : memref<16x128xf32, #tpu.memory_space<vmem_shared>>) target_semaphore(%run_scoped3A : memref<!tpu.dma_semaphore, #tpu.memory_space<semaphore_mem>>)
        %dma_wait3A = arith.constant 0 : i32
        %dma_wait3A_196 = arith.constant 0 : i32
        %dma_wait3A_197 = tpu.memref_slice %arg10[%dma_wait3A, %dma_wait3A_196] : memref<24x128xf32, #tpu.memory_space<vmem>> -> memref<16x128xf32, #tpu.memory_space<vmem>>
        %dma_wait3A_198 = arith.constant 9984 : i32
        %dma_wait3A_199 = arith.constant 0 : i32
        %dma_wait3A_200 = tpu.memref_slice %arg11[%dma_wait3A_198, %dma_wait3A_199] : memref<10000x128xf32, #tpu.memory_space<vmem_shared>> -> memref<16x128xf32, #tpu.memory_space<vmem_shared>>
        %dma_wait3A_201 = arith.constant 9984 : i32
        %dma_wait3A_202 = arith.constant 0 : i32
        %dma_wait3A_203 = tpu.memref_slice %arg11[%dma_wait3A_201, %dma_wait3A_202] : memref<10000x128xf32, #tpu.memory_space<vmem_shared>> -> memref<16x128xf32, #tpu.memory_space<vmem_shared>>
        %dma_wait3A_204 = arith.constant 0 : i32
        %dma_wait3A_205 = arith.constant 0 : i32
        %dma_wait3A_206 = tpu.memref_slice %arg10[%dma_wait3A_204, %dma_wait3A_205] : memref<24x128xf32, #tpu.memory_space<vmem>> -> memref<16x128xf32, #tpu.memory_space<vmem>>
        tpu.wait_dma2 semaphore(%run_scoped3A : memref<!tpu.dma_semaphore, #tpu.memory_space<semaphore_mem>>) src(%dma_wait3A_206 : memref<16x128xf32, #tpu.memory_space<vmem>>) dst(%dma_wait3A_203 : memref<16x128xf32, #tpu.memory_space<vmem_shared>>)
        tpu.yield
      }) : () -> ()
    } else {
    }
    %add3A_104 = arith.constant 64 : i32
    %add3A_105 = arith.addi %add3A_104, %add3A : i32
    %mul3A_106 = arith.constant 40 : i32
    %mul3A_107 = arith.muli %add3A_105, %mul3A_106 : i32
    "tpu.region"() ({
      %run_scoped3A = tpu.sem_alloc : memref<!tpu.dma_semaphore, #tpu.memory_space<semaphore_mem>>
      %dma_start3A_184 = arith.constant 0 : i32
      %dma_start3A_185 = tpu.memref_slice %arg3[%mul3A_107, %dma_start3A_184] : memref<5120x128xi32, #tpu.memory_space<hbm>> -> memref<40x128xi32, #tpu.memory_space<hbm>>
      %dma_start3A_186 = arith.constant 0 : i32
      %dma_start3A_187 = tpu.memref_slice %arg3[%mul3A_107, %dma_start3A_186] : memref<5120x128xi32, #tpu.memory_space<hbm>> -> memref<40x128xi32, #tpu.memory_space<hbm>>
      tpu.enqueue_dma source(%dma_start3A_187 : memref<40x128xi32, #tpu.memory_space<hbm>>) target(%arg6 : memref<40x128xi32, #tpu.memory_space<vmem>>) target_semaphore(%run_scoped3A : memref<!tpu.dma_semaphore, #tpu.memory_space<semaphore_mem>>)
      %dma_wait3A = arith.constant 0 : i32
      %dma_wait3A_188 = tpu.memref_slice %arg3[%mul3A_107, %dma_wait3A] : memref<5120x128xi32, #tpu.memory_space<hbm>> -> memref<40x128xi32, #tpu.memory_space<hbm>>
      %dma_wait3A_189 = arith.constant 0 : i32
      %dma_wait3A_190 = tpu.memref_slice %arg3[%mul3A_107, %dma_wait3A_189] : memref<5120x128xi32, #tpu.memory_space<hbm>> -> memref<40x128xi32, #tpu.memory_space<hbm>>
      tpu.wait_dma2 semaphore(%run_scoped3A : memref<!tpu.dma_semaphore, #tpu.memory_space<semaphore_mem>>) src(%dma_wait3A_190 : memref<40x128xi32, #tpu.memory_space<hbm>>) dst(%arg6 : memref<40x128xi32, #tpu.memory_space<vmem>>)
      tpu.yield
    }) : () -> ()
    %barrier3A_108 = arith.constant 0 : index
    tpu.barrier barrier_id(%barrier3A_108)
    %dma_start3A_109 = arith.constant 0 : i32
    %dma_start3A_110 = arith.constant 0 : i32
    %dma_start3A_111 = tpu.memref_slice %arg6[%dma_start3A_109, %dma_start3A_110] : memref<40x128xi32, #tpu.memory_space<vmem>> -> memref<1x128xi32, #tpu.memory_space<vmem>>
    %dma_start3A_112 = tpu.memref_squeeze %dma_start3A_111 : memref<1x128xi32, #tpu.memory_space<vmem>> -> memref<128xi32, #tpu.memory_space<vmem>>
    %dma_start3A_113 = arith.constant 0 : i32
    %dma_start3A_114 = arith.constant 0 : i32
    %dma_start3A_115 = tpu.memref_slice %arg2[%dma_start3A_113, %dma_start3A_114] : memref<40000x128xf32, #tpu.memory_space<hbm>> -> memref<40000x128xf32, #tpu.memory_space<hbm>>
    tpu.enqueue_indirect_dma source(%dma_start3A_115 : memref<40000x128xf32, #tpu.memory_space<hbm>>) target(%arg8 : memref<128x128xf32, #tpu.memory_space<vmem>>) offsets(%dma_start3A_112 : memref<128xi32, #tpu.memory_space<vmem>>) semaphore(%arg12 : memref<!tpu.dma_semaphore, #tpu.memory_space<semaphore_mem>>)
    %scan3A_116 = arith.constant 0 : i32
    %scan3A_117 = arith.constant 20 : i32
    %scan3A_118 = arith.addi %scan3A_116, %scan3A_117 : i32
    %scan3A_119 = arith.constant 1 : i32
    scf.for %scan3A_184 = %scan3A_116 to %scan3A_118 step %scan3A_119  : i32 {
      %mul3A_185 = arith.constant 1 : i32
      %mul3A_186 = arith.muli %scan3A_184, %mul3A_185 : i32
      %add3A_187 = arith.constant 0 : i32
      %add3A_188 = arith.addi %add3A_187, %mul3A_186 : i32
      %mul3A_189 = arith.constant 2 : i32
      %mul3A_190 = arith.muli %mul3A_189, %add3A_188 : i32
      %add3A_191 = arith.constant 1 : i32
      %add3A_192 = arith.addi %mul3A_190, %add3A_191 : i32
      %lt3A_193 = arith.cmpi slt, %add3A_192, %select_n3A : i32
      %convert_element_type3A_194 = arith.extui %lt3A_193 : i1 to i32
      %cond3A_195 = arith.constant 0 : i32
      %cond3A_196 = arith.cmpi ne, %convert_element_type3A_194, %cond3A_195 : i32
      scf.if %cond3A_196 {
        %dma_start3A_206 = arith.constant 0 : i32
        %dma_start3A_207 = tpu.memref_slice %arg6[%add3A_192, %dma_start3A_206] : memref<40x128xi32, #tpu.memory_space<vmem>> -> memref<1x128xi32, #tpu.memory_space<vmem>>
        %dma_start3A_208 = tpu.memref_squeeze %dma_start3A_207 : memref<1x128xi32, #tpu.memory_space<vmem>> -> memref<128xi32, #tpu.memory_space<vmem>>
        %dma_start3A_209 = arith.constant 0 : i32
        %dma_start3A_210 = arith.constant 0 : i32
        %dma_start3A_211 = tpu.memref_slice %arg2[%dma_start3A_209, %dma_start3A_210] : memref<40000x128xf32, #tpu.memory_space<hbm>> -> memref<40000x128xf32, #tpu.memory_space<hbm>>
        tpu.enqueue_indirect_dma source(%dma_start3A_211 : memref<40000x128xf32, #tpu.memory_space<hbm>>) target(%arg9 : memref<128x128xf32, #tpu.memory_space<vmem>>) offsets(%dma_start3A_208 : memref<128xi32, #tpu.memory_space<vmem>>) semaphore(%arg13 : memref<!tpu.dma_semaphore, #tpu.memory_space<semaphore_mem>>)
      } else {
      }
      %dma_wait3A = arith.constant 0 : i32
      %dma_wait3A_197 = tpu.memref_slice %arg6[%mul3A_190, %dma_wait3A] : memref<40x128xi32, #tpu.memory_space<vmem>> -> memref<1x128xi32, #tpu.memory_space<vmem>>
      %dma_wait3A_198 = tpu.memref_squeeze %dma_wait3A_197 : memref<1x128xi32, #tpu.memory_space<vmem>> -> memref<128xi32, #tpu.memory_space<vmem>>
      %dma_wait3A_199 = arith.constant 0 : i32
      %dma_wait3A_200 = arith.constant 0 : i32
      %dma_wait3A_201 = tpu.memref_slice %arg2[%dma_wait3A_199, %dma_wait3A_200] : memref<40000x128xf32, #tpu.memory_space<hbm>> -> memref<40000x128xf32, #tpu.memory_space<hbm>>
      tpu.wait_indirect_dma semaphore(%arg12 : memref<!tpu.dma_semaphore, #tpu.memory_space<semaphore_mem>>) src(%dma_wait3A_201 : memref<40000x128xf32, #tpu.memory_space<hbm>>) dst(%arg8 : memref<128x128xf32, #tpu.memory_space<vmem>>)
      "tpu.region"() ({
        %run_scoped3A = tpu.sem_alloc : memref<!tpu.dma_semaphore, #tpu.memory_space<semaphore_mem>>
        %dma_start3A_206 = arith.constant 0 : i32
        %dma_start3A_207 = tpu.memref_slice %arg7[%mul3A_190, %dma_start3A_206] : memref<40x128xi32, #tpu.memory_space<vmem>> -> memref<1x128xi32, #tpu.memory_space<vmem>>
        %dma_start3A_208 = tpu.memref_squeeze %dma_start3A_207 : memref<1x128xi32, #tpu.memory_space<vmem>> -> memref<128xi32, #tpu.memory_space<vmem>>
        %dma_start3A_209 = arith.constant 0 : i32
        %dma_start3A_210 = arith.constant 0 : i32
        %dma_start3A_211 = tpu.memref_slice %arg11[%dma_start3A_209, %dma_start3A_210] : memref<10000x128xf32, #tpu.memory_space<vmem_shared>> -> memref<10000x128xf32, #tpu.memory_space<vmem_shared>>
        tpu.enqueue_indirect_dma source(%arg8 : memref<128x128xf32, #tpu.memory_space<vmem>>) target(%dma_start3A_211 : memref<10000x128xf32, #tpu.memory_space<vmem_shared>>) offsets(%dma_start3A_208 : memref<128xi32, #tpu.memory_space<vmem>>) semaphore(%run_scoped3A : memref<!tpu.dma_semaphore, #tpu.memory_space<semaphore_mem>>) {add = true}
        %dma_wait3A_212 = arith.constant 0 : i32
        %dma_wait3A_213 = tpu.memref_slice %arg7[%mul3A_190, %dma_wait3A_212] : memref<40x128xi32, #tpu.memory_space<vmem>> -> memref<1x128xi32, #tpu.memory_space<vmem>>
        %dma_wait3A_214 = tpu.memref_squeeze %dma_wait3A_213 : memref<1x128xi32, #tpu.memory_space<vmem>> -> memref<128xi32, #tpu.memory_space<vmem>>
        %dma_wait3A_215 = arith.constant 0 : i32
        %dma_wait3A_216 = arith.constant 0 : i32
        %dma_wait3A_217 = tpu.memref_slice %arg11[%dma_wait3A_215, %dma_wait3A_216] : memref<10000x128xf32, #tpu.memory_space<vmem_shared>> -> memref<10000x128xf32, #tpu.memory_space<vmem_shared>>
        tpu.wait_indirect_dma semaphore(%run_scoped3A : memref<!tpu.dma_semaphore, #tpu.memory_space<semaphore_mem>>) src(%arg8 : memref<128x128xf32, #tpu.memory_space<vmem>>) dst(%dma_wait3A_217 : memref<10000x128xf32, #tpu.memory_space<vmem_shared>>)
        tpu.yield
      }) : () -> ()
      %lt3A_202 = arith.cmpi slt, %add3A_192, %select_n3A : i32
      %convert_element_type3A_203 = arith.extui %lt3A_202 : i1 to i32
      %cond3A_204 = arith.constant 0 : i32
      %cond3A_205 = arith.cmpi ne, %convert_element_type3A_203, %cond3A_204 : i32
      scf.if %cond3A_205 {
        %dma_wait3A_206 = arith.constant 0 : i32
        %dma_wait3A_207 = tpu.memref_slice %arg6[%add3A_192, %dma_wait3A_206] : memref<40x128xi32, #tpu.memory_space<vmem>> -> memref<1x128xi32, #tpu.memory_space<vmem>>
        %dma_wait3A_208 = tpu.memref_squeeze %dma_wait3A_207 : memref<1x128xi32, #tpu.memory_space<vmem>> -> memref<128xi32, #tpu.memory_space<vmem>>
        %dma_wait3A_209 = arith.constant 0 : i32
        %dma_wait3A_210 = arith.constant 0 : i32
        %dma_wait3A_211 = tpu.memref_slice %arg2[%dma_wait3A_209, %dma_wait3A_210] : memref<40000x128xf32, #tpu.memory_space<hbm>> -> memref<40000x128xf32, #tpu.memory_space<hbm>>
        tpu.wait_indirect_dma semaphore(%arg13 : memref<!tpu.dma_semaphore, #tpu.memory_space<semaphore_mem>>) src(%dma_wait3A_211 : memref<40000x128xf32, #tpu.memory_space<hbm>>) dst(%arg9 : memref<128x128xf32, #tpu.memory_space<vmem>>)
        %add3A_212 = arith.constant 1 : i32
        %add3A_213 = arith.addi %add3A_192, %add3A_212 : i32
        %lt3A_214 = arith.cmpi slt, %add3A_213, %select_n3A : i32
        %convert_element_type3A_215 = arith.extui %lt3A_214 : i1 to i32
        %cond3A_216 = arith.constant 0 : i32
        %cond3A_217 = arith.cmpi ne, %convert_element_type3A_215, %cond3A_216 : i32
        scf.if %cond3A_217 {
          %add3A_218 = arith.constant 1 : i32
          %add3A_219 = arith.addi %add3A_192, %add3A_218 : i32
          %dma_start3A_220 = arith.constant 0 : i32
          %dma_start3A_221 = tpu.memref_slice %arg6[%add3A_219, %dma_start3A_220] : memref<40x128xi32, #tpu.memory_space<vmem>> -> memref<1x128xi32, #tpu.memory_space<vmem>>
          %dma_start3A_222 = tpu.memref_squeeze %dma_start3A_221 : memref<1x128xi32, #tpu.memory_space<vmem>> -> memref<128xi32, #tpu.memory_space<vmem>>
          %dma_start3A_223 = arith.constant 0 : i32
          %dma_start3A_224 = arith.constant 0 : i32
          %dma_start3A_225 = tpu.memref_slice %arg2[%dma_start3A_223, %dma_start3A_224] : memref<40000x128xf32, #tpu.memory_space<hbm>> -> memref<40000x128xf32, #tpu.memory_space<hbm>>
          tpu.enqueue_indirect_dma source(%dma_start3A_225 : memref<40000x128xf32, #tpu.memory_space<hbm>>) target(%arg8 : memref<128x128xf32, #tpu.memory_space<vmem>>) offsets(%dma_start3A_222 : memref<128xi32, #tpu.memory_space<vmem>>) semaphore(%arg12 : memref<!tpu.dma_semaphore, #tpu.memory_space<semaphore_mem>>)
        } else {
        }
        "tpu.region"() ({
          %run_scoped3A = tpu.sem_alloc : memref<!tpu.dma_semaphore, #tpu.memory_space<semaphore_mem>>
          %dma_start3A_218 = arith.constant 0 : i32
          %dma_start3A_219 = tpu.memref_slice %arg7[%add3A_192, %dma_start3A_218] : memref<40x128xi32, #tpu.memory_space<vmem>> -> memref<1x128xi32, #tpu.memory_space<vmem>>
          %dma_start3A_220 = tpu.memref_squeeze %dma_start3A_219 : memref<1x128xi32, #tpu.memory_space<vmem>> -> memref<128xi32, #tpu.memory_space<vmem>>
          %dma_start3A_221 = arith.constant 0 : i32
          %dma_start3A_222 = arith.constant 0 : i32
          %dma_start3A_223 = tpu.memref_slice %arg11[%dma_start3A_221, %dma_start3A_222] : memref<10000x128xf32, #tpu.memory_space<vmem_shared>> -> memref<10000x128xf32, #tpu.memory_space<vmem_shared>>
          tpu.enqueue_indirect_dma source(%arg9 : memref<128x128xf32, #tpu.memory_space<vmem>>) target(%dma_start3A_223 : memref<10000x128xf32, #tpu.memory_space<vmem_shared>>) offsets(%dma_start3A_220 : memref<128xi32, #tpu.memory_space<vmem>>) semaphore(%run_scoped3A : memref<!tpu.dma_semaphore, #tpu.memory_space<semaphore_mem>>) {add = true}
          %dma_wait3A_224 = arith.constant 0 : i32
          %dma_wait3A_225 = tpu.memref_slice %arg7[%add3A_192, %dma_wait3A_224] : memref<40x128xi32, #tpu.memory_space<vmem>> -> memref<1x128xi32, #tpu.memory_space<vmem>>
          %dma_wait3A_226 = tpu.memref_squeeze %dma_wait3A_225 : memref<1x128xi32, #tpu.memory_space<vmem>> -> memref<128xi32, #tpu.memory_space<vmem>>
          %dma_wait3A_227 = arith.constant 0 : i32
          %dma_wait3A_228 = arith.constant 0 : i32
          %dma_wait3A_229 = tpu.memref_slice %arg11[%dma_wait3A_227, %dma_wait3A_228] : memref<10000x128xf32, #tpu.memory_space<vmem_shared>> -> memref<10000x128xf32, #tpu.memory_space<vmem_shared>>
          tpu.wait_indirect_dma semaphore(%run_scoped3A : memref<!tpu.dma_semaphore, #tpu.memory_space<semaphore_mem>>) src(%arg9 : memref<128x128xf32, #tpu.memory_space<vmem>>) dst(%dma_wait3A_229 : memref<10000x128xf32, #tpu.memory_space<vmem_shared>>)
          tpu.yield
        }) : () -> ()
      } else {
      }
    }
    %scan3A_120 = arith.constant 20 : i32
    %barrier3A_121 = arith.constant 0 : index
    tpu.barrier barrier_id(%barrier3A_121)
    %mul3A_122 = arith.constant 4 : i32
    %mul3A_123 = arith.muli %arg0, %mul3A_122 : i32
    %add3A_124 = arith.constant 2 : i32
    %add3A_125 = arith.addi %mul3A_123, %add3A_124 : i32
    %mul3A_126 = arith.constant 10000 : i32
    %mul3A_127 = arith.muli %add3A_125, %mul3A_126 : i32
    %mul3A_128 = arith.constant 624 : i32
    %mul3A_129 = arith.muli %arg1, %mul3A_128 : i32
    %mul3A_130 = arith.constant 624 : i32
    %mul3A_131 = arith.muli %arg1, %mul3A_130 : i32
    %add3A_132 = arith.addi %mul3A_127, %mul3A_131 : i32
    "tpu.region"() ({
      %run_scoped3A = tpu.sem_alloc : memref<!tpu.dma_semaphore, #tpu.memory_space<semaphore_mem>>
      %dma_start3A_184 = arith.constant 0 : i32
      %dma_start3A_185 = tpu.memref_slice %arg5[%add3A_132, %dma_start3A_184] : memref<80000x128xf32, #tpu.memory_space<hbm>> -> memref<624x128xf32, #tpu.memory_space<hbm>>
      %dma_start3A_186 = arith.constant 0 : i32
      %dma_start3A_187 = tpu.memref_slice %arg11[%mul3A_129, %dma_start3A_186] : memref<10000x128xf32, #tpu.memory_space<vmem_shared>> -> memref<624x128xf32, #tpu.memory_space<vmem_shared>>
      tpu.enqueue_dma source(%dma_start3A_187 : memref<624x128xf32, #tpu.memory_space<vmem_shared>>) target(%dma_start3A_185 : memref<624x128xf32, #tpu.memory_space<hbm>>) target_semaphore(%run_scoped3A : memref<!tpu.dma_semaphore, #tpu.memory_space<semaphore_mem>>)
      %dma_wait3A = arith.constant 0 : i32
      %dma_wait3A_188 = tpu.memref_slice %arg5[%add3A_132, %dma_wait3A] : memref<80000x128xf32, #tpu.memory_space<hbm>> -> memref<624x128xf32, #tpu.memory_space<hbm>>
      %dma_wait3A_189 = arith.constant 0 : i32
      %dma_wait3A_190 = tpu.memref_slice %arg11[%mul3A_129, %dma_wait3A_189] : memref<10000x128xf32, #tpu.memory_space<vmem_shared>> -> memref<624x128xf32, #tpu.memory_space<vmem_shared>>
      tpu.wait_dma2 semaphore(%run_scoped3A : memref<!tpu.dma_semaphore, #tpu.memory_space<semaphore_mem>>) src(%dma_wait3A_190 : memref<624x128xf32, #tpu.memory_space<vmem_shared>>) dst(%dma_wait3A_188 : memref<624x128xf32, #tpu.memory_space<hbm>>)
      tpu.yield
    }) : () -> ()
    %eq3A_133 = arith.constant 15 : i32
    %eq3A_134 = arith.cmpi eq, %arg1, %eq3A_133 : i32
    %convert_element_type3A_135 = arith.extui %eq3A_134 : i1 to i32
    %cond3A_136 = arith.constant 0 : i32
    %cond3A_137 = arith.cmpi ne, %convert_element_type3A_135, %cond3A_136 : i32
    scf.if %cond3A_137 {
      %add3A_184 = arith.constant 9984 : i32
      %add3A_185 = arith.addi %mul3A_127, %add3A_184 : i32
      "tpu.region"() ({
        %run_scoped3A = tpu.sem_alloc : memref<!tpu.dma_semaphore, #tpu.memory_space<semaphore_mem>>
        %dma_start3A_186 = arith.constant 0 : i32
        %dma_start3A_187 = tpu.memref_slice %arg5[%add3A_185, %dma_start3A_186] : memref<80000x128xf32, #tpu.memory_space<hbm>> -> memref<16x128xf32, #tpu.memory_space<hbm>>
        %dma_start3A_188 = arith.constant 9984 : i32
        %dma_start3A_189 = arith.constant 0 : i32
        %dma_start3A_190 = tpu.memref_slice %arg11[%dma_start3A_188, %dma_start3A_189] : memref<10000x128xf32, #tpu.memory_space<vmem_shared>> -> memref<16x128xf32, #tpu.memory_space<vmem_shared>>
        tpu.enqueue_dma source(%dma_start3A_190 : memref<16x128xf32, #tpu.memory_space<vmem_shared>>) target(%dma_start3A_187 : memref<16x128xf32, #tpu.memory_space<hbm>>) target_semaphore(%run_scoped3A : memref<!tpu.dma_semaphore, #tpu.memory_space<semaphore_mem>>)
        %dma_wait3A = arith.constant 0 : i32
        %dma_wait3A_191 = tpu.memref_slice %arg5[%add3A_185, %dma_wait3A] : memref<80000x128xf32, #tpu.memory_space<hbm>> -> memref<16x128xf32, #tpu.memory_space<hbm>>
        %dma_wait3A_192 = arith.constant 9984 : i32
        %dma_wait3A_193 = arith.constant 0 : i32
        %dma_wait3A_194 = tpu.memref_slice %arg11[%dma_wait3A_192, %dma_wait3A_193] : memref<10000x128xf32, #tpu.memory_space<vmem_shared>> -> memref<16x128xf32, #tpu.memory_space<vmem_shared>>
        tpu.wait_dma2 semaphore(%run_scoped3A : memref<!tpu.dma_semaphore, #tpu.memory_space<semaphore_mem>>) src(%dma_wait3A_194 : memref<16x128xf32, #tpu.memory_space<vmem_shared>>) dst(%dma_wait3A_191 : memref<16x128xf32, #tpu.memory_space<hbm>>)
        tpu.yield
      }) : () -> ()
    } else {
    }
    %barrier3A_138 = arith.constant 0 : index
    tpu.barrier barrier_id(%barrier3A_138)
    %scan3A_139 = arith.constant 0 : i32
    %scan3A_140 = arith.constant 26 : i32
    %scan3A_141 = arith.addi %scan3A_139, %scan3A_140 : i32
    %scan3A_142 = arith.constant 1 : i32
    scf.for %scan3A_184 = %scan3A_139 to %scan3A_141 step %scan3A_142  : i32 {
      %mul3A_185 = arith.constant 1 : i32
      %mul3A_186 = arith.muli %scan3A_184, %mul3A_185 : i32
      %add3A_187 = arith.constant 0 : i32
      %add3A_188 = arith.addi %add3A_187, %mul3A_186 : i32
      %mul3A_189 = arith.constant 624 : i32
      %mul3A_190 = arith.muli %arg1, %mul3A_189 : i32
      %mul3A_191 = arith.constant 24 : i32
      %mul3A_192 = arith.muli %add3A_188, %mul3A_191 : i32
      %add3A_193 = arith.addi %mul3A_190, %mul3A_192 : i32
      "tpu.region"() ({
        %run_scoped3A = tpu.sem_alloc : memref<!tpu.dma_semaphore, #tpu.memory_space<semaphore_mem>>
        %dma_start3A_194 = arith.constant 0 : i32
        %dma_start3A_195 = arith.constant 0 : i32
        %dma_start3A_196 = tpu.memref_slice %arg10[%dma_start3A_194, %dma_start3A_195] : memref<24x128xf32, #tpu.memory_space<vmem>> -> memref<24x128xf32, #tpu.memory_space<vmem>>
        %dma_start3A_197 = arith.constant 0 : i32
        %dma_start3A_198 = tpu.memref_slice %arg11[%add3A_193, %dma_start3A_197] : memref<10000x128xf32, #tpu.memory_space<vmem_shared>> -> memref<24x128xf32, #tpu.memory_space<vmem_shared>>
        %dma_start3A_199 = arith.constant 0 : i32
        %dma_start3A_200 = tpu.memref_slice %arg11[%add3A_193, %dma_start3A_199] : memref<10000x128xf32, #tpu.memory_space<vmem_shared>> -> memref<24x128xf32, #tpu.memory_space<vmem_shared>>
        %dma_start3A_201 = arith.constant 0 : i32
        %dma_start3A_202 = arith.constant 0 : i32
        %dma_start3A_203 = tpu.memref_slice %arg10[%dma_start3A_201, %dma_start3A_202] : memref<24x128xf32, #tpu.memory_space<vmem>> -> memref<24x128xf32, #tpu.memory_space<vmem>>
        tpu.enqueue_dma source(%dma_start3A_203 : memref<24x128xf32, #tpu.memory_space<vmem>>) target(%dma_start3A_200 : memref<24x128xf32, #tpu.memory_space<vmem_shared>>) target_semaphore(%run_scoped3A : memref<!tpu.dma_semaphore, #tpu.memory_space<semaphore_mem>>)
        %dma_wait3A = arith.constant 0 : i32
        %dma_wait3A_204 = arith.constant 0 : i32
        %dma_wait3A_205 = tpu.memref_slice %arg10[%dma_wait3A, %dma_wait3A_204] : memref<24x128xf32, #tpu.memory_space<vmem>> -> memref<24x128xf32, #tpu.memory_space<vmem>>
        %dma_wait3A_206 = arith.constant 0 : i32
        %dma_wait3A_207 = tpu.memref_slice %arg11[%add3A_193, %dma_wait3A_206] : memref<10000x128xf32, #tpu.memory_space<vmem_shared>> -> memref<24x128xf32, #tpu.memory_space<vmem_shared>>
        %dma_wait3A_208 = arith.constant 0 : i32
        %dma_wait3A_209 = tpu.memref_slice %arg11[%add3A_193, %dma_wait3A_208] : memref<10000x128xf32, #tpu.memory_space<vmem_shared>> -> memref<24x128xf32, #tpu.memory_space<vmem_shared>>
        %dma_wait3A_210 = arith.constant 0 : i32
        %dma_wait3A_211 = arith.constant 0 : i32
        %dma_wait3A_212 = tpu.memref_slice %arg10[%dma_wait3A_210, %dma_wait3A_211] : memref<24x128xf32, #tpu.memory_space<vmem>> -> memref<24x128xf32, #tpu.memory_space<vmem>>
        tpu.wait_dma2 semaphore(%run_scoped3A : memref<!tpu.dma_semaphore, #tpu.memory_space<semaphore_mem>>) src(%dma_wait3A_212 : memref<24x128xf32, #tpu.memory_space<vmem>>) dst(%dma_wait3A_209 : memref<24x128xf32, #tpu.memory_space<vmem_shared>>)
        tpu.yield
      }) : () -> ()
    }
    %scan3A_143 = arith.constant 26 : i32
    %eq3A_144 = arith.constant 15 : i32
    %eq3A_145 = arith.cmpi eq, %arg1, %eq3A_144 : i32
    %convert_element_type3A_146 = arith.extui %eq3A_145 : i1 to i32
    %cond3A_147 = arith.constant 0 : i32
    %cond3A_148 = arith.cmpi ne, %convert_element_type3A_146, %cond3A_147 : i32
    scf.if %cond3A_148 {
      "tpu.region"() ({
        %run_scoped3A = tpu.sem_alloc : memref<!tpu.dma_semaphore, #tpu.memory_space<semaphore_mem>>
        %dma_start3A_184 = arith.constant 0 : i32
        %dma_start3A_185 = arith.constant 0 : i32
        %dma_start3A_186 = tpu.memref_slice %arg10[%dma_start3A_184, %dma_start3A_185] : memref<24x128xf32, #tpu.memory_space<vmem>> -> memref<16x128xf32, #tpu.memory_space<vmem>>
        %dma_start3A_187 = arith.constant 9984 : i32
        %dma_start3A_188 = arith.constant 0 : i32
        %dma_start3A_189 = tpu.memref_slice %arg11[%dma_start3A_187, %dma_start3A_188] : memref<10000x128xf32, #tpu.memory_space<vmem_shared>> -> memref<16x128xf32, #tpu.memory_space<vmem_shared>>
        %dma_start3A_190 = arith.constant 9984 : i32
        %dma_start3A_191 = arith.constant 0 : i32
        %dma_start3A_192 = tpu.memref_slice %arg11[%dma_start3A_190, %dma_start3A_191] : memref<10000x128xf32, #tpu.memory_space<vmem_shared>> -> memref<16x128xf32, #tpu.memory_space<vmem_shared>>
        %dma_start3A_193 = arith.constant 0 : i32
        %dma_start3A_194 = arith.constant 0 : i32
        %dma_start3A_195 = tpu.memref_slice %arg10[%dma_start3A_193, %dma_start3A_194] : memref<24x128xf32, #tpu.memory_space<vmem>> -> memref<16x128xf32, #tpu.memory_space<vmem>>
        tpu.enqueue_dma source(%dma_start3A_195 : memref<16x128xf32, #tpu.memory_space<vmem>>) target(%dma_start3A_192 : memref<16x128xf32, #tpu.memory_space<vmem_shared>>) target_semaphore(%run_scoped3A : memref<!tpu.dma_semaphore, #tpu.memory_space<semaphore_mem>>)
        %dma_wait3A = arith.constant 0 : i32
        %dma_wait3A_196 = arith.constant 0 : i32
        %dma_wait3A_197 = tpu.memref_slice %arg10[%dma_wait3A, %dma_wait3A_196] : memref<24x128xf32, #tpu.memory_space<vmem>> -> memref<16x128xf32, #tpu.memory_space<vmem>>
        %dma_wait3A_198 = arith.constant 9984 : i32
        %dma_wait3A_199 = arith.constant 0 : i32
        %dma_wait3A_200 = tpu.memref_slice %arg11[%dma_wait3A_198, %dma_wait3A_199] : memref<10000x128xf32, #tpu.memory_space<vmem_shared>> -> memref<16x128xf32, #tpu.memory_space<vmem_shared>>
        %dma_wait3A_201 = arith.constant 9984 : i32
        %dma_wait3A_202 = arith.constant 0 : i32
        %dma_wait3A_203 = tpu.memref_slice %arg11[%dma_wait3A_201, %dma_wait3A_202] : memref<10000x128xf32, #tpu.memory_space<vmem_shared>> -> memref<16x128xf32, #tpu.memory_space<vmem_shared>>
        %dma_wait3A_204 = arith.constant 0 : i32
        %dma_wait3A_205 = arith.constant 0 : i32
        %dma_wait3A_206 = tpu.memref_slice %arg10[%dma_wait3A_204, %dma_wait3A_205] : memref<24x128xf32, #tpu.memory_space<vmem>> -> memref<16x128xf32, #tpu.memory_space<vmem>>
        tpu.wait_dma2 semaphore(%run_scoped3A : memref<!tpu.dma_semaphore, #tpu.memory_space<semaphore_mem>>) src(%dma_wait3A_206 : memref<16x128xf32, #tpu.memory_space<vmem>>) dst(%dma_wait3A_203 : memref<16x128xf32, #tpu.memory_space<vmem_shared>>)
        tpu.yield
      }) : () -> ()
    } else {
    }
    %add3A_149 = arith.constant 96 : i32
    %add3A_150 = arith.addi %add3A_149, %add3A : i32
    %mul3A_151 = arith.constant 40 : i32
    %mul3A_152 = arith.muli %add3A_150, %mul3A_151 : i32
    "tpu.region"() ({
      %run_scoped3A = tpu.sem_alloc : memref<!tpu.dma_semaphore, #tpu.memory_space<semaphore_mem>>
      %dma_start3A_184 = arith.constant 0 : i32
      %dma_start3A_185 = tpu.memref_slice %arg3[%mul3A_152, %dma_start3A_184] : memref<5120x128xi32, #tpu.memory_space<hbm>> -> memref<40x128xi32, #tpu.memory_space<hbm>>
      %dma_start3A_186 = arith.constant 0 : i32
      %dma_start3A_187 = tpu.memref_slice %arg3[%mul3A_152, %dma_start3A_186] : memref<5120x128xi32, #tpu.memory_space<hbm>> -> memref<40x128xi32, #tpu.memory_space<hbm>>
      tpu.enqueue_dma source(%dma_start3A_187 : memref<40x128xi32, #tpu.memory_space<hbm>>) target(%arg6 : memref<40x128xi32, #tpu.memory_space<vmem>>) target_semaphore(%run_scoped3A : memref<!tpu.dma_semaphore, #tpu.memory_space<semaphore_mem>>)
      %dma_wait3A = arith.constant 0 : i32
      %dma_wait3A_188 = tpu.memref_slice %arg3[%mul3A_152, %dma_wait3A] : memref<5120x128xi32, #tpu.memory_space<hbm>> -> memref<40x128xi32, #tpu.memory_space<hbm>>
      %dma_wait3A_189 = arith.constant 0 : i32
      %dma_wait3A_190 = tpu.memref_slice %arg3[%mul3A_152, %dma_wait3A_189] : memref<5120x128xi32, #tpu.memory_space<hbm>> -> memref<40x128xi32, #tpu.memory_space<hbm>>
      tpu.wait_dma2 semaphore(%run_scoped3A : memref<!tpu.dma_semaphore, #tpu.memory_space<semaphore_mem>>) src(%dma_wait3A_190 : memref<40x128xi32, #tpu.memory_space<hbm>>) dst(%arg6 : memref<40x128xi32, #tpu.memory_space<vmem>>)
      tpu.yield
    }) : () -> ()
    %barrier3A_153 = arith.constant 0 : index
    tpu.barrier barrier_id(%barrier3A_153)
    %dma_start3A_154 = arith.constant 0 : i32
    %dma_start3A_155 = arith.constant 0 : i32
    %dma_start3A_156 = tpu.memref_slice %arg6[%dma_start3A_154, %dma_start3A_155] : memref<40x128xi32, #tpu.memory_space<vmem>> -> memref<1x128xi32, #tpu.memory_space<vmem>>
    %dma_start3A_157 = tpu.memref_squeeze %dma_start3A_156 : memref<1x128xi32, #tpu.memory_space<vmem>> -> memref<128xi32, #tpu.memory_space<vmem>>
    %dma_start3A_158 = arith.constant 0 : i32
    %dma_start3A_159 = arith.constant 0 : i32
    %dma_start3A_160 = tpu.memref_slice %arg2[%dma_start3A_158, %dma_start3A_159] : memref<40000x128xf32, #tpu.memory_space<hbm>> -> memref<40000x128xf32, #tpu.memory_space<hbm>>
    tpu.enqueue_indirect_dma source(%dma_start3A_160 : memref<40000x128xf32, #tpu.memory_space<hbm>>) target(%arg8 : memref<128x128xf32, #tpu.memory_space<vmem>>) offsets(%dma_start3A_157 : memref<128xi32, #tpu.memory_space<vmem>>) semaphore(%arg12 : memref<!tpu.dma_semaphore, #tpu.memory_space<semaphore_mem>>)
    %scan3A_161 = arith.constant 0 : i32
    %scan3A_162 = arith.constant 20 : i32
    %scan3A_163 = arith.addi %scan3A_161, %scan3A_162 : i32
    %scan3A_164 = arith.constant 1 : i32
    scf.for %scan3A_184 = %scan3A_161 to %scan3A_163 step %scan3A_164  : i32 {
      %mul3A_185 = arith.constant 1 : i32
      %mul3A_186 = arith.muli %scan3A_184, %mul3A_185 : i32
      %add3A_187 = arith.constant 0 : i32
      %add3A_188 = arith.addi %add3A_187, %mul3A_186 : i32
      %mul3A_189 = arith.constant 2 : i32
      %mul3A_190 = arith.muli %mul3A_189, %add3A_188 : i32
      %add3A_191 = arith.constant 1 : i32
      %add3A_192 = arith.addi %mul3A_190, %add3A_191 : i32
      %lt3A_193 = arith.cmpi slt, %add3A_192, %select_n3A : i32
      %convert_element_type3A_194 = arith.extui %lt3A_193 : i1 to i32
      %cond3A_195 = arith.constant 0 : i32
      %cond3A_196 = arith.cmpi ne, %convert_element_type3A_194, %cond3A_195 : i32
      scf.if %cond3A_196 {
        %dma_start3A_206 = arith.constant 0 : i32
        %dma_start3A_207 = tpu.memref_slice %arg6[%add3A_192, %dma_start3A_206] : memref<40x128xi32, #tpu.memory_space<vmem>> -> memref<1x128xi32, #tpu.memory_space<vmem>>
        %dma_start3A_208 = tpu.memref_squeeze %dma_start3A_207 : memref<1x128xi32, #tpu.memory_space<vmem>> -> memref<128xi32, #tpu.memory_space<vmem>>
        %dma_start3A_209 = arith.constant 0 : i32
        %dma_start3A_210 = arith.constant 0 : i32
        %dma_start3A_211 = tpu.memref_slice %arg2[%dma_start3A_209, %dma_start3A_210] : memref<40000x128xf32, #tpu.memory_space<hbm>> -> memref<40000x128xf32, #tpu.memory_space<hbm>>
        tpu.enqueue_indirect_dma source(%dma_start3A_211 : memref<40000x128xf32, #tpu.memory_space<hbm>>) target(%arg9 : memref<128x128xf32, #tpu.memory_space<vmem>>) offsets(%dma_start3A_208 : memref<128xi32, #tpu.memory_space<vmem>>) semaphore(%arg13 : memref<!tpu.dma_semaphore, #tpu.memory_space<semaphore_mem>>)
      } else {
      }
      %dma_wait3A = arith.constant 0 : i32
      %dma_wait3A_197 = tpu.memref_slice %arg6[%mul3A_190, %dma_wait3A] : memref<40x128xi32, #tpu.memory_space<vmem>> -> memref<1x128xi32, #tpu.memory_space<vmem>>
      %dma_wait3A_198 = tpu.memref_squeeze %dma_wait3A_197 : memref<1x128xi32, #tpu.memory_space<vmem>> -> memref<128xi32, #tpu.memory_space<vmem>>
      %dma_wait3A_199 = arith.constant 0 : i32
      %dma_wait3A_200 = arith.constant 0 : i32
      %dma_wait3A_201 = tpu.memref_slice %arg2[%dma_wait3A_199, %dma_wait3A_200] : memref<40000x128xf32, #tpu.memory_space<hbm>> -> memref<40000x128xf32, #tpu.memory_space<hbm>>
      tpu.wait_indirect_dma semaphore(%arg12 : memref<!tpu.dma_semaphore, #tpu.memory_space<semaphore_mem>>) src(%dma_wait3A_201 : memref<40000x128xf32, #tpu.memory_space<hbm>>) dst(%arg8 : memref<128x128xf32, #tpu.memory_space<vmem>>)
      "tpu.region"() ({
        %run_scoped3A = tpu.sem_alloc : memref<!tpu.dma_semaphore, #tpu.memory_space<semaphore_mem>>
        %dma_start3A_206 = arith.constant 0 : i32
        %dma_start3A_207 = tpu.memref_slice %arg7[%mul3A_190, %dma_start3A_206] : memref<40x128xi32, #tpu.memory_space<vmem>> -> memref<1x128xi32, #tpu.memory_space<vmem>>
        %dma_start3A_208 = tpu.memref_squeeze %dma_start3A_207 : memref<1x128xi32, #tpu.memory_space<vmem>> -> memref<128xi32, #tpu.memory_space<vmem>>
        %dma_start3A_209 = arith.constant 0 : i32
        %dma_start3A_210 = arith.constant 0 : i32
        %dma_start3A_211 = tpu.memref_slice %arg11[%dma_start3A_209, %dma_start3A_210] : memref<10000x128xf32, #tpu.memory_space<vmem_shared>> -> memref<10000x128xf32, #tpu.memory_space<vmem_shared>>
        tpu.enqueue_indirect_dma source(%arg8 : memref<128x128xf32, #tpu.memory_space<vmem>>) target(%dma_start3A_211 : memref<10000x128xf32, #tpu.memory_space<vmem_shared>>) offsets(%dma_start3A_208 : memref<128xi32, #tpu.memory_space<vmem>>) semaphore(%run_scoped3A : memref<!tpu.dma_semaphore, #tpu.memory_space<semaphore_mem>>) {add = true}
        %dma_wait3A_212 = arith.constant 0 : i32
        %dma_wait3A_213 = tpu.memref_slice %arg7[%mul3A_190, %dma_wait3A_212] : memref<40x128xi32, #tpu.memory_space<vmem>> -> memref<1x128xi32, #tpu.memory_space<vmem>>
        %dma_wait3A_214 = tpu.memref_squeeze %dma_wait3A_213 : memref<1x128xi32, #tpu.memory_space<vmem>> -> memref<128xi32, #tpu.memory_space<vmem>>
        %dma_wait3A_215 = arith.constant 0 : i32
        %dma_wait3A_216 = arith.constant 0 : i32
        %dma_wait3A_217 = tpu.memref_slice %arg11[%dma_wait3A_215, %dma_wait3A_216] : memref<10000x128xf32, #tpu.memory_space<vmem_shared>> -> memref<10000x128xf32, #tpu.memory_space<vmem_shared>>
        tpu.wait_indirect_dma semaphore(%run_scoped3A : memref<!tpu.dma_semaphore, #tpu.memory_space<semaphore_mem>>) src(%arg8 : memref<128x128xf32, #tpu.memory_space<vmem>>) dst(%dma_wait3A_217 : memref<10000x128xf32, #tpu.memory_space<vmem_shared>>)
        tpu.yield
      }) : () -> ()
      %lt3A_202 = arith.cmpi slt, %add3A_192, %select_n3A : i32
      %convert_element_type3A_203 = arith.extui %lt3A_202 : i1 to i32
      %cond3A_204 = arith.constant 0 : i32
      %cond3A_205 = arith.cmpi ne, %convert_element_type3A_203, %cond3A_204 : i32
      scf.if %cond3A_205 {
        %dma_wait3A_206 = arith.constant 0 : i32
        %dma_wait3A_207 = tpu.memref_slice %arg6[%add3A_192, %dma_wait3A_206] : memref<40x128xi32, #tpu.memory_space<vmem>> -> memref<1x128xi32, #tpu.memory_space<vmem>>
        %dma_wait3A_208 = tpu.memref_squeeze %dma_wait3A_207 : memref<1x128xi32, #tpu.memory_space<vmem>> -> memref<128xi32, #tpu.memory_space<vmem>>
        %dma_wait3A_209 = arith.constant 0 : i32
        %dma_wait3A_210 = arith.constant 0 : i32
        %dma_wait3A_211 = tpu.memref_slice %arg2[%dma_wait3A_209, %dma_wait3A_210] : memref<40000x128xf32, #tpu.memory_space<hbm>> -> memref<40000x128xf32, #tpu.memory_space<hbm>>
        tpu.wait_indirect_dma semaphore(%arg13 : memref<!tpu.dma_semaphore, #tpu.memory_space<semaphore_mem>>) src(%dma_wait3A_211 : memref<40000x128xf32, #tpu.memory_space<hbm>>) dst(%arg9 : memref<128x128xf32, #tpu.memory_space<vmem>>)
        %add3A_212 = arith.constant 1 : i32
        %add3A_213 = arith.addi %add3A_192, %add3A_212 : i32
        %lt3A_214 = arith.cmpi slt, %add3A_213, %select_n3A : i32
        %convert_element_type3A_215 = arith.extui %lt3A_214 : i1 to i32
        %cond3A_216 = arith.constant 0 : i32
        %cond3A_217 = arith.cmpi ne, %convert_element_type3A_215, %cond3A_216 : i32
        scf.if %cond3A_217 {
          %add3A_218 = arith.constant 1 : i32
          %add3A_219 = arith.addi %add3A_192, %add3A_218 : i32
          %dma_start3A_220 = arith.constant 0 : i32
          %dma_start3A_221 = tpu.memref_slice %arg6[%add3A_219, %dma_start3A_220] : memref<40x128xi32, #tpu.memory_space<vmem>> -> memref<1x128xi32, #tpu.memory_space<vmem>>
          %dma_start3A_222 = tpu.memref_squeeze %dma_start3A_221 : memref<1x128xi32, #tpu.memory_space<vmem>> -> memref<128xi32, #tpu.memory_space<vmem>>
          %dma_start3A_223 = arith.constant 0 : i32
          %dma_start3A_224 = arith.constant 0 : i32
          %dma_start3A_225 = tpu.memref_slice %arg2[%dma_start3A_223, %dma_start3A_224] : memref<40000x128xf32, #tpu.memory_space<hbm>> -> memref<40000x128xf32, #tpu.memory_space<hbm>>
          tpu.enqueue_indirect_dma source(%dma_start3A_225 : memref<40000x128xf32, #tpu.memory_space<hbm>>) target(%arg8 : memref<128x128xf32, #tpu.memory_space<vmem>>) offsets(%dma_start3A_222 : memref<128xi32, #tpu.memory_space<vmem>>) semaphore(%arg12 : memref<!tpu.dma_semaphore, #tpu.memory_space<semaphore_mem>>)
        } else {
        }
        "tpu.region"() ({
          %run_scoped3A = tpu.sem_alloc : memref<!tpu.dma_semaphore, #tpu.memory_space<semaphore_mem>>
          %dma_start3A_218 = arith.constant 0 : i32
          %dma_start3A_219 = tpu.memref_slice %arg7[%add3A_192, %dma_start3A_218] : memref<40x128xi32, #tpu.memory_space<vmem>> -> memref<1x128xi32, #tpu.memory_space<vmem>>
          %dma_start3A_220 = tpu.memref_squeeze %dma_start3A_219 : memref<1x128xi32, #tpu.memory_space<vmem>> -> memref<128xi32, #tpu.memory_space<vmem>>
          %dma_start3A_221 = arith.constant 0 : i32
          %dma_start3A_222 = arith.constant 0 : i32
          %dma_start3A_223 = tpu.memref_slice %arg11[%dma_start3A_221, %dma_start3A_222] : memref<10000x128xf32, #tpu.memory_space<vmem_shared>> -> memref<10000x128xf32, #tpu.memory_space<vmem_shared>>
          tpu.enqueue_indirect_dma source(%arg9 : memref<128x128xf32, #tpu.memory_space<vmem>>) target(%dma_start3A_223 : memref<10000x128xf32, #tpu.memory_space<vmem_shared>>) offsets(%dma_start3A_220 : memref<128xi32, #tpu.memory_space<vmem>>) semaphore(%run_scoped3A : memref<!tpu.dma_semaphore, #tpu.memory_space<semaphore_mem>>) {add = true}
          %dma_wait3A_224 = arith.constant 0 : i32
          %dma_wait3A_225 = tpu.memref_slice %arg7[%add3A_192, %dma_wait3A_224] : memref<40x128xi32, #tpu.memory_space<vmem>> -> memref<1x128xi32, #tpu.memory_space<vmem>>
          %dma_wait3A_226 = tpu.memref_squeeze %dma_wait3A_225 : memref<1x128xi32, #tpu.memory_space<vmem>> -> memref<128xi32, #tpu.memory_space<vmem>>
          %dma_wait3A_227 = arith.constant 0 : i32
          %dma_wait3A_228 = arith.constant 0 : i32
          %dma_wait3A_229 = tpu.memref_slice %arg11[%dma_wait3A_227, %dma_wait3A_228] : memref<10000x128xf32, #tpu.memory_space<vmem_shared>> -> memref<10000x128xf32, #tpu.memory_space<vmem_shared>>
          tpu.wait_indirect_dma semaphore(%run_scoped3A : memref<!tpu.dma_semaphore, #tpu.memory_space<semaphore_mem>>) src(%arg9 : memref<128x128xf32, #tpu.memory_space<vmem>>) dst(%dma_wait3A_229 : memref<10000x128xf32, #tpu.memory_space<vmem_shared>>)
          tpu.yield
        }) : () -> ()
      } else {
      }
    }
    %scan3A_165 = arith.constant 20 : i32
    %barrier3A_166 = arith.constant 0 : index
    tpu.barrier barrier_id(%barrier3A_166)
    %mul3A_167 = arith.constant 4 : i32
    %mul3A_168 = arith.muli %arg0, %mul3A_167 : i32
    %add3A_169 = arith.constant 3 : i32
    %add3A_170 = arith.addi %mul3A_168, %add3A_169 : i32
    %mul3A_171 = arith.constant 10000 : i32
    %mul3A_172 = arith.muli %add3A_170, %mul3A_171 : i32
    %mul3A_173 = arith.constant 624 : i32
    %mul3A_174 = arith.muli %arg1, %mul3A_173 : i32
    %mul3A_175 = arith.constant 624 : i32
    %mul3A_176 = arith.muli %arg1, %mul3A_175 : i32
    %add3A_177 = arith.addi %mul3A_172, %mul3A_176 : i32
    "tpu.region"() ({
      %run_scoped3A = tpu.sem_alloc : memref<!tpu.dma_semaphore, #tpu.memory_space<semaphore_mem>>
      %dma_start3A_184 = arith.constant 0 : i32
      %dma_start3A_185 = tpu.memref_slice %arg5[%add3A_177, %dma_start3A_184] : memref<80000x128xf32, #tpu.memory_space<hbm>> -> memref<624x128xf32, #tpu.memory_space<hbm>>
      %dma_start3A_186 = arith.constant 0 : i32
      %dma_start3A_187 = tpu.memref_slice %arg11[%mul3A_174, %dma_start3A_186] : memref<10000x128xf32, #tpu.memory_space<vmem_shared>> -> memref<624x128xf32, #tpu.memory_space<vmem_shared>>
      tpu.enqueue_dma source(%dma_start3A_187 : memref<624x128xf32, #tpu.memory_space<vmem_shared>>) target(%dma_start3A_185 : memref<624x128xf32, #tpu.memory_space<hbm>>) target_semaphore(%run_scoped3A : memref<!tpu.dma_semaphore, #tpu.memory_space<semaphore_mem>>)
      %dma_wait3A = arith.constant 0 : i32
      %dma_wait3A_188 = tpu.memref_slice %arg5[%add3A_177, %dma_wait3A] : memref<80000x128xf32, #tpu.memory_space<hbm>> -> memref<624x128xf32, #tpu.memory_space<hbm>>
      %dma_wait3A_189 = arith.constant 0 : i32
      %dma_wait3A_190 = tpu.memref_slice %arg11[%mul3A_174, %dma_wait3A_189] : memref<10000x128xf32, #tpu.memory_space<vmem_shared>> -> memref<624x128xf32, #tpu.memory_space<vmem_shared>>
      tpu.wait_dma2 semaphore(%run_scoped3A : memref<!tpu.dma_semaphore, #tpu.memory_space<semaphore_mem>>) src(%dma_wait3A_190 : memref<624x128xf32, #tpu.memory_space<vmem_shared>>) dst(%dma_wait3A_188 : memref<624x128xf32, #tpu.memory_space<hbm>>)
      tpu.yield
    }) : () -> ()
    %eq3A_178 = arith.constant 15 : i32
    %eq3A_179 = arith.cmpi eq, %arg1, %eq3A_178 : i32
    %convert_element_type3A_180 = arith.extui %eq3A_179 : i1 to i32
    %cond3A_181 = arith.constant 0 : i32
    %cond3A_182 = arith.cmpi ne, %convert_element_type3A_180, %cond3A_181 : i32
    scf.if %cond3A_182 {
      %add3A_184 = arith.constant 9984 : i32
      %add3A_185 = arith.addi %mul3A_172, %add3A_184 : i32
      "tpu.region"() ({
        %run_scoped3A = tpu.sem_alloc : memref<!tpu.dma_semaphore, #tpu.memory_space<semaphore_mem>>
        %dma_start3A_186 = arith.constant 0 : i32
        %dma_start3A_187 = tpu.memref_slice %arg5[%add3A_185, %dma_start3A_186] : memref<80000x128xf32, #tpu.memory_space<hbm>> -> memref<16x128xf32, #tpu.memory_space<hbm>>
        %dma_start3A_188 = arith.constant 9984 : i32
        %dma_start3A_189 = arith.constant 0 : i32
        %dma_start3A_190 = tpu.memref_slice %arg11[%dma_start3A_188, %dma_start3A_189] : memref<10000x128xf32, #tpu.memory_space<vmem_shared>> -> memref<16x128xf32, #tpu.memory_space<vmem_shared>>
        tpu.enqueue_dma source(%dma_start3A_190 : memref<16x128xf32, #tpu.memory_space<vmem_shared>>) target(%dma_start3A_187 : memref<16x128xf32, #tpu.memory_space<hbm>>) target_semaphore(%run_scoped3A : memref<!tpu.dma_semaphore, #tpu.memory_space<semaphore_mem>>)
        %dma_wait3A = arith.constant 0 : i32
        %dma_wait3A_191 = tpu.memref_slice %arg5[%add3A_185, %dma_wait3A] : memref<80000x128xf32, #tpu.memory_space<hbm>> -> memref<16x128xf32, #tpu.memory_space<hbm>>
        %dma_wait3A_192 = arith.constant 9984 : i32
        %dma_wait3A_193 = arith.constant 0 : i32
        %dma_wait3A_194 = tpu.memref_slice %arg11[%dma_wait3A_192, %dma_wait3A_193] : memref<10000x128xf32, #tpu.memory_space<vmem_shared>> -> memref<16x128xf32, #tpu.memory_space<vmem_shared>>
        tpu.wait_dma2 semaphore(%run_scoped3A : memref<!tpu.dma_semaphore, #tpu.memory_space<semaphore_mem>>) src(%dma_wait3A_194 : memref<16x128xf32, #tpu.memory_space<vmem_shared>>) dst(%dma_wait3A_191 : memref<16x128xf32, #tpu.memory_space<hbm>>)
        tpu.yield
      }) : () -> ()
    } else {
    }
    %barrier3A_183 = arith.constant 0 : index
    tpu.barrier barrier_id(%barrier3A_183)
    return
  }
}

module attributes {stable_mosaic.version = 14 : i64} {
  func.func @_combine_body(%arg0: i32, %arg1: memref<2x1000x128xf32, #tpu.memory_space<vmem>>, %arg2: memref<2x2x1000x128xf32, #tpu.memory_space<vmem>>, %arg3: memref<256x512xf32, #tpu.memory_space<vmem>>, %arg4: memref<1x512xf32, #tpu.memory_space<vmem>>, %arg5: memref<4x1000x128xf32, #tpu.memory_space<vmem>>) attributes {dimension_semantics = [#tpu.dimension_semantics<arbitrary>], iteration_bounds = array<i64: 10>, scalar_prefetch = 0 : i64, scratch_operands = 0 : i64, tpu.core_type = #tpu.core_type<tc>, window_params = [{transform_indices = @transform_0, window_bounds = array<i64: 2, 1000, 128>}, {transform_indices = @transform_1, window_bounds = array<i64: 2, 2, 1000, 128>}, {pipeline_mode = #tpu.pipeline_mode<synchronous>, transform_indices = @transform_2, window_bounds = array<i64: 256, 512>}, {pipeline_mode = #tpu.pipeline_mode<synchronous>, transform_indices = @transform_3, window_bounds = array<i64: 1, 512>}, {transform_indices = @transform_4, window_bounds = array<i64: 4, 1000, 128>}]} {
    %get3A = arith.constant 0 : index
    %get3A_0 = arith.constant 0 : index
    %get3A_1 = arith.constant 0 : index
    %get3A_2 = vector.load %arg1[%get3A, %get3A_0, %get3A_1] : memref<2x1000x128xf32, #tpu.memory_space<vmem>>, vector<1x1000x128xf32>
    %get3A_3 = vector.shape_cast %get3A_2 : vector<1x1000x128xf32> to vector<1000x128xf32>
    %get3A_4 = arith.constant 0 : index
    %get3A_5 = arith.constant 0 : index
    %get3A_6 = arith.constant 0 : index
    %get3A_7 = arith.constant 0 : index
    %get3A_8 = vector.load %arg2[%get3A_4, %get3A_5, %get3A_6, %get3A_7] : memref<2x2x1000x128xf32, #tpu.memory_space<vmem>>, vector<1x1x1000x128xf32>
    %get3A_9 = vector.shape_cast %get3A_8 : vector<1x1x1000x128xf32> to vector<1000x128xf32>
    %add3A = arith.addf %get3A_3, %get3A_9 : vector<1000x128xf32>
    %get3A_10 = arith.constant 1 : index
    %get3A_11 = arith.constant 0 : index
    %get3A_12 = arith.constant 0 : index
    %get3A_13 = arith.constant 0 : index
    %get3A_14 = vector.load %arg2[%get3A_10, %get3A_11, %get3A_12, %get3A_13] : memref<2x2x1000x128xf32, #tpu.memory_space<vmem>>, vector<1x1x1000x128xf32>
    %get3A_15 = vector.shape_cast %get3A_14 : vector<1x1x1000x128xf32> to vector<1000x128xf32>
    %add3A_16 = arith.addf %add3A, %get3A_15 : vector<1000x128xf32>
    %get3A_17 = arith.constant 1 : index
    %get3A_18 = arith.constant 0 : index
    %get3A_19 = arith.constant 0 : index
    %get3A_20 = vector.load %arg1[%get3A_17, %get3A_18, %get3A_19] : memref<2x1000x128xf32, #tpu.memory_space<vmem>>, vector<1x1000x128xf32>
    %get3A_21 = vector.shape_cast %get3A_20 : vector<1x1000x128xf32> to vector<1000x128xf32>
    %get3A_22 = arith.constant 0 : index
    %get3A_23 = arith.constant 1 : index
    %get3A_24 = arith.constant 0 : index
    %get3A_25 = arith.constant 0 : index
    %get3A_26 = vector.load %arg2[%get3A_22, %get3A_23, %get3A_24, %get3A_25] : memref<2x2x1000x128xf32, #tpu.memory_space<vmem>>, vector<1x1x1000x128xf32>
    %get3A_27 = vector.shape_cast %get3A_26 : vector<1x1x1000x128xf32> to vector<1000x128xf32>
    %add3A_28 = arith.addf %get3A_21, %get3A_27 : vector<1000x128xf32>
    %get3A_29 = arith.constant 1 : index
    %get3A_30 = arith.constant 1 : index
    %get3A_31 = arith.constant 0 : index
    %get3A_32 = arith.constant 0 : index
    %get3A_33 = vector.load %arg2[%get3A_29, %get3A_30, %get3A_31, %get3A_32] : memref<2x2x1000x128xf32, #tpu.memory_space<vmem>>, vector<1x1x1000x128xf32>
    %get3A_34 = vector.shape_cast %get3A_33 : vector<1x1x1000x128xf32> to vector<1000x128xf32>
    %add3A_35 = arith.addf %add3A_28, %get3A_34 : vector<1000x128xf32>
    %concatenate3A = tpu.concatenate %add3A_16, %add3A_35 in 1 : vector<1000x128xf32>, vector<1000x128xf32> -> vector<1000x256xf32>
    %get3A_36 = arith.constant 0 : index
    %get3A_37 = arith.constant 0 : index
    %get3A_38 = vector.load %arg3[%get3A_36, %get3A_37] : memref<256x512xf32, #tpu.memory_space<vmem>>, vector<256x512xf32>
    %convert_element_type3A = arith.truncf %concatenate3A : vector<1000x256xf32> to vector<1000x256xbf16>
    %convert_element_type3A_39 = arith.truncf %get3A_38 : vector<256x512xf32> to vector<256x512xbf16>
    %dot_general3A = arith.constant dense<0.000000e+00> : vector<1000x512xf32>
    %dot_general3A_40 = tpu.matmul %convert_element_type3A, %convert_element_type3A_39, %dot_general3A {dimension_numbers = #tpu.dot_dimension_numbers<[1], [0], [0], [1], [0, 0, 1, 1], [], []>, transpose_lhs_hint = false} : vector<1000x256xbf16>, vector<256x512xbf16>, vector<1000x512xf32> -> vector<1000x512xf32>
    %get3A_41 = arith.constant 0 : index
    %get3A_42 = arith.constant 0 : index
    %get3A_43 = vector.load %arg4[%get3A_41, %get3A_42] : memref<1x512xf32, #tpu.memory_space<vmem>>, vector<1x512xf32>
    %add3A_44 = vector.broadcast %get3A_43 : vector<1x512xf32> to vector<1000x512xf32>
    %add3A_45 = arith.addf %dot_general3A_40, %add3A_44 : vector<1000x512xf32>
    %max3A = arith.constant 0.000000e+00 : f32
    %max3A_46 = vector.broadcast %max3A : f32 to vector<1000x512xf32>
    %max3A_47 = arith.maximumf %add3A_45, %max3A_46 : vector<1000x512xf32>
    %reshape3A = vector.shape_cast %max3A_47 : vector<1000x512xf32> to vector<1000x4x128xf32>
    %transpose3A = tpu.transpose %reshape3A, [1, 0, 2] : vector<1000x4x128xf32> -> vector<4x1000x128xf32>
    %swap3A = arith.constant 0 : index
    %swap3A_48 = arith.constant 0 : index
    %swap3A_49 = arith.constant 0 : index
    %swap3A_50 = vector.load %arg5[%swap3A, %swap3A_48, %swap3A_49] : memref<4x1000x128xf32, #tpu.memory_space<vmem>>, vector<4x1000x128xf32>
    tpu.vector_store %arg5[%swap3A, %swap3A_48, %swap3A_49], %transpose3A {strides = array<i32>} : memref<4x1000x128xf32, #tpu.memory_space<vmem>>, vector<4x1000x128xf32>,
    return
  }
  func.func @transform_0(%arg0: i32) -> (i32, i32, i32) {
    %c0_i32 = arith.constant 0 : i32
    %c0_i32_0 = arith.constant 0 : i32
    %c0_i32_1 = arith.constant 0 : i32
    return %c0_i32, %arg0, %c0_i32_0 : i32, i32, i32
  }
  func.func @transform_1(%arg0: i32) -> (i32, i32, i32, i32) {
    %c0_i32 = arith.constant 0 : i32
    %c0_i32_0 = arith.constant 0 : i32
    %c0_i32_1 = arith.constant 0 : i32
    %c0_i32_2 = arith.constant 0 : i32
    return %c0_i32, %c0_i32_0, %arg0, %c0_i32_1 : i32, i32, i32, i32
  }
  func.func @transform_2(%arg0: i32) -> (i32, i32) {
    %c0_i32 = arith.constant 0 : i32
    %c0_i32_0 = arith.constant 0 : i32
    %c0_i32_1 = arith.constant 0 : i32
    return %c0_i32, %c0_i32_0 : i32, i32
  }
  func.func @transform_3(%arg0: i32) -> (i32, i32) {
    %c0_i32 = arith.constant 0 : i32
    %c0_i32_0 = arith.constant 0 : i32
    %c0_i32_1 = arith.constant 0 : i32
    return %c0_i32, %c0_i32_0 : i32, i32
  }
  func.func @transform_4(%arg0: i32) -> (i32, i32, i32) {
    %c0_i32 = arith.constant 0 : i32
    %c0_i32_0 = arith.constant 0 : i32
    %c0_i32_1 = arith.constant 0 : i32
    return %c0_i32, %arg0, %c0_i32_0 : i32, i32, i32
  }
}

module attributes {stable_mosaic.version = 14 : i64} {
  func.func @_combine_body(%arg0: i32, %arg1: memref<4x1000x128xf32, #tpu.memory_space<vmem>>, %arg2: memref<2x4x1000x128xf32, #tpu.memory_space<vmem>>, %arg3: memref<512x512xf32, #tpu.memory_space<vmem>>, %arg4: memref<1x512xf32, #tpu.memory_space<vmem>>, %arg5: memref<4x1000x128xf32, #tpu.memory_space<vmem>>) attributes {dimension_semantics = [#tpu.dimension_semantics<arbitrary>], iteration_bounds = array<i64: 10>, scalar_prefetch = 0 : i64, scratch_operands = 0 : i64, tpu.core_type = #tpu.core_type<tc>, window_params = [{transform_indices = @transform_0, window_bounds = array<i64: 4, 1000, 128>}, {transform_indices = @transform_1, window_bounds = array<i64: 2, 4, 1000, 128>}, {pipeline_mode = #tpu.pipeline_mode<synchronous>, transform_indices = @transform_2, window_bounds = array<i64: 512, 512>}, {pipeline_mode = #tpu.pipeline_mode<synchronous>, transform_indices = @transform_3, window_bounds = array<i64: 1, 512>}, {transform_indices = @transform_4, window_bounds = array<i64: 4, 1000, 128>}]} {
    %get3A = arith.constant 0 : index
    %get3A_0 = arith.constant 0 : index
    %get3A_1 = arith.constant 0 : index
    %get3A_2 = vector.load %arg1[%get3A, %get3A_0, %get3A_1] : memref<4x1000x128xf32, #tpu.memory_space<vmem>>, vector<1x1000x128xf32>
    %get3A_3 = vector.shape_cast %get3A_2 : vector<1x1000x128xf32> to vector<1000x128xf32>
    %get3A_4 = arith.constant 0 : index
    %get3A_5 = arith.constant 0 : index
    %get3A_6 = arith.constant 0 : index
    %get3A_7 = arith.constant 0 : index
    %get3A_8 = vector.load %arg2[%get3A_4, %get3A_5, %get3A_6, %get3A_7] : memref<2x4x1000x128xf32, #tpu.memory_space<vmem>>, vector<1x1x1000x128xf32>
    %get3A_9 = vector.shape_cast %get3A_8 : vector<1x1x1000x128xf32> to vector<1000x128xf32>
    %add3A = arith.addf %get3A_3, %get3A_9 : vector<1000x128xf32>
    %get3A_10 = arith.constant 1 : index
    %get3A_11 = arith.constant 0 : index
    %get3A_12 = arith.constant 0 : index
    %get3A_13 = arith.constant 0 : index
    %get3A_14 = vector.load %arg2[%get3A_10, %get3A_11, %get3A_12, %get3A_13] : memref<2x4x1000x128xf32, #tpu.memory_space<vmem>>, vector<1x1x1000x128xf32>
    %get3A_15 = vector.shape_cast %get3A_14 : vector<1x1x1000x128xf32> to vector<1000x128xf32>
    %add3A_16 = arith.addf %add3A, %get3A_15 : vector<1000x128xf32>
    %get3A_17 = arith.constant 1 : index
    %get3A_18 = arith.constant 0 : index
    %get3A_19 = arith.constant 0 : index
    %get3A_20 = vector.load %arg1[%get3A_17, %get3A_18, %get3A_19] : memref<4x1000x128xf32, #tpu.memory_space<vmem>>, vector<1x1000x128xf32>
    %get3A_21 = vector.shape_cast %get3A_20 : vector<1x1000x128xf32> to vector<1000x128xf32>
    %get3A_22 = arith.constant 0 : index
    %get3A_23 = arith.constant 1 : index
    %get3A_24 = arith.constant 0 : index
    %get3A_25 = arith.constant 0 : index
    %get3A_26 = vector.load %arg2[%get3A_22, %get3A_23, %get3A_24, %get3A_25] : memref<2x4x1000x128xf32, #tpu.memory_space<vmem>>, vector<1x1x1000x128xf32>
    %get3A_27 = vector.shape_cast %get3A_26 : vector<1x1x1000x128xf32> to vector<1000x128xf32>
    %add3A_28 = arith.addf %get3A_21, %get3A_27 : vector<1000x128xf32>
    %get3A_29 = arith.constant 1 : index
    %get3A_30 = arith.constant 1 : index
    %get3A_31 = arith.constant 0 : index
    %get3A_32 = arith.constant 0 : index
    %get3A_33 = vector.load %arg2[%get3A_29, %get3A_30, %get3A_31, %get3A_32] : memref<2x4x1000x128xf32, #tpu.memory_space<vmem>>, vector<1x1x1000x128xf32>
    %get3A_34 = vector.shape_cast %get3A_33 : vector<1x1x1000x128xf32> to vector<1000x128xf32>
    %add3A_35 = arith.addf %add3A_28, %get3A_34 : vector<1000x128xf32>
    %get3A_36 = arith.constant 2 : index
    %get3A_37 = arith.constant 0 : index
    %get3A_38 = arith.constant 0 : index
    %get3A_39 = vector.load %arg1[%get3A_36, %get3A_37, %get3A_38] : memref<4x1000x128xf32, #tpu.memory_space<vmem>>, vector<1x1000x128xf32>
    %get3A_40 = vector.shape_cast %get3A_39 : vector<1x1000x128xf32> to vector<1000x128xf32>
    %get3A_41 = arith.constant 0 : index
    %get3A_42 = arith.constant 2 : index
    %get3A_43 = arith.constant 0 : index
    %get3A_44 = arith.constant 0 : index
    %get3A_45 = vector.load %arg2[%get3A_41, %get3A_42, %get3A_43, %get3A_44] : memref<2x4x1000x128xf32, #tpu.memory_space<vmem>>, vector<1x1x1000x128xf32>
    %get3A_46 = vector.shape_cast %get3A_45 : vector<1x1x1000x128xf32> to vector<1000x128xf32>
    %add3A_47 = arith.addf %get3A_40, %get3A_46 : vector<1000x128xf32>
    %get3A_48 = arith.constant 1 : index
    %get3A_49 = arith.constant 2 : index
    %get3A_50 = arith.constant 0 : index
    %get3A_51 = arith.constant 0 : index
    %get3A_52 = vector.load %arg2[%get3A_48, %get3A_49, %get3A_50, %get3A_51] : memref<2x4x1000x128xf32, #tpu.memory_space<vmem>>, vector<1x1x1000x128xf32>
    %get3A_53 = vector.shape_cast %get3A_52 : vector<1x1x1000x128xf32> to vector<1000x128xf32>
    %add3A_54 = arith.addf %add3A_47, %get3A_53 : vector<1000x128xf32>
    %get3A_55 = arith.constant 3 : index
    %get3A_56 = arith.constant 0 : index
    %get3A_57 = arith.constant 0 : index
    %get3A_58 = vector.load %arg1[%get3A_55, %get3A_56, %get3A_57] : memref<4x1000x128xf32, #tpu.memory_space<vmem>>, vector<1x1000x128xf32>
    %get3A_59 = vector.shape_cast %get3A_58 : vector<1x1000x128xf32> to vector<1000x128xf32>
    %get3A_60 = arith.constant 0 : index
    %get3A_61 = arith.constant 3 : index
    %get3A_62 = arith.constant 0 : index
    %get3A_63 = arith.constant 0 : index
    %get3A_64 = vector.load %arg2[%get3A_60, %get3A_61, %get3A_62, %get3A_63] : memref<2x4x1000x128xf32, #tpu.memory_space<vmem>>, vector<1x1x1000x128xf32>
    %get3A_65 = vector.shape_cast %get3A_64 : vector<1x1x1000x128xf32> to vector<1000x128xf32>
    %add3A_66 = arith.addf %get3A_59, %get3A_65 : vector<1000x128xf32>
    %get3A_67 = arith.constant 1 : index
    %get3A_68 = arith.constant 3 : index
    %get3A_69 = arith.constant 0 : index
    %get3A_70 = arith.constant 0 : index
    %get3A_71 = vector.load %arg2[%get3A_67, %get3A_68, %get3A_69, %get3A_70] : memref<2x4x1000x128xf32, #tpu.memory_space<vmem>>, vector<1x1x1000x128xf32>
    %get3A_72 = vector.shape_cast %get3A_71 : vector<1x1x1000x128xf32> to vector<1000x128xf32>
    %add3A_73 = arith.addf %add3A_66, %get3A_72 : vector<1000x128xf32>
    %concatenate3A = tpu.concatenate %add3A_16, %add3A_35, %add3A_54, %add3A_73 in 1 : vector<1000x128xf32>, vector<1000x128xf32>, vector<1000x128xf32>, vector<1000x128xf32> -> vector<1000x512xf32>
    %get3A_74 = arith.constant 0 : index
    %get3A_75 = arith.constant 0 : index
    %get3A_76 = vector.load %arg3[%get3A_74, %get3A_75] : memref<512x512xf32, #tpu.memory_space<vmem>>, vector<512x512xf32>
    %convert_element_type3A = arith.truncf %concatenate3A : vector<1000x512xf32> to vector<1000x512xbf16>
    %convert_element_type3A_77 = arith.truncf %get3A_76 : vector<512x512xf32> to vector<512x512xbf16>
    %dot_general3A = arith.constant dense<0.000000e+00> : vector<1000x512xf32>
    %dot_general3A_78 = tpu.matmul %convert_element_type3A, %convert_element_type3A_77, %dot_general3A {dimension_numbers = #tpu.dot_dimension_numbers<[1], [0], [0], [1], [0, 0, 1, 1], [], []>, transpose_lhs_hint = false} : vector<1000x512xbf16>, vector<512x512xbf16>, vector<1000x512xf32> -> vector<1000x512xf32>
    %get3A_79 = arith.constant 0 : index
    %get3A_80 = arith.constant 0 : index
    %get3A_81 = vector.load %arg4[%get3A_79, %get3A_80] : memref<1x512xf32, #tpu.memory_space<vmem>>, vector<1x512xf32>
    %add3A_82 = vector.broadcast %get3A_81 : vector<1x512xf32> to vector<1000x512xf32>
    %add3A_83 = arith.addf %dot_general3A_78, %add3A_82 : vector<1000x512xf32>
    %max3A = arith.constant 0.000000e+00 : f32
    %max3A_84 = vector.broadcast %max3A : f32 to vector<1000x512xf32>
    %max3A_85 = arith.maximumf %add3A_83, %max3A_84 : vector<1000x512xf32>
    %reshape3A = vector.shape_cast %max3A_85 : vector<1000x512xf32> to vector<1000x4x128xf32>
    %transpose3A = tpu.transpose %reshape3A, [1, 0, 2] : vector<1000x4x128xf32> -> vector<4x1000x128xf32>
    %swap3A = arith.constant 0 : index
    %swap3A_86 = arith.constant 0 : index
    %swap3A_87 = arith.constant 0 : index
    %swap3A_88 = vector.load %arg5[%swap3A, %swap3A_86, %swap3A_87] : memref<4x1000x128xf32, #tpu.memory_space<vmem>>, vector<4x1000x128xf32>
    tpu.vector_store %arg5[%swap3A, %swap3A_86, %swap3A_87], %transpose3A {strides = array<i32>} : memref<4x1000x128xf32, #tpu.memory_space<vmem>>, vector<4x1000x128xf32>,
    return
  }
  func.func @transform_0(%arg0: i32) -> (i32, i32, i32) {
    %c0_i32 = arith.constant 0 : i32
    %c0_i32_0 = arith.constant 0 : i32
    %c0_i32_1 = arith.constant 0 : i32
    return %c0_i32, %arg0, %c0_i32_0 : i32, i32, i32
  }
  func.func @transform_1(%arg0: i32) -> (i32, i32, i32, i32) {
    %c0_i32 = arith.constant 0 : i32
    %c0_i32_0 = arith.constant 0 : i32
    %c0_i32_1 = arith.constant 0 : i32
    %c0_i32_2 = arith.constant 0 : i32
    return %c0_i32, %c0_i32_0, %arg0, %c0_i32_1 : i32, i32, i32, i32
  }
  func.func @transform_2(%arg0: i32) -> (i32, i32) {
    %c0_i32 = arith.constant 0 : i32
    %c0_i32_0 = arith.constant 0 : i32
    %c0_i32_1 = arith.constant 0 : i32
    return %c0_i32, %c0_i32_0 : i32, i32
  }
  func.func @transform_3(%arg0: i32) -> (i32, i32) {
    %c0_i32 = arith.constant 0 : i32
    %c0_i32_0 = arith.constant 0 : i32
    %c0_i32_1 = arith.constant 0 : i32
    return %c0_i32, %c0_i32_0 : i32, i32
  }
  func.func @transform_4(%arg0: i32) -> (i32, i32, i32) {
    %c0_i32 = arith.constant 0 : i32
    %c0_i32_0 = arith.constant 0 : i32
    %c0_i32_1 = arith.constant 0 : i32
    return %c0_i32, %arg0, %c0_i32_0 : i32, i32, i32
  }
}

module attributes {stable_mosaic.version = 14 : i64} {
  func.func @_readout_body(%arg0: i32, %arg1: memref<4x1000x128xf32, #tpu.memory_space<vmem>>, %arg2: memref<512x2048xf32, #tpu.memory_space<vmem>>, %arg3: memref<1x2048xf32, #tpu.memory_space<vmem>>, %arg4: memref<1x1x1000xi32, #tpu.memory_space<vmem>>, %arg5: memref<64x2048xf32, #tpu.memory_space<vmem>>) attributes {dimension_semantics = [#tpu.dimension_semantics<arbitrary>], iteration_bounds = array<i64: 10>, scalar_prefetch = 0 : i64, scratch_operands = 0 : i64, tpu.core_type = #tpu.core_type<tc>, window_params = [{transform_indices = @transform_0, window_bounds = array<i64: 4, 1000, 128>}, {pipeline_mode = #tpu.pipeline_mode<synchronous>, transform_indices = @transform_1, window_bounds = array<i64: 512, 2048>}, {pipeline_mode = #tpu.pipeline_mode<synchronous>, transform_indices = @transform_2, window_bounds = array<i64: 1, 2048>}, {transform_indices = @transform_3, window_bounds = array<i64: 1, 1, 1000>}, {pipeline_mode = #tpu.pipeline_mode<synchronous>, transform_indices = @transform_4, window_bounds = array<i64: 64, 2048>}]} {
    %get3A = arith.constant 0 : index
    %get3A_0 = arith.constant 0 : index
    %get3A_1 = arith.constant 0 : index
    %get3A_2 = vector.load %arg1[%get3A, %get3A_0, %get3A_1] : memref<4x1000x128xf32, #tpu.memory_space<vmem>>, vector<1x1000x128xf32>
    %get3A_3 = vector.shape_cast %get3A_2 : vector<1x1000x128xf32> to vector<1000x128xf32>
    %get3A_4 = arith.constant 1 : index
    %get3A_5 = arith.constant 0 : index
    %get3A_6 = arith.constant 0 : index
    %get3A_7 = vector.load %arg1[%get3A_4, %get3A_5, %get3A_6] : memref<4x1000x128xf32, #tpu.memory_space<vmem>>, vector<1x1000x128xf32>
    %get3A_8 = vector.shape_cast %get3A_7 : vector<1x1000x128xf32> to vector<1000x128xf32>
    %get3A_9 = arith.constant 2 : index
    %get3A_10 = arith.constant 0 : index
    %get3A_11 = arith.constant 0 : index
    %get3A_12 = vector.load %arg1[%get3A_9, %get3A_10, %get3A_11] : memref<4x1000x128xf32, #tpu.memory_space<vmem>>, vector<1x1000x128xf32>
    %get3A_13 = vector.shape_cast %get3A_12 : vector<1x1000x128xf32> to vector<1000x128xf32>
    %get3A_14 = arith.constant 3 : index
    %get3A_15 = arith.constant 0 : index
    %get3A_16 = arith.constant 0 : index
    %get3A_17 = vector.load %arg1[%get3A_14, %get3A_15, %get3A_16] : memref<4x1000x128xf32, #tpu.memory_space<vmem>>, vector<1x1000x128xf32>
    %get3A_18 = vector.shape_cast %get3A_17 : vector<1x1000x128xf32> to vector<1000x128xf32>
    %concatenate3A = tpu.concatenate %get3A_3, %get3A_8, %get3A_13, %get3A_18 in 1 : vector<1000x128xf32>, vector<1000x128xf32>, vector<1000x128xf32>, vector<1000x128xf32> -> vector<1000x512xf32>
    %get3A_19 = arith.constant 0 : index
    %get3A_20 = arith.constant 0 : index
    %get3A_21 = vector.load %arg2[%get3A_19, %get3A_20] : memref<512x2048xf32, #tpu.memory_space<vmem>>, vector<512x2048xf32>
    %convert_element_type3A = arith.truncf %concatenate3A : vector<1000x512xf32> to vector<1000x512xbf16>
    %convert_element_type3A_22 = arith.truncf %get3A_21 : vector<512x2048xf32> to vector<512x2048xbf16>
    %dot_general3A = arith.constant dense<0.000000e+00> : vector<1000x2048xf32>
    %dot_general3A_23 = tpu.matmul %convert_element_type3A, %convert_element_type3A_22, %dot_general3A {dimension_numbers = #tpu.dot_dimension_numbers<[1], [0], [0], [1], [0, 0, 1, 1], [], []>, transpose_lhs_hint = false} : vector<1000x512xbf16>, vector<512x2048xbf16>, vector<1000x2048xf32> -> vector<1000x2048xf32>
    %get3A_24 = arith.constant 0 : index
    %get3A_25 = arith.constant 0 : index
    %get3A_26 = vector.load %arg3[%get3A_24, %get3A_25] : memref<1x2048xf32, #tpu.memory_space<vmem>>, vector<1x2048xf32>
    %add3A = vector.broadcast %get3A_26 : vector<1x2048xf32> to vector<1000x2048xf32>
    %add3A_27 = arith.addf %dot_general3A_23, %add3A : vector<1000x2048xf32>
    %reduce_max3A = arith.constant dense<0xFF800000> : vector<1000xf32>
    %reduce_max3A_28 = vector.multi_reduction <maximumf>, %add3A_27, %reduce_max3A [1] : vector<1000x2048xf32> to vector<1000xf32>
    %broadcast_in_dim3A = vector.shape_cast %reduce_max3A_28 : vector<1000xf32> to vector<1000x1xf32>
    %sub3A = vector.broadcast %broadcast_in_dim3A : vector<1000x1xf32> to vector<1000x2048xf32>
    %sub3A_29 = arith.subf %add3A_27, %sub3A : vector<1000x2048xf32>
    %exp3A = math.exp %sub3A_29 : vector<1000x2048xf32>
    %reduce_sum3A = arith.constant dense<0.000000e+00> : vector<1000xf32>
    %reduce_sum3A_30 = vector.multi_reduction <add>, %exp3A, %reduce_sum3A [1] : vector<1000x2048xf32> to vector<1000xf32>
    %broadcast_in_dim3A_31 = vector.shape_cast %reduce_sum3A_30 : vector<1000xf32> to vector<1000x1xf32>
    %div3A = vector.broadcast %broadcast_in_dim3A_31 : vector<1000x1xf32> to vector<1000x2048xf32>
    %div3A_32 = arith.divf %exp3A, %div3A : vector<1000x2048xf32>
    %iota3A = tpu.iota {dimensions = array<i32: 0>} : vector<64x1000xi32>
    %get3A_33 = arith.constant 0 : index
    %get3A_34 = arith.constant 0 : index
    %get3A_35 = arith.constant 0 : index
    %get3A_36 = vector.load %arg4[%get3A_33, %get3A_34, %get3A_35] : memref<1x1x1000xi32, #tpu.memory_space<vmem>>, vector<1x1x1000xi32>
    %get3A_37 = vector.shape_cast %get3A_36 : vector<1x1x1000xi32> to vector<1x1000xi32>
    %eq3A = vector.broadcast %get3A_37 : vector<1x1000xi32> to vector<64x1000xi32>
    %eq3A_38 = arith.cmpi eq, %iota3A, %eq3A : vector<64x1000xi32>
    %convert_element_type3A_39 = arith.extui %eq3A_38 : vector<64x1000xi1> to vector<64x1000xi32>
    %convert_element_type3A_40 = arith.sitofp %convert_element_type3A_39 : vector<64x1000xi32> to vector<64x1000xf32>
    %dot_general3A_41 = arith.constant dense<0.000000e+00> : vector<64x2048xf32>
    %dot_general3A_42 = tpu.matmul %convert_element_type3A_40, %div3A_32, %dot_general3A_41 {dimension_numbers = #tpu.dot_dimension_numbers<[1], [0], [0], [1], [0, 0, 1, 1], [], []>, precision = #tpu.contract_precision<fp32>, transpose_lhs_hint = false} : vector<64x1000xf32>, vector<1000x2048xf32>, vector<64x2048xf32> -> vector<64x2048xf32>
    %eq3A_43 = arith.constant 0 : i32
    %eq3A_44 = arith.cmpi eq, %arg0, %eq3A_43 : i32
    %convert_element_type3A_45 = arith.extui %eq3A_44 : i1 to i32
    %cond3A = arith.constant 0 : i32
    %cond3A_46 = arith.cmpi ne, %convert_element_type3A_45, %cond3A : i32
    scf.if %cond3A_46 {
      %broadcast_in_dim3A_53 = arith.constant 0.000000e+00 : f32
      %broadcast_in_dim3A_54 = vector.broadcast %broadcast_in_dim3A_53 : f32 to vector<64x2048xf32>
      %swap3A_55 = arith.constant 0 : index
      %swap3A_56 = arith.constant 0 : index
      %swap3A_57 = vector.load %arg5[%swap3A_55, %swap3A_56] : memref<64x2048xf32, #tpu.memory_space<vmem>>, vector<64x2048xf32>
      tpu.vector_store %arg5[%swap3A_55, %swap3A_56], %broadcast_in_dim3A_54 {strides = array<i32>} : memref<64x2048xf32, #tpu.memory_space<vmem>>, vector<64x2048xf32>,
    } else {
    }
    %get3A_47 = arith.constant 0 : index
    %get3A_48 = arith.constant 0 : index
    %get3A_49 = vector.load %arg5[%get3A_47, %get3A_48] : memref<64x2048xf32, #tpu.memory_space<vmem>>, vector<64x2048xf32>
    %add3A_50 = arith.addf %get3A_49, %dot_general3A_42 : vector<64x2048xf32>
    %swap3A = arith.constant 0 : index
    %swap3A_51 = arith.constant 0 : index
    %swap3A_52 = vector.load %arg5[%swap3A, %swap3A_51] : memref<64x2048xf32, #tpu.memory_space<vmem>>, vector<64x2048xf32>
    tpu.vector_store %arg5[%swap3A, %swap3A_51], %add3A_50 {strides = array<i32>} : memref<64x2048xf32, #tpu.memory_space<vmem>>, vector<64x2048xf32>,
    return
  }
  func.func @transform_0(%arg0: i32) -> (i32, i32, i32) {
    %c0_i32 = arith.constant 0 : i32
    %c0_i32_0 = arith.constant 0 : i32
    %c0_i32_1 = arith.constant 0 : i32
    return %c0_i32, %arg0, %c0_i32_0 : i32, i32, i32
  }
  func.func @transform_1(%arg0: i32) -> (i32, i32) {
    %c0_i32 = arith.constant 0 : i32
    %c0_i32_0 = arith.constant 0 : i32
    %c0_i32_1 = arith.constant 0 : i32
    return %c0_i32, %c0_i32_0 : i32, i32
  }
  func.func @transform_2(%arg0: i32) -> (i32, i32) {
    %c0_i32 = arith.constant 0 : i32
    %c0_i32_0 = arith.constant 0 : i32
    %c0_i32_1 = arith.constant 0 : i32
    return %c0_i32, %c0_i32_0 : i32, i32
  }
  func.func @transform_3(%arg0: i32) -> (i32, i32, i32) {
    %c0_i32 = arith.constant 0 : i32
    %c0_i32_0 = arith.constant 0 : i32
    %c0_i32_1 = arith.constant 0 : i32
    return %arg0, %c0_i32, %c0_i32_0 : i32, i32, i32
  }
  func.func @transform_4(%arg0: i32) -> (i32, i32) {
    %c0_i32 = arith.constant 0 : i32
    %c0_i32_0 = arith.constant 0 : i32
    %c0_i32_1 = arith.constant 0 : i32
    return %c0_i32, %c0_i32_0 : i32, i32
  }
}

module attributes {stable_mosaic.version = 14 : i64} {
  func.func @_combine_readout_body(%arg0: i32, %arg1: memref<4x1000x128xf32, #tpu.memory_space<vmem>>, %arg2: memref<2x4x1000x128xf32, #tpu.memory_space<vmem>>, %arg3: memref<512x512xf32, #tpu.memory_space<vmem>>, %arg4: memref<1x512xf32, #tpu.memory_space<vmem>>, %arg5: memref<512x2048xf32, #tpu.memory_space<vmem>>, %arg6: memref<1x2048xf32, #tpu.memory_space<vmem>>, %arg7: memref<1x1x1000xi32, #tpu.memory_space<vmem>>, %arg8: memref<1000x512xf32, #tpu.memory_space<vmem>>, %arg9: memref<64x2048xf32, #tpu.memory_space<vmem>>) attributes {dimension_semantics = [#tpu.dimension_semantics<arbitrary>], iteration_bounds = array<i64: 10>, scalar_prefetch = 0 : i64, scratch_operands = 0 : i64, tpu.core_type = #tpu.core_type<tc>, window_params = [{transform_indices = @transform_0, window_bounds = array<i64: 4, 1000, 128>}, {transform_indices = @transform_1, window_bounds = array<i64: 2, 4, 1000, 128>}, {pipeline_mode = #tpu.pipeline_mode<synchronous>, transform_indices = @transform_2, window_bounds = array<i64: 512, 512>}, {pipeline_mode = #tpu.pipeline_mode<synchronous>, transform_indices = @transform_3, window_bounds = array<i64: 1, 512>}, {pipeline_mode = #tpu.pipeline_mode<synchronous>, transform_indices = @transform_4, window_bounds = array<i64: 512, 2048>}, {pipeline_mode = #tpu.pipeline_mode<synchronous>, transform_indices = @transform_5, window_bounds = array<i64: 1, 2048>}, {transform_indices = @transform_6, window_bounds = array<i64: 1, 1, 1000>}, {transform_indices = @transform_7, window_bounds = array<i64: 1000, 512>}, {pipeline_mode = #tpu.pipeline_mode<synchronous>, transform_indices = @transform_8, window_bounds = array<i64: 64, 2048>}]} {
    %get3A = arith.constant 0 : index
    %get3A_0 = arith.constant 0 : index
    %get3A_1 = arith.constant 0 : index
    %get3A_2 = vector.load %arg1[%get3A, %get3A_0, %get3A_1] : memref<4x1000x128xf32, #tpu.memory_space<vmem>>, vector<1x1000x128xf32>
    %get3A_3 = vector.shape_cast %get3A_2 : vector<1x1000x128xf32> to vector<1000x128xf32>
    %get3A_4 = arith.constant 0 : index
    %get3A_5 = arith.constant 0 : index
    %get3A_6 = arith.constant 0 : index
    %get3A_7 = arith.constant 0 : index
    %get3A_8 = vector.load %arg2[%get3A_4, %get3A_5, %get3A_6, %get3A_7] : memref<2x4x1000x128xf32, #tpu.memory_space<vmem>>, vector<1x1x1000x128xf32>
    %get3A_9 = vector.shape_cast %get3A_8 : vector<1x1x1000x128xf32> to vector<1000x128xf32>
    %add3A = arith.addf %get3A_3, %get3A_9 : vector<1000x128xf32>
    %get3A_10 = arith.constant 1 : index
    %get3A_11 = arith.constant 0 : index
    %get3A_12 = arith.constant 0 : index
    %get3A_13 = arith.constant 0 : index
    %get3A_14 = vector.load %arg2[%get3A_10, %get3A_11, %get3A_12, %get3A_13] : memref<2x4x1000x128xf32, #tpu.memory_space<vmem>>, vector<1x1x1000x128xf32>
    %get3A_15 = vector.shape_cast %get3A_14 : vector<1x1x1000x128xf32> to vector<1000x128xf32>
    %add3A_16 = arith.addf %add3A, %get3A_15 : vector<1000x128xf32>
    %get3A_17 = arith.constant 1 : index
    %get3A_18 = arith.constant 0 : index
    %get3A_19 = arith.constant 0 : index
    %get3A_20 = vector.load %arg1[%get3A_17, %get3A_18, %get3A_19] : memref<4x1000x128xf32, #tpu.memory_space<vmem>>, vector<1x1000x128xf32>
    %get3A_21 = vector.shape_cast %get3A_20 : vector<1x1000x128xf32> to vector<1000x128xf32>
    %get3A_22 = arith.constant 0 : index
    %get3A_23 = arith.constant 1 : index
    %get3A_24 = arith.constant 0 : index
    %get3A_25 = arith.constant 0 : index
    %get3A_26 = vector.load %arg2[%get3A_22, %get3A_23, %get3A_24, %get3A_25] : memref<2x4x1000x128xf32, #tpu.memory_space<vmem>>, vector<1x1x1000x128xf32>
    %get3A_27 = vector.shape_cast %get3A_26 : vector<1x1x1000x128xf32> to vector<1000x128xf32>
    %add3A_28 = arith.addf %get3A_21, %get3A_27 : vector<1000x128xf32>
    %get3A_29 = arith.constant 1 : index
    %get3A_30 = arith.constant 1 : index
    %get3A_31 = arith.constant 0 : index
    %get3A_32 = arith.constant 0 : index
    %get3A_33 = vector.load %arg2[%get3A_29, %get3A_30, %get3A_31, %get3A_32] : memref<2x4x1000x128xf32, #tpu.memory_space<vmem>>, vector<1x1x1000x128xf32>
    %get3A_34 = vector.shape_cast %get3A_33 : vector<1x1x1000x128xf32> to vector<1000x128xf32>
    %add3A_35 = arith.addf %add3A_28, %get3A_34 : vector<1000x128xf32>
    %get3A_36 = arith.constant 2 : index
    %get3A_37 = arith.constant 0 : index
    %get3A_38 = arith.constant 0 : index
    %get3A_39 = vector.load %arg1[%get3A_36, %get3A_37, %get3A_38] : memref<4x1000x128xf32, #tpu.memory_space<vmem>>, vector<1x1000x128xf32>
    %get3A_40 = vector.shape_cast %get3A_39 : vector<1x1000x128xf32> to vector<1000x128xf32>
    %get3A_41 = arith.constant 0 : index
    %get3A_42 = arith.constant 2 : index
    %get3A_43 = arith.constant 0 : index
    %get3A_44 = arith.constant 0 : index
    %get3A_45 = vector.load %arg2[%get3A_41, %get3A_42, %get3A_43, %get3A_44] : memref<2x4x1000x128xf32, #tpu.memory_space<vmem>>, vector<1x1x1000x128xf32>
    %get3A_46 = vector.shape_cast %get3A_45 : vector<1x1x1000x128xf32> to vector<1000x128xf32>
    %add3A_47 = arith.addf %get3A_40, %get3A_46 : vector<1000x128xf32>
    %get3A_48 = arith.constant 1 : index
    %get3A_49 = arith.constant 2 : index
    %get3A_50 = arith.constant 0 : index
    %get3A_51 = arith.constant 0 : index
    %get3A_52 = vector.load %arg2[%get3A_48, %get3A_49, %get3A_50, %get3A_51] : memref<2x4x1000x128xf32, #tpu.memory_space<vmem>>, vector<1x1x1000x128xf32>
    %get3A_53 = vector.shape_cast %get3A_52 : vector<1x1x1000x128xf32> to vector<1000x128xf32>
    %add3A_54 = arith.addf %add3A_47, %get3A_53 : vector<1000x128xf32>
    %get3A_55 = arith.constant 3 : index
    %get3A_56 = arith.constant 0 : index
    %get3A_57 = arith.constant 0 : index
    %get3A_58 = vector.load %arg1[%get3A_55, %get3A_56, %get3A_57] : memref<4x1000x128xf32, #tpu.memory_space<vmem>>, vector<1x1000x128xf32>
    %get3A_59 = vector.shape_cast %get3A_58 : vector<1x1000x128xf32> to vector<1000x128xf32>
    %get3A_60 = arith.constant 0 : index
    %get3A_61 = arith.constant 3 : index
    %get3A_62 = arith.constant 0 : index
    %get3A_63 = arith.constant 0 : index
    %get3A_64 = vector.load %arg2[%get3A_60, %get3A_61, %get3A_62, %get3A_63] : memref<2x4x1000x128xf32, #tpu.memory_space<vmem>>, vector<1x1x1000x128xf32>
    %get3A_65 = vector.shape_cast %get3A_64 : vector<1x1x1000x128xf32> to vector<1000x128xf32>
    %add3A_66 = arith.addf %get3A_59, %get3A_65 : vector<1000x128xf32>
    %get3A_67 = arith.constant 1 : index
    %get3A_68 = arith.constant 3 : index
    %get3A_69 = arith.constant 0 : index
    %get3A_70 = arith.constant 0 : index
    %get3A_71 = vector.load %arg2[%get3A_67, %get3A_68, %get3A_69, %get3A_70] : memref<2x4x1000x128xf32, #tpu.memory_space<vmem>>, vector<1x1x1000x128xf32>
    %get3A_72 = vector.shape_cast %get3A_71 : vector<1x1x1000x128xf32> to vector<1000x128xf32>
    %add3A_73 = arith.addf %add3A_66, %get3A_72 : vector<1000x128xf32>
    %concatenate3A = tpu.concatenate %add3A_16, %add3A_35, %add3A_54, %add3A_73 in 1 : vector<1000x128xf32>, vector<1000x128xf32>, vector<1000x128xf32>, vector<1000x128xf32> -> vector<1000x512xf32>
    %get3A_74 = arith.constant 0 : index
    %get3A_75 = arith.constant 0 : index
    %get3A_76 = vector.load %arg3[%get3A_74, %get3A_75] : memref<512x512xf32, #tpu.memory_space<vmem>>, vector<512x512xf32>
    %convert_element_type3A = arith.truncf %concatenate3A : vector<1000x512xf32> to vector<1000x512xbf16>
    %convert_element_type3A_77 = arith.truncf %get3A_76 : vector<512x512xf32> to vector<512x512xbf16>
    %dot_general3A = arith.constant dense<0.000000e+00> : vector<1000x512xf32>
    %dot_general3A_78 = tpu.matmul %convert_element_type3A, %convert_element_type3A_77, %dot_general3A {dimension_numbers = #tpu.dot_dimension_numbers<[1], [0], [0], [1], [0, 0, 1, 1], [], []>, transpose_lhs_hint = false} : vector<1000x512xbf16>, vector<512x512xbf16>, vector<1000x512xf32> -> vector<1000x512xf32>
    %get3A_79 = arith.constant 0 : index
    %get3A_80 = arith.constant 0 : index
    %get3A_81 = vector.load %arg4[%get3A_79, %get3A_80] : memref<1x512xf32, #tpu.memory_space<vmem>>, vector<1x512xf32>
    %add3A_82 = vector.broadcast %get3A_81 : vector<1x512xf32> to vector<1000x512xf32>
    %add3A_83 = arith.addf %dot_general3A_78, %add3A_82 : vector<1000x512xf32>
    %max3A = arith.constant 0.000000e+00 : f32
    %max3A_84 = vector.broadcast %max3A : f32 to vector<1000x512xf32>
    %max3A_85 = arith.maximumf %add3A_83, %max3A_84 : vector<1000x512xf32>
    %swap3A = arith.constant 0 : index
    %swap3A_86 = arith.constant 0 : index
    %swap3A_87 = vector.load %arg8[%swap3A, %swap3A_86] : memref<1000x512xf32, #tpu.memory_space<vmem>>, vector<1000x512xf32>
    tpu.vector_store %arg8[%swap3A, %swap3A_86], %max3A_85 {strides = array<i32>} : memref<1000x512xf32, #tpu.memory_space<vmem>>, vector<1000x512xf32>,
    %get3A_88 = arith.constant 0 : index
    %get3A_89 = arith.constant 0 : index
    %get3A_90 = vector.load %arg5[%get3A_88, %get3A_89] : memref<512x2048xf32, #tpu.memory_space<vmem>>, vector<512x2048xf32>
    %convert_element_type3A_91 = arith.truncf %max3A_85 : vector<1000x512xf32> to vector<1000x512xbf16>
    %convert_element_type3A_92 = arith.truncf %get3A_90 : vector<512x2048xf32> to vector<512x2048xbf16>
    %dot_general3A_93 = arith.constant dense<0.000000e+00> : vector<1000x2048xf32>
    %dot_general3A_94 = tpu.matmul %convert_element_type3A_91, %convert_element_type3A_92, %dot_general3A_93 {dimension_numbers = #tpu.dot_dimension_numbers<[1], [0], [0], [1], [0, 0, 1, 1], [], []>, transpose_lhs_hint = false} : vector<1000x512xbf16>, vector<512x2048xbf16>, vector<1000x2048xf32> -> vector<1000x2048xf32>
    %get3A_95 = arith.constant 0 : index
    %get3A_96 = arith.constant 0 : index
    %get3A_97 = vector.load %arg6[%get3A_95, %get3A_96] : memref<1x2048xf32, #tpu.memory_space<vmem>>, vector<1x2048xf32>
    %add3A_98 = vector.broadcast %get3A_97 : vector<1x2048xf32> to vector<1000x2048xf32>
    %add3A_99 = arith.addf %dot_general3A_94, %add3A_98 : vector<1000x2048xf32>
    %reduce_max3A = arith.constant dense<0xFF800000> : vector<1000xf32>
    %reduce_max3A_100 = vector.multi_reduction <maximumf>, %add3A_99, %reduce_max3A [1] : vector<1000x2048xf32> to vector<1000xf32>
    %broadcast_in_dim3A = vector.shape_cast %reduce_max3A_100 : vector<1000xf32> to vector<1000x1xf32>
    %sub3A = vector.broadcast %broadcast_in_dim3A : vector<1000x1xf32> to vector<1000x2048xf32>
    %sub3A_101 = arith.subf %add3A_99, %sub3A : vector<1000x2048xf32>
    %exp3A = math.exp %sub3A_101 : vector<1000x2048xf32>
    %reduce_sum3A = arith.constant dense<0.000000e+00> : vector<1000xf32>
    %reduce_sum3A_102 = vector.multi_reduction <add>, %exp3A, %reduce_sum3A [1] : vector<1000x2048xf32> to vector<1000xf32>
    %broadcast_in_dim3A_103 = vector.shape_cast %reduce_sum3A_102 : vector<1000xf32> to vector<1000x1xf32>
    %div3A = vector.broadcast %broadcast_in_dim3A_103 : vector<1000x1xf32> to vector<1000x2048xf32>
    %div3A_104 = arith.divf %exp3A, %div3A : vector<1000x2048xf32>
    %iota3A = tpu.iota {dimensions = array<i32: 0>} : vector<64x1000xi32>
    %get3A_105 = arith.constant 0 : index
    %get3A_106 = arith.constant 0 : index
    %get3A_107 = arith.constant 0 : index
    %get3A_108 = vector.load %arg7[%get3A_105, %get3A_106, %get3A_107] : memref<1x1x1000xi32, #tpu.memory_space<vmem>>, vector<1x1x1000xi32>
    %get3A_109 = vector.shape_cast %get3A_108 : vector<1x1x1000xi32> to vector<1x1000xi32>
    %eq3A = vector.broadcast %get3A_109 : vector<1x1000xi32> to vector<64x1000xi32>
    %eq3A_110 = arith.cmpi eq, %iota3A, %eq3A : vector<64x1000xi32>
    %convert_element_type3A_111 = arith.extui %eq3A_110 : vector<64x1000xi1> to vector<64x1000xi32>
    %convert_element_type3A_112 = arith.sitofp %convert_element_type3A_111 : vector<64x1000xi32> to vector<64x1000xf32>
    %dot_general3A_113 = arith.constant dense<0.000000e+00> : vector<64x2048xf32>
    %dot_general3A_114 = tpu.matmul %convert_element_type3A_112, %div3A_104, %dot_general3A_113 {dimension_numbers = #tpu.dot_dimension_numbers<[1], [0], [0], [1], [0, 0, 1, 1], [], []>, precision = #tpu.contract_precision<fp32>, transpose_lhs_hint = false} : vector<64x1000xf32>, vector<1000x2048xf32>, vector<64x2048xf32> -> vector<64x2048xf32>
    %eq3A_115 = arith.constant 0 : i32
    %eq3A_116 = arith.cmpi eq, %arg0, %eq3A_115 : i32
    %convert_element_type3A_117 = arith.extui %eq3A_116 : i1 to i32
    %cond3A = arith.constant 0 : i32
    %cond3A_118 = arith.cmpi ne, %convert_element_type3A_117, %cond3A : i32
    scf.if %cond3A_118 {
      %broadcast_in_dim3A_126 = arith.constant 0.000000e+00 : f32
      %broadcast_in_dim3A_127 = vector.broadcast %broadcast_in_dim3A_126 : f32 to vector<64x2048xf32>
      %swap3A_128 = arith.constant 0 : index
      %swap3A_129 = arith.constant 0 : index
      %swap3A_130 = vector.load %arg9[%swap3A_128, %swap3A_129] : memref<64x2048xf32, #tpu.memory_space<vmem>>, vector<64x2048xf32>
      tpu.vector_store %arg9[%swap3A_128, %swap3A_129], %broadcast_in_dim3A_127 {strides = array<i32>} : memref<64x2048xf32, #tpu.memory_space<vmem>>, vector<64x2048xf32>,
    } else {
    }
    %get3A_119 = arith.constant 0 : index
    %get3A_120 = arith.constant 0 : index
    %get3A_121 = vector.load %arg9[%get3A_119, %get3A_120] : memref<64x2048xf32, #tpu.memory_space<vmem>>, vector<64x2048xf32>
    %add3A_122 = arith.addf %get3A_121, %dot_general3A_114 : vector<64x2048xf32>
    %swap3A_123 = arith.constant 0 : index
    %swap3A_124 = arith.constant 0 : index
    %swap3A_125 = vector.load %arg9[%swap3A_123, %swap3A_124] : memref<64x2048xf32, #tpu.memory_space<vmem>>, vector<64x2048xf32>
    tpu.vector_store %arg9[%swap3A_123, %swap3A_124], %add3A_122 {strides = array<i32>} : memref<64x2048xf32, #tpu.memory_space<vmem>>, vector<64x2048xf32>,
    return
  }
  func.func @transform_0(%arg0: i32) -> (i32, i32, i32) {
    %c0_i32 = arith.constant 0 : i32
    %c0_i32_0 = arith.constant 0 : i32
    %c0_i32_1 = arith.constant 0 : i32
    return %c0_i32, %arg0, %c0_i32_0 : i32, i32, i32
  }
  func.func @transform_1(%arg0: i32) -> (i32, i32, i32, i32) {
    %c0_i32 = arith.constant 0 : i32
    %c0_i32_0 = arith.constant 0 : i32
    %c0_i32_1 = arith.constant 0 : i32
    %c0_i32_2 = arith.constant 0 : i32
    return %c0_i32, %c0_i32_0, %arg0, %c0_i32_1 : i32, i32, i32, i32
  }
  func.func @transform_2(%arg0: i32) -> (i32, i32) {
    %c0_i32 = arith.constant 0 : i32
    %c0_i32_0 = arith.constant 0 : i32
    %c0_i32_1 = arith.constant 0 : i32
    return %c0_i32, %c0_i32_0 : i32, i32
  }
  func.func @transform_3(%arg0: i32) -> (i32, i32) {
    %c0_i32 = arith.constant 0 : i32
    %c0_i32_0 = arith.constant 0 : i32
    %c0_i32_1 = arith.constant 0 : i32
    return %c0_i32, %c0_i32_0 : i32, i32
  }
  func.func @transform_4(%arg0: i32) -> (i32, i32) {
    %c0_i32 = arith.constant 0 : i32
    %c0_i32_0 = arith.constant 0 : i32
    %c0_i32_1 = arith.constant 0 : i32
    return %c0_i32, %c0_i32_0 : i32, i32
  }
  func.func @transform_5(%arg0: i32) -> (i32, i32) {
    %c0_i32 = arith.constant 0 : i32
    %c0_i32_0 = arith.constant 0 : i32
    %c0_i32_1 = arith.constant 0 : i32
    return %c0_i32, %c0_i32_0 : i32, i32
  }
  func.func @transform_6(%arg0: i32) -> (i32, i32, i32) {
    %c0_i32 = arith.constant 0 : i32
    %c0_i32_0 = arith.constant 0 : i32
    %c0_i32_1 = arith.constant 0 : i32
    return %arg0, %c0_i32, %c0_i32_0 : i32, i32, i32
  }
  func.func @transform_7(%arg0: i32) -> (i32, i32) {
    %c0_i32 = arith.constant 0 : i32
    %c0_i32_0 = arith.constant 0 : i32
    return %arg0, %c0_i32 : i32, i32
  }
  func.func @transform_8(%arg0: i32) -> (i32, i32) {
    %c0_i32 = arith.constant 0 : i32
    %c0_i32_0 = arith.constant 0 : i32
    %c0_i32_1 = arith.constant 0 : i32
    return %c0_i32, %c0_i32_0 : i32, i32
  }
}

</mosaic_0001>

<sc_bundles>
// kernel: kernel.10.cloned.1.call-start
scs
__scs_entry_jumppad:
0x0: {  	(pc) =	sbr.rel $0x88, $3  }
0x1: {  	(tag) =	ssettag $0x0;
	lr =	simm.s32 $0x1  }
0x2: {  	[smem:$0x3F92] =	sst lr;
	_ =	strace $0xD0000000  }
0x3: {  	_ = 	snop  }
0x4: {  	_ = 	snop  }
0x5: {  	_ = 	snop  }
0x6: {  	_ = 	snop  }
0x7: {  	_ = 	snop  }
__scs_overlays_trampoline_lowered:
0x8: {  	[smem:$0x3FA1] =	sst s0  }
0x9: {  	[smem:$0x3FA2] =	sst s1  }
0xa: {  	[smem:$0x3FA3] =	sst s2  }
0xb: {  	[smem:$0x3FA4] =	sst s3  }
0xc: {  	[smem:$0x3FA5] =	sst s4  }
0xd: {  	[smem:$0x3FA6] =	sst s5  }
0xe: {  	[smem:$0x3FA7] =	sst s6  }
0xf: {  	[smem:$0x3FA8] =	sst s7  }
0x10: {  	[smem:$0x3FA9] =	sst s8  }
0x11: {  	[smem:$0x3FAA] =	sst s9;
	s0 =	simm.s32 @!p0 $0x0  }
0x12: {  	s1 =	sld [smem:$0x3F90];
	s0 =	simm.s32 @p0 $0x1  }
0x13: {  	[smem:$0x3FAB] =	sst s0;
	s0 =	simm.s32 @!p1 $0x0  }
0x14: {  	s2 =	sld [smem:$0x3F8F];
	s0 =	simm.s32 @p1 $0x1  }
0x15: {  	[smem:$0x3FAC] =	sst s0;
	s0 =	simm.s32 @!p2 $0x0  }
0x16: {  	s3 =	sld [smem:$0x3FDB];
	s0 =	simm.s32 @p2 $0x1  }
0x17: {  	s4 =	simm.s32 $0x1BF5;
	[smem:$0x3FAE] =	sst s0  }
0x18: {  	s0 =	sld [smem:$0x3F91];
	_ =	swait.ge [sflag:s4], $0x0  }
0x19: {  	s7 =	sld [smem:$0x3F92]  }
0x1a: {  	s8 =	sadd.s32 $0xFFFFE003, lr  }
0x1b: {  	s9 =	sadd.s32 $0xFFFFFEF7, lr;
	s5 =	simm.s32 $0xFFFFFFFF;
	p2 =	slt.u32 s8, $0xFFFFF086  }
0x1c: {  	p1 =	slt.u32 s9, $0xF7A;
	s5 =	simm.s32 @!p2 $0x0  }
0x1d: {  	s5 =	simm.s32 @p1 $0x1;
	p0 =	seq.s32 s7, s2  }
0x1e: {  	s7 =	smul.u32 @!p0 $0xF7A, s2;
	p2 =	seq.s32 @!p0 s5, $0x0  }
0x1f: {  	s9 =	smul.u32 $0xF7A, s1;
	s8 =	simm.s32 @!p0 $0x1BF5;
	p2 =	por !p2, p0  }
0x20: {  	[sflag:s8] =	ssyncset.s32 @!p0 $0xFFFFF086;
	s6 =	sadd.s32 @!p0 s3, s7;
	s7 =	simm.s32 @!p0 $0x108  }
0x21: {  	s3 =	sadd.s32 s3, s9;
	s6 =	sadd.s32 @!p0 $0x88, s6;
	s7 =	simm.s32 @p2 $0x1082  }
0x22: {  	[simem:s7], [sflag:s8] =	dma.local @!p0 [hbm:s6], $0xF7A  }
0x23: {  	s9 =	sor.u32 $0xD0000000, s2;
	s6 =	simm.s32 $0x108;
	_ =	swait.ge @!p0 [sflag:s8], $0x0  }
0x24: {  	s3 =	sadd.s32 $0x88, s3;
	s6 =	simm.s32 @!p1 $0x1082;
	[sflag:s4] =	ssyncset.s32 $0xFFFFF086  }
0x25: {  	[simem:s6], [sflag:s4] =	dma.local [hbm:s3], $0xF7A  }
0x26: {  	[smem:$0x3F92] =	sst s1;
	(tag) =	ssettag s2;
	_ =	strace s9  }
0x27: {  	s1 =	sld [smem:$0x3FA2]  }
0x28: {  	s2 =	sld [smem:$0x3FA3]  }
0x29: {  	s4 =	sld [smem:$0x3FA5]  }
0x2a: {  	p0 =	seq.s32 s5, $0x0;
	s5 =	sld [smem:$0x3FA6]  }
0x2b: {  	s6 =	sld [smem:$0x3FA7]  }
0x2c: {  	s7 =	sld [smem:$0x3FA8]  }
0x2d: {  	s3 =	simm.s32 $0x108;
	s8 =	sld [smem:$0x3FA9]  }
0x2e: {  	s3 =	simm.s32 @!p0 $0x1082;
	s9 =	sld [smem:$0x3FAA]  }
0x2f: {  	lr =	sadd.s32 s0, s3;
	s0 =	sld [smem:$0x3FA1]  }
0x30: {  	s3 =	sld [smem:$0x3FA4]  }
0x31: {  	[smem:$0x3FAD] =	sst s10  }
0x32: {  	s10 =	sld [smem:$0x3FAB];
	_ =	sdelay $0x3  }
0x33: {  	p0 =	seq.s32 s10, $0x1;
	s10 =	sld [smem:$0x3FAD];
	_ =	sdelay $0x3  }
0x34: {  	[smem:$0x3FAD] =	sst s10  }
0x35: {  	s10 =	sld [smem:$0x3FAC];
	_ =	sdelay $0x3  }
0x36: {  	p1 =	seq.s32 s10, $0x1;
	s10 =	sld [smem:$0x3FAD];
	_ =	sdelay $0x3  }
0x37: {  	[smem:$0x3FAD] =	sst s10  }
0x38: {  	s10 =	sld [smem:$0x3FAE]  }
0x39: {  	_ = 	snop;
	(pc) =	sbr.ind lr, $3  }
0x3a: {  	_ = 	snop  }
0x3b: {  	_ = 	snop  }
0x3c: {  	p2 =	seq.s32 s10, $0x1;
	s10 =	sld [smem:$0x3FAD]  }
0x3d: {  	_ =	shalt  }
0x3e: {  	_ =	shalt  }
0x3f: {  	_ =	shalt  }
0x40: {  	_ =	shalt  }
0x41: {  	_ =	shalt  }
0x42: {  	_ =	shalt  }
0x43: {  	_ =	shalt  }
0x44: {  	_ =	shalt  }
0x45: {  	_ =	shalt  }
0x46: {  	_ =	shalt  }
0x47: {  	_ =	shalt  }
0x48: {  	_ =	shalt  }
0x49: {  	_ =	shalt  }
0x4a: {  	_ =	shalt  }
0x4b: {  	_ =	shalt  }
0x4c: {  	_ =	shalt  }
0x4d: {  	_ =	shalt  }
0x4e: {  	_ =	shalt  }
0x4f: {  	_ =	shalt  }
0x50: {  	_ =	shalt  }
0x51: {  	_ =	shalt  }
0x52: {  	_ =	shalt  }
0x53: {  	_ =	shalt  }
0x54: {  	_ =	shalt  }
0x55: {  	_ =	shalt  }
0x56: {  	_ =	shalt  }
0x57: {  	_ =	shalt  }
0x58: {  	_ =	shalt  }
0x59: {  	_ =	shalt  }
0x5a: {  	_ =	shalt  }
0x5b: {  	_ =	shalt  }
0x5c: {  	_ =	shalt  }
0x5d: {  	_ =	shalt  }
0x5e: {  	_ =	shalt  }
0x5f: {  	_ =	shalt  }
0x60: {  	_ =	shalt  }
0x61: {  	_ =	shalt  }
0x62: {  	_ =	shalt  }
0x63: {  	_ =	shalt  }
0x64: {  	_ =	shalt  }
0x65: {  	_ =	shalt  }
0x66: {  	_ =	shalt  }
0x67: {  	_ =	shalt  }
0x68: {  	_ =	shalt  }
0x69: {  	_ =	shalt  }
0x6a: {  	_ =	shalt  }
0x6b: {  	_ =	shalt  }
0x6c: {  	_ =	shalt  }
0x6d: {  	_ =	shalt  }
0x6e: {  	_ =	shalt  }
0x6f: {  	_ =	shalt  }
0x70: {  	_ =	shalt  }
0x71: {  	_ =	shalt  }
0x72: {  	_ =	shalt  }
0x73: {  	_ =	shalt  }
0x74: {  	_ =	shalt  }
0x75: {  	_ =	shalt  }
0x76: {  	_ =	shalt  }
0x77: {  	_ =	shalt  }
0x78: {  	_ =	shalt  }
0x79: {  	_ =	shalt  }
0x7a: {  	_ =	shalt  }
0x7b: {  	_ =	shalt  }
0x7c: {  	_ =	shalt  }
0x7d: {  	_ =	shalt  }
0x7e: {  	_ =	shalt  }
0x7f: {  	_ =	shalt  }
0x80: {  	_ =	shalt  }
0x81: {  	_ =	shalt  }
0x82: {  	_ =	shalt  }
0x83: {  	_ =	shalt  }
0x84: {  	_ =	shalt  }
0x85: {  	_ =	shalt  }
0x86: {  	_ =	shalt  }
0x87: {  	_ =	shalt  }
.Lfunc_end0:
.L_simem_size_0:
called_computation_lowered:
.L_overlay_start_0:
0x88: {  	s2 =	sld [smem:$0x3FD9]  }
0x89: {  	s3 =	sld [smem:$0x3FFE];
	_ =	sdelay $0x1  }
0x8a: {  	s1 =	srdreg.scid  }
0x8b: {  	s0 =	sand.u32 $0x1, s1  }
0x8c: {  	s14 =	sshll.u32 s0, $0xA;
	s2 =	sadd.s32 s3, s2  }
0x8d: {  	s2 =	sadd.s32 s2, s14  }
0x8e: {  	[smem:$0x3FB9] =	sst s2  }
0x8f: {  	_ = 	snop  }
0x90: {  	s2 =	sld [smem:$0x3FD0];
	_ =	sdelay $0x2  }
0x91: {  	s15 =	simm.s32 $0xA;
	s4 =	simm.s32 $0x10  }
0x92: {  	[smem:s4], [sflag:s15] =	dma.local [hbm:s2], $0x1  }
0x93: {  	_ =	swait.eq [sflag:s15], $0x1  }
0x94: {  	[sflag:s15] =	ssyncset.done $0x0  }
0x95: {  	[sflag:s15] =	ssyncadd.s32 $0xFFFFFFFF  }
0x96: {  	s16 =	sld [smem:$0x11];
	(tm) =	ssettm $0x1  }
0x97: {  	s17 =	sld [smem:$0x3FFB];
	_ =	sdelay $0x3  }
0x98: {  	_ =	strace s17  }
0x99: {  	s3 =	sld [smem:$0x3FFC];
	_ =	sdelay $0x3  }
0x9a: {  	_ =	strace s3  }
0x9b: {  	s3 =	sld [smem:$0x3FFD];
	_ =	sdelay $0x3  }
0x9c: {  	_ =	strace s3  }
0x9d: {  	_ =	strace $0x8FFFFFFF  }
0x9e: {  	s18 =	sld [smem:$0x3FDB];
	_ =	sdelay $0x1  }
0x9f: {  	s19 =	simm.s32 $_scs_section_size  }
0xa0: {  	s5 =	simm.s32 $_size__tile_overlayer_lowered;
	s6 =	simm.s32 $_tile_overlayer_lowered  }
0xa1: {  	s22 =	simm.s32 $0x1BFF;
	s21 =	sshll.u32 s6, $0x1;
	s3 =	sadd.s32 s19, s18  }
0xa2: {  	s7 =	simm.s32 $0x0;
	s20 =	sshll.u32 s5, $0x1;
	s5 =	sadd.s32 s21, s3  }
0xa3: {  	[timem:s7], [sflag:s22] =	dma.local [hbm:s5], s20  }
0xa4: {  	_ =	swait.ge [sflag:s22], s20  }
0xa5: {  	s4 =	ssub.s32 $0x0, s20;
	[sflag:s22] =	ssyncset.done $0x0  }
0xa6: {  	[sflag:s22] =	ssyncadd.s32 s4;
	_ =	sdelay $0x1  }
0xa7: {  	s23 =	simm.s32 $0x1B8B  }
0xa8: {  	_ =	swait.ge [sflag:s23], $0x1  }
0xa9: {  	[sflag:s23] =	ssyncset.done $0x0  }
0xaa: {  	s25 =	simm.s32 $0x1B8E;
	s24 =	sld [smem:$0x3FFE];
	[sflag:s23] =	ssyncadd.s32 $0xFFFFFFFF  }
0xab: {  	s26 =	simm.s32 $execute0_lowered;
	[smem:$0x3FD2] =	sst s25  }
0xac: {  	s5 =	sshll.u32 s26, $0x1;
	_ =	strace $0x80000046;
	[dreg:$0x1] =	wrdreg $0xFFFFFFFF  }
0xad: {  	s28 =	simm.s32 $_size_execute0_lowered;
	s3 =	sadd.s32 s3, s5;
	[dreg:$0x0] =	wrdreg $0x0  }
0xae: {  	s5 =	sshll.u32 s28, $0x1;
	[dreg:$0x2] =	wrdreg s3  }
0xaf: {  	[dreg:$0x3] =	wrdreg s5  }
0xb0: {  	[dreg:$0x4] =	wrdreg $0xC0  }
0xb1: {  	_ =	task [dreg:s7], $0x5FFFF  }
0xb2: {  	[dreg:$0x1] =	wrdreg $0xFFFFFFFF  }
0xb3: {  	[dreg:$0x0] =	wrdreg $0x60  }
0xb4: {  	[dreg:$0x2] =	wrdreg s16  }
0xb5: {  	[dreg:$0x3] =	wrdreg s24  }
0xb6: {  	[dreg:$0x4] =	wrdreg $0xB4000  }
0xb7: {  	[dreg:$0x5] =	wrdreg $0x9  }
0xb8: {  	_ =	task.clear_ibuf [dreg:s7], $0x6FFFF;
	_ =	strace $0x90000046  }
0xb9: {  	s29 =	simm.s32 $0x9;
	_ =	strace $0x80000048  }
0xba: {  	_ =	swait.ge [sflag:s29], $0x1  }
0xbb: {  	[sflag:s29] =	ssyncadd.s32 $0xFFFFFFFF  }
0xbc: {  	_ =	strace $0x90000048  }
0xbd: {  	_ =	sfence  }
0xbe: {  	s30 =	sld [smem:$0x0];
	_ =	sdelay $0x2  }
0xbf: {  	s31 =	sshll.u32 s1, $0xD;
	s1 =	sshrl.u32 s1, $0x2  }
0xc0: {  	s3 =	sand.u32 $0x4000, s31;
	s1 =	sadd.s32 s1, s30  }
0xc1: {  	s0 =	sor.u32 s3, s0;
	s1 =	sshll.u32 s1, $0x11  }
0xc2: {  	s0 =	sor.u32 s1, s0  }
0xc3: {  	s0 =	sadd.s32 $0x8F2B, s0  }
0xc4: {  	[sflag:s0] =	ssyncadd.remote.s32 $0x1  }
0xc5: {  	_ =	sfence.sel $0xFFFF  }
0xc6: {  	[dreg:$0x0] =	wrdreg $0xFFFFFFFF;
	(pc) =	sbr.abs _section_cstart, $3  }
0xc7: {  	[dreg:$0x1] =	wrdreg $0xFFFFFFFF  }
0xc8: {  	_ =	task.clear_ibuf [dreg:s7], $0x2FFFF;
	_ =	strace $0x9FFFFFFF  }
0xc9: {  	(tm) =	ssettm $0x7FFFFFFF  }
tec
execute0_lowered:
.L_overlay_start_1:
0x0: {  	(tag) =	ssettag $0x1  }
0x1: {  	s0 =	rddreg [dreg:$0x0]  }
0x2: {  	s5 =	rddreg [dreg:$0x1]  }
0x3: {  	s1 =	srdreg.scid;
	s3 =	rddreg [dreg:$0x2]  }
0x4: {  	s26 =	stileid.u32;
	s4 =	simm.s32 $0x0;
	s18 =	simm.s32 $0xA800  }
0x5: {  	s19 =	simm.s32 $0x80;
	s20 =	simm.s32 $0x2800;
	s6 =	sand.u32 $0x1, s1  }
0x6: {  	[smem:$0x7FF] =	sst s4;
	s10 =	sadd.s32 $0x7600, s5;
	s12 =	smul.u32 $0x270, s26  }
0x7: {  	s13 =	sadd.s32 $0x11600, s5;
	s15 =	smul.u32 $0x4E000, s26;
	s7 =	sshll.u32 s6, $0x4  }
0x8: {  	_ =	strace $0x80000047;
	s11 =	ssub.s32 $0x2, s6;
	s16 =	smul.u32 $0x4E20, s6  }
0x9: {  	s28 =	smul.u32 $0x271000, s6;
	s7 =	sor.u32 s26, s7;
	s14 =	sshrl.u32 s11, $0x1  }
0xa: {  	s29 =	sshrl.u32 s15, $0x2;
	s8 =	smul.u32 $0x280, s7;
	p0 =	slt.u32 s7, $0x2  }
0xb: {  	s17 =	ssub.s32 s11, s14;
	s30 =	smul.u32 $0x1400, s7;
	s12 =	sadd.s32 s12, s16  }
0xc: {  	s7 =	sadd.s32 $0x138000, s3;
	s11 =	sshrl.u32 s28, $0x3;
	s12 =	sshll.u32 s12, $0x4  }
0xd: {  	s31 =	sadd.s32 s13, s11;
	s15 =	smax.u32 s17, $0x1;
	s17 =	simm.s32 $0x3  }
0xe: {  	s9 =	sadd.s32 s8, s5;
	s5 =	simm.s32 $0x28;
	s8 =	sadd.s32 s10, s8  }
0xf: {  	s14 =	sshrl.u32 s30, $0x3;
	s11 =	sadd.s32 $0x27000, s31;
	s5 =	simm.s32 @!p0 $0x27  }
0x10: {  	s2 =	sadd.s32 $0x2600, s9;
	s9 =	sadd.s32 s29, s3;
	s14 =	sadd.s32 s10, s14  }
0x11: {  	s10 =	sadd.s32 s13, s12;
	p0 =	sne.s32 s26, $0xF;
	[dreg:$0x4] =	wrdreg s2  }
0x12: {  	v0 =	vimm.f32 $0.0e+00;
	s12 =	sadd.s32 $0x5000, s14;
	s13 =	sadd.s32 $0x27100, s10;
	s14 =	sadd.s32 $0x4E100, s31  }
.LBB2_1:
0x13: {  	s21 =	simm.s32 $0x70;
	s22 =	simm.s32 $0x3C0  }
.LBB2_2:
0x14: {  	p1 =	sne.s32 s22, $0x2FC0;
	[tilespmem:s21+$0xA800] =	vst v0  }
0x15: {  	[tilespmem:s21+$0xA790] =	vst v0  }
0x16: {  	[tilespmem:s21+$0xA7A0] =	vst v0  }
.Ltmp0:
0x17: {  	[tilespmem:s21+$0xA7B0] =	vst v0;
	(pc) =	sbr.rel @p1 .LBB2_2-.Ltmp0, $4  }
0x18: {  	[tilespmem:s21+$0xA7C0] =	vst v0  }
0x19: {  	[tilespmem:s21+$0xA7D0] =	vst v0  }
0x1a: {  	[tilespmem:s21+$0xA7E0] =	vst v0  }
0x1b: {  	[tilespmem:s21+$0xA7F0] =	vst v0;
	s21 =	sshra.s32 s22, $0x2;
	s22 =	sadd.s32 $0x200, s22  }
0x1c: {  	[tilespmem:s21+$0xA800] =	vst v0  }
0x1d: {  	[tilespmem:s21+$0xA790] =	vst v0  }
0x1e: {  	[tilespmem:s21+$0xA7A0] =	vst v0  }
0x1f: {  	[tilespmem:s21+$0xA7B0] =	vst v0  }
0x20: {  	[tilespmem:s21+$0xA7C0] =	vst v0  }
0x21: {  	[tilespmem:s21+$0xA7D0] =	vst v0  }
0x22: {  	[tilespmem:s21+$0xA7E0] =	vst v0  }
0x23: {  	[tilespmem:s21+$0xA7F0] =	vst v0;
	s30 =	simm.s32 $0x0;
	s1 =	rddreg [dreg:$0x4];
	s2 =	simm.s32 $0x1400  }
0x24: {  	[tilespmem:s2], [sflag:$0x3] =	stream.linear.gather [hbm4b:s1+s30], $0x1400, $0x38;
	[tilespmem:$0x1EC80] =	vst v63  }
0x25: {  	_ =	swait.ge [sflag:s17], $0x1400  }
0x26: {  	[sflag:s17] =	ssyncset.done $0x0  }
0x27: {  	s31 =	sadd.s32 $0x0, s9;
	[sflag:s17] =	ssyncadd.s32 $0xFFFFEC00  }
0x28: {  	[spmem:s31] =	stream.linear.scatter [tilespmem:s18], [sflag:$0x3], $0xC00, $0x38;
	[tilespmem:$0x1EC80] =	vst v63  }
0x29: {  	s21 =	simm.s32 $0x3000;
	_ =	swait.ge [sflag:s17], $0xC00  }
.LBB2_4:
0x2a: {  	s22 =	sshra.s32 s21, $0x2;
	[sflag:s17] =	ssyncset.done $0x0;
	p1 =	sne.s32 s21, $0x4B000  }
.Ltmp1:
0x2b: {  	s22 =	sadd.s32 s22, s9;
	[sflag:s17] =	ssyncadd.s32 $0xFFFFF400;
	(pc) =	sbr.rel @p1 .LBB2_4-.Ltmp1, $3  }
0x2c: {  	[spmem:s22] =	stream.linear.scatter [tilespmem:s18], [sflag:$0x3], $0xC00, $0x38;
	[tilespmem:$0x1EC80] =	vst v63  }
0x2d: {  	s21 =	sadd.s32 $0x3000, s21;
	_ =	sdelay $0x1  }
0x2e: {  	_ =	swait.ge [sflag:s17], $0xC00  }
0x2f: {  	[sflag:s17] =	ssyncset.done $0x0  }
0x30: {  	s21 =	simm.s32 @!p0 $0xA800;
	[sflag:s17] =	ssyncadd.s32 $0xFFFFF400  }
0x31: {  	[spmem:s7] =	stream.linear.scatter @!p0 [tilespmem:s21], [sflag:$0x3], $0x800, $0x38;
	[tilespmem:$0x1EC80] =	vst v63  }
0x32: {  	s21 =	simm.s32 @!p0 $0x3  }
0x33: {  	_ =	swait.ge @!p0 [sflag:s21], $0x800  }
0x34: {  	[sflag:s21] =	ssyncset.done @!p0 $0x0  }
0x35: {  	s31 =	simm.s32 $0x0;
	[sflag:s21] =	ssyncadd.s32 @!p0 $0xFFFFF800  }
0x36: {  	[tilespmem:s31], [sflag:$0x3] =	stream.linear.gather [hbm4b:s8+s31], $0x1400, $0x38;
	[tilespmem:$0x1EC80] =	vst v63  }
0x37: {  	_ =	swait.ge [sflag:s17], $0x1400  }
0x38: {  	[sflag:s17] =	ssyncset.done $0x0  }
0x39: {  	p1 =	sle.u32 s5, $0x1;
	[sflag:s17] =	ssyncadd.s32 $0xFFFFEC00  }
0x3a: {  	s21 =	simm.s32 @p1 $0x1;
	[bflag:$0x0] =	sbarrier.arrive $0xFFFF  }
0x3b: {  	[tilespmem:s20], [sflag:$0x1] =	stream.indirect.gather [hbm4b:s0+s19], $0x80, s31, s19, $0xb8;
	[tilespmem:$0x1EC80] =	vst v63  }
0x3c: {  	_ =	swait.ge @p1 [sflag:s21], $0x4000  }
0x3d: {  	s22 =	simm.s32 @p1 $0x1400;
	s23 =	simm.s32 @!p1 $0x80;
	[sflag:s21] =	ssyncset.done @p1 $0x0  }
0x3e: {  	s24 =	simm.s32 @p1 $0x2800;
	[sflag:s21] =	ssyncadd.s32 @p1 $0xFFFFC000;
	s21 =	simm.s32 @p1 $0x80  }
0x3f: {  	[spmem:s3] =	stream.indirect.scatter.add.f32 @p1 [tilespmem:s24], [sflag:$0x4], $0x80, s22, s21, $0xb8;
	[tilespmem:$0x1EC80] =	vst v63  }
0x40: {  	s21 =	simm.s32 @!p1 $0x80;
	s22 =	simm.s32 @!p1 $0x6800;
	s24 =	simm.s32 @!p1 $0x1  }
0x41: {  	[tilespmem:s22], [sflag:$0x2] =	stream.indirect.gather @!p1 [hbm4b:s0+s21], $0x80, s23, s21, $0xb8;
	[tilespmem:$0x1EC80] =	vst v63  }
0x42: {  	_ =	swait.ge @!p1 [sflag:s24], $0x4000  }
0x43: {  	s25 =	simm.s32 @!p1 $0x4;
	[sflag:s24] =	ssyncset.done @!p1 $0x0  }
0x44: {  	s23 =	simm.s32 @!p1 $0x1400;
	[sflag:s24] =	ssyncadd.s32 @!p1 $0xFFFFC000;
	s24 =	simm.s32 @!p1 $0x2800  }
0x45: {  	[spmem:s3] =	stream.indirect.scatter.add.f32 @!p1 [tilespmem:s24], [sflag:$0x4], $0x80, s23, s21, $0xb8;
	[tilespmem:$0x1EC80] =	vst v63  }
0x46: {  	_ =	swait.ge @!p1 [sflag:s25], $0x4000  }
0x47: {  	[sflag:s25] =	ssyncset.done @!p1 $0x0  }
0x48: {  	p2 =	sle.u32 @!p1 s5, $0x2;
	s23 =	simm.s32 @!p1 $0x2;
	[sflag:s25] =	ssyncadd.s32 @!p1 $0xFFFFC000  }
0x49: {  	p2 =	por p2, p1;
	_ =	swait.ge @!p1 [sflag:s23], $0x4000  }
0x4a: {  	s26 =	simm.s32 @!p2 $0x2800;
	s24 =	simm.s32 @!p1 $0x3;
	[sflag:s23] =	ssyncset.done @!p1 $0x0  }
0x4b: {  	s25 =	simm.s32 @!p2 $0x100;
	[sflag:s23] =	ssyncadd.s32 @!p1 $0xFFFFC000;
	s23 =	simm.s32 @!p2 $0x80  }
0x4c: {  	[tilespmem:s26], [sflag:$0x1] =	stream.indirect.gather @!p2 [hbm4b:s0+s23], $0x80, s25, s23, $0xb8;
	[tilespmem:$0x1EC80] =	vst v63  }
0x4d: {  	s24 =	simm.s32 @p1 $0x4;
	s23 =	simm.s32 @!p1 $0x1480  }
0x4e: {  	[spmem:s3] =	stream.indirect.scatter.add.f32 @!p1 [tilespmem:s22], [sflag:$0x3], $0x80, s23, s21, $0xb8;
	[tilespmem:$0x1EC80] =	vst v63  }
0x4f: {  	s25 =	simm.s32 $0x3;
	s22 =	simm.s32 $0x400;
	_ =	swait.ge [sflag:s24], $0x4000  }
0x50: {  	s23 =	simm.s32 $0x800;
	s21 =	simm.s32 $0x4;
	[sflag:s24] =	ssyncset.done $0x0  }
.LBB2_6:
0x51: {  	p1 =	sge.u32 s25, s5  }
0x52: {  	[sflag:s24] =	ssyncadd.s32 $0xFFFFC000;
	s25 =	smov.u32 s23;
	s23 =	sadd.s32 $0x400, s23  }
0x53: {  	s24 =	simm.s32 @p1 $0x1;
	s26 =	sshra.s32 @p1 s22, $0x2;
	s28 =	sshra.s32 @!p1 s22, $0x2  }
0x54: {  	_ =	swait.ge @p1 [sflag:s24], $0x4000;
	s26 =	sadd.s32 @p1 $0x1400, s26;
	s29 =	sadd.s32 @!p1 $0x80, s28  }
0x55: {  	p2 =	sge.u32 @!p1 s21, s5;
	s30 =	sadd.s32 @!p1 $0x1400, s28;
	[sflag:s24] =	ssyncset.done @p1 $0x0  }
0x56: {  	s31 =	simm.s32 @p1 $0x2800;
	[sflag:s24] =	ssyncadd.s32 @p1 $0xFFFFC000;
	s24 =	simm.s32 @p1 $0x80  }
0x57: {  	[spmem:s3] =	stream.indirect.scatter.add.f32 @p1 [tilespmem:s31], [sflag:$0x4], $0x80, s26, s24, $0xb8;
	[tilespmem:$0x1EC80] =	vst v63  }
0x58: {  	s1 =	simm.s32 @!p1 $0x1;
	s26 =	simm.s32 @!p1 $0x80;
	s31 =	simm.s32 @!p1 $0x6800  }
0x59: {  	[tilespmem:s31], [sflag:$0x2] =	stream.indirect.gather @!p1 [hbm4b:s0+s26], $0x80, s29, s26, $0xb8;
	[tilespmem:$0x1EC80] =	vst v63  }
0x5a: {  	p2 =	por p2, p1;
	s28 =	sadd.s32 @!p1 $0x1480, s28;
	_ =	swait.ge @!p1 [sflag:s1], $0x4000  }
0x5b: {  	s22 =	sshra.s32 @!p2 s22, $0x2;
	s24 =	simm.s32 @!p1 $0x3;
	[sflag:s1] =	ssyncset.done @!p1 $0x0  }
0x5c: {  	s29 =	simm.s32 @!p1 $0x4;
	[sflag:s1] =	ssyncadd.s32 @!p1 $0xFFFFC000;
	s1 =	simm.s32 @!p1 $0x2800  }
0x5d: {  	[spmem:s3] =	stream.indirect.scatter.add.f32 @!p1 [tilespmem:s1], [sflag:$0x4], $0x80, s30, s26, $0xb8;
	[tilespmem:$0x1EC80] =	vst v63  }
0x5e: {  	p3 =	sne.s32 s23, $0x5000;
	s1 =	sadd.s32 @!p2 $0x100, s22;
	_ =	swait.ge @!p1 [sflag:s29], $0x4000  }
0x5f: {  	s22 =	smov.u32 s25;
	[sflag:s29] =	ssyncset.done @!p1 $0x0  }
0x60: {  	s25 =	simm.s32 @!p1 $0x2;
	[sflag:s29] =	ssyncadd.s32 @!p1 $0xFFFFC000  }
0x61: {  	_ =	swait.ge @!p1 [sflag:s25], $0x4000  }
0x62: {  	[sflag:s25] =	ssyncset.done @!p1 $0x0  }
0x63: {  	s29 =	simm.s32 @!p2 $0x2800;
	[sflag:s25] =	ssyncadd.s32 @!p1 $0xFFFFC000;
	s25 =	simm.s32 @!p2 $0x80  }
0x64: {  	[tilespmem:s29], [sflag:$0x1] =	stream.indirect.gather @!p2 [hbm4b:s0+s25], $0x80, s1, s25, $0xb8;
	[tilespmem:$0x1EC80] =	vst v63  }
.Ltmp2:
0x65: {  	_ = 	snop;
	(pc) =	sbr.rel @p3 .LBB2_6-.Ltmp2, $4  }
0x66: {  	s24 =	simm.s32 @p1 $0x4  }
0x67: {  	[spmem:s3] =	stream.indirect.scatter.add.f32 @!p1 [tilespmem:s31], [sflag:$0x3], $0x80, s28, s26, $0xb8;
	[tilespmem:$0x1EC80] =	vst v63  }
0x68: {  	s21 =	sadd.s32 $0x2, s21;
	_ =	swait.ge [sflag:s24], $0x4000  }
0x69: {  	s25 =	sadd.s32 $0xFFFFFFFF, s21;
	[sflag:s24] =	ssyncset.done $0x0  }
0x6a: {  	p1 =	sge.u32 s25, s5  }
0x6b: {  	[sflag:s24] =	ssyncadd.s32 $0xFFFFC000;
	s1 =	simm.s32 @p1 $0x1  }
0x6c: {  	s23 =	sshra.s32 @p1 s22, $0x2;
	s24 =	sshra.s32 @!p1 s22, $0x2;
	_ =	swait.ge @p1 [sflag:s1], $0x4000  }
0x6d: {  	s26 =	simm.s32 @p1 $0x2800;
	s23 =	sadd.s32 @p1 $0x1400, s23;
	[sflag:s1] =	ssyncset.done @p1 $0x0  }
0x6e: {  	s25 =	sadd.s32 @!p1 $0x80, s24;
	[sflag:s1] =	ssyncadd.s32 @p1 $0xFFFFC000;
	s1 =	simm.s32 @p1 $0x80  }
0x6f: {  	[spmem:s3] =	stream.indirect.scatter.add.f32 @p1 [tilespmem:s26], [sflag:$0x4], $0x80, s23, s1, $0xb8;
	[tilespmem:$0x1EC80] =	vst v63  }
0x70: {  	s1 =	simm.s32 @!p1 $0x80;
	s23 =	simm.s32 @!p1 $0x6800;
	s26 =	simm.s32 @!p1 $0x1  }
0x71: {  	[tilespmem:s23], [sflag:$0x2] =	stream.indirect.gather @!p1 [hbm4b:s0+s1], $0x80, s25, s1, $0xb8;
	[tilespmem:$0x1EC80] =	vst v63  }
0x72: {  	_ =	swait.ge @!p1 [sflag:s26], $0x4000  }
0x73: {  	s28 =	simm.s32 @!p1 $0x4;
	[sflag:s26] =	ssyncset.done @!p1 $0x0  }
0x74: {  	s25 =	sadd.s32 @!p1 $0x1400, s24;
	[sflag:s26] =	ssyncadd.s32 @!p1 $0xFFFFC000;
	s26 =	simm.s32 @!p1 $0x2800  }
0x75: {  	[spmem:s3] =	stream.indirect.scatter.add.f32 @!p1 [tilespmem:s26], [sflag:$0x4], $0x80, s25, s1, $0xb8;
	[tilespmem:$0x1EC80] =	vst v63  }
0x76: {  	_ =	swait.ge @!p1 [sflag:s28], $0x4000  }
0x77: {  	p2 =	sge.u32 @!p1 s21, s5;
	[sflag:s28] =	ssyncset.done @!p1 $0x0  }
0x78: {  	s21 =	simm.s32 @!p1 $0x2;
	p2 =	por p2, p1;
	[sflag:s28] =	ssyncadd.s32 @!p1 $0xFFFFC000  }
0x79: {  	s22 =	sshra.s32 @!p2 s22, $0x2;
	_ =	swait.ge @!p1 [sflag:s21], $0x4000  }
0x7a: {  	s22 =	sadd.s32 @!p2 $0x100, s22;
	s25 =	simm.s32 @!p1 $0x3;
	[sflag:s21] =	ssyncset.done @!p1 $0x0  }
0x7b: {  	s26 =	simm.s32 @!p2 $0x2800;
	[sflag:s21] =	ssyncadd.s32 @!p1 $0xFFFFC000;
	s21 =	simm.s32 @!p2 $0x80  }
0x7c: {  	[tilespmem:s26], [sflag:$0x1] =	stream.indirect.gather @!p2 [hbm4b:s0+s21], $0x80, s22, s21, $0xb8;
	[tilespmem:$0x1EC80] =	vst v63  }
0x7d: {  	s25 =	simm.s32 @p1 $0x4;
	s21 =	sadd.s32 @!p1 $0x1480, s24  }
0x7e: {  	[spmem:s3] =	stream.indirect.scatter.add.f32 @!p1 [tilespmem:s23], [sflag:$0x3], $0x80, s21, s1, $0xb8;
	[tilespmem:$0x1EC80] =	vst v63  }
0x7f: {  	_ =	swait.ge [sflag:s25], $0x4000  }
0x80: {  	s30 =	stileid.u32;
	[sflag:s25] =	ssyncset.done $0x0  }
0x81: {  	s1 =	sshll.u32 s30, $0x6;
	[sflag:s25] =	ssyncadd.s32 $0xFFFFC000  }
0x82: {  	s22 =	sshrl.u32 s9, $0x3;
	s21 =	sor.u32 $0x1C03, s1;
	[bflag:$0x0] =	sbarrier.arrive $0xFFFF  }
0x83: {  	[hbm:s10], [sflag:s21] =	dma.local [spmem:s22], $0x2700  }
0x84: {  	_ =	swait.ge [sflag:s17], $0x2700  }
0x85: {  	[sflag:s17] =	ssyncset.done $0x0  }
0x86: {  	s23 =	sshrl.u32 @!p0 s7, $0x3;
	s1 =	simm.s32 @!p0 $0x3;
	[sflag:s17] =	ssyncadd.s32 $0xFFFFD900  }
0x87: {  	[hbm:s11], [sflag:s21] =	dma.local @!p0 [spmem:s23], $0x100  }
0x88: {  	_ =	swait.ge @!p0 [sflag:s1], $0x100  }
0x89: {  	[sflag:s1] =	ssyncset.done @!p0 $0x0  }
0x8a: {  	[sflag:s1] =	ssyncadd.s32 @!p0 $0xFFFFFF00  }
0x8b: {  	s31 =	sadd.s32 $0x0, s9;
	[bflag:$0x0] =	sbarrier.arrive $0xFFFF  }
0x8c: {  	[spmem:s31] =	stream.linear.scatter [tilespmem:s18], [sflag:$0x3], $0xC00, $0x38;
	[tilespmem:$0x1EC80] =	vst v63  }
0x8d: {  	s24 =	simm.s32 $0x3000;
	_ =	swait.ge [sflag:s17], $0xC00  }
.LBB2_8:
0x8e: {  	s1 =	sshra.s32 s24, $0x2;
	[sflag:s17] =	ssyncset.done $0x0;
	p1 =	sne.s32 s24, $0x4B000  }
.Ltmp3:
0x8f: {  	s1 =	sadd.s32 s1, s9;
	[sflag:s17] =	ssyncadd.s32 $0xFFFFF400;
	(pc) =	sbr.rel @p1 .LBB2_8-.Ltmp3, $3  }
0x90: {  	[spmem:s1] =	stream.linear.scatter [tilespmem:s18], [sflag:$0x3], $0xC00, $0x38;
	[tilespmem:$0x1EC80] =	vst v63  }
0x91: {  	s24 =	sadd.s32 $0x3000, s24;
	_ =	sdelay $0x1  }
0x92: {  	_ =	swait.ge [sflag:s17], $0xC00  }
0x93: {  	[sflag:s17] =	ssyncset.done $0x0  }
0x94: {  	s1 =	simm.s32 @!p0 $0xA800;
	[sflag:s17] =	ssyncadd.s32 $0xFFFFF400  }
0x95: {  	[spmem:s7] =	stream.linear.scatter @!p0 [tilespmem:s1], [sflag:$0x3], $0x800, $0x38;
	[tilespmem:$0x1EC80] =	vst v63  }
0x96: {  	s1 =	simm.s32 @!p0 $0x3  }
0x97: {  	_ =	swait.ge @!p0 [sflag:s1], $0x800  }
0x98: {  	[sflag:s1] =	ssyncset.done @!p0 $0x0  }
0x99: {  	s31 =	simm.s32 $0x0;
	[sflag:s1] =	ssyncadd.s32 @!p0 $0xFFFFF800  }
0x9a: {  	[tilespmem:s31], [sflag:$0x3] =	stream.linear.gather [hbm4b:s12+s31], $0x1400, $0x38;
	[tilespmem:$0x1EC80] =	vst v63  }
0x9b: {  	_ =	swait.ge [sflag:s17], $0x1400  }
0x9c: {  	[sflag:s17] =	ssyncset.done $0x0  }
0x9d: {  	p1 =	sle.u32 s5, $0x1;
	[sflag:s17] =	ssyncadd.s32 $0xFFFFEC00  }
0x9e: {  	s1 =	simm.s32 @p1 $0x1;
	[bflag:$0x0] =	sbarrier.arrive $0xFFFF  }
0x9f: {  	[tilespmem:s20], [sflag:$0x1] =	stream.indirect.gather [hbm4b:s0+s19], $0x80, s31, s19, $0xb8;
	[tilespmem:$0x1EC80] =	vst v63  }
0xa0: {  	_ =	swait.ge @p1 [sflag:s1], $0x4000  }
0xa1: {  	s24 =	simm.s32 @p1 $0x1400;
	s25 =	simm.s32 @!p1 $0x80;
	[sflag:s1] =	ssyncset.done @p1 $0x0  }
0xa2: {  	s26 =	simm.s32 @p1 $0x2800;
	[sflag:s1] =	ssyncadd.s32 @p1 $0xFFFFC000;
	s1 =	simm.s32 @p1 $0x80  }
0xa3: {  	[spmem:s3] =	stream.indirect.scatter.add.f32 @p1 [tilespmem:s26], [sflag:$0x4], $0x80, s24, s1, $0xb8;
	[tilespmem:$0x1EC80] =	vst v63  }
0xa4: {  	s1 =	simm.s32 @!p1 $0x80;
	s24 =	simm.s32 @!p1 $0x6800;
	s26 =	simm.s32 @!p1 $0x1  }
0xa5: {  	[tilespmem:s24], [sflag:$0x2] =	stream.indirect.gather @!p1 [hbm4b:s0+s1], $0x80, s25, s1, $0xb8;
	[tilespmem:$0x1EC80] =	vst v63  }
0xa6: {  	_ =	swait.ge @!p1 [sflag:s26], $0x4000  }
0xa7: {  	s28 =	simm.s32 @!p1 $0x4;
	[sflag:s26] =	ssyncset.done @!p1 $0x0  }
0xa8: {  	s25 =	simm.s32 @!p1 $0x1400;
	[sflag:s26] =	ssyncadd.s32 @!p1 $0xFFFFC000;
	s26 =	simm.s32 @!p1 $0x2800  }
0xa9: {  	[spmem:s3] =	stream.indirect.scatter.add.f32 @!p1 [tilespmem:s26], [sflag:$0x4], $0x80, s25, s1, $0xb8;
	[tilespmem:$0x1EC80] =	vst v63  }
0xaa: {  	_ =	swait.ge @!p1 [sflag:s28], $0x4000  }
0xab: {  	[sflag:s28] =	ssyncset.done @!p1 $0x0  }
0xac: {  	p2 =	sle.u32 @!p1 s5, $0x2;
	s25 =	simm.s32 @!p1 $0x2;
	[sflag:s28] =	ssyncadd.s32 @!p1 $0xFFFFC000  }
0xad: {  	p2 =	por p2, p1;
	_ =	swait.ge @!p1 [sflag:s25], $0x4000  }
0xae: {  	s29 =	simm.s32 @!p2 $0x2800;
	s26 =	simm.s32 @!p2 $0x100;
	[sflag:s25] =	ssyncset.done @!p1 $0x0  }
0xaf: {  	s28 =	simm.s32 @!p1 $0x3;
	[sflag:s25] =	ssyncadd.s32 @!p1 $0xFFFFC000;
	s25 =	simm.s32 @!p2 $0x80  }
0xb0: {  	[tilespmem:s29], [sflag:$0x1] =	stream.indirect.gather @!p2 [hbm4b:s0+s25], $0x80, s26, s25, $0xb8;
	[tilespmem:$0x1EC80] =	vst v63  }
0xb1: {  	s28 =	simm.s32 @p1 $0x4;
	s25 =	simm.s32 @!p1 $0x1480  }
0xb2: {  	[spmem:s3] =	stream.indirect.scatter.add.f32 @!p1 [tilespmem:s24], [sflag:$0x3], $0x80, s25, s1, $0xb8;
	[tilespmem:$0x1EC80] =	vst v63  }
0xb3: {  	s26 =	simm.s32 $0x800;
	s29 =	simm.s32 $0x3;
	_ =	swait.ge [sflag:s28], $0x4000  }
0xb4: {  	s25 =	simm.s32 $0x400;
	s24 =	simm.s32 $0x4;
	[sflag:s28] =	ssyncset.done $0x0  }
.LBB2_10:
0xb5: {  	p1 =	sge.u32 s29, s5  }
0xb6: {  	[sflag:s28] =	ssyncadd.s32 $0xFFFFC000;
	s1 =	smov.u32 s26;
	s26 =	sadd.s32 $0x400, s26  }
0xb7: {  	s28 =	simm.s32 @p1 $0x1;
	s29 =	sshra.s32 @p1 s25, $0x2;
	s30 =	sshra.s32 @!p1 s25, $0x2  }
0xb8: {  	_ =	swait.ge @p1 [sflag:s28], $0x4000;
	s29 =	sadd.s32 @p1 $0x1400, s29;
	s31 =	sadd.s32 @!p1 $0x80, s30  }
0xb9: {  	p2 =	sge.u32 @!p1 s24, s5;
	s16 =	sadd.s32 @!p1 $0x1400, s30;
	[sflag:s28] =	ssyncset.done @p1 $0x0  }
0xba: {  	s2 =	simm.s32 @p1 $0x2800;
	[sflag:s28] =	ssyncadd.s32 @p1 $0xFFFFC000;
	s28 =	simm.s32 @p1 $0x80  }
0xbb: {  	[spmem:s3] =	stream.indirect.scatter.add.f32 @p1 [tilespmem:s2], [sflag:$0x4], $0x80, s29, s28, $0xb8;
	[tilespmem:$0x1EC80] =	vst v63  }
0xbc: {  	s6 =	simm.s32 @!p1 $0x1;
	s2 =	simm.s32 @!p1 $0x80;
	s29 =	simm.s32 @!p1 $0x6800  }
0xbd: {  	[tilespmem:s29], [sflag:$0x2] =	stream.indirect.gather @!p1 [hbm4b:s0+s2], $0x80, s31, s2, $0xb8;
	[tilespmem:$0x1EC80] =	vst v63  }
0xbe: {  	p2 =	por p2, p1;
	s30 =	sadd.s32 @!p1 $0x1480, s30;
	_ =	swait.ge @!p1 [sflag:s6], $0x4000  }
0xbf: {  	s25 =	sshra.s32 @!p2 s25, $0x2;
	s28 =	simm.s32 @!p1 $0x3;
	[sflag:s6] =	ssyncset.done @!p1 $0x0  }
0xc0: {  	s31 =	simm.s32 @!p1 $0x4;
	[sflag:s6] =	ssyncadd.s32 @!p1 $0xFFFFC000;
	s6 =	simm.s32 @!p1 $0x2800  }
0xc1: {  	[spmem:s3] =	stream.indirect.scatter.add.f32 @!p1 [tilespmem:s6], [sflag:$0x4], $0x80, s16, s2, $0xb8;
	[tilespmem:$0x1EC80] =	vst v63  }
0xc2: {  	p3 =	sne.s32 s26, $0x5000;
	s6 =	sadd.s32 @!p2 $0x100, s25;
	_ =	swait.ge @!p1 [sflag:s31], $0x4000  }
0xc3: {  	s25 =	smov.u32 s1;
	[sflag:s31] =	ssyncset.done @!p1 $0x0  }
0xc4: {  	s1 =	simm.s32 @!p1 $0x2;
	[sflag:s31] =	ssyncadd.s32 @!p1 $0xFFFFC000  }
0xc5: {  	_ =	swait.ge @!p1 [sflag:s1], $0x4000  }
0xc6: {  	[sflag:s1] =	ssyncset.done @!p1 $0x0  }
0xc7: {  	s16 =	simm.s32 @!p2 $0x2800;
	[sflag:s1] =	ssyncadd.s32 @!p1 $0xFFFFC000;
	s1 =	simm.s32 @!p2 $0x80  }
0xc8: {  	[tilespmem:s16], [sflag:$0x1] =	stream.indirect.gather @!p2 [hbm4b:s0+s1], $0x80, s6, s1, $0xb8;
	[tilespmem:$0x1EC80] =	vst v63  }
.Ltmp4:
0xc9: {  	_ = 	snop;
	(pc) =	sbr.rel @p3 .LBB2_10-.Ltmp4, $4  }
0xca: {  	s28 =	simm.s32 @p1 $0x4  }
0xcb: {  	[spmem:s3] =	stream.indirect.scatter.add.f32 @!p1 [tilespmem:s29], [sflag:$0x3], $0x80, s30, s2, $0xb8;
	[tilespmem:$0x1EC80] =	vst v63  }
0xcc: {  	s24 =	sadd.s32 $0x2, s24;
	_ =	swait.ge [sflag:s28], $0x4000  }
0xcd: {  	s29 =	sadd.s32 $0xFFFFFFFF, s24;
	[sflag:s28] =	ssyncset.done $0x0  }
0xce: {  	p1 =	sge.u32 s29, s5  }
0xcf: {  	[sflag:s28] =	ssyncadd.s32 $0xFFFFC000;
	s1 =	simm.s32 @p1 $0x1  }
0xd0: {  	s2 =	sshra.s32 @p1 s25, $0x2;
	s6 =	sshra.s32 @!p1 s25, $0x2;
	_ =	swait.ge @p1 [sflag:s1], $0x4000  }
0xd1: {  	s26 =	simm.s32 @p1 $0x2800;
	s2 =	sadd.s32 @p1 $0x1400, s2;
	[sflag:s1] =	ssyncset.done @p1 $0x0  }
0xd2: {  	s16 =	sadd.s32 @!p1 $0x80, s6;
	[sflag:s1] =	ssyncadd.s32 @p1 $0xFFFFC000;
	s1 =	simm.s32 @p1 $0x80  }
0xd3: {  	[spmem:s3] =	stream.indirect.scatter.add.f32 @p1 [tilespmem:s26], [sflag:$0x4], $0x80, s2, s1, $0xb8;
	[tilespmem:$0x1EC80] =	vst v63  }
0xd4: {  	s1 =	simm.s32 @!p1 $0x80;
	s2 =	simm.s32 @!p1 $0x6800;
	s26 =	simm.s32 @!p1 $0x1  }
0xd5: {  	[tilespmem:s2], [sflag:$0x2] =	stream.indirect.gather @!p1 [hbm4b:s0+s1], $0x80, s16, s1, $0xb8;
	[tilespmem:$0x1EC80] =	vst v63  }
0xd6: {  	_ =	swait.ge @!p1 [sflag:s26], $0x4000  }
0xd7: {  	s28 =	simm.s32 @!p1 $0x4;
	[sflag:s26] =	ssyncset.done @!p1 $0x0  }
0xd8: {  	s16 =	sadd.s32 @!p1 $0x1400, s6;
	[sflag:s26] =	ssyncadd.s32 @!p1 $0xFFFFC000;
	s26 =	simm.s32 @!p1 $0x2800  }
0xd9: {  	[spmem:s3] =	stream.indirect.scatter.add.f32 @!p1 [tilespmem:s26], [sflag:$0x4], $0x80, s16, s1, $0xb8;
	[tilespmem:$0x1EC80] =	vst v63  }
0xda: {  	_ =	swait.ge @!p1 [sflag:s28], $0x4000  }
0xdb: {  	p2 =	sge.u32 @!p1 s24, s5;
	[sflag:s28] =	ssyncset.done @!p1 $0x0  }
0xdc: {  	p2 =	por p2, p1;
	s16 =	simm.s32 @!p1 $0x2;
	[sflag:s28] =	ssyncadd.s32 @!p1 $0xFFFFC000  }
0xdd: {  	s24 =	sshra.s32 @!p2 s25, $0x2;
	_ =	swait.ge @!p1 [sflag:s16], $0x4000  }
0xde: {  	s25 =	simm.s32 @!p1 $0x3;
	s24 =	sadd.s32 @!p2 $0x100, s24;
	[sflag:s16] =	ssyncset.done @!p1 $0x0  }
0xdf: {  	s26 =	simm.s32 @!p2 $0x2800;
	[sflag:s16] =	ssyncadd.s32 @!p1 $0xFFFFC000;
	s16 =	simm.s32 @!p2 $0x80  }
0xe0: {  	[tilespmem:s26], [sflag:$0x1] =	stream.indirect.gather @!p2 [hbm4b:s0+s16], $0x80, s24, s16, $0xb8;
	[tilespmem:$0x1EC80] =	vst v63  }
0xe1: {  	s25 =	simm.s32 @p1 $0x4;
	s6 =	sadd.s32 @!p1 $0x1480, s6  }
0xe2: {  	[spmem:s3] =	stream.indirect.scatter.add.f32 @!p1 [tilespmem:s2], [sflag:$0x3], $0x80, s6, s1, $0xb8;
	[tilespmem:$0x1EC80] =	vst v63  }
0xe3: {  	_ =	swait.ge [sflag:s25], $0x4000  }
0xe4: {  	[sflag:s25] =	ssyncset.done $0x0  }
0xe5: {  	[sflag:s25] =	ssyncadd.s32 $0xFFFFC000  }
0xe6: {  	[bflag:$0x0] =	sbarrier.arrive $0xFFFF  }
0xe7: {  	[hbm:s13], [sflag:s21] =	dma.local [spmem:s22], $0x2700  }
0xe8: {  	_ =	swait.ge [sflag:s17], $0x2700  }
0xe9: {  	s4 =	sadd.s32 $0x1, s4;
	[sflag:s17] =	ssyncset.done $0x0  }
0xea: {  	s1 =	simm.s32 @!p0 $0x3;
	p1 =	sne.s32 s4, s15;
	[sflag:s17] =	ssyncadd.s32 $0xFFFFD900  }
0xeb: {  	[hbm:s14], [sflag:s21] =	dma.local @!p0 [spmem:s23], $0x100  }
.Ltmp5:
0xec: {  	_ =	swait.ge @!p0 [sflag:s1], $0x100;
	(pc) =	sbr.rel @p1 .LBB2_1-.Ltmp5, $3  }
0xed: {  	[sflag:s1] =	ssyncset.done @!p0 $0x0  }
0xee: {  	[sflag:s1] =	ssyncadd.s32 @!p0 $0xFFFFFF00  }
0xef: {  	[bflag:$0x0] =	sbarrier.arrive $0xFFFF;
	_ =	sdelay $0x1  }
0xf0: {  	_ =	sfence.sel $0x180000  }
0xf1: {  	[bflag:$0x0] =	sbarrier.arrive $0xFFFF  }
0xf2: {  	_ =	strace $0x90000047  }
0xf3: {  	s0 =	stileid.u32;
	[bflag:$0x2] =	sbarrier.arrive $0xFFFF  }
0xf4: {  	p0 =	sne.s32 s0, $0x0;
	s0 =	rddreg [dreg:$0x3]  }
0xf5: {  	s0 =	sadd.s32 @!p0 $0x100000, s0  }
0xf6: {  	[sflag:s0] =	ssyncadd.tile.s32 @!p0 $0x1;
	_ =	shalt  }
.Lfunc_end2:
_tile_overlayer_lowered:
.L_overlay_start_2:
0xf7: {  	(tag) =	ssettag $0x2  }
0xf8: {  	s0 =	rddreg [dreg:$0x0];
	s2 =	stileid.u32  }
0xf9: {  	s1 =	rddreg [dreg:$0x1];
	p0 =	sne.s32 s2, $0x0  }
0xfa: {  	s3 =	rddreg [dreg:$0x2];
	[bflag:$0x3] =	sbarrier.arrive $0xFFFF;
	s2 =	simm.s32 @!p0 $0x1C03  }
0xfb: {  	[timem:s3], [sflag:s2] =	dma.local @!p0 [hbm:s0], s1  }
0xfc: {  	s0 =	simm.s32 @!p0 $0x3  }
0xfd: {  	_ =	swait.ge @!p0 [sflag:s0], s1  }
0xfe: {  	s1 =	ssub.s32 @!p0 $0x0, s1;
	[sflag:s0] =	ssyncset.done @!p0 $0x0  }
0xff: {  	[sflag:s0] =	ssyncadd.s32 @!p0 s1  }
0x100: {  	[bflag:$0x3] =	sbarrier.arrive $0xFFFF  }
0x101: {  	_ =	shalt  }

// kernel: kernel.13.cloned.1.call-start
scs
__scs_entry_jumppad:
0x0: {  	(pc) =	sbr.rel $0x88, $3  }
0x1: {  	(tag) =	ssettag $0x0;
	lr =	simm.s32 $0x1  }
0x2: {  	[smem:$0x3F92] =	sst lr;
	_ =	strace $0xD0000000  }
0x3: {  	_ = 	snop  }
0x4: {  	_ = 	snop  }
0x5: {  	_ = 	snop  }
0x6: {  	_ = 	snop  }
0x7: {  	_ = 	snop  }
__scs_overlays_trampoline_lowered:
0x8: {  	[smem:$0x3FA1] =	sst s0  }
0x9: {  	[smem:$0x3FA2] =	sst s1  }
0xa: {  	[smem:$0x3FA3] =	sst s2  }
0xb: {  	[smem:$0x3FA4] =	sst s3  }
0xc: {  	[smem:$0x3FA5] =	sst s4  }
0xd: {  	[smem:$0x3FA6] =	sst s5  }
0xe: {  	[smem:$0x3FA7] =	sst s6  }
0xf: {  	[smem:$0x3FA8] =	sst s7  }
0x10: {  	[smem:$0x3FA9] =	sst s8  }
0x11: {  	[smem:$0x3FAA] =	sst s9;
	s0 =	simm.s32 @!p0 $0x0  }
0x12: {  	s1 =	sld [smem:$0x3F90];
	s0 =	simm.s32 @p0 $0x1  }
0x13: {  	[smem:$0x3FAB] =	sst s0;
	s0 =	simm.s32 @!p1 $0x0  }
0x14: {  	s2 =	sld [smem:$0x3F8F];
	s0 =	simm.s32 @p1 $0x1  }
0x15: {  	[smem:$0x3FAC] =	sst s0;
	s0 =	simm.s32 @!p2 $0x0  }
0x16: {  	s3 =	sld [smem:$0x3FDB];
	s0 =	simm.s32 @p2 $0x1  }
0x17: {  	s4 =	simm.s32 $0x1BF5;
	[smem:$0x3FAE] =	sst s0  }
0x18: {  	s0 =	sld [smem:$0x3F91];
	_ =	swait.ge [sflag:s4], $0x0  }
0x19: {  	s7 =	sld [smem:$0x3F92]  }
0x1a: {  	s8 =	sadd.s32 $0xFFFFE003, lr  }
0x1b: {  	s9 =	sadd.s32 $0xFFFFFEF7, lr;
	s5 =	simm.s32 $0xFFFFFFFF;
	p2 =	slt.u32 s8, $0xFFFFF086  }
0x1c: {  	p1 =	slt.u32 s9, $0xF7A;
	s5 =	simm.s32 @!p2 $0x0  }
0x1d: {  	s5 =	simm.s32 @p1 $0x1;
	p0 =	seq.s32 s7, s2  }
0x1e: {  	s7 =	smul.u32 @!p0 $0xF7A, s2;
	p2 =	seq.s32 @!p0 s5, $0x0  }
0x1f: {  	s9 =	smul.u32 $0xF7A, s1;
	s8 =	simm.s32 @!p0 $0x1BF5;
	p2 =	por !p2, p0  }
0x20: {  	[sflag:s8] =	ssyncset.s32 @!p0 $0xFFFFF086;
	s6 =	sadd.s32 @!p0 s3, s7;
	s7 =	simm.s32 @!p0 $0x108  }
0x21: {  	s3 =	sadd.s32 s3, s9;
	s6 =	sadd.s32 @!p0 $0x88, s6;
	s7 =	simm.s32 @p2 $0x1082  }
0x22: {  	[simem:s7], [sflag:s8] =	dma.local @!p0 [hbm:s6], $0xF7A  }
0x23: {  	s9 =	sor.u32 $0xD0000000, s2;
	s6 =	simm.s32 $0x108;
	_ =	swait.ge @!p0 [sflag:s8], $0x0  }
0x24: {  	s3 =	sadd.s32 $0x88, s3;
	s6 =	simm.s32 @!p1 $0x1082;
	[sflag:s4] =	ssyncset.s32 $0xFFFFF086  }
0x25: {  	[simem:s6], [sflag:s4] =	dma.local [hbm:s3], $0xF7A  }
0x26: {  	[smem:$0x3F92] =	sst s1;
	(tag) =	ssettag s2;
	_ =	strace s9  }
0x27: {  	s1 =	sld [smem:$0x3FA2]  }
0x28: {  	s2 =	sld [smem:$0x3FA3]  }
0x29: {  	s4 =	sld [smem:$0x3FA5]  }
0x2a: {  	p0 =	seq.s32 s5, $0x0;
	s5 =	sld [smem:$0x3FA6]  }
0x2b: {  	s6 =	sld [smem:$0x3FA7]  }
0x2c: {  	s7 =	sld [smem:$0x3FA8]  }
0x2d: {  	s3 =	simm.s32 $0x108;
	s8 =	sld [smem:$0x3FA9]  }
0x2e: {  	s3 =	simm.s32 @!p0 $0x1082;
	s9 =	sld [smem:$0x3FAA]  }
0x2f: {  	lr =	sadd.s32 s0, s3;
	s0 =	sld [smem:$0x3FA1]  }
0x30: {  	s3 =	sld [smem:$0x3FA4]  }
0x31: {  	[smem:$0x3FAD] =	sst s10  }
0x32: {  	s10 =	sld [smem:$0x3FAB];
	_ =	sdelay $0x3  }
0x33: {  	p0 =	seq.s32 s10, $0x1;
	s10 =	sld [smem:$0x3FAD];
	_ =	sdelay $0x3  }
0x34: {  	[smem:$0x3FAD] =	sst s10  }
0x35: {  	s10 =	sld [smem:$0x3FAC];
	_ =	sdelay $0x3  }
0x36: {  	p1 =	seq.s32 s10, $0x1;
	s10 =	sld [smem:$0x3FAD];
	_ =	sdelay $0x3  }
0x37: {  	[smem:$0x3FAD] =	sst s10  }
0x38: {  	s10 =	sld [smem:$0x3FAE]  }
0x39: {  	_ = 	snop;
	(pc) =	sbr.ind lr, $3  }
0x3a: {  	_ = 	snop  }
0x3b: {  	_ = 	snop  }
0x3c: {  	p2 =	seq.s32 s10, $0x1;
	s10 =	sld [smem:$0x3FAD]  }
0x3d: {  	_ =	shalt  }
0x3e: {  	_ =	shalt  }
0x3f: {  	_ =	shalt  }
0x40: {  	_ =	shalt  }
0x41: {  	_ =	shalt  }
0x42: {  	_ =	shalt  }
0x43: {  	_ =	shalt  }
0x44: {  	_ =	shalt  }
0x45: {  	_ =	shalt  }
0x46: {  	_ =	shalt  }
0x47: {  	_ =	shalt  }
0x48: {  	_ =	shalt  }
0x49: {  	_ =	shalt  }
0x4a: {  	_ =	shalt  }
0x4b: {  	_ =	shalt  }
0x4c: {  	_ =	shalt  }
0x4d: {  	_ =	shalt  }
0x4e: {  	_ =	shalt  }
0x4f: {  	_ =	shalt  }
0x50: {  	_ =	shalt  }
0x51: {  	_ =	shalt  }
0x52: {  	_ =	shalt  }
0x53: {  	_ =	shalt  }
0x54: {  	_ =	shalt  }
0x55: {  	_ =	shalt  }
0x56: {  	_ =	shalt  }
0x57: {  	_ =	shalt  }
0x58: {  	_ =	shalt  }
0x59: {  	_ =	shalt  }
0x5a: {  	_ =	shalt  }
0x5b: {  	_ =	shalt  }
0x5c: {  	_ =	shalt  }
0x5d: {  	_ =	shalt  }
0x5e: {  	_ =	shalt  }
0x5f: {  	_ =	shalt  }
0x60: {  	_ =	shalt  }
0x61: {  	_ =	shalt  }
0x62: {  	_ =	shalt  }
0x63: {  	_ =	shalt  }
0x64: {  	_ =	shalt  }
0x65: {  	_ =	shalt  }
0x66: {  	_ =	shalt  }
0x67: {  	_ =	shalt  }
0x68: {  	_ =	shalt  }
0x69: {  	_ =	shalt  }
0x6a: {  	_ =	shalt  }
0x6b: {  	_ =	shalt  }
0x6c: {  	_ =	shalt  }
0x6d: {  	_ =	shalt  }
0x6e: {  	_ =	shalt  }
0x6f: {  	_ =	shalt  }
0x70: {  	_ =	shalt  }
0x71: {  	_ =	shalt  }
0x72: {  	_ =	shalt  }
0x73: {  	_ =	shalt  }
0x74: {  	_ =	shalt  }
0x75: {  	_ =	shalt  }
0x76: {  	_ =	shalt  }
0x77: {  	_ =	shalt  }
0x78: {  	_ =	shalt  }
0x79: {  	_ =	shalt  }
0x7a: {  	_ =	shalt  }
0x7b: {  	_ =	shalt  }
0x7c: {  	_ =	shalt  }
0x7d: {  	_ =	shalt  }
0x7e: {  	_ =	shalt  }
0x7f: {  	_ =	shalt  }
0x80: {  	_ =	shalt  }
0x81: {  	_ =	shalt  }
0x82: {  	_ =	shalt  }
0x83: {  	_ =	shalt  }
0x84: {  	_ =	shalt  }
0x85: {  	_ =	shalt  }
0x86: {  	_ =	shalt  }
0x87: {  	_ =	shalt  }
.Lfunc_end0:
.L_simem_size_0:
called_computation.1_lowered:
.L_overlay_start_0:
0x88: {  	s2 =	sld [smem:$0x3FD9]  }
0x89: {  	s3 =	sld [smem:$0x3FFE];
	_ =	sdelay $0x1  }
0x8a: {  	s1 =	srdreg.scid  }
0x8b: {  	s0 =	sand.u32 $0x1, s1  }
0x8c: {  	s14 =	sshll.u32 s0, $0xA;
	s2 =	sadd.s32 s3, s2  }
0x8d: {  	s2 =	sadd.s32 s2, s14  }
0x8e: {  	[smem:$0x3FB9] =	sst s2  }
0x8f: {  	_ = 	snop  }
0x90: {  	s2 =	sld [smem:$0x3FD0];
	_ =	sdelay $0x2  }
0x91: {  	s15 =	simm.s32 $0xA;
	s4 =	simm.s32 $0x10  }
0x92: {  	[smem:s4], [sflag:s15] =	dma.local [hbm:s2], $0x1  }
0x93: {  	_ =	swait.eq [sflag:s15], $0x1  }
0x94: {  	[sflag:s15] =	ssyncset.done $0x0  }
0x95: {  	[sflag:s15] =	ssyncadd.s32 $0xFFFFFFFF  }
0x96: {  	s16 =	sld [smem:$0x11];
	(tm) =	ssettm $0x1  }
0x97: {  	s17 =	sld [smem:$0x3FFB];
	_ =	sdelay $0x3  }
0x98: {  	_ =	strace s17  }
0x99: {  	s3 =	sld [smem:$0x3FFC];
	_ =	sdelay $0x3  }
0x9a: {  	_ =	strace s3  }
0x9b: {  	s3 =	sld [smem:$0x3FFD];
	_ =	sdelay $0x3  }
0x9c: {  	_ =	strace s3  }
0x9d: {  	_ =	strace $0x8FFFFFFF  }
0x9e: {  	s18 =	sld [smem:$0x3FDB];
	_ =	sdelay $0x1  }
0x9f: {  	s19 =	simm.s32 $_scs_section_size  }
0xa0: {  	s5 =	simm.s32 $_size__tile_overlayer_lowered;
	s6 =	simm.s32 $_tile_overlayer_lowered  }
0xa1: {  	s22 =	simm.s32 $0x1BFF;
	s21 =	sshll.u32 s6, $0x1;
	s3 =	sadd.s32 s19, s18  }
0xa2: {  	s7 =	simm.s32 $0x0;
	s20 =	sshll.u32 s5, $0x1;
	s5 =	sadd.s32 s21, s3  }
0xa3: {  	[timem:s7], [sflag:s22] =	dma.local [hbm:s5], s20  }
0xa4: {  	_ =	swait.ge [sflag:s22], s20  }
0xa5: {  	s4 =	ssub.s32 $0x0, s20;
	[sflag:s22] =	ssyncset.done $0x0  }
0xa6: {  	[sflag:s22] =	ssyncadd.s32 s4;
	_ =	sdelay $0x1  }
0xa7: {  	s23 =	simm.s32 $0x1B8B  }
0xa8: {  	_ =	swait.ge [sflag:s23], $0x1  }
0xa9: {  	[sflag:s23] =	ssyncset.done $0x0  }
0xaa: {  	s25 =	simm.s32 $0x1B8E;
	s24 =	sld [smem:$0x3FFE];
	[sflag:s23] =	ssyncadd.s32 $0xFFFFFFFF  }
0xab: {  	s26 =	simm.s32 $execute0_lowered;
	[smem:$0x3FD2] =	sst s25  }
0xac: {  	s5 =	sshll.u32 s26, $0x1;
	_ =	strace $0x80000049;
	[dreg:$0x1] =	wrdreg $0xFFFFFFFF  }
0xad: {  	s28 =	simm.s32 $_size_execute0_lowered;
	s3 =	sadd.s32 s3, s5;
	[dreg:$0x0] =	wrdreg $0x0  }
0xae: {  	s5 =	sshll.u32 s28, $0x1;
	[dreg:$0x2] =	wrdreg s3  }
0xaf: {  	[dreg:$0x3] =	wrdreg s5  }
0xb0: {  	[dreg:$0x4] =	wrdreg $0xC0  }
0xb1: {  	_ =	task [dreg:s7], $0x5FFFF  }
0xb2: {  	[dreg:$0x1] =	wrdreg $0xFFFFFFFF  }
0xb3: {  	[dreg:$0x0] =	wrdreg $0x60  }
0xb4: {  	[dreg:$0x2] =	wrdreg s16  }
0xb5: {  	[dreg:$0x3] =	wrdreg s24  }
0xb6: {  	[dreg:$0x4] =	wrdreg $0xB4000  }
0xb7: {  	[dreg:$0x5] =	wrdreg $0x9  }
0xb8: {  	_ =	task.clear_ibuf [dreg:s7], $0x6FFFF;
	_ =	strace $0x90000049  }
0xb9: {  	s29 =	simm.s32 $0x9;
	_ =	strace $0x8000004B  }
0xba: {  	_ =	swait.ge [sflag:s29], $0x1  }
0xbb: {  	[sflag:s29] =	ssyncadd.s32 $0xFFFFFFFF  }
0xbc: {  	_ =	strace $0x9000004B  }
0xbd: {  	_ =	sfence  }
0xbe: {  	s30 =	sld [smem:$0x0];
	_ =	sdelay $0x2  }
0xbf: {  	s31 =	sshll.u32 s1, $0xD;
	s1 =	sshrl.u32 s1, $0x2  }
0xc0: {  	s3 =	sand.u32 $0x4000, s31;
	s1 =	sadd.s32 s1, s30  }
0xc1: {  	s0 =	sor.u32 s3, s0;
	s1 =	sshll.u32 s1, $0x11  }
0xc2: {  	s0 =	sor.u32 s1, s0  }
0xc3: {  	s0 =	sadd.s32 $0x8F2B, s0  }
0xc4: {  	[sflag:s0] =	ssyncadd.remote.s32 $0x1  }
0xc5: {  	_ =	sfence.sel $0xFFFF  }
0xc6: {  	[dreg:$0x0] =	wrdreg $0xFFFFFFFF;
	(pc) =	sbr.abs _section_cstart, $3  }
0xc7: {  	[dreg:$0x1] =	wrdreg $0xFFFFFFFF  }
0xc8: {  	_ =	task.clear_ibuf [dreg:s7], $0x2FFFF;
	_ =	strace $0x9FFFFFFF  }
0xc9: {  	(tm) =	ssettm $0x7FFFFFFF  }
tec
execute0_lowered:
.L_overlay_start_1:
0x0: {  	(tag) =	ssettag $0x1  }
0x1: {  	s0 =	rddreg [dreg:$0x0]  }
0x2: {  	s2 =	rddreg [dreg:$0x1]  }
0x3: {  	s1 =	srdreg.scid;
	s3 =	rddreg [dreg:$0x2]  }
0x4: {  	s15 =	stileid.u32;
	s4 =	simm.s32 $0x0;
	s23 =	simm.s32 $0x3  }
0x5: {  	s24 =	simm.s32 $0xA800;
	s1 =	sand.u32 $0x1, s1;
	s11 =	smul.u32 $0x270, s15  }
0x6: {  	[smem:$0x7FF] =	sst s4;
	s10 =	sadd.s32 $0xADA00, s2;
	s13 =	smul.u32 $0x4E000, s15  }
0x7: {  	s5 =	sshll.u32 s1, $0x4;
	_ =	strace $0x8000004A;
	s14 =	smul.u32 $0x9C40, s1  }
0x8: {  	s9 =	ssub.s32 $0x2, s1;
	s1 =	smul.u32 $0x4E2000, s1;
	s6 =	sor.u32 s15, s5  }
0x9: {  	s12 =	sshrl.u32 s9, $0x1;
	s5 =	simm.s32 $0x28;
	s25 =	sshrl.u32 s13, $0x2  }
0xa: {  	s8 =	smul.u32 $0x280, s6;
	p0 =	slt.u32 s6, $0x2;
	s21 =	ssub.s32 s9, s12  }
0xb: {  	s6 =	smul.u32 $0x1400, s6;
	s9 =	sadd.s32 s25, s3;
	s11 =	sadd.s32 s11, s14  }
0xc: {  	s1 =	sshrl.u32 s1, $0x3;
	s25 =	simm.s32 $0x80;
	s5 =	simm.s32 @!p0 $0x27  }
0xd: {  	s11 =	sshll.u32 s11, $0x4;
	s21 =	smax.u32 s21, $0x1;
	p0 =	sne.s32 s15, $0xF  }
0xe: {  	s7 =	sadd.s32 s8, s2;
	s2 =	sadd.s32 $0xC1A00, s2;
	s8 =	sadd.s32 s10, s8  }
0xf: {  	s6 =	sshrl.u32 s6, $0x3;
	s7 =	sadd.s32 $0x2600, s7;
	[dreg:$0x5] =	wrdreg s8  }
0x10: {  	s1 =	sadd.s32 s2, s1;
	s6 =	sadd.s32 s10, s6;
	s10 =	sadd.s32 s2, s11  }
0x11: {  	[dreg:$0x4] =	wrdreg s7;
	s7 =	sadd.s32 $0x138000, s3;
	s26 =	sadd.s32 $0x27000, s1  }
0x12: {  	s28 =	sadd.s32 $0x5000, s6;
	s29 =	sadd.s32 $0x27100, s10;
	[dreg:$0x6] =	wrdreg s26  }
0x13: {  	s30 =	sadd.s32 $0x4E100, s1;
	s31 =	sadd.s32 $0xA000, s6;
	[dreg:$0x7] =	wrdreg s28  }
0x14: {  	s16 =	sadd.s32 $0x4E200, s10;
	s17 =	sadd.s32 $0x75200, s1;
	[dreg:$0x8] =	wrdreg s29  }
0x15: {  	s18 =	sadd.s32 $0xF000, s6;
	s19 =	sadd.s32 $0x75300, s10;
	[dreg:$0x9] =	wrdreg s30  }
0x16: {  	v0 =	vimm.f32 $0.0e+00;
	s20 =	sadd.s32 $0x9C300, s1;
	[dreg:$0xa] =	wrdreg s31;
	s26 =	simm.s32 $0x2800  }
.LBB2_1:
0x17: {  	s1 =	simm.s32 $0x70;
	s2 =	simm.s32 $0x3C0  }
.LBB2_2:
0x18: {  	p1 =	sne.s32 s2, $0x2FC0;
	[tilespmem:s1+$0xA800] =	vst v0  }
0x19: {  	[tilespmem:s1+$0xA790] =	vst v0  }
0x1a: {  	[tilespmem:s1+$0xA7A0] =	vst v0  }
.Ltmp0:
0x1b: {  	[tilespmem:s1+$0xA7B0] =	vst v0;
	(pc) =	sbr.rel @p1 .LBB2_2-.Ltmp0, $4  }
0x1c: {  	[tilespmem:s1+$0xA7C0] =	vst v0  }
0x1d: {  	[tilespmem:s1+$0xA7D0] =	vst v0  }
0x1e: {  	[tilespmem:s1+$0xA7E0] =	vst v0  }
0x1f: {  	[tilespmem:s1+$0xA7F0] =	vst v0;
	s1 =	sshra.s32 s2, $0x2;
	s2 =	sadd.s32 $0x200, s2  }
0x20: {  	[tilespmem:s1+$0xA800] =	vst v0  }
0x21: {  	[tilespmem:s1+$0xA790] =	vst v0  }
0x22: {  	[tilespmem:s1+$0xA7A0] =	vst v0  }
0x23: {  	[tilespmem:s1+$0xA7B0] =	vst v0  }
0x24: {  	[tilespmem:s1+$0xA7C0] =	vst v0  }
0x25: {  	[tilespmem:s1+$0xA7D0] =	vst v0  }
0x26: {  	[tilespmem:s1+$0xA7E0] =	vst v0  }
0x27: {  	[tilespmem:s1+$0xA7F0] =	vst v0;
	s30 =	simm.s32 $0x0;
	s2 =	rddreg [dreg:$0x4];
	s6 =	simm.s32 $0x1400  }
0x28: {  	[tilespmem:s6], [sflag:$0x3] =	stream.linear.gather [hbm4b:s2+s30], $0x1400, $0x38;
	[tilespmem:$0x1EC80] =	vst v63  }
0x29: {  	_ =	swait.ge [sflag:s23], $0x1400  }
0x2a: {  	[sflag:s23] =	ssyncset.done $0x0  }
0x2b: {  	s31 =	sadd.s32 $0x0, s9;
	[sflag:s23] =	ssyncadd.s32 $0xFFFFEC00  }
0x2c: {  	[spmem:s31] =	stream.linear.scatter [tilespmem:s24], [sflag:$0x3], $0xC00, $0x38;
	[tilespmem:$0x1EC80] =	vst v63  }
0x2d: {  	s1 =	simm.s32 $0x3000;
	_ =	swait.ge [sflag:s23], $0xC00  }
.LBB2_4:
0x2e: {  	s2 =	sshra.s32 s1, $0x2;
	[sflag:s23] =	ssyncset.done $0x0;
	p1 =	sne.s32 s1, $0x4B000  }
.Ltmp1:
0x2f: {  	s2 =	sadd.s32 s2, s9;
	[sflag:s23] =	ssyncadd.s32 $0xFFFFF400;
	(pc) =	sbr.rel @p1 .LBB2_4-.Ltmp1, $3  }
0x30: {  	[spmem:s2] =	stream.linear.scatter [tilespmem:s24], [sflag:$0x3], $0xC00, $0x38;
	[tilespmem:$0x1EC80] =	vst v63  }
0x31: {  	s1 =	sadd.s32 $0x3000, s1;
	_ =	sdelay $0x1  }
0x32: {  	_ =	swait.ge [sflag:s23], $0xC00  }
0x33: {  	[sflag:s23] =	ssyncset.done $0x0  }
0x34: {  	s1 =	simm.s32 @!p0 $0xA800;
	[sflag:s23] =	ssyncadd.s32 $0xFFFFF400  }
0x35: {  	[spmem:s7] =	stream.linear.scatter @!p0 [tilespmem:s1], [sflag:$0x3], $0x800, $0x38;
	[tilespmem:$0x1EC80] =	vst v63  }
0x36: {  	s1 =	simm.s32 @!p0 $0x3  }
0x37: {  	_ =	swait.ge @!p0 [sflag:s1], $0x800  }
0x38: {  	[sflag:s1] =	ssyncset.done @!p0 $0x0  }
0x39: {  	s31 =	simm.s32 $0x0;
	s2 =	rddreg [dreg:$0x5];
	[sflag:s1] =	ssyncadd.s32 @!p0 $0xFFFFF800  }
0x3a: {  	[tilespmem:s31], [sflag:$0x3] =	stream.linear.gather [hbm4b:s2+s31], $0x1400, $0x38;
	[tilespmem:$0x1EC80] =	vst v63  }
0x3b: {  	_ =	swait.ge [sflag:s23], $0x1400  }
0x3c: {  	[sflag:s23] =	ssyncset.done $0x0  }
0x3d: {  	p1 =	sle.u32 s5, $0x1;
	[sflag:s23] =	ssyncadd.s32 $0xFFFFEC00  }
0x3e: {  	s1 =	simm.s32 @p1 $0x1;
	[bflag:$0x0] =	sbarrier.arrive $0xFFFF  }
0x3f: {  	[tilespmem:s26], [sflag:$0x1] =	stream.indirect.gather [hbm4b:s0+s25], $0x80, s31, s25, $0xb8;
	[tilespmem:$0x1EC80] =	vst v63  }
0x40: {  	_ =	swait.ge @p1 [sflag:s1], $0x4000  }
0x41: {  	s6 =	simm.s32 @!p1 $0x80;
	s22 =	simm.s32 @p1 $0x2800;
	[sflag:s1] =	ssyncset.done @p1 $0x0  }
0x42: {  	s2 =	simm.s32 @p1 $0x1400;
	[sflag:s1] =	ssyncadd.s32 @p1 $0xFFFFC000;
	s1 =	simm.s32 @p1 $0x80  }
0x43: {  	[spmem:s3] =	stream.indirect.scatter.add.f32 @p1 [tilespmem:s22], [sflag:$0x4], $0x80, s2, s1, $0xb8;
	[tilespmem:$0x1EC80] =	vst v63  }
0x44: {  	s1 =	simm.s32 @!p1 $0x80;
	s2 =	simm.s32 @!p1 $0x6800;
	s22 =	simm.s32 @!p1 $0x1  }
0x45: {  	[tilespmem:s2], [sflag:$0x2] =	stream.indirect.gather @!p1 [hbm4b:s0+s1], $0x80, s6, s1, $0xb8;
	[tilespmem:$0x1EC80] =	vst v63  }
0x46: {  	_ =	swait.ge @!p1 [sflag:s22], $0x4000  }
0x47: {  	s28 =	simm.s32 @!p1 $0x4;
	[sflag:s22] =	ssyncset.done @!p1 $0x0  }
0x48: {  	s6 =	simm.s32 @!p1 $0x1400;
	[sflag:s22] =	ssyncadd.s32 @!p1 $0xFFFFC000;
	s22 =	simm.s32 @!p1 $0x2800  }
0x49: {  	[spmem:s3] =	stream.indirect.scatter.add.f32 @!p1 [tilespmem:s22], [sflag:$0x4], $0x80, s6, s1, $0xb8;
	[tilespmem:$0x1EC80] =	vst v63  }
0x4a: {  	_ =	swait.ge @!p1 [sflag:s28], $0x4000  }
0x4b: {  	[sflag:s28] =	ssyncset.done @!p1 $0x0  }
0x4c: {  	p2 =	sle.u32 @!p1 s5, $0x2;
	s6 =	simm.s32 @!p1 $0x2;
	[sflag:s28] =	ssyncadd.s32 @!p1 $0xFFFFC000  }
0x4d: {  	p2 =	por p2, p1;
	_ =	swait.ge @!p1 [sflag:s6], $0x4000  }
0x4e: {  	s29 =	simm.s32 @!p2 $0x2800;
	s22 =	simm.s32 @!p1 $0x3;
	[sflag:s6] =	ssyncset.done @!p1 $0x0  }
0x4f: {  	s28 =	simm.s32 @!p2 $0x100;
	[sflag:s6] =	ssyncadd.s32 @!p1 $0xFFFFC000;
	s6 =	simm.s32 @!p2 $0x80  }
0x50: {  	[tilespmem:s29], [sflag:$0x1] =	stream.indirect.gather @!p2 [hbm4b:s0+s6], $0x80, s28, s6, $0xb8;
	[tilespmem:$0x1EC80] =	vst v63  }
0x51: {  	s22 =	simm.s32 @p1 $0x4;
	s6 =	simm.s32 @!p1 $0x1480  }
0x52: {  	[spmem:s3] =	stream.indirect.scatter.add.f32 @!p1 [tilespmem:s2], [sflag:$0x3], $0x80, s6, s1, $0xb8;
	[tilespmem:$0x1EC80] =	vst v63  }
0x53: {  	s29 =	simm.s32 $0x400;
	s28 =	simm.s32 $0x4;
	_ =	swait.ge [sflag:s22], $0x4000  }
0x54: {  	s1 =	simm.s32 $0x800;
	s2 =	simm.s32 $0x3;
	[sflag:s22] =	ssyncset.done $0x0  }
.LBB2_6:
0x55: {  	p1 =	sge.u32 s2, s5  }
0x56: {  	[sflag:s22] =	ssyncadd.s32 $0xFFFFC000;
	s2 =	smov.u32 s1;
	s1 =	sadd.s32 $0x400, s1  }
0x57: {  	s6 =	simm.s32 @p1 $0x1;
	s22 =	sshra.s32 @p1 s29, $0x2;
	s30 =	sshra.s32 @!p1 s29, $0x2  }
0x58: {  	_ =	swait.ge @p1 [sflag:s6], $0x4000;
	s22 =	sadd.s32 @p1 $0x1400, s22;
	s31 =	sadd.s32 @!p1 $0x80, s30  }
0x59: {  	p2 =	sge.u32 @!p1 s28, s5;
	s8 =	sadd.s32 @!p1 $0x1400, s30;
	[sflag:s6] =	ssyncset.done @p1 $0x0  }
0x5a: {  	s11 =	simm.s32 @p1 $0x2800;
	[sflag:s6] =	ssyncadd.s32 @p1 $0xFFFFC000;
	s6 =	simm.s32 @p1 $0x80  }
0x5b: {  	[spmem:s3] =	stream.indirect.scatter.add.f32 @p1 [tilespmem:s11], [sflag:$0x4], $0x80, s22, s6, $0xb8;
	[tilespmem:$0x1EC80] =	vst v63  }
0x5c: {  	s12 =	simm.s32 @!p1 $0x1;
	s6 =	simm.s32 @!p1 $0x80;
	s11 =	simm.s32 @!p1 $0x6800  }
0x5d: {  	[tilespmem:s11], [sflag:$0x2] =	stream.indirect.gather @!p1 [hbm4b:s0+s6], $0x80, s31, s6, $0xb8;
	[tilespmem:$0x1EC80] =	vst v63  }
0x5e: {  	p2 =	por p2, p1;
	s30 =	sadd.s32 @!p1 $0x1480, s30;
	_ =	swait.ge @!p1 [sflag:s12], $0x4000  }
0x5f: {  	s29 =	sshra.s32 @!p2 s29, $0x2;
	s22 =	simm.s32 @!p1 $0x3;
	[sflag:s12] =	ssyncset.done @!p1 $0x0  }
0x60: {  	s31 =	simm.s32 @!p1 $0x4;
	[sflag:s12] =	ssyncadd.s32 @!p1 $0xFFFFC000;
	s12 =	simm.s32 @!p1 $0x2800  }
0x61: {  	[spmem:s3] =	stream.indirect.scatter.add.f32 @!p1 [tilespmem:s12], [sflag:$0x4], $0x80, s8, s6, $0xb8;
	[tilespmem:$0x1EC80] =	vst v63  }
0x62: {  	p3 =	sne.s32 s1, $0x5000;
	s8 =	sadd.s32 @!p2 $0x100, s29;
	_ =	swait.ge @!p1 [sflag:s31], $0x4000  }
0x63: {  	s29 =	smov.u32 s2;
	[sflag:s31] =	ssyncset.done @!p1 $0x0  }
0x64: {  	s2 =	simm.s32 @!p1 $0x2;
	[sflag:s31] =	ssyncadd.s32 @!p1 $0xFFFFC000  }
0x65: {  	_ =	swait.ge @!p1 [sflag:s2], $0x4000  }
0x66: {  	[sflag:s2] =	ssyncset.done @!p1 $0x0  }
0x67: {  	s12 =	simm.s32 @!p2 $0x2800;
	[sflag:s2] =	ssyncadd.s32 @!p1 $0xFFFFC000;
	s2 =	simm.s32 @!p2 $0x80  }
0x68: {  	[tilespmem:s12], [sflag:$0x1] =	stream.indirect.gather @!p2 [hbm4b:s0+s2], $0x80, s8, s2, $0xb8;
	[tilespmem:$0x1EC80] =	vst v63  }
.Ltmp2:
0x69: {  	_ = 	snop;
	(pc) =	sbr.rel @p3 .LBB2_6-.Ltmp2, $4  }
0x6a: {  	s22 =	simm.s32 @p1 $0x4  }
0x6b: {  	[spmem:s3] =	stream.indirect.scatter.add.f32 @!p1 [tilespmem:s11], [sflag:$0x3], $0x80, s30, s6, $0xb8;
	[tilespmem:$0x1EC80] =	vst v63  }
0x6c: {  	s28 =	sadd.s32 $0x2, s28;
	_ =	swait.ge [sflag:s22], $0x4000  }
0x6d: {  	s2 =	sadd.s32 $0xFFFFFFFF, s28;
	[sflag:s22] =	ssyncset.done $0x0  }
0x6e: {  	p1 =	sge.u32 s2, s5  }
0x6f: {  	[sflag:s22] =	ssyncadd.s32 $0xFFFFC000;
	s1 =	simm.s32 @p1 $0x1  }
0x70: {  	s2 =	sshra.s32 @p1 s29, $0x2;
	s6 =	sshra.s32 @!p1 s29, $0x2;
	_ =	swait.ge @p1 [sflag:s1], $0x4000  }
0x71: {  	s11 =	simm.s32 @p1 $0x2800;
	s2 =	sadd.s32 @p1 $0x1400, s2;
	[sflag:s1] =	ssyncset.done @p1 $0x0  }
0x72: {  	s8 =	sadd.s32 @!p1 $0x80, s6;
	[sflag:s1] =	ssyncadd.s32 @p1 $0xFFFFC000;
	s1 =	simm.s32 @p1 $0x80  }
0x73: {  	[spmem:s3] =	stream.indirect.scatter.add.f32 @p1 [tilespmem:s11], [sflag:$0x4], $0x80, s2, s1, $0xb8;
	[tilespmem:$0x1EC80] =	vst v63  }
0x74: {  	s1 =	simm.s32 @!p1 $0x80;
	s2 =	simm.s32 @!p1 $0x6800;
	s11 =	simm.s32 @!p1 $0x1  }
0x75: {  	[tilespmem:s2], [sflag:$0x2] =	stream.indirect.gather @!p1 [hbm4b:s0+s1], $0x80, s8, s1, $0xb8;
	[tilespmem:$0x1EC80] =	vst v63  }
0x76: {  	_ =	swait.ge @!p1 [sflag:s11], $0x4000  }
0x77: {  	s12 =	simm.s32 @!p1 $0x4;
	[sflag:s11] =	ssyncset.done @!p1 $0x0  }
0x78: {  	s8 =	sadd.s32 @!p1 $0x1400, s6;
	[sflag:s11] =	ssyncadd.s32 @!p1 $0xFFFFC000;
	s11 =	simm.s32 @!p1 $0x2800  }
0x79: {  	[spmem:s3] =	stream.indirect.scatter.add.f32 @!p1 [tilespmem:s11], [sflag:$0x4], $0x80, s8, s1, $0xb8;
	[tilespmem:$0x1EC80] =	vst v63  }
0x7a: {  	_ =	swait.ge @!p1 [sflag:s12], $0x4000  }
0x7b: {  	p2 =	sge.u32 @!p1 s28, s5;
	[sflag:s12] =	ssyncset.done @!p1 $0x0  }
0x7c: {  	p2 =	por p2, p1;
	s8 =	simm.s32 @!p1 $0x2;
	[sflag:s12] =	ssyncadd.s32 @!p1 $0xFFFFC000  }
0x7d: {  	s11 =	sshra.s32 @!p2 s29, $0x2;
	_ =	swait.ge @!p1 [sflag:s8], $0x4000  }
0x7e: {  	s22 =	simm.s32 @!p2 $0x2800;
	s11 =	sadd.s32 @!p2 $0x100, s11;
	[sflag:s8] =	ssyncset.done @!p1 $0x0  }
0x7f: {  	s12 =	simm.s32 @!p1 $0x3;
	[sflag:s8] =	ssyncadd.s32 @!p1 $0xFFFFC000;
	s8 =	simm.s32 @!p2 $0x80  }
0x80: {  	[tilespmem:s22], [sflag:$0x1] =	stream.indirect.gather @!p2 [hbm4b:s0+s8], $0x80, s11, s8, $0xb8;
	[tilespmem:$0x1EC80] =	vst v63  }
0x81: {  	s6 =	sadd.s32 @!p1 $0x1480, s6;
	s12 =	simm.s32 @p1 $0x4  }
0x82: {  	[spmem:s3] =	stream.indirect.scatter.add.f32 @!p1 [tilespmem:s2], [sflag:$0x3], $0x80, s6, s1, $0xb8;
	[tilespmem:$0x1EC80] =	vst v63  }
0x83: {  	_ =	swait.ge [sflag:s12], $0x4000  }
0x84: {  	s22 =	stileid.u32;
	[sflag:s12] =	ssyncset.done $0x0  }
0x85: {  	s1 =	sshll.u32 s22, $0x6;
	[sflag:s12] =	ssyncadd.s32 $0xFFFFC000  }
0x86: {  	s29 =	sshrl.u32 s9, $0x3;
	s28 =	sor.u32 $0x1C03, s1;
	[bflag:$0x0] =	sbarrier.arrive $0xFFFF  }
0x87: {  	[hbm:s10], [sflag:s28] =	dma.local [spmem:s29], $0x2700  }
0x88: {  	_ =	swait.ge [sflag:s23], $0x2700  }
0x89: {  	[sflag:s23] =	ssyncset.done $0x0  }
0x8a: {  	s30 =	sshrl.u32 @!p0 s7, $0x3;
	s1 =	rddreg [dreg:$0x6];
	[sflag:s23] =	ssyncadd.s32 $0xFFFFD900  }
0x8b: {  	[hbm:s1], [sflag:s28] =	dma.local @!p0 [spmem:s30], $0x100  }
0x8c: {  	s1 =	simm.s32 @!p0 $0x3  }
0x8d: {  	_ =	swait.ge @!p0 [sflag:s1], $0x100  }
0x8e: {  	[sflag:s1] =	ssyncset.done @!p0 $0x0  }
0x8f: {  	[sflag:s1] =	ssyncadd.s32 @!p0 $0xFFFFFF00  }
0x90: {  	s31 =	sadd.s32 $0x0, s9;
	[bflag:$0x0] =	sbarrier.arrive $0xFFFF  }
0x91: {  	[spmem:s31] =	stream.linear.scatter [tilespmem:s24], [sflag:$0x3], $0xC00, $0x38;
	[tilespmem:$0x1EC80] =	vst v63  }
0x92: {  	s1 =	simm.s32 $0x3000;
	_ =	swait.ge [sflag:s23], $0xC00  }
.LBB2_8:
0x93: {  	s2 =	sshra.s32 s1, $0x2;
	[sflag:s23] =	ssyncset.done $0x0;
	p1 =	sne.s32 s1, $0x4B000  }
.Ltmp3:
0x94: {  	s2 =	sadd.s32 s2, s9;
	[sflag:s23] =	ssyncadd.s32 $0xFFFFF400;
	(pc) =	sbr.rel @p1 .LBB2_8-.Ltmp3, $3  }
0x95: {  	[spmem:s2] =	stream.linear.scatter [tilespmem:s24], [sflag:$0x3], $0xC00, $0x38;
	[tilespmem:$0x1EC80] =	vst v63  }
0x96: {  	s1 =	sadd.s32 $0x3000, s1;
	_ =	sdelay $0x1  }
0x97: {  	_ =	swait.ge [sflag:s23], $0xC00  }
0x98: {  	[sflag:s23] =	ssyncset.done $0x0  }
0x99: {  	s1 =	simm.s32 @!p0 $0xA800;
	[sflag:s23] =	ssyncadd.s32 $0xFFFFF400  }
0x9a: {  	[spmem:s7] =	stream.linear.scatter @!p0 [tilespmem:s1], [sflag:$0x3], $0x800, $0x38;
	[tilespmem:$0x1EC80] =	vst v63  }
0x9b: {  	s1 =	simm.s32 @!p0 $0x3  }
0x9c: {  	_ =	swait.ge @!p0 [sflag:s1], $0x800  }
0x9d: {  	[sflag:s1] =	ssyncset.done @!p0 $0x0  }
0x9e: {  	s22 =	simm.s32 $0x0;
	s2 =	rddreg [dreg:$0x7];
	[sflag:s1] =	ssyncadd.s32 @!p0 $0xFFFFF800  }
0x9f: {  	[tilespmem:s22], [sflag:$0x3] =	stream.linear.gather [hbm4b:s2+s22], $0x1400, $0x38;
	[tilespmem:$0x1EC80] =	vst v63  }
0xa0: {  	_ =	swait.ge [sflag:s23], $0x1400  }
0xa1: {  	[sflag:s23] =	ssyncset.done $0x0  }
0xa2: {  	p1 =	sle.u32 s5, $0x1;
	[sflag:s23] =	ssyncadd.s32 $0xFFFFEC00  }
0xa3: {  	s1 =	simm.s32 @p1 $0x1;
	[bflag:$0x0] =	sbarrier.arrive $0xFFFF  }
0xa4: {  	[tilespmem:s26], [sflag:$0x1] =	stream.indirect.gather [hbm4b:s0+s25], $0x80, s22, s25, $0xb8;
	[tilespmem:$0x1EC80] =	vst v63  }
0xa5: {  	_ =	swait.ge @p1 [sflag:s1], $0x4000  }
0xa6: {  	s6 =	simm.s32 @!p1 $0x80;
	s8 =	simm.s32 @p1 $0x2800;
	[sflag:s1] =	ssyncset.done @p1 $0x0  }
0xa7: {  	s2 =	simm.s32 @p1 $0x1400;
	[sflag:s1] =	ssyncadd.s32 @p1 $0xFFFFC000;
	s1 =	simm.s32 @p1 $0x80  }
0xa8: {  	[spmem:s3] =	stream.indirect.scatter.add.f32 @p1 [tilespmem:s8], [sflag:$0x4], $0x80, s2, s1, $0xb8;
	[tilespmem:$0x1EC80] =	vst v63  }
0xa9: {  	s1 =	simm.s32 @!p1 $0x80;
	s8 =	simm.s32 @!p1 $0x6800;
	s2 =	simm.s32 @!p1 $0x1  }
0xaa: {  	[tilespmem:s8], [sflag:$0x2] =	stream.indirect.gather @!p1 [hbm4b:s0+s1], $0x80, s6, s1, $0xb8;
	[tilespmem:$0x1EC80] =	vst v63  }
0xab: {  	_ =	swait.ge @!p1 [sflag:s2], $0x4000  }
0xac: {  	s11 =	simm.s32 @!p1 $0x4;
	[sflag:s2] =	ssyncset.done @!p1 $0x0  }
0xad: {  	s6 =	simm.s32 @!p1 $0x1400;
	[sflag:s2] =	ssyncadd.s32 @!p1 $0xFFFFC000;
	s2 =	simm.s32 @!p1 $0x2800  }
0xae: {  	[spmem:s3] =	stream.indirect.scatter.add.f32 @!p1 [tilespmem:s2], [sflag:$0x4], $0x80, s6, s1, $0xb8;
	[tilespmem:$0x1EC80] =	vst v63  }
0xaf: {  	_ =	swait.ge @!p1 [sflag:s11], $0x4000  }
0xb0: {  	[sflag:s11] =	ssyncset.done @!p1 $0x0  }
0xb1: {  	p2 =	sle.u32 @!p1 s5, $0x2;
	s6 =	simm.s32 @!p1 $0x2;
	[sflag:s11] =	ssyncadd.s32 @!p1 $0xFFFFC000  }
0xb2: {  	p2 =	por p2, p1;
	_ =	swait.ge @!p1 [sflag:s6], $0x4000  }
0xb3: {  	s12 =	simm.s32 @!p2 $0x2800;
	s2 =	simm.s32 @!p1 $0x3;
	[sflag:s6] =	ssyncset.done @!p1 $0x0  }
0xb4: {  	s11 =	simm.s32 @!p2 $0x100;
	[sflag:s6] =	ssyncadd.s32 @!p1 $0xFFFFC000;
	s6 =	simm.s32 @!p2 $0x80  }
0xb5: {  	[tilespmem:s12], [sflag:$0x1] =	stream.indirect.gather @!p2 [hbm4b:s0+s6], $0x80, s11, s6, $0xb8;
	[tilespmem:$0x1EC80] =	vst v63  }
0xb6: {  	s2 =	simm.s32 @p1 $0x4;
	s6 =	simm.s32 @!p1 $0x1480  }
0xb7: {  	[spmem:s3] =	stream.indirect.scatter.add.f32 @!p1 [tilespmem:s8], [sflag:$0x3], $0x80, s6, s1, $0xb8;
	[tilespmem:$0x1EC80] =	vst v63  }
0xb8: {  	s31 =	simm.s32 $0x4;
	s22 =	simm.s32 $0x800;
	_ =	swait.ge [sflag:s2], $0x4000  }
0xb9: {  	s1 =	simm.s32 $0x400;
	s6 =	simm.s32 $0x3;
	[sflag:s2] =	ssyncset.done $0x0  }
.LBB2_10:
0xba: {  	p1 =	sge.u32 s6, s5  }
0xbb: {  	[sflag:s2] =	ssyncadd.s32 $0xFFFFC000;
	s6 =	smov.u32 s22;
	s22 =	sadd.s32 $0x400, s22  }
0xbc: {  	s2 =	simm.s32 @p1 $0x1;
	s8 =	sshra.s32 @p1 s1, $0x2;
	s11 =	sshra.s32 @!p1 s1, $0x2  }
0xbd: {  	_ =	swait.ge @p1 [sflag:s2], $0x4000;
	s8 =	sadd.s32 @p1 $0x1400, s8;
	s12 =	sadd.s32 @!p1 $0x80, s11  }
0xbe: {  	p2 =	sge.u32 @!p1 s31, s5;
	s13 =	sadd.s32 @!p1 $0x1400, s11;
	[sflag:s2] =	ssyncset.done @p1 $0x0  }
0xbf: {  	s14 =	simm.s32 @p1 $0x2800;
	[sflag:s2] =	ssyncadd.s32 @p1 $0xFFFFC000;
	s2 =	simm.s32 @p1 $0x80  }
0xc0: {  	[spmem:s3] =	stream.indirect.scatter.add.f32 @p1 [tilespmem:s14], [sflag:$0x4], $0x80, s8, s2, $0xb8;
	[tilespmem:$0x1EC80] =	vst v63  }
0xc1: {  	s15 =	simm.s32 @!p1 $0x1;
	s8 =	simm.s32 @!p1 $0x80;
	s14 =	simm.s32 @!p1 $0x6800  }
0xc2: {  	[tilespmem:s14], [sflag:$0x2] =	stream.indirect.gather @!p1 [hbm4b:s0+s8], $0x80, s12, s8, $0xb8;
	[tilespmem:$0x1EC80] =	vst v63  }
0xc3: {  	p2 =	por p2, p1;
	s11 =	sadd.s32 @!p1 $0x1480, s11;
	_ =	swait.ge @!p1 [sflag:s15], $0x4000  }
0xc4: {  	s1 =	sshra.s32 @!p2 s1, $0x2;
	s2 =	simm.s32 @!p1 $0x3;
	[sflag:s15] =	ssyncset.done @!p1 $0x0  }
0xc5: {  	s12 =	simm.s32 @!p1 $0x2800;
	[sflag:s15] =	ssyncadd.s32 @!p1 $0xFFFFC000;
	s15 =	simm.s32 @!p1 $0x4  }
0xc6: {  	[spmem:s3] =	stream.indirect.scatter.add.f32 @!p1 [tilespmem:s12], [sflag:$0x4], $0x80, s13, s8, $0xb8;
	[tilespmem:$0x1EC80] =	vst v63  }
0xc7: {  	p3 =	sne.s32 s22, $0x5000;
	s12 =	sadd.s32 @!p2 $0x100, s1;
	_ =	swait.ge @!p1 [sflag:s15], $0x4000  }
0xc8: {  	s1 =	smov.u32 s6;
	[sflag:s15] =	ssyncset.done @!p1 $0x0  }
0xc9: {  	s6 =	simm.s32 @!p1 $0x2;
	[sflag:s15] =	ssyncadd.s32 @!p1 $0xFFFFC000  }
0xca: {  	_ =	swait.ge @!p1 [sflag:s6], $0x4000  }
0xcb: {  	[sflag:s6] =	ssyncset.done @!p1 $0x0  }
0xcc: {  	s13 =	simm.s32 @!p2 $0x2800;
	[sflag:s6] =	ssyncadd.s32 @!p1 $0xFFFFC000;
	s6 =	simm.s32 @!p2 $0x80  }
0xcd: {  	[tilespmem:s13], [sflag:$0x1] =	stream.indirect.gather @!p2 [hbm4b:s0+s6], $0x80, s12, s6, $0xb8;
	[tilespmem:$0x1EC80] =	vst v63  }
.Ltmp4:
0xce: {  	_ = 	snop;
	(pc) =	sbr.rel @p3 .LBB2_10-.Ltmp4, $4  }
0xcf: {  	s2 =	simm.s32 @p1 $0x4  }
0xd0: {  	[spmem:s3] =	stream.indirect.scatter.add.f32 @!p1 [tilespmem:s14], [sflag:$0x3], $0x80, s11, s8, $0xb8;
	[tilespmem:$0x1EC80] =	vst v63  }
0xd1: {  	s31 =	sadd.s32 $0x2, s31;
	_ =	swait.ge [sflag:s2], $0x4000  }
0xd2: {  	s6 =	sadd.s32 $0xFFFFFFFF, s31;
	[sflag:s2] =	ssyncset.done $0x0  }
0xd3: {  	p1 =	sge.u32 s6, s5  }
0xd4: {  	[sflag:s2] =	ssyncadd.s32 $0xFFFFC000;
	s2 =	simm.s32 @p1 $0x1  }
0xd5: {  	s6 =	sshra.s32 @p1 s1, $0x2;
	s8 =	sshra.s32 @!p1 s1, $0x2;
	_ =	swait.ge @p1 [sflag:s2], $0x4000  }
0xd6: {  	s12 =	simm.s32 @p1 $0x2800;
	s6 =	sadd.s32 @p1 $0x1400, s6;
	[sflag:s2] =	ssyncset.done @p1 $0x0  }
0xd7: {  	s11 =	sadd.s32 @!p1 $0x80, s8;
	[sflag:s2] =	ssyncadd.s32 @p1 $0xFFFFC000;
	s2 =	simm.s32 @p1 $0x80  }
0xd8: {  	[spmem:s3] =	stream.indirect.scatter.add.f32 @p1 [tilespmem:s12], [sflag:$0x4], $0x80, s6, s2, $0xb8;
	[tilespmem:$0x1EC80] =	vst v63  }
0xd9: {  	s2 =	simm.s32 @!p1 $0x80;
	s6 =	simm.s32 @!p1 $0x6800;
	s12 =	simm.s32 @!p1 $0x1  }
0xda: {  	[tilespmem:s6], [sflag:$0x2] =	stream.indirect.gather @!p1 [hbm4b:s0+s2], $0x80, s11, s2, $0xb8;
	[tilespmem:$0x1EC80] =	vst v63  }
0xdb: {  	_ =	swait.ge @!p1 [sflag:s12], $0x4000  }
0xdc: {  	s13 =	simm.s32 @!p1 $0x4;
	[sflag:s12] =	ssyncset.done @!p1 $0x0  }
0xdd: {  	s11 =	sadd.s32 @!p1 $0x1400, s8;
	[sflag:s12] =	ssyncadd.s32 @!p1 $0xFFFFC000;
	s12 =	simm.s32 @!p1 $0x2800  }
0xde: {  	[spmem:s3] =	stream.indirect.scatter.add.f32 @!p1 [tilespmem:s12], [sflag:$0x4], $0x80, s11, s2, $0xb8;
	[tilespmem:$0x1EC80] =	vst v63  }
0xdf: {  	_ =	swait.ge @!p1 [sflag:s13], $0x4000  }
0xe0: {  	p2 =	sge.u32 @!p1 s31, s5;
	[sflag:s13] =	ssyncset.done @!p1 $0x0  }
0xe1: {  	p2 =	por p2, p1;
	s11 =	simm.s32 @!p1 $0x2;
	[sflag:s13] =	ssyncadd.s32 @!p1 $0xFFFFC000  }
0xe2: {  	s1 =	sshra.s32 @!p2 s1, $0x2;
	_ =	swait.ge @!p1 [sflag:s11], $0x4000  }
0xe3: {  	s1 =	sadd.s32 @!p2 $0x100, s1;
	s12 =	simm.s32 @!p1 $0x3;
	[sflag:s11] =	ssyncset.done @!p1 $0x0  }
0xe4: {  	s13 =	simm.s32 @!p2 $0x2800;
	[sflag:s11] =	ssyncadd.s32 @!p1 $0xFFFFC000;
	s11 =	simm.s32 @!p2 $0x80  }
0xe5: {  	[tilespmem:s13], [sflag:$0x1] =	stream.indirect.gather @!p2 [hbm4b:s0+s11], $0x80, s1, s11, $0xb8;
	[tilespmem:$0x1EC80] =	vst v63  }
0xe6: {  	s12 =	simm.s32 @p1 $0x4;
	s1 =	sadd.s32 @!p1 $0x1480, s8  }
0xe7: {  	[spmem:s3] =	stream.indirect.scatter.add.f32 @!p1 [tilespmem:s6], [sflag:$0x3], $0x80, s1, s2, $0xb8;
	[tilespmem:$0x1EC80] =	vst v63  }
0xe8: {  	_ =	swait.ge [sflag:s12], $0x4000  }
0xe9: {  	[sflag:s12] =	ssyncset.done $0x0  }
0xea: {  	[sflag:s12] =	ssyncadd.s32 $0xFFFFC000  }
0xeb: {  	[bflag:$0x0] =	sbarrier.arrive $0xFFFF  }
0xec: {  	s22 =	rddreg [dreg:$0x8]  }
0xed: {  	[hbm:s22], [sflag:s28] =	dma.local [spmem:s29], $0x2700  }
0xee: {  	_ =	swait.ge [sflag:s23], $0x2700  }
0xef: {  	[sflag:s23] =	ssyncset.done $0x0  }
0xf0: {  	s1 =	rddreg [dreg:$0x9];
	[sflag:s23] =	ssyncadd.s32 $0xFFFFD900  }
0xf1: {  	[hbm:s1], [sflag:s28] =	dma.local @!p0 [spmem:s30], $0x100  }
0xf2: {  	s1 =	simm.s32 @!p0 $0x3  }
0xf3: {  	_ =	swait.ge @!p0 [sflag:s1], $0x100  }
0xf4: {  	[sflag:s1] =	ssyncset.done @!p0 $0x0  }
0xf5: {  	[sflag:s1] =	ssyncadd.s32 @!p0 $0xFFFFFF00  }
0xf6: {  	s31 =	sadd.s32 $0x0, s9;
	[bflag:$0x0] =	sbarrier.arrive $0xFFFF  }
0xf7: {  	[spmem:s31] =	stream.linear.scatter [tilespmem:s24], [sflag:$0x3], $0xC00, $0x38;
	[tilespmem:$0x1EC80] =	vst v63  }
0xf8: {  	s1 =	simm.s32 $0x3000;
	_ =	swait.ge [sflag:s23], $0xC00  }
.LBB2_12:
0xf9: {  	s2 =	sshra.s32 s1, $0x2;
	[sflag:s23] =	ssyncset.done $0x0;
	p1 =	sne.s32 s1, $0x4B000  }
.Ltmp5:
0xfa: {  	s2 =	sadd.s32 s2, s9;
	[sflag:s23] =	ssyncadd.s32 $0xFFFFF400;
	(pc) =	sbr.rel @p1 .LBB2_12-.Ltmp5, $3  }
0xfb: {  	[spmem:s2] =	stream.linear.scatter [tilespmem:s24], [sflag:$0x3], $0xC00, $0x38;
	[tilespmem:$0x1EC80] =	vst v63  }
0xfc: {  	s1 =	sadd.s32 $0x3000, s1;
	_ =	sdelay $0x1  }
0xfd: {  	_ =	swait.ge [sflag:s23], $0xC00  }
0xfe: {  	[sflag:s23] =	ssyncset.done $0x0  }
0xff: {  	s1 =	simm.s32 @!p0 $0xA800;
	[sflag:s23] =	ssyncadd.s32 $0xFFFFF400  }
0x100: {  	[spmem:s7] =	stream.linear.scatter @!p0 [tilespmem:s1], [sflag:$0x3], $0x800, $0x38;
	[tilespmem:$0x1EC80] =	vst v63  }
0x101: {  	s1 =	simm.s32 @!p0 $0x3  }
0x102: {  	_ =	swait.ge @!p0 [sflag:s1], $0x800  }
0x103: {  	[sflag:s1] =	ssyncset.done @!p0 $0x0  }
0x104: {  	s22 =	simm.s32 $0x0;
	s2 =	rddreg [dreg:$0xa];
	[sflag:s1] =	ssyncadd.s32 @!p0 $0xFFFFF800  }
0x105: {  	[tilespmem:s22], [sflag:$0x3] =	stream.linear.gather [hbm4b:s2+s22], $0x1400, $0x38;
	[tilespmem:$0x1EC80] =	vst v63  }
0x106: {  	_ =	swait.ge [sflag:s23], $0x1400  }
0x107: {  	[sflag:s23] =	ssyncset.done $0x0  }
0x108: {  	p1 =	sle.u32 s5, $0x1;
	[sflag:s23] =	ssyncadd.s32 $0xFFFFEC00  }
0x109: {  	s1 =	simm.s32 @p1 $0x1;
	[bflag:$0x0] =	sbarrier.arrive $0xFFFF  }
0x10a: {  	[tilespmem:s26], [sflag:$0x1] =	stream.indirect.gather [hbm4b:s0+s25], $0x80, s22, s25, $0xb8;
	[tilespmem:$0x1EC80] =	vst v63  }
0x10b: {  	_ =	swait.ge @p1 [sflag:s1], $0x4000  }
0x10c: {  	s6 =	simm.s32 @!p1 $0x80;
	s8 =	simm.s32 @p1 $0x2800;
	[sflag:s1] =	ssyncset.done @p1 $0x0  }
0x10d: {  	s2 =	simm.s32 @p1 $0x1400;
	[sflag:s1] =	ssyncadd.s32 @p1 $0xFFFFC000;
	s1 =	simm.s32 @p1 $0x80  }
0x10e: {  	[spmem:s3] =	stream.indirect.scatter.add.f32 @p1 [tilespmem:s8], [sflag:$0x4], $0x80, s2, s1, $0xb8;
	[tilespmem:$0x1EC80] =	vst v63  }
0x10f: {  	s1 =	simm.s32 @!p1 $0x80;
	s8 =	simm.s32 @!p1 $0x6800;
	s2 =	simm.s32 @!p1 $0x1  }
0x110: {  	[tilespmem:s8], [sflag:$0x2] =	stream.indirect.gather @!p1 [hbm4b:s0+s1], $0x80, s6, s1, $0xb8;
	[tilespmem:$0x1EC80] =	vst v63  }
0x111: {  	_ =	swait.ge @!p1 [sflag:s2], $0x4000  }
0x112: {  	s11 =	simm.s32 @!p1 $0x4;
	[sflag:s2] =	ssyncset.done @!p1 $0x0  }
0x113: {  	s6 =	simm.s32 @!p1 $0x1400;
	[sflag:s2] =	ssyncadd.s32 @!p1 $0xFFFFC000;
	s2 =	simm.s32 @!p1 $0x2800  }
0x114: {  	[spmem:s3] =	stream.indirect.scatter.add.f32 @!p1 [tilespmem:s2], [sflag:$0x4], $0x80, s6, s1, $0xb8;
	[tilespmem:$0x1EC80] =	vst v63  }
0x115: {  	_ =	swait.ge @!p1 [sflag:s11], $0x4000  }
0x116: {  	[sflag:s11] =	ssyncset.done @!p1 $0x0  }
0x117: {  	p2 =	sle.u32 @!p1 s5, $0x2;
	s6 =	simm.s32 @!p1 $0x2;
	[sflag:s11] =	ssyncadd.s32 @!p1 $0xFFFFC000  }
0x118: {  	p2 =	por p2, p1;
	_ =	swait.ge @!p1 [sflag:s6], $0x4000  }
0x119: {  	s12 =	simm.s32 @!p2 $0x2800;
	s2 =	simm.s32 @!p1 $0x3;
	[sflag:s6] =	ssyncset.done @!p1 $0x0  }
0x11a: {  	s11 =	simm.s32 @!p2 $0x100;
	[sflag:s6] =	ssyncadd.s32 @!p1 $0xFFFFC000;
	s6 =	simm.s32 @!p2 $0x80  }
0x11b: {  	[tilespmem:s12], [sflag:$0x1] =	stream.indirect.gather @!p2 [hbm4b:s0+s6], $0x80, s11, s6, $0xb8;
	[tilespmem:$0x1EC80] =	vst v63  }
0x11c: {  	s2 =	simm.s32 @p1 $0x4;
	s6 =	simm.s32 @!p1 $0x1480  }
0x11d: {  	[spmem:s3] =	stream.indirect.scatter.add.f32 @!p1 [tilespmem:s8], [sflag:$0x3], $0x80, s6, s1, $0xb8;
	[tilespmem:$0x1EC80] =	vst v63  }
0x11e: {  	s31 =	simm.s32 $0x4;
	s22 =	simm.s32 $0x800;
	_ =	swait.ge [sflag:s2], $0x4000  }
0x11f: {  	s1 =	simm.s32 $0x400;
	s6 =	simm.s32 $0x3;
	[sflag:s2] =	ssyncset.done $0x0  }
.LBB2_14:
0x120: {  	p1 =	sge.u32 s6, s5  }
0x121: {  	[sflag:s2] =	ssyncadd.s32 $0xFFFFC000;
	s6 =	smov.u32 s22;
	s22 =	sadd.s32 $0x400, s22  }
0x122: {  	s2 =	simm.s32 @p1 $0x1;
	s8 =	sshra.s32 @p1 s1, $0x2;
	s11 =	sshra.s32 @!p1 s1, $0x2  }
0x123: {  	_ =	swait.ge @p1 [sflag:s2], $0x4000;
	s8 =	sadd.s32 @p1 $0x1400, s8;
	s12 =	sadd.s32 @!p1 $0x80, s11  }
0x124: {  	p2 =	sge.u32 @!p1 s31, s5;
	s13 =	sadd.s32 @!p1 $0x1400, s11;
	[sflag:s2] =	ssyncset.done @p1 $0x0  }
0x125: {  	s14 =	simm.s32 @p1 $0x2800;
	[sflag:s2] =	ssyncadd.s32 @p1 $0xFFFFC000;
	s2 =	simm.s32 @p1 $0x80  }
0x126: {  	[spmem:s3] =	stream.indirect.scatter.add.f32 @p1 [tilespmem:s14], [sflag:$0x4], $0x80, s8, s2, $0xb8;
	[tilespmem:$0x1EC80] =	vst v63  }
0x127: {  	s15 =	simm.s32 @!p1 $0x1;
	s8 =	simm.s32 @!p1 $0x80;
	s14 =	simm.s32 @!p1 $0x6800  }
0x128: {  	[tilespmem:s14], [sflag:$0x2] =	stream.indirect.gather @!p1 [hbm4b:s0+s8], $0x80, s12, s8, $0xb8;
	[tilespmem:$0x1EC80] =	vst v63  }
0x129: {  	p2 =	por p2, p1;
	s11 =	sadd.s32 @!p1 $0x1480, s11;
	_ =	swait.ge @!p1 [sflag:s15], $0x4000  }
0x12a: {  	s1 =	sshra.s32 @!p2 s1, $0x2;
	s2 =	simm.s32 @!p1 $0x3;
	[sflag:s15] =	ssyncset.done @!p1 $0x0  }
0x12b: {  	s12 =	simm.s32 @!p1 $0x2800;
	[sflag:s15] =	ssyncadd.s32 @!p1 $0xFFFFC000;
	s15 =	simm.s32 @!p1 $0x4  }
0x12c: {  	[spmem:s3] =	stream.indirect.scatter.add.f32 @!p1 [tilespmem:s12], [sflag:$0x4], $0x80, s13, s8, $0xb8;
	[tilespmem:$0x1EC80] =	vst v63  }
0x12d: {  	p3 =	sne.s32 s22, $0x5000;
	s12 =	sadd.s32 @!p2 $0x100, s1;
	_ =	swait.ge @!p1 [sflag:s15], $0x4000  }
0x12e: {  	s1 =	smov.u32 s6;
	[sflag:s15] =	ssyncset.done @!p1 $0x0  }
0x12f: {  	s6 =	simm.s32 @!p1 $0x2;
	[sflag:s15] =	ssyncadd.s32 @!p1 $0xFFFFC000  }
0x130: {  	_ =	swait.ge @!p1 [sflag:s6], $0x4000  }
0x131: {  	[sflag:s6] =	ssyncset.done @!p1 $0x0  }
0x132: {  	s13 =	simm.s32 @!p2 $0x2800;
	[sflag:s6] =	ssyncadd.s32 @!p1 $0xFFFFC000;
	s6 =	simm.s32 @!p2 $0x80  }
0x133: {  	[tilespmem:s13], [sflag:$0x1] =	stream.indirect.gather @!p2 [hbm4b:s0+s6], $0x80, s12, s6, $0xb8;
	[tilespmem:$0x1EC80] =	vst v63  }
.Ltmp6:
0x134: {  	_ = 	snop;
	(pc) =	sbr.rel @p3 .LBB2_14-.Ltmp6, $4  }
0x135: {  	s2 =	simm.s32 @p1 $0x4  }
0x136: {  	[spmem:s3] =	stream.indirect.scatter.add.f32 @!p1 [tilespmem:s14], [sflag:$0x3], $0x80, s11, s8, $0xb8;
	[tilespmem:$0x1EC80] =	vst v63  }
0x137: {  	s31 =	sadd.s32 $0x2, s31;
	_ =	swait.ge [sflag:s2], $0x4000  }
0x138: {  	s6 =	sadd.s32 $0xFFFFFFFF, s31;
	[sflag:s2] =	ssyncset.done $0x0  }
0x139: {  	p1 =	sge.u32 s6, s5  }
0x13a: {  	[sflag:s2] =	ssyncadd.s32 $0xFFFFC000;
	s2 =	simm.s32 @p1 $0x1  }
0x13b: {  	s6 =	sshra.s32 @p1 s1, $0x2;
	s8 =	sshra.s32 @!p1 s1, $0x2;
	_ =	swait.ge @p1 [sflag:s2], $0x4000  }
0x13c: {  	s12 =	simm.s32 @p1 $0x2800;
	s6 =	sadd.s32 @p1 $0x1400, s6;
	[sflag:s2] =	ssyncset.done @p1 $0x0  }
0x13d: {  	s11 =	sadd.s32 @!p1 $0x80, s8;
	[sflag:s2] =	ssyncadd.s32 @p1 $0xFFFFC000;
	s2 =	simm.s32 @p1 $0x80  }
0x13e: {  	[spmem:s3] =	stream.indirect.scatter.add.f32 @p1 [tilespmem:s12], [sflag:$0x4], $0x80, s6, s2, $0xb8;
	[tilespmem:$0x1EC80] =	vst v63  }
0x13f: {  	s2 =	simm.s32 @!p1 $0x80;
	s6 =	simm.s32 @!p1 $0x6800;
	s12 =	simm.s32 @!p1 $0x1  }
0x140: {  	[tilespmem:s6], [sflag:$0x2] =	stream.indirect.gather @!p1 [hbm4b:s0+s2], $0x80, s11, s2, $0xb8;
	[tilespmem:$0x1EC80] =	vst v63  }
0x141: {  	_ =	swait.ge @!p1 [sflag:s12], $0x4000  }
0x142: {  	s13 =	simm.s32 @!p1 $0x4;
	[sflag:s12] =	ssyncset.done @!p1 $0x0  }
0x143: {  	s11 =	sadd.s32 @!p1 $0x1400, s8;
	[sflag:s12] =	ssyncadd.s32 @!p1 $0xFFFFC000;
	s12 =	simm.s32 @!p1 $0x2800  }
0x144: {  	[spmem:s3] =	stream.indirect.scatter.add.f32 @!p1 [tilespmem:s12], [sflag:$0x4], $0x80, s11, s2, $0xb8;
	[tilespmem:$0x1EC80] =	vst v63  }
0x145: {  	_ =	swait.ge @!p1 [sflag:s13], $0x4000  }
0x146: {  	p2 =	sge.u32 @!p1 s31, s5;
	[sflag:s13] =	ssyncset.done @!p1 $0x0  }
0x147: {  	p2 =	por p2, p1;
	s11 =	simm.s32 @!p1 $0x2;
	[sflag:s13] =	ssyncadd.s32 @!p1 $0xFFFFC000  }
0x148: {  	s1 =	sshra.s32 @!p2 s1, $0x2;
	_ =	swait.ge @!p1 [sflag:s11], $0x4000  }
0x149: {  	s1 =	sadd.s32 @!p2 $0x100, s1;
	s12 =	simm.s32 @!p1 $0x3;
	[sflag:s11] =	ssyncset.done @!p1 $0x0  }
0x14a: {  	s13 =	simm.s32 @!p2 $0x2800;
	[sflag:s11] =	ssyncadd.s32 @!p1 $0xFFFFC000;
	s11 =	simm.s32 @!p2 $0x80  }
0x14b: {  	[tilespmem:s13], [sflag:$0x1] =	stream.indirect.gather @!p2 [hbm4b:s0+s11], $0x80, s1, s11, $0xb8;
	[tilespmem:$0x1EC80] =	vst v63  }
0x14c: {  	s12 =	simm.s32 @p1 $0x4;
	s1 =	sadd.s32 @!p1 $0x1480, s8  }
0x14d: {  	[spmem:s3] =	stream.indirect.scatter.add.f32 @!p1 [tilespmem:s6], [sflag:$0x3], $0x80, s1, s2, $0xb8;
	[tilespmem:$0x1EC80] =	vst v63  }
0x14e: {  	_ =	swait.ge [sflag:s12], $0x4000  }
0x14f: {  	[sflag:s12] =	ssyncset.done $0x0  }
0x150: {  	[sflag:s12] =	ssyncadd.s32 $0xFFFFC000  }
0x151: {  	[bflag:$0x0] =	sbarrier.arrive $0xFFFF  }
0x152: {  	[hbm:s16], [sflag:s28] =	dma.local [spmem:s29], $0x2700  }
0x153: {  	_ =	swait.ge [sflag:s23], $0x2700  }
0x154: {  	[sflag:s23] =	ssyncset.done $0x0  }
0x155: {  	s1 =	simm.s32 @!p0 $0x3;
	[sflag:s23] =	ssyncadd.s32 $0xFFFFD900  }
0x156: {  	[hbm:s17], [sflag:s28] =	dma.local @!p0 [spmem:s30], $0x100  }
0x157: {  	_ =	swait.ge @!p0 [sflag:s1], $0x100  }
0x158: {  	[sflag:s1] =	ssyncset.done @!p0 $0x0  }
0x159: {  	[sflag:s1] =	ssyncadd.s32 @!p0 $0xFFFFFF00  }
0x15a: {  	s31 =	sadd.s32 $0x0, s9;
	[bflag:$0x0] =	sbarrier.arrive $0xFFFF  }
0x15b: {  	[spmem:s31] =	stream.linear.scatter [tilespmem:s24], [sflag:$0x3], $0xC00, $0x38;
	[tilespmem:$0x1EC80] =	vst v63  }
0x15c: {  	s1 =	simm.s32 $0x3000;
	_ =	swait.ge [sflag:s23], $0xC00  }
.LBB2_16:
0x15d: {  	s2 =	sshra.s32 s1, $0x2;
	[sflag:s23] =	ssyncset.done $0x0;
	p1 =	sne.s32 s1, $0x4B000  }
.Ltmp7:
0x15e: {  	s2 =	sadd.s32 s2, s9;
	[sflag:s23] =	ssyncadd.s32 $0xFFFFF400;
	(pc) =	sbr.rel @p1 .LBB2_16-.Ltmp7, $3  }
0x15f: {  	[spmem:s2] =	stream.linear.scatter [tilespmem:s24], [sflag:$0x3], $0xC00, $0x38;
	[tilespmem:$0x1EC80] =	vst v63  }
0x160: {  	s1 =	sadd.s32 $0x3000, s1;
	_ =	sdelay $0x1  }
0x161: {  	_ =	swait.ge [sflag:s23], $0xC00  }
0x162: {  	[sflag:s23] =	ssyncset.done $0x0  }
0x163: {  	s1 =	simm.s32 @!p0 $0xA800;
	[sflag:s23] =	ssyncadd.s32 $0xFFFFF400  }
0x164: {  	[spmem:s7] =	stream.linear.scatter @!p0 [tilespmem:s1], [sflag:$0x3], $0x800, $0x38;
	[tilespmem:$0x1EC80] =	vst v63  }
0x165: {  	s1 =	simm.s32 @!p0 $0x3  }
0x166: {  	_ =	swait.ge @!p0 [sflag:s1], $0x800  }
0x167: {  	[sflag:s1] =	ssyncset.done @!p0 $0x0  }
0x168: {  	s22 =	simm.s32 $0x0;
	[sflag:s1] =	ssyncadd.s32 @!p0 $0xFFFFF800  }
0x169: {  	[tilespmem:s22], [sflag:$0x3] =	stream.linear.gather [hbm4b:s18+s22], $0x1400, $0x38;
	[tilespmem:$0x1EC80] =	vst v63  }
0x16a: {  	_ =	swait.ge [sflag:s23], $0x1400  }
0x16b: {  	[sflag:s23] =	ssyncset.done $0x0  }
0x16c: {  	p1 =	sle.u32 s5, $0x1;
	[sflag:s23] =	ssyncadd.s32 $0xFFFFEC00  }
0x16d: {  	s1 =	simm.s32 @p1 $0x1;
	[bflag:$0x0] =	sbarrier.arrive $0xFFFF  }
0x16e: {  	[tilespmem:s26], [sflag:$0x1] =	stream.indirect.gather [hbm4b:s0+s25], $0x80, s22, s25, $0xb8;
	[tilespmem:$0x1EC80] =	vst v63  }
0x16f: {  	_ =	swait.ge @p1 [sflag:s1], $0x4000  }
0x170: {  	s2 =	simm.s32 @p1 $0x1400;
	s6 =	simm.s32 @!p1 $0x80;
	[sflag:s1] =	ssyncset.done @p1 $0x0  }
0x171: {  	s8 =	simm.s32 @p1 $0x2800;
	[sflag:s1] =	ssyncadd.s32 @p1 $0xFFFFC000;
	s1 =	simm.s32 @p1 $0x80  }
0x172: {  	[spmem:s3] =	stream.indirect.scatter.add.f32 @p1 [tilespmem:s8], [sflag:$0x4], $0x80, s2, s1, $0xb8;
	[tilespmem:$0x1EC80] =	vst v63  }
0x173: {  	s1 =	simm.s32 @!p1 $0x80;
	s8 =	simm.s32 @!p1 $0x6800;
	s2 =	simm.s32 @!p1 $0x1  }
0x174: {  	[tilespmem:s8], [sflag:$0x2] =	stream.indirect.gather @!p1 [hbm4b:s0+s1], $0x80, s6, s1, $0xb8;
	[tilespmem:$0x1EC80] =	vst v63  }
0x175: {  	_ =	swait.ge @!p1 [sflag:s2], $0x4000  }
0x176: {  	s11 =	simm.s32 @!p1 $0x4;
	[sflag:s2] =	ssyncset.done @!p1 $0x0  }
0x177: {  	s6 =	simm.s32 @!p1 $0x1400;
	[sflag:s2] =	ssyncadd.s32 @!p1 $0xFFFFC000;
	s2 =	simm.s32 @!p1 $0x2800  }
0x178: {  	[spmem:s3] =	stream.indirect.scatter.add.f32 @!p1 [tilespmem:s2], [sflag:$0x4], $0x80, s6, s1, $0xb8;
	[tilespmem:$0x1EC80] =	vst v63  }
0x179: {  	_ =	swait.ge @!p1 [sflag:s11], $0x4000  }
0x17a: {  	[sflag:s11] =	ssyncset.done @!p1 $0x0  }
0x17b: {  	p2 =	sle.u32 @!p1 s5, $0x2;
	s6 =	simm.s32 @!p1 $0x2;
	[sflag:s11] =	ssyncadd.s32 @!p1 $0xFFFFC000  }
0x17c: {  	p2 =	por p2, p1;
	_ =	swait.ge @!p1 [sflag:s6], $0x4000  }
0x17d: {  	s12 =	simm.s32 @!p2 $0x2800;
	s2 =	simm.s32 @!p1 $0x3;
	[sflag:s6] =	ssyncset.done @!p1 $0x0  }
0x17e: {  	s11 =	simm.s32 @!p2 $0x100;
	[sflag:s6] =	ssyncadd.s32 @!p1 $0xFFFFC000;
	s6 =	simm.s32 @!p2 $0x80  }
0x17f: {  	[tilespmem:s12], [sflag:$0x1] =	stream.indirect.gather @!p2 [hbm4b:s0+s6], $0x80, s11, s6, $0xb8;
	[tilespmem:$0x1EC80] =	vst v63  }
0x180: {  	s2 =	simm.s32 @p1 $0x4;
	s6 =	simm.s32 @!p1 $0x1480  }
0x181: {  	[spmem:s3] =	stream.indirect.scatter.add.f32 @!p1 [tilespmem:s8], [sflag:$0x3], $0x80, s6, s1, $0xb8;
	[tilespmem:$0x1EC80] =	vst v63  }
0x182: {  	s31 =	simm.s32 $0x4;
	s22 =	simm.s32 $0x800;
	_ =	swait.ge [sflag:s2], $0x4000  }
0x183: {  	s1 =	simm.s32 $0x400;
	s6 =	simm.s32 $0x3;
	[sflag:s2] =	ssyncset.done $0x0  }
.LBB2_18:
0x184: {  	p1 =	sge.u32 s6, s5  }
0x185: {  	[sflag:s2] =	ssyncadd.s32 $0xFFFFC000;
	s6 =	smov.u32 s22;
	s22 =	sadd.s32 $0x400, s22  }
0x186: {  	s2 =	simm.s32 @p1 $0x1;
	s8 =	sshra.s32 @p1 s1, $0x2;
	s11 =	sshra.s32 @!p1 s1, $0x2  }
0x187: {  	_ =	swait.ge @p1 [sflag:s2], $0x4000;
	s8 =	sadd.s32 @p1 $0x1400, s8;
	s12 =	sadd.s32 @!p1 $0x80, s11  }
0x188: {  	p2 =	sge.u32 @!p1 s31, s5;
	s13 =	sadd.s32 @!p1 $0x1400, s11;
	[sflag:s2] =	ssyncset.done @p1 $0x0  }
0x189: {  	s14 =	simm.s32 @p1 $0x2800;
	[sflag:s2] =	ssyncadd.s32 @p1 $0xFFFFC000;
	s2 =	simm.s32 @p1 $0x80  }
0x18a: {  	[spmem:s3] =	stream.indirect.scatter.add.f32 @p1 [tilespmem:s14], [sflag:$0x4], $0x80, s8, s2, $0xb8;
	[tilespmem:$0x1EC80] =	vst v63  }
0x18b: {  	s15 =	simm.s32 @!p1 $0x1;
	s8 =	simm.s32 @!p1 $0x80;
	s14 =	simm.s32 @!p1 $0x6800  }
0x18c: {  	[tilespmem:s14], [sflag:$0x2] =	stream.indirect.gather @!p1 [hbm4b:s0+s8], $0x80, s12, s8, $0xb8;
	[tilespmem:$0x1EC80] =	vst v63  }
0x18d: {  	p2 =	por p2, p1;
	s11 =	sadd.s32 @!p1 $0x1480, s11;
	_ =	swait.ge @!p1 [sflag:s15], $0x4000  }
0x18e: {  	s1 =	sshra.s32 @!p2 s1, $0x2;
	s2 =	simm.s32 @!p1 $0x3;
	[sflag:s15] =	ssyncset.done @!p1 $0x0  }
0x18f: {  	s12 =	simm.s32 @!p1 $0x2800;
	[sflag:s15] =	ssyncadd.s32 @!p1 $0xFFFFC000;
	s15 =	simm.s32 @!p1 $0x4  }
0x190: {  	[spmem:s3] =	stream.indirect.scatter.add.f32 @!p1 [tilespmem:s12], [sflag:$0x4], $0x80, s13, s8, $0xb8;
	[tilespmem:$0x1EC80] =	vst v63  }
0x191: {  	p3 =	sne.s32 s22, $0x5000;
	s12 =	sadd.s32 @!p2 $0x100, s1;
	_ =	swait.ge @!p1 [sflag:s15], $0x4000  }
0x192: {  	s1 =	smov.u32 s6;
	[sflag:s15] =	ssyncset.done @!p1 $0x0  }
0x193: {  	s6 =	simm.s32 @!p1 $0x2;
	[sflag:s15] =	ssyncadd.s32 @!p1 $0xFFFFC000  }
0x194: {  	_ =	swait.ge @!p1 [sflag:s6], $0x4000  }
0x195: {  	[sflag:s6] =	ssyncset.done @!p1 $0x0  }
0x196: {  	s13 =	simm.s32 @!p2 $0x2800;
	[sflag:s6] =	ssyncadd.s32 @!p1 $0xFFFFC000;
	s6 =	simm.s32 @!p2 $0x80  }
0x197: {  	[tilespmem:s13], [sflag:$0x1] =	stream.indirect.gather @!p2 [hbm4b:s0+s6], $0x80, s12, s6, $0xb8;
	[tilespmem:$0x1EC80] =	vst v63  }
.Ltmp8:
0x198: {  	_ = 	snop;
	(pc) =	sbr.rel @p3 .LBB2_18-.Ltmp8, $4  }
0x199: {  	s2 =	simm.s32 @p1 $0x4  }
0x19a: {  	[spmem:s3] =	stream.indirect.scatter.add.f32 @!p1 [tilespmem:s14], [sflag:$0x3], $0x80, s11, s8, $0xb8;
	[tilespmem:$0x1EC80] =	vst v63  }
0x19b: {  	s31 =	sadd.s32 $0x2, s31;
	_ =	swait.ge [sflag:s2], $0x4000  }
0x19c: {  	s6 =	sadd.s32 $0xFFFFFFFF, s31;
	[sflag:s2] =	ssyncset.done $0x0  }
0x19d: {  	p1 =	sge.u32 s6, s5  }
0x19e: {  	[sflag:s2] =	ssyncadd.s32 $0xFFFFC000;
	s2 =	simm.s32 @p1 $0x1  }
0x19f: {  	s6 =	sshra.s32 @p1 s1, $0x2;
	s8 =	sshra.s32 @!p1 s1, $0x2;
	_ =	swait.ge @p1 [sflag:s2], $0x4000  }
0x1a0: {  	s12 =	simm.s32 @p1 $0x2800;
	s6 =	sadd.s32 @p1 $0x1400, s6;
	[sflag:s2] =	ssyncset.done @p1 $0x0  }
0x1a1: {  	s11 =	sadd.s32 @!p1 $0x80, s8;
	[sflag:s2] =	ssyncadd.s32 @p1 $0xFFFFC000;
	s2 =	simm.s32 @p1 $0x80  }
0x1a2: {  	[spmem:s3] =	stream.indirect.scatter.add.f32 @p1 [tilespmem:s12], [sflag:$0x4], $0x80, s6, s2, $0xb8;
	[tilespmem:$0x1EC80] =	vst v63  }
0x1a3: {  	s2 =	simm.s32 @!p1 $0x80;
	s6 =	simm.s32 @!p1 $0x6800;
	s12 =	simm.s32 @!p1 $0x1  }
0x1a4: {  	[tilespmem:s6], [sflag:$0x2] =	stream.indirect.gather @!p1 [hbm4b:s0+s2], $0x80, s11, s2, $0xb8;
	[tilespmem:$0x1EC80] =	vst v63  }
0x1a5: {  	_ =	swait.ge @!p1 [sflag:s12], $0x4000  }
0x1a6: {  	s13 =	simm.s32 @!p1 $0x4;
	[sflag:s12] =	ssyncset.done @!p1 $0x0  }
0x1a7: {  	s11 =	sadd.s32 @!p1 $0x1400, s8;
	[sflag:s12] =	ssyncadd.s32 @!p1 $0xFFFFC000;
	s12 =	simm.s32 @!p1 $0x2800  }
0x1a8: {  	[spmem:s3] =	stream.indirect.scatter.add.f32 @!p1 [tilespmem:s12], [sflag:$0x4], $0x80, s11, s2, $0xb8;
	[tilespmem:$0x1EC80] =	vst v63  }
0x1a9: {  	_ =	swait.ge @!p1 [sflag:s13], $0x4000  }
0x1aa: {  	p2 =	sge.u32 @!p1 s31, s5;
	[sflag:s13] =	ssyncset.done @!p1 $0x0  }
0x1ab: {  	p2 =	por p2, p1;
	s11 =	simm.s32 @!p1 $0x2;
	[sflag:s13] =	ssyncadd.s32 @!p1 $0xFFFFC000  }
0x1ac: {  	s1 =	sshra.s32 @!p2 s1, $0x2;
	_ =	swait.ge @!p1 [sflag:s11], $0x4000  }
0x1ad: {  	s1 =	sadd.s32 @!p2 $0x100, s1;
	s12 =	simm.s32 @!p1 $0x3;
	[sflag:s11] =	ssyncset.done @!p1 $0x0  }
0x1ae: {  	s13 =	simm.s32 @!p2 $0x2800;
	[sflag:s11] =	ssyncadd.s32 @!p1 $0xFFFFC000;
	s11 =	simm.s32 @!p2 $0x80  }
0x1af: {  	[tilespmem:s13], [sflag:$0x1] =	stream.indirect.gather @!p2 [hbm4b:s0+s11], $0x80, s1, s11, $0xb8;
	[tilespmem:$0x1EC80] =	vst v63  }
0x1b0: {  	s12 =	simm.s32 @p1 $0x4;
	s1 =	sadd.s32 @!p1 $0x1480, s8  }
0x1b1: {  	[spmem:s3] =	stream.indirect.scatter.add.f32 @!p1 [tilespmem:s6], [sflag:$0x3], $0x80, s1, s2, $0xb8;
	[tilespmem:$0x1EC80] =	vst v63  }
0x1b2: {  	_ =	swait.ge [sflag:s12], $0x4000  }
0x1b3: {  	[sflag:s12] =	ssyncset.done $0x0  }
0x1b4: {  	[sflag:s12] =	ssyncadd.s32 $0xFFFFC000  }
0x1b5: {  	[bflag:$0x0] =	sbarrier.arrive $0xFFFF  }
0x1b6: {  	[hbm:s19], [sflag:s28] =	dma.local [spmem:s29], $0x2700  }
0x1b7: {  	_ =	swait.ge [sflag:s23], $0x2700  }
0x1b8: {  	s4 =	sadd.s32 $0x1, s4;
	[sflag:s23] =	ssyncset.done $0x0  }
0x1b9: {  	s1 =	simm.s32 @!p0 $0x3;
	p1 =	sne.s32 s4, s21;
	[sflag:s23] =	ssyncadd.s32 $0xFFFFD900  }
0x1ba: {  	[hbm:s20], [sflag:s28] =	dma.local @!p0 [spmem:s30], $0x100  }
.Ltmp9:
0x1bb: {  	_ =	swait.ge @!p0 [sflag:s1], $0x100;
	(pc) =	sbr.rel @p1 .LBB2_1-.Ltmp9, $3  }
0x1bc: {  	[sflag:s1] =	ssyncset.done @!p0 $0x0  }
0x1bd: {  	[sflag:s1] =	ssyncadd.s32 @!p0 $0xFFFFFF00  }
0x1be: {  	[bflag:$0x0] =	sbarrier.arrive $0xFFFF;
	_ =	sdelay $0x1  }
0x1bf: {  	_ =	sfence.sel $0x180000  }
0x1c0: {  	[bflag:$0x0] =	sbarrier.arrive $0xFFFF  }
0x1c1: {  	_ =	strace $0x9000004A  }
0x1c2: {  	s0 =	stileid.u32;
	[bflag:$0x2] =	sbarrier.arrive $0xFFFF  }
0x1c3: {  	p0 =	sne.s32 s0, $0x0;
	s0 =	rddreg [dreg:$0x3]  }
0x1c4: {  	s0 =	sadd.s32 @!p0 $0x100000, s0  }
0x1c5: {  	[sflag:s0] =	ssyncadd.tile.s32 @!p0 $0x1;
	_ =	shalt  }
.Lfunc_end2:
_tile_overlayer_lowered:
.L_overlay_start_2:
0x1c6: {  	(tag) =	ssettag $0x2  }
0x1c7: {  	s0 =	rddreg [dreg:$0x0];
	s2 =	stileid.u32  }
0x1c8: {  	s1 =	rddreg [dreg:$0x1];
	p0 =	sne.s32 s2, $0x0  }
0x1c9: {  	s3 =	rddreg [dreg:$0x2];
	[bflag:$0x3] =	sbarrier.arrive $0xFFFF;
	s2 =	simm.s32 @!p0 $0x1C03  }
0x1ca: {  	[timem:s3], [sflag:s2] =	dma.local @!p0 [hbm:s0], s1  }
0x1cb: {  	s0 =	simm.s32 @!p0 $0x3  }
0x1cc: {  	_ =	swait.ge @!p0 [sflag:s0], s1  }
0x1cd: {  	s1 =	ssub.s32 @!p0 $0x0, s1;
	[sflag:s0] =	ssyncset.done @!p0 $0x0  }
0x1ce: {  	[sflag:s0] =	ssyncadd.s32 @!p0 s1  }
0x1cf: {  	[bflag:$0x3] =	sbarrier.arrive $0xFFFF  }
0x1d0: {  	_ =	shalt  }

// kernel: kernel.16.cloned.1.call-start
scs
__scs_entry_jumppad:
0x0: {  	(pc) =	sbr.rel $0x88, $3  }
0x1: {  	(tag) =	ssettag $0x0;
	lr =	simm.s32 $0x1  }
0x2: {  	[smem:$0x3F92] =	sst lr;
	_ =	strace $0xD0000000  }
0x3: {  	_ = 	snop  }
0x4: {  	_ = 	snop  }
0x5: {  	_ = 	snop  }
0x6: {  	_ = 	snop  }
0x7: {  	_ = 	snop  }
__scs_overlays_trampoline_lowered:
0x8: {  	[smem:$0x3FA1] =	sst s0  }
0x9: {  	[smem:$0x3FA2] =	sst s1  }
0xa: {  	[smem:$0x3FA3] =	sst s2  }
0xb: {  	[smem:$0x3FA4] =	sst s3  }
0xc: {  	[smem:$0x3FA5] =	sst s4  }
0xd: {  	[smem:$0x3FA6] =	sst s5  }
0xe: {  	[smem:$0x3FA7] =	sst s6  }
0xf: {  	[smem:$0x3FA8] =	sst s7  }
0x10: {  	[smem:$0x3FA9] =	sst s8  }
0x11: {  	[smem:$0x3FAA] =	sst s9;
	s0 =	simm.s32 @!p0 $0x0  }
0x12: {  	s1 =	sld [smem:$0x3F90];
	s0 =	simm.s32 @p0 $0x1  }
0x13: {  	[smem:$0x3FAB] =	sst s0;
	s0 =	simm.s32 @!p1 $0x0  }
0x14: {  	s2 =	sld [smem:$0x3F8F];
	s0 =	simm.s32 @p1 $0x1  }
0x15: {  	[smem:$0x3FAC] =	sst s0;
	s0 =	simm.s32 @!p2 $0x0  }
0x16: {  	s3 =	sld [smem:$0x3FDB];
	s0 =	simm.s32 @p2 $0x1  }
0x17: {  	s4 =	simm.s32 $0x1BF5;
	[smem:$0x3FAE] =	sst s0  }
0x18: {  	s0 =	sld [smem:$0x3F91];
	_ =	swait.ge [sflag:s4], $0x0  }
0x19: {  	s7 =	sld [smem:$0x3F92]  }
0x1a: {  	s8 =	sadd.s32 $0xFFFFE003, lr  }
0x1b: {  	s9 =	sadd.s32 $0xFFFFFEF7, lr;
	s5 =	simm.s32 $0xFFFFFFFF;
	p2 =	slt.u32 s8, $0xFFFFF086  }
0x1c: {  	p1 =	slt.u32 s9, $0xF7A;
	s5 =	simm.s32 @!p2 $0x0  }
0x1d: {  	s5 =	simm.s32 @p1 $0x1;
	p0 =	seq.s32 s7, s2  }
0x1e: {  	s7 =	smul.u32 @!p0 $0xF7A, s2;
	p2 =	seq.s32 @!p0 s5, $0x0  }
0x1f: {  	s9 =	smul.u32 $0xF7A, s1;
	s8 =	simm.s32 @!p0 $0x1BF5;
	p2 =	por !p2, p0  }
0x20: {  	[sflag:s8] =	ssyncset.s32 @!p0 $0xFFFFF086;
	s6 =	sadd.s32 @!p0 s3, s7;
	s7 =	simm.s32 @!p0 $0x108  }
0x21: {  	s3 =	sadd.s32 s3, s9;
	s6 =	sadd.s32 @!p0 $0x88, s6;
	s7 =	simm.s32 @p2 $0x1082  }
0x22: {  	[simem:s7], [sflag:s8] =	dma.local @!p0 [hbm:s6], $0xF7A  }
0x23: {  	s9 =	sor.u32 $0xD0000000, s2;
	s6 =	simm.s32 $0x108;
	_ =	swait.ge @!p0 [sflag:s8], $0x0  }
0x24: {  	s3 =	sadd.s32 $0x88, s3;
	s6 =	simm.s32 @!p1 $0x1082;
	[sflag:s4] =	ssyncset.s32 $0xFFFFF086  }
0x25: {  	[simem:s6], [sflag:s4] =	dma.local [hbm:s3], $0xF7A  }
0x26: {  	[smem:$0x3F92] =	sst s1;
	(tag) =	ssettag s2;
	_ =	strace s9  }
0x27: {  	s1 =	sld [smem:$0x3FA2]  }
0x28: {  	s2 =	sld [smem:$0x3FA3]  }
0x29: {  	s4 =	sld [smem:$0x3FA5]  }
0x2a: {  	p0 =	seq.s32 s5, $0x0;
	s5 =	sld [smem:$0x3FA6]  }
0x2b: {  	s6 =	sld [smem:$0x3FA7]  }
0x2c: {  	s7 =	sld [smem:$0x3FA8]  }
0x2d: {  	s3 =	simm.s32 $0x108;
	s8 =	sld [smem:$0x3FA9]  }
0x2e: {  	s3 =	simm.s32 @!p0 $0x1082;
	s9 =	sld [smem:$0x3FAA]  }
0x2f: {  	lr =	sadd.s32 s0, s3;
	s0 =	sld [smem:$0x3FA1]  }
0x30: {  	s3 =	sld [smem:$0x3FA4]  }
0x31: {  	[smem:$0x3FAD] =	sst s10  }
0x32: {  	s10 =	sld [smem:$0x3FAB];
	_ =	sdelay $0x3  }
0x33: {  	p0 =	seq.s32 s10, $0x1;
	s10 =	sld [smem:$0x3FAD];
	_ =	sdelay $0x3  }
0x34: {  	[smem:$0x3FAD] =	sst s10  }
0x35: {  	s10 =	sld [smem:$0x3FAC];
	_ =	sdelay $0x3  }
0x36: {  	p1 =	seq.s32 s10, $0x1;
	s10 =	sld [smem:$0x3FAD];
	_ =	sdelay $0x3  }
0x37: {  	[smem:$0x3FAD] =	sst s10  }
0x38: {  	s10 =	sld [smem:$0x3FAE]  }
0x39: {  	_ = 	snop;
	(pc) =	sbr.ind lr, $3  }
0x3a: {  	_ = 	snop  }
0x3b: {  	_ = 	snop  }
0x3c: {  	p2 =	seq.s32 s10, $0x1;
	s10 =	sld [smem:$0x3FAD]  }
0x3d: {  	_ =	shalt  }
0x3e: {  	_ =	shalt  }
0x3f: {  	_ =	shalt  }
0x40: {  	_ =	shalt  }
0x41: {  	_ =	shalt  }
0x42: {  	_ =	shalt  }
0x43: {  	_ =	shalt  }
0x44: {  	_ =	shalt  }
0x45: {  	_ =	shalt  }
0x46: {  	_ =	shalt  }
0x47: {  	_ =	shalt  }
0x48: {  	_ =	shalt  }
0x49: {  	_ =	shalt  }
0x4a: {  	_ =	shalt  }
0x4b: {  	_ =	shalt  }
0x4c: {  	_ =	shalt  }
0x4d: {  	_ =	shalt  }
0x4e: {  	_ =	shalt  }
0x4f: {  	_ =	shalt  }
0x50: {  	_ =	shalt  }
0x51: {  	_ =	shalt  }
0x52: {  	_ =	shalt  }
0x53: {  	_ =	shalt  }
0x54: {  	_ =	shalt  }
0x55: {  	_ =	shalt  }
0x56: {  	_ =	shalt  }
0x57: {  	_ =	shalt  }
0x58: {  	_ =	shalt  }
0x59: {  	_ =	shalt  }
0x5a: {  	_ =	shalt  }
0x5b: {  	_ =	shalt  }
0x5c: {  	_ =	shalt  }
0x5d: {  	_ =	shalt  }
0x5e: {  	_ =	shalt  }
0x5f: {  	_ =	shalt  }
0x60: {  	_ =	shalt  }
0x61: {  	_ =	shalt  }
0x62: {  	_ =	shalt  }
0x63: {  	_ =	shalt  }
0x64: {  	_ =	shalt  }
0x65: {  	_ =	shalt  }
0x66: {  	_ =	shalt  }
0x67: {  	_ =	shalt  }
0x68: {  	_ =	shalt  }
0x69: {  	_ =	shalt  }
0x6a: {  	_ =	shalt  }
0x6b: {  	_ =	shalt  }
0x6c: {  	_ =	shalt  }
0x6d: {  	_ =	shalt  }
0x6e: {  	_ =	shalt  }
0x6f: {  	_ =	shalt  }
0x70: {  	_ =	shalt  }
0x71: {  	_ =	shalt  }
0x72: {  	_ =	shalt  }
0x73: {  	_ =	shalt  }
0x74: {  	_ =	shalt  }
0x75: {  	_ =	shalt  }
0x76: {  	_ =	shalt  }
0x77: {  	_ =	shalt  }
0x78: {  	_ =	shalt  }
0x79: {  	_ =	shalt  }
0x7a: {  	_ =	shalt  }
0x7b: {  	_ =	shalt  }
0x7c: {  	_ =	shalt  }
0x7d: {  	_ =	shalt  }
0x7e: {  	_ =	shalt  }
0x7f: {  	_ =	shalt  }
0x80: {  	_ =	shalt  }
0x81: {  	_ =	shalt  }
0x82: {  	_ =	shalt  }
0x83: {  	_ =	shalt  }
0x84: {  	_ =	shalt  }
0x85: {  	_ =	shalt  }
0x86: {  	_ =	shalt  }
0x87: {  	_ =	shalt  }
.Lfunc_end0:
.L_simem_size_0:
called_computation.2_lowered:
.L_overlay_start_0:
0x88: {  	s2 =	sld [smem:$0x3FD9]  }
0x89: {  	s3 =	sld [smem:$0x3FFE];
	_ =	sdelay $0x1  }
0x8a: {  	s1 =	srdreg.scid  }
0x8b: {  	s0 =	sand.u32 $0x1, s1  }
0x8c: {  	s16 =	sshll.u32 s0, $0xA;
	s2 =	sadd.s32 s3, s2  }
0x8d: {  	s2 =	sadd.s32 s2, s16  }
0x8e: {  	[smem:$0x3FB9] =	sst s2  }
0x8f: {  	_ = 	snop  }
0x90: {  	(tm) =	ssettm $0x1  }
0x91: {  	s17 =	sld [smem:$0x3FFB];
	_ =	sdelay $0x3  }
0x92: {  	_ =	strace s17  }
0x93: {  	s2 =	sld [smem:$0x3FFC];
	_ =	sdelay $0x3  }
0x94: {  	_ =	strace s2  }
0x95: {  	s2 =	sld [smem:$0x3FFD];
	_ =	sdelay $0x3  }
0x96: {  	_ =	strace s2  }
0x97: {  	_ =	strace $0x8FFFFFFF  }
0x98: {  	s18 =	sld [smem:$0x3FDB];
	_ =	sdelay $0x1  }
0x99: {  	s19 =	simm.s32 $_scs_section_size  }
0x9a: {  	s4 =	simm.s32 $_size__tile_overlayer_lowered;
	s5 =	simm.s32 $_tile_overlayer_lowered  }
0x9b: {  	s22 =	simm.s32 $0x1BFF;
	s21 =	sshll.u32 s5, $0x1;
	s2 =	sadd.s32 s19, s18  }
0x9c: {  	s6 =	simm.s32 $0x0;
	s20 =	sshll.u32 s4, $0x1;
	s4 =	sadd.s32 s21, s2  }
0x9d: {  	[timem:s6], [sflag:s22] =	dma.local [hbm:s4], s20  }
0x9e: {  	_ =	swait.ge [sflag:s22], s20  }
0x9f: {  	s3 =	ssub.s32 $0x0, s20;
	[sflag:s22] =	ssyncset.done $0x0  }
0xa0: {  	[sflag:s22] =	ssyncadd.s32 s3;
	_ =	sdelay $0x1  }
0xa1: {  	s23 =	simm.s32 $0x1B8B  }
0xa2: {  	_ =	swait.ge [sflag:s23], $0x1  }
0xa3: {  	[sflag:s23] =	ssyncset.done $0x0  }
0xa4: {  	s25 =	simm.s32 $0x1B8E;
	s24 =	sld [smem:$0x3FFE];
	[sflag:s23] =	ssyncadd.s32 $0xFFFFFFFF  }
0xa5: {  	s26 =	simm.s32 $execute0_lowered;
	[smem:$0x3FD2] =	sst s25  }
0xa6: {  	s4 =	sshll.u32 s26, $0x1;
	_ =	strace $0x8000004C;
	[dreg:$0x1] =	wrdreg $0xFFFFFFFF  }
0xa7: {  	s28 =	simm.s32 $_size_execute0_lowered;
	s2 =	sadd.s32 s2, s4;
	[dreg:$0x0] =	wrdreg $0x0  }
0xa8: {  	s4 =	sshll.u32 s28, $0x1;
	[dreg:$0x2] =	wrdreg s2  }
0xa9: {  	[dreg:$0x3] =	wrdreg s4  }
0xaa: {  	[dreg:$0x4] =	wrdreg $0xC0  }
0xab: {  	_ =	task [dreg:s6], $0x5FFFF  }
0xac: {  	[dreg:$0x1] =	wrdreg $0xFFFFFFFF  }
0xad: {  	[dreg:$0x0] =	wrdreg $0x60  }
0xae: {  	[dreg:$0x2] =	wrdreg s24  }
0xaf: {  	[dreg:$0x3] =	wrdreg $0xB4000  }
0xb0: {  	[dreg:$0x4] =	wrdreg $0x9  }
0xb1: {  	_ =	task.clear_ibuf [dreg:s6], $0x5FFFF;
	_ =	strace $0x9000004C  }
0xb2: {  	s29 =	simm.s32 $0x9;
	_ =	strace $0x8000004E  }
0xb3: {  	_ =	swait.ge [sflag:s29], $0x1  }
0xb4: {  	[sflag:s29] =	ssyncadd.s32 $0xFFFFFFFF  }
0xb5: {  	_ =	strace $0x9000004E  }
0xb6: {  	_ =	sfence  }
0xb7: {  	s30 =	sld [smem:$0x0];
	_ =	sdelay $0x2  }
0xb8: {  	s31 =	sshll.u32 s1, $0xD;
	s1 =	sshrl.u32 s1, $0x2  }
0xb9: {  	s3 =	sand.u32 $0x4000, s31;
	s1 =	sadd.s32 s1, s30  }
0xba: {  	s0 =	sor.u32 s3, s0;
	s1 =	sshll.u32 s1, $0x11  }
0xbb: {  	s0 =	sor.u32 s1, s0  }
0xbc: {  	s0 =	sadd.s32 $0x8F2B, s0  }
0xbd: {  	[sflag:s0] =	ssyncadd.remote.s32 $0x1  }
0xbe: {  	_ =	sfence.sel $0xFFFF  }
0xbf: {  	[dreg:$0x0] =	wrdreg $0xFFFFFFFF;
	(pc) =	sbr.abs _section_cstart, $3  }
0xc0: {  	[dreg:$0x1] =	wrdreg $0xFFFFFFFF  }
0xc1: {  	_ =	task.clear_ibuf [dreg:s6], $0x2FFFF;
	_ =	strace $0x9FFFFFFF  }
0xc2: {  	(tm) =	ssettm $0x7FFFFFFF  }
0xc3: {  	_ =	shalt  }
tec
execute0_lowered:
.L_overlay_start_1:
0x0: {  	(tag) =	ssettag $0x1  }
0x1: {  	s0 =	srdreg.scid;
	s1 =	rddreg [dreg:$0x0]  }
0x2: {  	s2 =	rddreg [dreg:$0x1];
	s15 =	stileid.u32  }
0x3: {  	s3 =	simm.s32 $0x0;
	s5 =	simm.s32 $0x28;
	s23 =	simm.s32 $0x3  }
0x4: {  	s24 =	simm.s32 $0xA800;
	s0 =	sand.u32 $0x1, s0;
	s11 =	smul.u32 $0x270, s15  }
0x5: {  	[smem:$0x7FF] =	sst s3;
	s10 =	sadd.s32 $0xADA00, s1;
	s13 =	smul.u32 $0x4E000, s15  }
0x6: {  	s4 =	sshll.u32 s0, $0x4;
	_ =	strace $0x8000004D;
	s14 =	smul.u32 $0x9C40, s0  }
0x7: {  	s9 =	ssub.s32 $0x2, s0;
	s0 =	smul.u32 $0x4E2000, s0;
	s6 =	sor.u32 s15, s4  }
0x8: {  	s4 =	sadd.s32 $0x7600, s1;
	s12 =	sshrl.u32 s9, $0x1;
	s25 =	sshrl.u32 s13, $0x2  }
0x9: {  	s8 =	smul.u32 $0x280, s6;
	p0 =	slt.u32 s6, $0x2;
	s21 =	ssub.s32 s9, s12  }
0xa: {  	s6 =	smul.u32 $0x1400, s6;
	s9 =	sadd.s32 s25, s2;
	s11 =	sadd.s32 s11, s14  }
0xb: {  	s0 =	sshrl.u32 s0, $0x3;
	s25 =	simm.s32 $0x80;
	s5 =	simm.s32 @!p0 $0x27  }
0xc: {  	s11 =	sshll.u32 s11, $0x4;
	s21 =	smax.u32 s21, $0x1;
	p0 =	sne.s32 s15, $0xF  }
0xd: {  	s7 =	sadd.s32 s8, s1;
	s1 =	sadd.s32 $0xC1A00, s1;
	s8 =	sadd.s32 s10, s8  }
0xe: {  	s6 =	sshrl.u32 s6, $0x3;
	s7 =	sadd.s32 $0x2600, s7;
	[dreg:$0x4] =	wrdreg s8  }
0xf: {  	s0 =	sadd.s32 s1, s0;
	s6 =	sadd.s32 s10, s6;
	s10 =	sadd.s32 s1, s11  }
0x10: {  	[dreg:$0x3] =	wrdreg s7;
	s7 =	sadd.s32 $0x138000, s2;
	s26 =	sadd.s32 $0x27000, s0  }
0x11: {  	s28 =	sadd.s32 $0x5000, s6;
	s29 =	sadd.s32 $0x27100, s10;
	[dreg:$0x5] =	wrdreg s26  }
0x12: {  	s30 =	sadd.s32 $0x4E100, s0;
	s31 =	sadd.s32 $0xA000, s6;
	[dreg:$0x6] =	wrdreg s28  }
0x13: {  	s16 =	sadd.s32 $0x4E200, s10;
	s17 =	sadd.s32 $0x75200, s0;
	[dreg:$0x7] =	wrdreg s29  }
0x14: {  	s18 =	sadd.s32 $0xF000, s6;
	s19 =	sadd.s32 $0x75300, s10;
	[dreg:$0x8] =	wrdreg s30  }
0x15: {  	v0 =	vimm.f32 $0.0e+00;
	s20 =	sadd.s32 $0x9C300, s0;
	[dreg:$0x9] =	wrdreg s31;
	s26 =	simm.s32 $0x2800  }
.LBB2_1:
0x16: {  	s0 =	simm.s32 $0x70;
	s1 =	simm.s32 $0x3C0  }
.LBB2_2:
0x17: {  	p1 =	sne.s32 s1, $0x2FC0;
	[tilespmem:s0+$0xA800] =	vst v0  }
0x18: {  	[tilespmem:s0+$0xA790] =	vst v0  }
0x19: {  	[tilespmem:s0+$0xA7A0] =	vst v0  }
.Ltmp0:
0x1a: {  	[tilespmem:s0+$0xA7B0] =	vst v0;
	(pc) =	sbr.rel @p1 .LBB2_2-.Ltmp0, $4  }
0x1b: {  	[tilespmem:s0+$0xA7C0] =	vst v0  }
0x1c: {  	[tilespmem:s0+$0xA7D0] =	vst v0  }
0x1d: {  	[tilespmem:s0+$0xA7E0] =	vst v0  }
0x1e: {  	[tilespmem:s0+$0xA7F0] =	vst v0;
	s0 =	sshra.s32 s1, $0x2;
	s1 =	sadd.s32 $0x200, s1  }
0x1f: {  	[tilespmem:s0+$0xA800] =	vst v0  }
0x20: {  	[tilespmem:s0+$0xA790] =	vst v0  }
0x21: {  	[tilespmem:s0+$0xA7A0] =	vst v0  }
0x22: {  	[tilespmem:s0+$0xA7B0] =	vst v0  }
0x23: {  	[tilespmem:s0+$0xA7C0] =	vst v0  }
0x24: {  	[tilespmem:s0+$0xA7D0] =	vst v0  }
0x25: {  	[tilespmem:s0+$0xA7E0] =	vst v0  }
0x26: {  	[tilespmem:s0+$0xA7F0] =	vst v0;
	s30 =	simm.s32 $0x0;
	s1 =	rddreg [dreg:$0x3];
	s6 =	simm.s32 $0x1400  }
0x27: {  	[tilespmem:s6], [sflag:$0x3] =	stream.linear.gather [hbm4b:s1+s30], $0x1400, $0x38;
	[tilespmem:$0x1EC80] =	vst v63  }
0x28: {  	_ =	swait.ge [sflag:s23], $0x1400  }
0x29: {  	[sflag:s23] =	ssyncset.done $0x0  }
0x2a: {  	s31 =	sadd.s32 $0x0, s9;
	[sflag:s23] =	ssyncadd.s32 $0xFFFFEC00  }
0x2b: {  	[spmem:s31] =	stream.linear.scatter [tilespmem:s24], [sflag:$0x3], $0xC00, $0x38;
	[tilespmem:$0x1EC80] =	vst v63  }
0x2c: {  	s0 =	simm.s32 $0x3000;
	_ =	swait.ge [sflag:s23], $0xC00  }
.LBB2_4:
0x2d: {  	s1 =	sshra.s32 s0, $0x2;
	[sflag:s23] =	ssyncset.done $0x0;
	p1 =	sne.s32 s0, $0x4B000  }
.Ltmp1:
0x2e: {  	s1 =	sadd.s32 s1, s9;
	[sflag:s23] =	ssyncadd.s32 $0xFFFFF400;
	(pc) =	sbr.rel @p1 .LBB2_4-.Ltmp1, $3  }
0x2f: {  	[spmem:s1] =	stream.linear.scatter [tilespmem:s24], [sflag:$0x3], $0xC00, $0x38;
	[tilespmem:$0x1EC80] =	vst v63  }
0x30: {  	s0 =	sadd.s32 $0x3000, s0;
	_ =	sdelay $0x1  }
0x31: {  	_ =	swait.ge [sflag:s23], $0xC00  }
0x32: {  	[sflag:s23] =	ssyncset.done $0x0  }
0x33: {  	s0 =	simm.s32 @!p0 $0xA800;
	[sflag:s23] =	ssyncadd.s32 $0xFFFFF400  }
0x34: {  	[spmem:s7] =	stream.linear.scatter @!p0 [tilespmem:s0], [sflag:$0x3], $0x800, $0x38;
	[tilespmem:$0x1EC80] =	vst v63  }
0x35: {  	s0 =	simm.s32 @!p0 $0x3  }
0x36: {  	_ =	swait.ge @!p0 [sflag:s0], $0x800  }
0x37: {  	[sflag:s0] =	ssyncset.done @!p0 $0x0  }
0x38: {  	s31 =	simm.s32 $0x0;
	s1 =	rddreg [dreg:$0x4];
	[sflag:s0] =	ssyncadd.s32 @!p0 $0xFFFFF800  }
0x39: {  	[tilespmem:s31], [sflag:$0x3] =	stream.linear.gather [hbm4b:s1+s31], $0x1400, $0x38;
	[tilespmem:$0x1EC80] =	vst v63  }
0x3a: {  	_ =	swait.ge [sflag:s23], $0x1400  }
0x3b: {  	[sflag:s23] =	ssyncset.done $0x0  }
0x3c: {  	p1 =	sle.u32 s5, $0x1;
	[sflag:s23] =	ssyncadd.s32 $0xFFFFEC00  }
0x3d: {  	s0 =	simm.s32 @p1 $0x1;
	[bflag:$0x0] =	sbarrier.arrive $0xFFFF  }
0x3e: {  	[tilespmem:s26], [sflag:$0x1] =	stream.indirect.gather [hbm4b:s4+s25], $0x80, s31, s25, $0xb8;
	[tilespmem:$0x1EC80] =	vst v63  }
0x3f: {  	_ =	swait.ge @p1 [sflag:s0], $0x4000  }
0x40: {  	s6 =	simm.s32 @!p1 $0x80;
	s22 =	simm.s32 @p1 $0x2800;
	[sflag:s0] =	ssyncset.done @p1 $0x0  }
0x41: {  	s1 =	simm.s32 @p1 $0x1400;
	[sflag:s0] =	ssyncadd.s32 @p1 $0xFFFFC000;
	s0 =	simm.s32 @p1 $0x80  }
0x42: {  	[spmem:s2] =	stream.indirect.scatter.add.f32 @p1 [tilespmem:s22], [sflag:$0x4], $0x80, s1, s0, $0xb8;
	[tilespmem:$0x1EC80] =	vst v63  }
0x43: {  	s0 =	simm.s32 @!p1 $0x80;
	s1 =	simm.s32 @!p1 $0x6800;
	s22 =	simm.s32 @!p1 $0x1  }
0x44: {  	[tilespmem:s1], [sflag:$0x2] =	stream.indirect.gather @!p1 [hbm4b:s4+s0], $0x80, s6, s0, $0xb8;
	[tilespmem:$0x1EC80] =	vst v63  }
0x45: {  	_ =	swait.ge @!p1 [sflag:s22], $0x4000  }
0x46: {  	s28 =	simm.s32 @!p1 $0x4;
	[sflag:s22] =	ssyncset.done @!p1 $0x0  }
0x47: {  	s6 =	simm.s32 @!p1 $0x1400;
	[sflag:s22] =	ssyncadd.s32 @!p1 $0xFFFFC000;
	s22 =	simm.s32 @!p1 $0x2800  }
0x48: {  	[spmem:s2] =	stream.indirect.scatter.add.f32 @!p1 [tilespmem:s22], [sflag:$0x4], $0x80, s6, s0, $0xb8;
	[tilespmem:$0x1EC80] =	vst v63  }
0x49: {  	_ =	swait.ge @!p1 [sflag:s28], $0x4000  }
0x4a: {  	[sflag:s28] =	ssyncset.done @!p1 $0x0  }
0x4b: {  	p2 =	sle.u32 @!p1 s5, $0x2;
	s6 =	simm.s32 @!p1 $0x2;
	[sflag:s28] =	ssyncadd.s32 @!p1 $0xFFFFC000  }
0x4c: {  	p2 =	por p2, p1;
	_ =	swait.ge @!p1 [sflag:s6], $0x4000  }
0x4d: {  	s29 =	simm.s32 @!p2 $0x2800;
	s22 =	simm.s32 @!p1 $0x3;
	[sflag:s6] =	ssyncset.done @!p1 $0x0  }
0x4e: {  	s28 =	simm.s32 @!p2 $0x100;
	[sflag:s6] =	ssyncadd.s32 @!p1 $0xFFFFC000;
	s6 =	simm.s32 @!p2 $0x80  }
0x4f: {  	[tilespmem:s29], [sflag:$0x1] =	stream.indirect.gather @!p2 [hbm4b:s4+s6], $0x80, s28, s6, $0xb8;
	[tilespmem:$0x1EC80] =	vst v63  }
0x50: {  	s22 =	simm.s32 @p1 $0x4;
	s6 =	simm.s32 @!p1 $0x1480  }
0x51: {  	[spmem:s2] =	stream.indirect.scatter.add.f32 @!p1 [tilespmem:s1], [sflag:$0x3], $0x80, s6, s0, $0xb8;
	[tilespmem:$0x1EC80] =	vst v63  }
0x52: {  	s29 =	simm.s32 $0x400;
	s28 =	simm.s32 $0x4;
	_ =	swait.ge [sflag:s22], $0x4000  }
0x53: {  	s0 =	simm.s32 $0x800;
	s1 =	simm.s32 $0x3;
	[sflag:s22] =	ssyncset.done $0x0  }
.LBB2_6:
0x54: {  	p1 =	sge.u32 s1, s5  }
0x55: {  	[sflag:s22] =	ssyncadd.s32 $0xFFFFC000;
	s1 =	smov.u32 s0;
	s0 =	sadd.s32 $0x400, s0  }
0x56: {  	s6 =	simm.s32 @p1 $0x1;
	s22 =	sshra.s32 @p1 s29, $0x2;
	s30 =	sshra.s32 @!p1 s29, $0x2  }
0x57: {  	_ =	swait.ge @p1 [sflag:s6], $0x4000;
	s22 =	sadd.s32 @p1 $0x1400, s22;
	s31 =	sadd.s32 @!p1 $0x80, s30  }
0x58: {  	p2 =	sge.u32 @!p1 s28, s5;
	s8 =	sadd.s32 @!p1 $0x1400, s30;
	[sflag:s6] =	ssyncset.done @p1 $0x0  }
0x59: {  	s11 =	simm.s32 @p1 $0x2800;
	[sflag:s6] =	ssyncadd.s32 @p1 $0xFFFFC000;
	s6 =	simm.s32 @p1 $0x80  }
0x5a: {  	[spmem:s2] =	stream.indirect.scatter.add.f32 @p1 [tilespmem:s11], [sflag:$0x4], $0x80, s22, s6, $0xb8;
	[tilespmem:$0x1EC80] =	vst v63  }
0x5b: {  	s12 =	simm.s32 @!p1 $0x1;
	s6 =	simm.s32 @!p1 $0x80;
	s11 =	simm.s32 @!p1 $0x6800  }
0x5c: {  	[tilespmem:s11], [sflag:$0x2] =	stream.indirect.gather @!p1 [hbm4b:s4+s6], $0x80, s31, s6, $0xb8;
	[tilespmem:$0x1EC80] =	vst v63  }
0x5d: {  	p2 =	por p2, p1;
	s30 =	sadd.s32 @!p1 $0x1480, s30;
	_ =	swait.ge @!p1 [sflag:s12], $0x4000  }
0x5e: {  	s29 =	sshra.s32 @!p2 s29, $0x2;
	s22 =	simm.s32 @!p1 $0x3;
	[sflag:s12] =	ssyncset.done @!p1 $0x0  }
0x5f: {  	s31 =	simm.s32 @!p1 $0x4;
	[sflag:s12] =	ssyncadd.s32 @!p1 $0xFFFFC000;
	s12 =	simm.s32 @!p1 $0x2800  }
0x60: {  	[spmem:s2] =	stream.indirect.scatter.add.f32 @!p1 [tilespmem:s12], [sflag:$0x4], $0x80, s8, s6, $0xb8;
	[tilespmem:$0x1EC80] =	vst v63  }
0x61: {  	p3 =	sne.s32 s0, $0x5000;
	s8 =	sadd.s32 @!p2 $0x100, s29;
	_ =	swait.ge @!p1 [sflag:s31], $0x4000  }
0x62: {  	s29 =	smov.u32 s1;
	[sflag:s31] =	ssyncset.done @!p1 $0x0  }
0x63: {  	s1 =	simm.s32 @!p1 $0x2;
	[sflag:s31] =	ssyncadd.s32 @!p1 $0xFFFFC000  }
0x64: {  	_ =	swait.ge @!p1 [sflag:s1], $0x4000  }
0x65: {  	[sflag:s1] =	ssyncset.done @!p1 $0x0  }
0x66: {  	s12 =	simm.s32 @!p2 $0x2800;
	[sflag:s1] =	ssyncadd.s32 @!p1 $0xFFFFC000;
	s1 =	simm.s32 @!p2 $0x80  }
0x67: {  	[tilespmem:s12], [sflag:$0x1] =	stream.indirect.gather @!p2 [hbm4b:s4+s1], $0x80, s8, s1, $0xb8;
	[tilespmem:$0x1EC80] =	vst v63  }
.Ltmp2:
0x68: {  	_ = 	snop;
	(pc) =	sbr.rel @p3 .LBB2_6-.Ltmp2, $4  }
0x69: {  	s22 =	simm.s32 @p1 $0x4  }
0x6a: {  	[spmem:s2] =	stream.indirect.scatter.add.f32 @!p1 [tilespmem:s11], [sflag:$0x3], $0x80, s30, s6, $0xb8;
	[tilespmem:$0x1EC80] =	vst v63  }
0x6b: {  	s28 =	sadd.s32 $0x2, s28;
	_ =	swait.ge [sflag:s22], $0x4000  }
0x6c: {  	s1 =	sadd.s32 $0xFFFFFFFF, s28;
	[sflag:s22] =	ssyncset.done $0x0  }
0x6d: {  	p1 =	sge.u32 s1, s5  }
0x6e: {  	[sflag:s22] =	ssyncadd.s32 $0xFFFFC000;
	s0 =	simm.s32 @p1 $0x1  }
0x6f: {  	s1 =	sshra.s32 @p1 s29, $0x2;
	s6 =	sshra.s32 @!p1 s29, $0x2;
	_ =	swait.ge @p1 [sflag:s0], $0x4000  }
0x70: {  	s11 =	simm.s32 @p1 $0x2800;
	s1 =	sadd.s32 @p1 $0x1400, s1;
	[sflag:s0] =	ssyncset.done @p1 $0x0  }
0x71: {  	s8 =	sadd.s32 @!p1 $0x80, s6;
	[sflag:s0] =	ssyncadd.s32 @p1 $0xFFFFC000;
	s0 =	simm.s32 @p1 $0x80  }
0x72: {  	[spmem:s2] =	stream.indirect.scatter.add.f32 @p1 [tilespmem:s11], [sflag:$0x4], $0x80, s1, s0, $0xb8;
	[tilespmem:$0x1EC80] =	vst v63  }
0x73: {  	s0 =	simm.s32 @!p1 $0x80;
	s1 =	simm.s32 @!p1 $0x6800;
	s11 =	simm.s32 @!p1 $0x1  }
0x74: {  	[tilespmem:s1], [sflag:$0x2] =	stream.indirect.gather @!p1 [hbm4b:s4+s0], $0x80, s8, s0, $0xb8;
	[tilespmem:$0x1EC80] =	vst v63  }
0x75: {  	_ =	swait.ge @!p1 [sflag:s11], $0x4000  }
0x76: {  	s12 =	simm.s32 @!p1 $0x4;
	[sflag:s11] =	ssyncset.done @!p1 $0x0  }
0x77: {  	s8 =	sadd.s32 @!p1 $0x1400, s6;
	[sflag:s11] =	ssyncadd.s32 @!p1 $0xFFFFC000;
	s11 =	simm.s32 @!p1 $0x2800  }
0x78: {  	[spmem:s2] =	stream.indirect.scatter.add.f32 @!p1 [tilespmem:s11], [sflag:$0x4], $0x80, s8, s0, $0xb8;
	[tilespmem:$0x1EC80] =	vst v63  }
0x79: {  	_ =	swait.ge @!p1 [sflag:s12], $0x4000  }
0x7a: {  	p2 =	sge.u32 @!p1 s28, s5;
	[sflag:s12] =	ssyncset.done @!p1 $0x0  }
0x7b: {  	p2 =	por p2, p1;
	s8 =	simm.s32 @!p1 $0x2;
	[sflag:s12] =	ssyncadd.s32 @!p1 $0xFFFFC000  }
0x7c: {  	s11 =	sshra.s32 @!p2 s29, $0x2;
	_ =	swait.ge @!p1 [sflag:s8], $0x4000  }
0x7d: {  	s22 =	simm.s32 @!p2 $0x2800;
	s11 =	sadd.s32 @!p2 $0x100, s11;
	[sflag:s8] =	ssyncset.done @!p1 $0x0  }
0x7e: {  	s12 =	simm.s32 @!p1 $0x3;
	[sflag:s8] =	ssyncadd.s32 @!p1 $0xFFFFC000;
	s8 =	simm.s32 @!p2 $0x80  }
0x7f: {  	[tilespmem:s22], [sflag:$0x1] =	stream.indirect.gather @!p2 [hbm4b:s4+s8], $0x80, s11, s8, $0xb8;
	[tilespmem:$0x1EC80] =	vst v63  }
0x80: {  	s6 =	sadd.s32 @!p1 $0x1480, s6;
	s12 =	simm.s32 @p1 $0x4  }
0x81: {  	[spmem:s2] =	stream.indirect.scatter.add.f32 @!p1 [tilespmem:s1], [sflag:$0x3], $0x80, s6, s0, $0xb8;
	[tilespmem:$0x1EC80] =	vst v63  }
0x82: {  	_ =	swait.ge [sflag:s12], $0x4000  }
0x83: {  	s22 =	stileid.u32;
	[sflag:s12] =	ssyncset.done $0x0  }
0x84: {  	s0 =	sshll.u32 s22, $0x6;
	[sflag:s12] =	ssyncadd.s32 $0xFFFFC000  }
0x85: {  	s29 =	sshrl.u32 s9, $0x3;
	s28 =	sor.u32 $0x1C03, s0;
	[bflag:$0x0] =	sbarrier.arrive $0xFFFF  }
0x86: {  	[hbm:s10], [sflag:s28] =	dma.local [spmem:s29], $0x2700  }
0x87: {  	_ =	swait.ge [sflag:s23], $0x2700  }
0x88: {  	[sflag:s23] =	ssyncset.done $0x0  }
0x89: {  	s30 =	sshrl.u32 @!p0 s7, $0x3;
	s0 =	rddreg [dreg:$0x5];
	[sflag:s23] =	ssyncadd.s32 $0xFFFFD900  }
0x8a: {  	[hbm:s0], [sflag:s28] =	dma.local @!p0 [spmem:s30], $0x100  }
0x8b: {  	s0 =	simm.s32 @!p0 $0x3  }
0x8c: {  	_ =	swait.ge @!p0 [sflag:s0], $0x100  }
0x8d: {  	[sflag:s0] =	ssyncset.done @!p0 $0x0  }
0x8e: {  	[sflag:s0] =	ssyncadd.s32 @!p0 $0xFFFFFF00  }
0x8f: {  	s31 =	sadd.s32 $0x0, s9;
	[bflag:$0x0] =	sbarrier.arrive $0xFFFF  }
0x90: {  	[spmem:s31] =	stream.linear.scatter [tilespmem:s24], [sflag:$0x3], $0xC00, $0x38;
	[tilespmem:$0x1EC80] =	vst v63  }
0x91: {  	s0 =	simm.s32 $0x3000;
	_ =	swait.ge [sflag:s23], $0xC00  }
.LBB2_8:
0x92: {  	s1 =	sshra.s32 s0, $0x2;
	[sflag:s23] =	ssyncset.done $0x0;
	p1 =	sne.s32 s0, $0x4B000  }
.Ltmp3:
0x93: {  	s1 =	sadd.s32 s1, s9;
	[sflag:s23] =	ssyncadd.s32 $0xFFFFF400;
	(pc) =	sbr.rel @p1 .LBB2_8-.Ltmp3, $3  }
0x94: {  	[spmem:s1] =	stream.linear.scatter [tilespmem:s24], [sflag:$0x3], $0xC00, $0x38;
	[tilespmem:$0x1EC80] =	vst v63  }
0x95: {  	s0 =	sadd.s32 $0x3000, s0;
	_ =	sdelay $0x1  }
0x96: {  	_ =	swait.ge [sflag:s23], $0xC00  }
0x97: {  	[sflag:s23] =	ssyncset.done $0x0  }
0x98: {  	s0 =	simm.s32 @!p0 $0xA800;
	[sflag:s23] =	ssyncadd.s32 $0xFFFFF400  }
0x99: {  	[spmem:s7] =	stream.linear.scatter @!p0 [tilespmem:s0], [sflag:$0x3], $0x800, $0x38;
	[tilespmem:$0x1EC80] =	vst v63  }
0x9a: {  	s0 =	simm.s32 @!p0 $0x3  }
0x9b: {  	_ =	swait.ge @!p0 [sflag:s0], $0x800  }
0x9c: {  	[sflag:s0] =	ssyncset.done @!p0 $0x0  }
0x9d: {  	s22 =	simm.s32 $0x0;
	s1 =	rddreg [dreg:$0x6];
	[sflag:s0] =	ssyncadd.s32 @!p0 $0xFFFFF800  }
0x9e: {  	[tilespmem:s22], [sflag:$0x3] =	stream.linear.gather [hbm4b:s1+s22], $0x1400, $0x38;
	[tilespmem:$0x1EC80] =	vst v63  }
0x9f: {  	_ =	swait.ge [sflag:s23], $0x1400  }
0xa0: {  	[sflag:s23] =	ssyncset.done $0x0  }
0xa1: {  	p1 =	sle.u32 s5, $0x1;
	[sflag:s23] =	ssyncadd.s32 $0xFFFFEC00  }
0xa2: {  	s0 =	simm.s32 @p1 $0x1;
	[bflag:$0x0] =	sbarrier.arrive $0xFFFF  }
0xa3: {  	[tilespmem:s26], [sflag:$0x1] =	stream.indirect.gather [hbm4b:s4+s25], $0x80, s22, s25, $0xb8;
	[tilespmem:$0x1EC80] =	vst v63  }
0xa4: {  	_ =	swait.ge @p1 [sflag:s0], $0x4000  }
0xa5: {  	s6 =	simm.s32 @!p1 $0x80;
	s8 =	simm.s32 @p1 $0x2800;
	[sflag:s0] =	ssyncset.done @p1 $0x0  }
0xa6: {  	s1 =	simm.s32 @p1 $0x1400;
	[sflag:s0] =	ssyncadd.s32 @p1 $0xFFFFC000;
	s0 =	simm.s32 @p1 $0x80  }
0xa7: {  	[spmem:s2] =	stream.indirect.scatter.add.f32 @p1 [tilespmem:s8], [sflag:$0x4], $0x80, s1, s0, $0xb8;
	[tilespmem:$0x1EC80] =	vst v63  }
0xa8: {  	s0 =	simm.s32 @!p1 $0x80;
	s8 =	simm.s32 @!p1 $0x6800;
	s1 =	simm.s32 @!p1 $0x1  }
0xa9: {  	[tilespmem:s8], [sflag:$0x2] =	stream.indirect.gather @!p1 [hbm4b:s4+s0], $0x80, s6, s0, $0xb8;
	[tilespmem:$0x1EC80] =	vst v63  }
0xaa: {  	_ =	swait.ge @!p1 [sflag:s1], $0x4000  }
0xab: {  	s11 =	simm.s32 @!p1 $0x4;
	[sflag:s1] =	ssyncset.done @!p1 $0x0  }
0xac: {  	s6 =	simm.s32 @!p1 $0x1400;
	[sflag:s1] =	ssyncadd.s32 @!p1 $0xFFFFC000;
	s1 =	simm.s32 @!p1 $0x2800  }
0xad: {  	[spmem:s2] =	stream.indirect.scatter.add.f32 @!p1 [tilespmem:s1], [sflag:$0x4], $0x80, s6, s0, $0xb8;
	[tilespmem:$0x1EC80] =	vst v63  }
0xae: {  	_ =	swait.ge @!p1 [sflag:s11], $0x4000  }
0xaf: {  	[sflag:s11] =	ssyncset.done @!p1 $0x0  }
0xb0: {  	p2 =	sle.u32 @!p1 s5, $0x2;
	s6 =	simm.s32 @!p1 $0x2;
	[sflag:s11] =	ssyncadd.s32 @!p1 $0xFFFFC000  }
0xb1: {  	p2 =	por p2, p1;
	_ =	swait.ge @!p1 [sflag:s6], $0x4000  }
0xb2: {  	s12 =	simm.s32 @!p2 $0x2800;
	s1 =	simm.s32 @!p1 $0x3;
	[sflag:s6] =	ssyncset.done @!p1 $0x0  }
0xb3: {  	s11 =	simm.s32 @!p2 $0x100;
	[sflag:s6] =	ssyncadd.s32 @!p1 $0xFFFFC000;
	s6 =	simm.s32 @!p2 $0x80  }
0xb4: {  	[tilespmem:s12], [sflag:$0x1] =	stream.indirect.gather @!p2 [hbm4b:s4+s6], $0x80, s11, s6, $0xb8;
	[tilespmem:$0x1EC80] =	vst v63  }
0xb5: {  	s1 =	simm.s32 @p1 $0x4;
	s6 =	simm.s32 @!p1 $0x1480  }
0xb6: {  	[spmem:s2] =	stream.indirect.scatter.add.f32 @!p1 [tilespmem:s8], [sflag:$0x3], $0x80, s6, s0, $0xb8;
	[tilespmem:$0x1EC80] =	vst v63  }
0xb7: {  	s31 =	simm.s32 $0x4;
	s22 =	simm.s32 $0x800;
	_ =	swait.ge [sflag:s1], $0x4000  }
0xb8: {  	s0 =	simm.s32 $0x400;
	s6 =	simm.s32 $0x3;
	[sflag:s1] =	ssyncset.done $0x0  }
.LBB2_10:
0xb9: {  	p1 =	sge.u32 s6, s5  }
0xba: {  	[sflag:s1] =	ssyncadd.s32 $0xFFFFC000;
	s6 =	smov.u32 s22;
	s22 =	sadd.s32 $0x400, s22  }
0xbb: {  	s1 =	simm.s32 @p1 $0x1;
	s8 =	sshra.s32 @p1 s0, $0x2;
	s11 =	sshra.s32 @!p1 s0, $0x2  }
0xbc: {  	_ =	swait.ge @p1 [sflag:s1], $0x4000;
	s8 =	sadd.s32 @p1 $0x1400, s8;
	s12 =	sadd.s32 @!p1 $0x80, s11  }
0xbd: {  	p2 =	sge.u32 @!p1 s31, s5;
	s13 =	sadd.s32 @!p1 $0x1400, s11;
	[sflag:s1] =	ssyncset.done @p1 $0x0  }
0xbe: {  	s14 =	simm.s32 @p1 $0x2800;
	[sflag:s1] =	ssyncadd.s32 @p1 $0xFFFFC000;
	s1 =	simm.s32 @p1 $0x80  }
0xbf: {  	[spmem:s2] =	stream.indirect.scatter.add.f32 @p1 [tilespmem:s14], [sflag:$0x4], $0x80, s8, s1, $0xb8;
	[tilespmem:$0x1EC80] =	vst v63  }
0xc0: {  	s15 =	simm.s32 @!p1 $0x1;
	s8 =	simm.s32 @!p1 $0x80;
	s14 =	simm.s32 @!p1 $0x6800  }
0xc1: {  	[tilespmem:s14], [sflag:$0x2] =	stream.indirect.gather @!p1 [hbm4b:s4+s8], $0x80, s12, s8, $0xb8;
	[tilespmem:$0x1EC80] =	vst v63  }
0xc2: {  	p2 =	por p2, p1;
	s11 =	sadd.s32 @!p1 $0x1480, s11;
	_ =	swait.ge @!p1 [sflag:s15], $0x4000  }
0xc3: {  	s0 =	sshra.s32 @!p2 s0, $0x2;
	s1 =	simm.s32 @!p1 $0x3;
	[sflag:s15] =	ssyncset.done @!p1 $0x0  }
0xc4: {  	s12 =	simm.s32 @!p1 $0x2800;
	[sflag:s15] =	ssyncadd.s32 @!p1 $0xFFFFC000;
	s15 =	simm.s32 @!p1 $0x4  }
0xc5: {  	[spmem:s2] =	stream.indirect.scatter.add.f32 @!p1 [tilespmem:s12], [sflag:$0x4], $0x80, s13, s8, $0xb8;
	[tilespmem:$0x1EC80] =	vst v63  }
0xc6: {  	p3 =	sne.s32 s22, $0x5000;
	s12 =	sadd.s32 @!p2 $0x100, s0;
	_ =	swait.ge @!p1 [sflag:s15], $0x4000  }
0xc7: {  	s0 =	smov.u32 s6;
	[sflag:s15] =	ssyncset.done @!p1 $0x0  }
0xc8: {  	s6 =	simm.s32 @!p1 $0x2;
	[sflag:s15] =	ssyncadd.s32 @!p1 $0xFFFFC000  }
0xc9: {  	_ =	swait.ge @!p1 [sflag:s6], $0x4000  }
0xca: {  	[sflag:s6] =	ssyncset.done @!p1 $0x0  }
0xcb: {  	s13 =	simm.s32 @!p2 $0x2800;
	[sflag:s6] =	ssyncadd.s32 @!p1 $0xFFFFC000;
	s6 =	simm.s32 @!p2 $0x80  }
0xcc: {  	[tilespmem:s13], [sflag:$0x1] =	stream.indirect.gather @!p2 [hbm4b:s4+s6], $0x80, s12, s6, $0xb8;
	[tilespmem:$0x1EC80] =	vst v63  }
.Ltmp4:
0xcd: {  	_ = 	snop;
	(pc) =	sbr.rel @p3 .LBB2_10-.Ltmp4, $4  }
0xce: {  	s1 =	simm.s32 @p1 $0x4  }
0xcf: {  	[spmem:s2] =	stream.indirect.scatter.add.f32 @!p1 [tilespmem:s14], [sflag:$0x3], $0x80, s11, s8, $0xb8;
	[tilespmem:$0x1EC80] =	vst v63  }
0xd0: {  	s31 =	sadd.s32 $0x2, s31;
	_ =	swait.ge [sflag:s1], $0x4000  }
0xd1: {  	s6 =	sadd.s32 $0xFFFFFFFF, s31;
	[sflag:s1] =	ssyncset.done $0x0  }
0xd2: {  	p1 =	sge.u32 s6, s5  }
0xd3: {  	[sflag:s1] =	ssyncadd.s32 $0xFFFFC000;
	s1 =	simm.s32 @p1 $0x1  }
0xd4: {  	s6 =	sshra.s32 @p1 s0, $0x2;
	s8 =	sshra.s32 @!p1 s0, $0x2;
	_ =	swait.ge @p1 [sflag:s1], $0x4000  }
0xd5: {  	s12 =	simm.s32 @p1 $0x2800;
	s6 =	sadd.s32 @p1 $0x1400, s6;
	[sflag:s1] =	ssyncset.done @p1 $0x0  }
0xd6: {  	s11 =	sadd.s32 @!p1 $0x80, s8;
	[sflag:s1] =	ssyncadd.s32 @p1 $0xFFFFC000;
	s1 =	simm.s32 @p1 $0x80  }
0xd7: {  	[spmem:s2] =	stream.indirect.scatter.add.f32 @p1 [tilespmem:s12], [sflag:$0x4], $0x80, s6, s1, $0xb8;
	[tilespmem:$0x1EC80] =	vst v63  }
0xd8: {  	s1 =	simm.s32 @!p1 $0x80;
	s6 =	simm.s32 @!p1 $0x6800;
	s12 =	simm.s32 @!p1 $0x1  }
0xd9: {  	[tilespmem:s6], [sflag:$0x2] =	stream.indirect.gather @!p1 [hbm4b:s4+s1], $0x80, s11, s1, $0xb8;
	[tilespmem:$0x1EC80] =	vst v63  }
0xda: {  	_ =	swait.ge @!p1 [sflag:s12], $0x4000  }
0xdb: {  	s13 =	simm.s32 @!p1 $0x4;
	[sflag:s12] =	ssyncset.done @!p1 $0x0  }
0xdc: {  	s11 =	sadd.s32 @!p1 $0x1400, s8;
	[sflag:s12] =	ssyncadd.s32 @!p1 $0xFFFFC000;
	s12 =	simm.s32 @!p1 $0x2800  }
0xdd: {  	[spmem:s2] =	stream.indirect.scatter.add.f32 @!p1 [tilespmem:s12], [sflag:$0x4], $0x80, s11, s1, $0xb8;
	[tilespmem:$0x1EC80] =	vst v63  }
0xde: {  	_ =	swait.ge @!p1 [sflag:s13], $0x4000  }
0xdf: {  	p2 =	sge.u32 @!p1 s31, s5;
	[sflag:s13] =	ssyncset.done @!p1 $0x0  }
0xe0: {  	p2 =	por p2, p1;
	s11 =	simm.s32 @!p1 $0x2;
	[sflag:s13] =	ssyncadd.s32 @!p1 $0xFFFFC000  }
0xe1: {  	s0 =	sshra.s32 @!p2 s0, $0x2;
	_ =	swait.ge @!p1 [sflag:s11], $0x4000  }
0xe2: {  	s0 =	sadd.s32 @!p2 $0x100, s0;
	s12 =	simm.s32 @!p1 $0x3;
	[sflag:s11] =	ssyncset.done @!p1 $0x0  }
0xe3: {  	s13 =	simm.s32 @!p2 $0x2800;
	[sflag:s11] =	ssyncadd.s32 @!p1 $0xFFFFC000;
	s11 =	simm.s32 @!p2 $0x80  }
0xe4: {  	[tilespmem:s13], [sflag:$0x1] =	stream.indirect.gather @!p2 [hbm4b:s4+s11], $0x80, s0, s11, $0xb8;
	[tilespmem:$0x1EC80] =	vst v63  }
0xe5: {  	s12 =	simm.s32 @p1 $0x4;
	s0 =	sadd.s32 @!p1 $0x1480, s8  }
0xe6: {  	[spmem:s2] =	stream.indirect.scatter.add.f32 @!p1 [tilespmem:s6], [sflag:$0x3], $0x80, s0, s1, $0xb8;
	[tilespmem:$0x1EC80] =	vst v63  }
0xe7: {  	_ =	swait.ge [sflag:s12], $0x4000  }
0xe8: {  	[sflag:s12] =	ssyncset.done $0x0  }
0xe9: {  	[sflag:s12] =	ssyncadd.s32 $0xFFFFC000  }
0xea: {  	[bflag:$0x0] =	sbarrier.arrive $0xFFFF  }
0xeb: {  	s22 =	rddreg [dreg:$0x7]  }
0xec: {  	[hbm:s22], [sflag:s28] =	dma.local [spmem:s29], $0x2700  }
0xed: {  	_ =	swait.ge [sflag:s23], $0x2700  }
0xee: {  	[sflag:s23] =	ssyncset.done $0x0  }
0xef: {  	s0 =	rddreg [dreg:$0x8];
	[sflag:s23] =	ssyncadd.s32 $0xFFFFD900  }
0xf0: {  	[hbm:s0], [sflag:s28] =	dma.local @!p0 [spmem:s30], $0x100  }
0xf1: {  	s0 =	simm.s32 @!p0 $0x3  }
0xf2: {  	_ =	swait.ge @!p0 [sflag:s0], $0x100  }
0xf3: {  	[sflag:s0] =	ssyncset.done @!p0 $0x0  }
0xf4: {  	[sflag:s0] =	ssyncadd.s32 @!p0 $0xFFFFFF00  }
0xf5: {  	s31 =	sadd.s32 $0x0, s9;
	[bflag:$0x0] =	sbarrier.arrive $0xFFFF  }
0xf6: {  	[spmem:s31] =	stream.linear.scatter [tilespmem:s24], [sflag:$0x3], $0xC00, $0x38;
	[tilespmem:$0x1EC80] =	vst v63  }
0xf7: {  	s0 =	simm.s32 $0x3000;
	_ =	swait.ge [sflag:s23], $0xC00  }
.LBB2_12:
0xf8: {  	s1 =	sshra.s32 s0, $0x2;
	[sflag:s23] =	ssyncset.done $0x0;
	p1 =	sne.s32 s0, $0x4B000  }
.Ltmp5:
0xf9: {  	s1 =	sadd.s32 s1, s9;
	[sflag:s23] =	ssyncadd.s32 $0xFFFFF400;
	(pc) =	sbr.rel @p1 .LBB2_12-.Ltmp5, $3  }
0xfa: {  	[spmem:s1] =	stream.linear.scatter [tilespmem:s24], [sflag:$0x3], $0xC00, $0x38;
	[tilespmem:$0x1EC80] =	vst v63  }
0xfb: {  	s0 =	sadd.s32 $0x3000, s0;
	_ =	sdelay $0x1  }
0xfc: {  	_ =	swait.ge [sflag:s23], $0xC00  }
0xfd: {  	[sflag:s23] =	ssyncset.done $0x0  }
0xfe: {  	s0 =	simm.s32 @!p0 $0xA800;
	[sflag:s23] =	ssyncadd.s32 $0xFFFFF400  }
0xff: {  	[spmem:s7] =	stream.linear.scatter @!p0 [tilespmem:s0], [sflag:$0x3], $0x800, $0x38;
	[tilespmem:$0x1EC80] =	vst v63  }
0x100: {  	s0 =	simm.s32 @!p0 $0x3  }
0x101: {  	_ =	swait.ge @!p0 [sflag:s0], $0x800  }
0x102: {  	[sflag:s0] =	ssyncset.done @!p0 $0x0  }
0x103: {  	s22 =	simm.s32 $0x0;
	s1 =	rddreg [dreg:$0x9];
	[sflag:s0] =	ssyncadd.s32 @!p0 $0xFFFFF800  }
0x104: {  	[tilespmem:s22], [sflag:$0x3] =	stream.linear.gather [hbm4b:s1+s22], $0x1400, $0x38;
	[tilespmem:$0x1EC80] =	vst v63  }
0x105: {  	_ =	swait.ge [sflag:s23], $0x1400  }
0x106: {  	[sflag:s23] =	ssyncset.done $0x0  }
0x107: {  	p1 =	sle.u32 s5, $0x1;
	[sflag:s23] =	ssyncadd.s32 $0xFFFFEC00  }
0x108: {  	s0 =	simm.s32 @p1 $0x1;
	[bflag:$0x0] =	sbarrier.arrive $0xFFFF  }
0x109: {  	[tilespmem:s26], [sflag:$0x1] =	stream.indirect.gather [hbm4b:s4+s25], $0x80, s22, s25, $0xb8;
	[tilespmem:$0x1EC80] =	vst v63  }
0x10a: {  	_ =	swait.ge @p1 [sflag:s0], $0x4000  }
0x10b: {  	s6 =	simm.s32 @!p1 $0x80;
	s8 =	simm.s32 @p1 $0x2800;
	[sflag:s0] =	ssyncset.done @p1 $0x0  }
0x10c: {  	s1 =	simm.s32 @p1 $0x1400;
	[sflag:s0] =	ssyncadd.s32 @p1 $0xFFFFC000;
	s0 =	simm.s32 @p1 $0x80  }
0x10d: {  	[spmem:s2] =	stream.indirect.scatter.add.f32 @p1 [tilespmem:s8], [sflag:$0x4], $0x80, s1, s0, $0xb8;
	[tilespmem:$0x1EC80] =	vst v63  }
0x10e: {  	s0 =	simm.s32 @!p1 $0x80;
	s8 =	simm.s32 @!p1 $0x6800;
	s1 =	simm.s32 @!p1 $0x1  }
0x10f: {  	[tilespmem:s8], [sflag:$0x2] =	stream.indirect.gather @!p1 [hbm4b:s4+s0], $0x80, s6, s0, $0xb8;
	[tilespmem:$0x1EC80] =	vst v63  }
0x110: {  	_ =	swait.ge @!p1 [sflag:s1], $0x4000  }
0x111: {  	s11 =	simm.s32 @!p1 $0x4;
	[sflag:s1] =	ssyncset.done @!p1 $0x0  }
0x112: {  	s6 =	simm.s32 @!p1 $0x1400;
	[sflag:s1] =	ssyncadd.s32 @!p1 $0xFFFFC000;
	s1 =	simm.s32 @!p1 $0x2800  }
0x113: {  	[spmem:s2] =	stream.indirect.scatter.add.f32 @!p1 [tilespmem:s1], [sflag:$0x4], $0x80, s6, s0, $0xb8;
	[tilespmem:$0x1EC80] =	vst v63  }
0x114: {  	_ =	swait.ge @!p1 [sflag:s11], $0x4000  }
0x115: {  	[sflag:s11] =	ssyncset.done @!p1 $0x0  }
0x116: {  	p2 =	sle.u32 @!p1 s5, $0x2;
	s6 =	simm.s32 @!p1 $0x2;
	[sflag:s11] =	ssyncadd.s32 @!p1 $0xFFFFC000  }
0x117: {  	p2 =	por p2, p1;
	_ =	swait.ge @!p1 [sflag:s6], $0x4000  }
0x118: {  	s12 =	simm.s32 @!p2 $0x2800;
	s1 =	simm.s32 @!p1 $0x3;
	[sflag:s6] =	ssyncset.done @!p1 $0x0  }
0x119: {  	s11 =	simm.s32 @!p2 $0x100;
	[sflag:s6] =	ssyncadd.s32 @!p1 $0xFFFFC000;
	s6 =	simm.s32 @!p2 $0x80  }
0x11a: {  	[tilespmem:s12], [sflag:$0x1] =	stream.indirect.gather @!p2 [hbm4b:s4+s6], $0x80, s11, s6, $0xb8;
	[tilespmem:$0x1EC80] =	vst v63  }
0x11b: {  	s1 =	simm.s32 @p1 $0x4;
	s6 =	simm.s32 @!p1 $0x1480  }
0x11c: {  	[spmem:s2] =	stream.indirect.scatter.add.f32 @!p1 [tilespmem:s8], [sflag:$0x3], $0x80, s6, s0, $0xb8;
	[tilespmem:$0x1EC80] =	vst v63  }
0x11d: {  	s31 =	simm.s32 $0x4;
	s22 =	simm.s32 $0x800;
	_ =	swait.ge [sflag:s1], $0x4000  }
0x11e: {  	s0 =	simm.s32 $0x400;
	s6 =	simm.s32 $0x3;
	[sflag:s1] =	ssyncset.done $0x0  }
.LBB2_14:
0x11f: {  	p1 =	sge.u32 s6, s5  }
0x120: {  	[sflag:s1] =	ssyncadd.s32 $0xFFFFC000;
	s6 =	smov.u32 s22;
	s22 =	sadd.s32 $0x400, s22  }
0x121: {  	s1 =	simm.s32 @p1 $0x1;
	s8 =	sshra.s32 @p1 s0, $0x2;
	s11 =	sshra.s32 @!p1 s0, $0x2  }
0x122: {  	_ =	swait.ge @p1 [sflag:s1], $0x4000;
	s8 =	sadd.s32 @p1 $0x1400, s8;
	s12 =	sadd.s32 @!p1 $0x80, s11  }
0x123: {  	p2 =	sge.u32 @!p1 s31, s5;
	s13 =	sadd.s32 @!p1 $0x1400, s11;
	[sflag:s1] =	ssyncset.done @p1 $0x0  }
0x124: {  	s14 =	simm.s32 @p1 $0x2800;
	[sflag:s1] =	ssyncadd.s32 @p1 $0xFFFFC000;
	s1 =	simm.s32 @p1 $0x80  }
0x125: {  	[spmem:s2] =	stream.indirect.scatter.add.f32 @p1 [tilespmem:s14], [sflag:$0x4], $0x80, s8, s1, $0xb8;
	[tilespmem:$0x1EC80] =	vst v63  }
0x126: {  	s15 =	simm.s32 @!p1 $0x1;
	s8 =	simm.s32 @!p1 $0x80;
	s14 =	simm.s32 @!p1 $0x6800  }
0x127: {  	[tilespmem:s14], [sflag:$0x2] =	stream.indirect.gather @!p1 [hbm4b:s4+s8], $0x80, s12, s8, $0xb8;
	[tilespmem:$0x1EC80] =	vst v63  }
0x128: {  	p2 =	por p2, p1;
	s11 =	sadd.s32 @!p1 $0x1480, s11;
	_ =	swait.ge @!p1 [sflag:s15], $0x4000  }
0x129: {  	s0 =	sshra.s32 @!p2 s0, $0x2;
	s1 =	simm.s32 @!p1 $0x3;
	[sflag:s15] =	ssyncset.done @!p1 $0x0  }
0x12a: {  	s12 =	simm.s32 @!p1 $0x2800;
	[sflag:s15] =	ssyncadd.s32 @!p1 $0xFFFFC000;
	s15 =	simm.s32 @!p1 $0x4  }
0x12b: {  	[spmem:s2] =	stream.indirect.scatter.add.f32 @!p1 [tilespmem:s12], [sflag:$0x4], $0x80, s13, s8, $0xb8;
	[tilespmem:$0x1EC80] =	vst v63  }
0x12c: {  	p3 =	sne.s32 s22, $0x5000;
	s12 =	sadd.s32 @!p2 $0x100, s0;
	_ =	swait.ge @!p1 [sflag:s15], $0x4000  }
0x12d: {  	s0 =	smov.u32 s6;
	[sflag:s15] =	ssyncset.done @!p1 $0x0  }
0x12e: {  	s6 =	simm.s32 @!p1 $0x2;
	[sflag:s15] =	ssyncadd.s32 @!p1 $0xFFFFC000  }
0x12f: {  	_ =	swait.ge @!p1 [sflag:s6], $0x4000  }
0x130: {  	[sflag:s6] =	ssyncset.done @!p1 $0x0  }
0x131: {  	s13 =	simm.s32 @!p2 $0x2800;
	[sflag:s6] =	ssyncadd.s32 @!p1 $0xFFFFC000;
	s6 =	simm.s32 @!p2 $0x80  }
0x132: {  	[tilespmem:s13], [sflag:$0x1] =	stream.indirect.gather @!p2 [hbm4b:s4+s6], $0x80, s12, s6, $0xb8;
	[tilespmem:$0x1EC80] =	vst v63  }
.Ltmp6:
0x133: {  	_ = 	snop;
	(pc) =	sbr.rel @p3 .LBB2_14-.Ltmp6, $4  }
0x134: {  	s1 =	simm.s32 @p1 $0x4  }
0x135: {  	[spmem:s2] =	stream.indirect.scatter.add.f32 @!p1 [tilespmem:s14], [sflag:$0x3], $0x80, s11, s8, $0xb8;
	[tilespmem:$0x1EC80] =	vst v63  }
0x136: {  	s31 =	sadd.s32 $0x2, s31;
	_ =	swait.ge [sflag:s1], $0x4000  }
0x137: {  	s6 =	sadd.s32 $0xFFFFFFFF, s31;
	[sflag:s1] =	ssyncset.done $0x0  }
0x138: {  	p1 =	sge.u32 s6, s5  }
0x139: {  	[sflag:s1] =	ssyncadd.s32 $0xFFFFC000;
	s1 =	simm.s32 @p1 $0x1  }
0x13a: {  	s6 =	sshra.s32 @p1 s0, $0x2;
	s8 =	sshra.s32 @!p1 s0, $0x2;
	_ =	swait.ge @p1 [sflag:s1], $0x4000  }
0x13b: {  	s12 =	simm.s32 @p1 $0x2800;
	s6 =	sadd.s32 @p1 $0x1400, s6;
	[sflag:s1] =	ssyncset.done @p1 $0x0  }
0x13c: {  	s11 =	sadd.s32 @!p1 $0x80, s8;
	[sflag:s1] =	ssyncadd.s32 @p1 $0xFFFFC000;
	s1 =	simm.s32 @p1 $0x80  }
0x13d: {  	[spmem:s2] =	stream.indirect.scatter.add.f32 @p1 [tilespmem:s12], [sflag:$0x4], $0x80, s6, s1, $0xb8;
	[tilespmem:$0x1EC80] =	vst v63  }
0x13e: {  	s1 =	simm.s32 @!p1 $0x80;
	s6 =	simm.s32 @!p1 $0x6800;
	s12 =	simm.s32 @!p1 $0x1  }
0x13f: {  	[tilespmem:s6], [sflag:$0x2] =	stream.indirect.gather @!p1 [hbm4b:s4+s1], $0x80, s11, s1, $0xb8;
	[tilespmem:$0x1EC80] =	vst v63  }
0x140: {  	_ =	swait.ge @!p1 [sflag:s12], $0x4000  }
0x141: {  	s13 =	simm.s32 @!p1 $0x4;
	[sflag:s12] =	ssyncset.done @!p1 $0x0  }
0x142: {  	s11 =	sadd.s32 @!p1 $0x1400, s8;
	[sflag:s12] =	ssyncadd.s32 @!p1 $0xFFFFC000;
	s12 =	simm.s32 @!p1 $0x2800  }
0x143: {  	[spmem:s2] =	stream.indirect.scatter.add.f32 @!p1 [tilespmem:s12], [sflag:$0x4], $0x80, s11, s1, $0xb8;
	[tilespmem:$0x1EC80] =	vst v63  }
0x144: {  	_ =	swait.ge @!p1 [sflag:s13], $0x4000  }
0x145: {  	p2 =	sge.u32 @!p1 s31, s5;
	[sflag:s13] =	ssyncset.done @!p1 $0x0  }
0x146: {  	p2 =	por p2, p1;
	s11 =	simm.s32 @!p1 $0x2;
	[sflag:s13] =	ssyncadd.s32 @!p1 $0xFFFFC000  }
0x147: {  	s0 =	sshra.s32 @!p2 s0, $0x2;
	_ =	swait.ge @!p1 [sflag:s11], $0x4000  }
0x148: {  	s0 =	sadd.s32 @!p2 $0x100, s0;
	s12 =	simm.s32 @!p1 $0x3;
	[sflag:s11] =	ssyncset.done @!p1 $0x0  }
0x149: {  	s13 =	simm.s32 @!p2 $0x2800;
	[sflag:s11] =	ssyncadd.s32 @!p1 $0xFFFFC000;
	s11 =	simm.s32 @!p2 $0x80  }
0x14a: {  	[tilespmem:s13], [sflag:$0x1] =	stream.indirect.gather @!p2 [hbm4b:s4+s11], $0x80, s0, s11, $0xb8;
	[tilespmem:$0x1EC80] =	vst v63  }
0x14b: {  	s12 =	simm.s32 @p1 $0x4;
	s0 =	sadd.s32 @!p1 $0x1480, s8  }
0x14c: {  	[spmem:s2] =	stream.indirect.scatter.add.f32 @!p1 [tilespmem:s6], [sflag:$0x3], $0x80, s0, s1, $0xb8;
	[tilespmem:$0x1EC80] =	vst v63  }
0x14d: {  	_ =	swait.ge [sflag:s12], $0x4000  }
0x14e: {  	[sflag:s12] =	ssyncset.done $0x0  }
0x14f: {  	[sflag:s12] =	ssyncadd.s32 $0xFFFFC000  }
0x150: {  	[bflag:$0x0] =	sbarrier.arrive $0xFFFF  }
0x151: {  	[hbm:s16], [sflag:s28] =	dma.local [spmem:s29], $0x2700  }
0x152: {  	_ =	swait.ge [sflag:s23], $0x2700  }
0x153: {  	[sflag:s23] =	ssyncset.done $0x0  }
0x154: {  	s0 =	simm.s32 @!p0 $0x3;
	[sflag:s23] =	ssyncadd.s32 $0xFFFFD900  }
0x155: {  	[hbm:s17], [sflag:s28] =	dma.local @!p0 [spmem:s30], $0x100  }
0x156: {  	_ =	swait.ge @!p0 [sflag:s0], $0x100  }
0x157: {  	[sflag:s0] =	ssyncset.done @!p0 $0x0  }
0x158: {  	[sflag:s0] =	ssyncadd.s32 @!p0 $0xFFFFFF00  }
0x159: {  	s31 =	sadd.s32 $0x0, s9;
	[bflag:$0x0] =	sbarrier.arrive $0xFFFF  }
0x15a: {  	[spmem:s31] =	stream.linear.scatter [tilespmem:s24], [sflag:$0x3], $0xC00, $0x38;
	[tilespmem:$0x1EC80] =	vst v63  }
0x15b: {  	s0 =	simm.s32 $0x3000;
	_ =	swait.ge [sflag:s23], $0xC00  }
.LBB2_16:
0x15c: {  	s1 =	sshra.s32 s0, $0x2;
	[sflag:s23] =	ssyncset.done $0x0;
	p1 =	sne.s32 s0, $0x4B000  }
.Ltmp7:
0x15d: {  	s1 =	sadd.s32 s1, s9;
	[sflag:s23] =	ssyncadd.s32 $0xFFFFF400;
	(pc) =	sbr.rel @p1 .LBB2_16-.Ltmp7, $3  }
0x15e: {  	[spmem:s1] =	stream.linear.scatter [tilespmem:s24], [sflag:$0x3], $0xC00, $0x38;
	[tilespmem:$0x1EC80] =	vst v63  }
0x15f: {  	s0 =	sadd.s32 $0x3000, s0;
	_ =	sdelay $0x1  }
0x160: {  	_ =	swait.ge [sflag:s23], $0xC00  }
0x161: {  	[sflag:s23] =	ssyncset.done $0x0  }
0x162: {  	s0 =	simm.s32 @!p0 $0xA800;
	[sflag:s23] =	ssyncadd.s32 $0xFFFFF400  }
0x163: {  	[spmem:s7] =	stream.linear.scatter @!p0 [tilespmem:s0], [sflag:$0x3], $0x800, $0x38;
	[tilespmem:$0x1EC80] =	vst v63  }
0x164: {  	s0 =	simm.s32 @!p0 $0x3  }
0x165: {  	_ =	swait.ge @!p0 [sflag:s0], $0x800  }
0x166: {  	[sflag:s0] =	ssyncset.done @!p0 $0x0  }
0x167: {  	s22 =	simm.s32 $0x0;
	[sflag:s0] =	ssyncadd.s32 @!p0 $0xFFFFF800  }
0x168: {  	[tilespmem:s22], [sflag:$0x3] =	stream.linear.gather [hbm4b:s18+s22], $0x1400, $0x38;
	[tilespmem:$0x1EC80] =	vst v63  }
0x169: {  	_ =	swait.ge [sflag:s23], $0x1400  }
0x16a: {  	[sflag:s23] =	ssyncset.done $0x0  }
0x16b: {  	p1 =	sle.u32 s5, $0x1;
	[sflag:s23] =	ssyncadd.s32 $0xFFFFEC00  }
0x16c: {  	s0 =	simm.s32 @p1 $0x1;
	[bflag:$0x0] =	sbarrier.arrive $0xFFFF  }
0x16d: {  	[tilespmem:s26], [sflag:$0x1] =	stream.indirect.gather [hbm4b:s4+s25], $0x80, s22, s25, $0xb8;
	[tilespmem:$0x1EC80] =	vst v63  }
0x16e: {  	_ =	swait.ge @p1 [sflag:s0], $0x4000  }
0x16f: {  	s1 =	simm.s32 @p1 $0x1400;
	s6 =	simm.s32 @!p1 $0x80;
	[sflag:s0] =	ssyncset.done @p1 $0x0  }
0x170: {  	s8 =	simm.s32 @p1 $0x2800;
	[sflag:s0] =	ssyncadd.s32 @p1 $0xFFFFC000;
	s0 =	simm.s32 @p1 $0x80  }
0x171: {  	[spmem:s2] =	stream.indirect.scatter.add.f32 @p1 [tilespmem:s8], [sflag:$0x4], $0x80, s1, s0, $0xb8;
	[tilespmem:$0x1EC80] =	vst v63  }
0x172: {  	s0 =	simm.s32 @!p1 $0x80;
	s8 =	simm.s32 @!p1 $0x6800;
	s1 =	simm.s32 @!p1 $0x1  }
0x173: {  	[tilespmem:s8], [sflag:$0x2] =	stream.indirect.gather @!p1 [hbm4b:s4+s0], $0x80, s6, s0, $0xb8;
	[tilespmem:$0x1EC80] =	vst v63  }
0x174: {  	_ =	swait.ge @!p1 [sflag:s1], $0x4000  }
0x175: {  	s11 =	simm.s32 @!p1 $0x4;
	[sflag:s1] =	ssyncset.done @!p1 $0x0  }
0x176: {  	s6 =	simm.s32 @!p1 $0x1400;
	[sflag:s1] =	ssyncadd.s32 @!p1 $0xFFFFC000;
	s1 =	simm.s32 @!p1 $0x2800  }
0x177: {  	[spmem:s2] =	stream.indirect.scatter.add.f32 @!p1 [tilespmem:s1], [sflag:$0x4], $0x80, s6, s0, $0xb8;
	[tilespmem:$0x1EC80] =	vst v63  }
0x178: {  	_ =	swait.ge @!p1 [sflag:s11], $0x4000  }
0x179: {  	[sflag:s11] =	ssyncset.done @!p1 $0x0  }
0x17a: {  	p2 =	sle.u32 @!p1 s5, $0x2;
	s6 =	simm.s32 @!p1 $0x2;
	[sflag:s11] =	ssyncadd.s32 @!p1 $0xFFFFC000  }
0x17b: {  	p2 =	por p2, p1;
	_ =	swait.ge @!p1 [sflag:s6], $0x4000  }
0x17c: {  	s12 =	simm.s32 @!p2 $0x2800;
	s1 =	simm.s32 @!p1 $0x3;
	[sflag:s6] =	ssyncset.done @!p1 $0x0  }
0x17d: {  	s11 =	simm.s32 @!p2 $0x100;
	[sflag:s6] =	ssyncadd.s32 @!p1 $0xFFFFC000;
	s6 =	simm.s32 @!p2 $0x80  }
0x17e: {  	[tilespmem:s12], [sflag:$0x1] =	stream.indirect.gather @!p2 [hbm4b:s4+s6], $0x80, s11, s6, $0xb8;
	[tilespmem:$0x1EC80] =	vst v63  }
0x17f: {  	s1 =	simm.s32 @p1 $0x4;
	s6 =	simm.s32 @!p1 $0x1480  }
0x180: {  	[spmem:s2] =	stream.indirect.scatter.add.f32 @!p1 [tilespmem:s8], [sflag:$0x3], $0x80, s6, s0, $0xb8;
	[tilespmem:$0x1EC80] =	vst v63  }
0x181: {  	s31 =	simm.s32 $0x4;
	s22 =	simm.s32 $0x800;
	_ =	swait.ge [sflag:s1], $0x4000  }
0x182: {  	s0 =	simm.s32 $0x400;
	s6 =	simm.s32 $0x3;
	[sflag:s1] =	ssyncset.done $0x0  }
.LBB2_18:
0x183: {  	p1 =	sge.u32 s6, s5  }
0x184: {  	[sflag:s1] =	ssyncadd.s32 $0xFFFFC000;
	s6 =	smov.u32 s22;
	s22 =	sadd.s32 $0x400, s22  }
0x185: {  	s1 =	simm.s32 @p1 $0x1;
	s8 =	sshra.s32 @p1 s0, $0x2;
	s11 =	sshra.s32 @!p1 s0, $0x2  }
0x186: {  	_ =	swait.ge @p1 [sflag:s1], $0x4000;
	s8 =	sadd.s32 @p1 $0x1400, s8;
	s12 =	sadd.s32 @!p1 $0x80, s11  }
0x187: {  	p2 =	sge.u32 @!p1 s31, s5;
	s13 =	sadd.s32 @!p1 $0x1400, s11;
	[sflag:s1] =	ssyncset.done @p1 $0x0  }
0x188: {  	s14 =	simm.s32 @p1 $0x2800;
	[sflag:s1] =	ssyncadd.s32 @p1 $0xFFFFC000;
	s1 =	simm.s32 @p1 $0x80  }
0x189: {  	[spmem:s2] =	stream.indirect.scatter.add.f32 @p1 [tilespmem:s14], [sflag:$0x4], $0x80, s8, s1, $0xb8;
	[tilespmem:$0x1EC80] =	vst v63  }
0x18a: {  	s15 =	simm.s32 @!p1 $0x1;
	s8 =	simm.s32 @!p1 $0x80;
	s14 =	simm.s32 @!p1 $0x6800  }
0x18b: {  	[tilespmem:s14], [sflag:$0x2] =	stream.indirect.gather @!p1 [hbm4b:s4+s8], $0x80, s12, s8, $0xb8;
	[tilespmem:$0x1EC80] =	vst v63  }
0x18c: {  	p2 =	por p2, p1;
	s11 =	sadd.s32 @!p1 $0x1480, s11;
	_ =	swait.ge @!p1 [sflag:s15], $0x4000  }
0x18d: {  	s0 =	sshra.s32 @!p2 s0, $0x2;
	s1 =	simm.s32 @!p1 $0x3;
	[sflag:s15] =	ssyncset.done @!p1 $0x0  }
0x18e: {  	s12 =	simm.s32 @!p1 $0x2800;
	[sflag:s15] =	ssyncadd.s32 @!p1 $0xFFFFC000;
	s15 =	simm.s32 @!p1 $0x4  }
0x18f: {  	[spmem:s2] =	stream.indirect.scatter.add.f32 @!p1 [tilespmem:s12], [sflag:$0x4], $0x80, s13, s8, $0xb8;
	[tilespmem:$0x1EC80] =	vst v63  }
0x190: {  	p3 =	sne.s32 s22, $0x5000;
	s12 =	sadd.s32 @!p2 $0x100, s0;
	_ =	swait.ge @!p1 [sflag:s15], $0x4000  }
0x191: {  	s0 =	smov.u32 s6;
	[sflag:s15] =	ssyncset.done @!p1 $0x0  }
0x192: {  	s6 =	simm.s32 @!p1 $0x2;
	[sflag:s15] =	ssyncadd.s32 @!p1 $0xFFFFC000  }
0x193: {  	_ =	swait.ge @!p1 [sflag:s6], $0x4000  }
0x194: {  	[sflag:s6] =	ssyncset.done @!p1 $0x0  }
0x195: {  	s13 =	simm.s32 @!p2 $0x2800;
	[sflag:s6] =	ssyncadd.s32 @!p1 $0xFFFFC000;
	s6 =	simm.s32 @!p2 $0x80  }
0x196: {  	[tilespmem:s13], [sflag:$0x1] =	stream.indirect.gather @!p2 [hbm4b:s4+s6], $0x80, s12, s6, $0xb8;
	[tilespmem:$0x1EC80] =	vst v63  }
.Ltmp8:
0x197: {  	_ = 	snop;
	(pc) =	sbr.rel @p3 .LBB2_18-.Ltmp8, $4  }
0x198: {  	s1 =	simm.s32 @p1 $0x4  }
0x199: {  	[spmem:s2] =	stream.indirect.scatter.add.f32 @!p1 [tilespmem:s14], [sflag:$0x3], $0x80, s11, s8, $0xb8;
	[tilespmem:$0x1EC80] =	vst v63  }
0x19a: {  	s31 =	sadd.s32 $0x2, s31;
	_ =	swait.ge [sflag:s1], $0x4000  }
0x19b: {  	s6 =	sadd.s32 $0xFFFFFFFF, s31;
	[sflag:s1] =	ssyncset.done $0x0  }
0x19c: {  	p1 =	sge.u32 s6, s5  }
0x19d: {  	[sflag:s1] =	ssyncadd.s32 $0xFFFFC000;
	s1 =	simm.s32 @p1 $0x1  }
0x19e: {  	s6 =	sshra.s32 @p1 s0, $0x2;
	s8 =	sshra.s32 @!p1 s0, $0x2;
	_ =	swait.ge @p1 [sflag:s1], $0x4000  }
0x19f: {  	s12 =	simm.s32 @p1 $0x2800;
	s6 =	sadd.s32 @p1 $0x1400, s6;
	[sflag:s1] =	ssyncset.done @p1 $0x0  }
0x1a0: {  	s11 =	sadd.s32 @!p1 $0x80, s8;
	[sflag:s1] =	ssyncadd.s32 @p1 $0xFFFFC000;
	s1 =	simm.s32 @p1 $0x80  }
0x1a1: {  	[spmem:s2] =	stream.indirect.scatter.add.f32 @p1 [tilespmem:s12], [sflag:$0x4], $0x80, s6, s1, $0xb8;
	[tilespmem:$0x1EC80] =	vst v63  }
0x1a2: {  	s1 =	simm.s32 @!p1 $0x80;
	s6 =	simm.s32 @!p1 $0x6800;
	s12 =	simm.s32 @!p1 $0x1  }
0x1a3: {  	[tilespmem:s6], [sflag:$0x2] =	stream.indirect.gather @!p1 [hbm4b:s4+s1], $0x80, s11, s1, $0xb8;
	[tilespmem:$0x1EC80] =	vst v63  }
0x1a4: {  	_ =	swait.ge @!p1 [sflag:s12], $0x4000  }
0x1a5: {  	s13 =	simm.s32 @!p1 $0x4;
	[sflag:s12] =	ssyncset.done @!p1 $0x0  }
0x1a6: {  	s11 =	sadd.s32 @!p1 $0x1400, s8;
	[sflag:s12] =	ssyncadd.s32 @!p1 $0xFFFFC000;
	s12 =	simm.s32 @!p1 $0x2800  }
0x1a7: {  	[spmem:s2] =	stream.indirect.scatter.add.f32 @!p1 [tilespmem:s12], [sflag:$0x4], $0x80, s11, s1, $0xb8;
	[tilespmem:$0x1EC80] =	vst v63  }
0x1a8: {  	_ =	swait.ge @!p1 [sflag:s13], $0x4000  }
0x1a9: {  	p2 =	sge.u32 @!p1 s31, s5;
	[sflag:s13] =	ssyncset.done @!p1 $0x0  }
0x1aa: {  	p2 =	por p2, p1;
	s11 =	simm.s32 @!p1 $0x2;
	[sflag:s13] =	ssyncadd.s32 @!p1 $0xFFFFC000  }
0x1ab: {  	s0 =	sshra.s32 @!p2 s0, $0x2;
	_ =	swait.ge @!p1 [sflag:s11], $0x4000  }
0x1ac: {  	s0 =	sadd.s32 @!p2 $0x100, s0;
	s12 =	simm.s32 @!p1 $0x3;
	[sflag:s11] =	ssyncset.done @!p1 $0x0  }
0x1ad: {  	s13 =	simm.s32 @!p2 $0x2800;
	[sflag:s11] =	ssyncadd.s32 @!p1 $0xFFFFC000;
	s11 =	simm.s32 @!p2 $0x80  }
0x1ae: {  	[tilespmem:s13], [sflag:$0x1] =	stream.indirect.gather @!p2 [hbm4b:s4+s11], $0x80, s0, s11, $0xb8;
	[tilespmem:$0x1EC80] =	vst v63  }
0x1af: {  	s12 =	simm.s32 @p1 $0x4;
	s0 =	sadd.s32 @!p1 $0x1480, s8  }
0x1b0: {  	[spmem:s2] =	stream.indirect.scatter.add.f32 @!p1 [tilespmem:s6], [sflag:$0x3], $0x80, s0, s1, $0xb8;
	[tilespmem:$0x1EC80] =	vst v63  }
0x1b1: {  	_ =	swait.ge [sflag:s12], $0x4000  }
0x1b2: {  	[sflag:s12] =	ssyncset.done $0x0  }
0x1b3: {  	[sflag:s12] =	ssyncadd.s32 $0xFFFFC000  }
0x1b4: {  	[bflag:$0x0] =	sbarrier.arrive $0xFFFF  }
0x1b5: {  	[hbm:s19], [sflag:s28] =	dma.local [spmem:s29], $0x2700  }
0x1b6: {  	_ =	swait.ge [sflag:s23], $0x2700  }
0x1b7: {  	s3 =	sadd.s32 $0x1, s3;
	[sflag:s23] =	ssyncset.done $0x0  }
0x1b8: {  	s0 =	simm.s32 @!p0 $0x3;
	p1 =	sne.s32 s3, s21;
	[sflag:s23] =	ssyncadd.s32 $0xFFFFD900  }
0x1b9: {  	[hbm:s20], [sflag:s28] =	dma.local @!p0 [spmem:s30], $0x100  }
.Ltmp9:
0x1ba: {  	_ =	swait.ge @!p0 [sflag:s0], $0x100;
	(pc) =	sbr.rel @p1 .LBB2_1-.Ltmp9, $3  }
0x1bb: {  	[sflag:s0] =	ssyncset.done @!p0 $0x0  }
0x1bc: {  	[sflag:s0] =	ssyncadd.s32 @!p0 $0xFFFFFF00  }
0x1bd: {  	[bflag:$0x0] =	sbarrier.arrive $0xFFFF;
	_ =	sdelay $0x1  }
0x1be: {  	_ =	sfence.sel $0x180000  }
0x1bf: {  	[bflag:$0x0] =	sbarrier.arrive $0xFFFF  }
0x1c0: {  	_ =	strace $0x9000004D  }
0x1c1: {  	s0 =	stileid.u32;
	[bflag:$0x2] =	sbarrier.arrive $0xFFFF  }
0x1c2: {  	p0 =	sne.s32 s0, $0x0;
	s0 =	rddreg [dreg:$0x2]  }
0x1c3: {  	s0 =	sadd.s32 @!p0 $0x100000, s0  }
0x1c4: {  	[sflag:s0] =	ssyncadd.tile.s32 @!p0 $0x1;
	_ =	shalt  }
.Lfunc_end2:
_tile_overlayer_lowered:
.L_overlay_start_2:
0x1c5: {  	(tag) =	ssettag $0x2  }
0x1c6: {  	s0 =	rddreg [dreg:$0x0];
	s2 =	stileid.u32  }
0x1c7: {  	s1 =	rddreg [dreg:$0x1];
	p0 =	sne.s32 s2, $0x0  }
0x1c8: {  	s3 =	rddreg [dreg:$0x2];
	[bflag:$0x3] =	sbarrier.arrive $0xFFFF;
	s2 =	simm.s32 @!p0 $0x1C03  }
0x1c9: {  	[timem:s3], [sflag:s2] =	dma.local @!p0 [hbm:s0], s1  }
0x1ca: {  	s0 =	simm.s32 @!p0 $0x3  }
0x1cb: {  	_ =	swait.ge @!p0 [sflag:s0], s1  }
0x1cc: {  	s1 =	ssub.s32 @!p0 $0x0, s1;
	[sflag:s0] =	ssyncset.done @!p0 $0x0  }
0x1cd: {  	[sflag:s0] =	ssyncadd.s32 @!p0 s1  }
0x1ce: {  	[bflag:$0x3] =	sbarrier.arrive $0xFFFF  }
0x1cf: {  	_ =	shalt  }

</sc_bundles>
